<compile_context>
chip_gen: v7x
topology: tpu7x:2x2x1
jax: 0.10.2.dev20260603
libtpu: 0.0.44.dev20260713+nightly
codegen_flags: <defaults>
</compile_context>

<pallas_src>
import functools

import jax
import jax.numpy as jnp
from jax import lax
from jax.experimental import pallas as pl
from jax.experimental.pallas import tpu as pltpu
from jax.experimental.pallas import tpu_sc as plsc

_K = 80
_NC = 2
_NS = 16
_NW = _NC * _NS


def _round_up(x, m):
    return (x + m - 1) // m * m


@functools.lru_cache(maxsize=None)
def _make_sc_features(N, D, E):
    EPT = E // _NW
    CH = EPT // _K
    assert CH * _K == EPT and EPT * _NW == E
    RPT = N // _NS
    assert RPT % _K == 0
    NB = RPT // _K
    f32 = jnp.float32
    mesh = plsc.VectorSubcoreMesh(core_axis_name="c", subcore_axis_name="s")
    out_type = [jax.ShapeDtypeStruct((_NC, N, D), f32)] * 3

    assert CH % 6 == 0

    def body(src_f, dst_f, src_b, dst_b, src_rb, dst_rb,
             x_user, x_item, zeros_feat,
             agg_f, agg_b, agg_rb,
             acc, idx0, idx1, idx2, idx3, idx4, idx5, rows0, rows1,
             sg0, sg1, ss0, ss1, si0, si1, si2, si3, si4, si5):
        c = lax.axis_index("c")
        s = lax.axis_index("s")
        wid = c * _NS + s
        r0 = s * RPT
        dummy = zeros_feat.at[pl.ds(0, _K)]
        idxs = (idx0, idx1, idx2, idx3, idx4, idx5)
        sis = (si0, si1, si2, si3, si4, si5)
        rws = (rows0, rows1)
        sgs = (sg0, sg1)
        sss = (ss0, ss1)

        for srcs, dsts, table, agg_out in (
                (src_f, dst_f, x_user, agg_f),
                (src_b, dst_b, x_user, agg_b),
                (src_rb, dst_rb, x_item, agg_rb)):
            pltpu.sync_copy(zeros_feat.at[pl.ds(0, _K)], rows0)
            for z in range(NB):
                pltpu.sync_copy(rows0, acc.at[pl.ds(r0 + z * _K, _K)])
            plsc.subcore_barrier()
            base = wid * EPT

            idummy = srcs.at[pl.ds(0, _K)]

            def idx_start(idx, sem, q):
                off = pl.multiple_of(base + q * _K, 8)
                pltpu.async_copy(srcs.at[pl.ds(off, _K)], idx.at[0], sem)
                pltpu.async_copy(dsts.at[pl.ds(off, _K)], idx.at[1], sem)

            def idx_wait(idx, sem):
                pltpu.make_async_copy(idummy, idx.at[0], sem).wait()
                pltpu.make_async_copy(idummy, idx.at[1], sem).wait()

            idx_start(idx0, si0, 0)
            idx_start(idx1, si1, 1)
            idx_wait(idx0, si0)
            pltpu.async_copy(table.at[idx0.at[0]], rows0, sg0)

            def inner(j6, carry):
                qb = j6 * 6
                for k in range(6):
                    q = qb + k
                    b = k % 2
                    @pl.when(q > 0)
                    def _():
                        pltpu.make_async_copy(dummy, rws[1 - b],
                                              sss[1 - b]).wait()

                    @pl.when(q + 1 < CH)
                    def _():
                        idx_wait(idxs[(k + 1) % 6], sis[(k + 1) % 6])
                        pltpu.async_copy(table.at[idxs[(k + 1) % 6].at[0]],
                                         rws[1 - b], sgs[1 - b])

                    pltpu.make_async_copy(dummy, rws[b], sgs[b]).wait()
                    pltpu.async_copy(rws[b], acc.at[idxs[k].at[1]],
                                     sss[b], add=True)

                    @pl.when(q + 2 < CH)
                    def _():
                        idx_start(idxs[(k + 2) % 6], sis[(k + 2) % 6], q + 2)
                return carry

            lax.fori_loop(0, CH // 6, inner, 0)
            pltpu.make_async_copy(dummy, rws[(CH - 1) % 2],
                                  sss[(CH - 1) % 2]).wait()
            plsc.subcore_barrier()
            for z in range(NB):
                pltpu.sync_copy(acc.at[pl.ds(r0 + z * _K, _K)], rows0)
                pltpu.sync_copy(rows0, agg_out.at[c, pl.ds(r0 + z * _K, _K)])

    return pl.kernel(
        body,
        out_type=out_type,
        mesh=mesh,
        compiler_params=pltpu.CompilerParams(needs_layout_passes=False),
        scratch_types=(
            [pltpu.VMEM_SHARED((N, D), f32)]
            + [pltpu.VMEM((2, _K), jnp.int32)] * 6
            + [pltpu.VMEM((_K, D), f32)] * 2
            + [pltpu.SemaphoreType.DMA] * 10
        ),
    )


@functools.lru_cache(maxsize=None)
def _make_sc_degrees(N, E):
    EPT = E // _NW
    NGRP = EPT // 16
    assert NGRP * 16 == EPT
    f32 = jnp.float32
    mesh = plsc.VectorSubcoreMesh(core_axis_name="c", subcore_axis_name="s")
    out_type = [jax.ShapeDtypeStruct((_NW * N,), f32)] * 3

    def body(dst_f, dst_b, dst_rb, zeros_deg,
             deg_f, deg_b, deg_rb,
             deg, dbulk):
        c = lax.axis_index("c")
        s = lax.axis_index("s")
        wid = c * _NS + s
        base = wid * EPT
        ones16 = jnp.ones((16,), f32)
        NGB = 2016
        assert EPT % NGB == 0 and NGB % 16 == 0
        for dsts, deg_out in ((dst_f, deg_f), (dst_b, deg_b),
                              (dst_rb, deg_rb)):
            pltpu.sync_copy(zeros_deg, deg)
            for m in range(EPT // NGB):
                pltpu.sync_copy(
                    dsts.at[pl.ds(pl.multiple_of(base + m * NGB, 8), NGB)],
                    dbulk)

                def grp(g, carry):
                    iv = dbulk[pl.ds(g * 16, 16)]
                    plsc.addupdate_scatter(deg, [iv], ones16)
                    return carry

                lax.fori_loop(0, NGB // 16, grp, 0)
            pltpu.sync_copy(deg, deg_out.at[pl.ds(wid * N, N)])

    return pl.kernel(
        body,
        out_type=out_type,
        mesh=mesh,
        compiler_params=pltpu.CompilerParams(needs_layout_passes=False),
        scratch_types=[
            pltpu.VMEM((N,), f32),
            pltpu.VMEM((2016,), jnp.int32),
        ],
    )


@functools.lru_cache(maxsize=None)
def _make_epilogue(N, Np, D, nrel):
    f32 = jnp.float32
    R = 128

    def body(*args):
        o_ref = args[-1]
        ones = jnp.ones((_NW, 1), f32)
        for r in range(nrel):
            a_ref, d_ref, w_ref = args[3 * r], args[3 * r + 1], args[3 * r + 2]
            p = a_ref[0] + a_ref[1]
            d = d_ref[:, 0, 0, :]
            dcol = lax.dot_general(d, ones, (((0,), (0,)), ((), ())),
                                   preferred_element_type=f32)
            dcol = jnp.maximum(dcol, 1.0)
            o_ref[:, r, :] = jnp.dot(p / dcol, w_ref[...],
                                     preferred_element_type=f32)

    in_specs = []
    for _ in range(nrel):
        in_specs += [
            pl.BlockSpec((_NC, R, D), lambda i: (0, i, 0)),
            pl.BlockSpec((_NW, 1, 1, 128), lambda i: (0, i, 0, 0)),
            pl.BlockSpec((D, D), lambda i: (0, 0)),
        ]
    grid = (pl.cdiv(N, R),)
    return pl.pallas_call(
        body,
        grid=grid,
        in_specs=in_specs,
        out_specs=pl.BlockSpec((R, nrel, D), lambda i: (i, 0, 0)),
        out_shape=jax.ShapeDtypeStruct((N, nrel, D), f32),
    )


def kernel(x_user, x_item, edge_index_follows, edge_index_buys,
           edge_index_rev_buys, W_follows, W_buys, W_rev_buys):
    N, D = x_user.shape
    E = edge_index_follows.shape[1]
    i32 = jnp.int32
    f32 = jnp.float32
    Np = _round_up(N, _K * _NS)
    Ep = _round_up(E, 6 * _K * _NW)
    npad = Ep - E
    pad_src = jnp.zeros((npad,), i32)
    pad_dst = N + (jnp.arange(npad, dtype=i32) % (Np - N))

    def prep(ei):
        return (jnp.concatenate([ei[0].astype(i32), pad_src]),
                jnp.concatenate([ei[1].astype(i32), pad_dst]))

    src_f, dst_f = prep(edge_index_follows)
    src_b, dst_b = prep(edge_index_buys)
    src_rb, dst_rb = prep(edge_index_rev_buys)
    zeros_feat = jnp.zeros((Np, D), f32)
    zeros_deg = jnp.zeros((Np,), f32)

    agg_f, agg_b, agg_rb = _make_sc_features(Np, D, Ep)(
        src_f, dst_f, src_b, dst_b, src_rb, dst_rb,
        x_user.astype(f32), x_item.astype(f32), zeros_feat)
    deg_f, deg_b, deg_rb = _make_sc_degrees(Np, Ep)(
        dst_f, dst_b, dst_rb, zeros_deg)
    deg_f, deg_b, deg_rb = (d.reshape(_NW, Np // 128, 1, 128)
                            for d in (deg_f, deg_b, deg_rb))

    out_user = _make_epilogue(N, Np, D, 2)(
        agg_f, deg_f, W_follows, agg_rb, deg_rb, W_rev_buys)
    out_item = _make_epilogue(N, Np, D, 1)(agg_b, deg_b, W_buys)
    return out_user, out_item

# --- scband reference (transcript-rebuilt; emitter-appended) ---
"""Pipeline reference for scband-hetero-graph-conv-61177514164656 (READ-ONLY COPY).

The authoritative reference and input builder live on the scoring server;
editing this copy changes nothing except your own understanding.
"""

import jax, jax.numpy as jnp
import numpy as np

N_USER = 10000
N_ITEM = 10000
D = 128
E = 320000


def _graph_conv(x_src, edge_index, W, n_dst):
    # DGL GraphConv-style relation conv: gather src feats along edges,
    # mean-aggregate into dst nodes (norm='right'), then linear projection.
    src = edge_index[0]
    dst = edge_index[1]
    msgs = jnp.take(x_src, src, axis=0)
    agg = jax.ops.segment_sum(msgs, dst, num_segments=n_dst)
    deg = jax.ops.segment_sum(jnp.ones((msgs.shape[0],), x_src.dtype), dst, num_segments=n_dst)
    agg = agg / jnp.clip(deg, 1.0, None)[:, None]
    return agg @ W


def setup_inputs(seed: int = 0):
    key = jax.random.key(seed)
    ks = jax.random.split(key, 8)
    inputs = {
        "x_user": jax.random.normal(ks[0], (N_USER, D), dtype=jnp.float32),
        "x_item": jax.random.normal(ks[1], (N_ITEM, D), dtype=jnp.float32),
        # relation ('user','follows','user')
        "edge_index_follows": jax.random.randint(ks[2], (2, E), 0, N_USER),
        # relation ('user','buys','item')
        "edge_index_buys": jnp.stack([
            jax.random.randint(ks[3], (E,), 0, N_USER),
            jax.random.randint(ks[4], (E,), 0, N_ITEM),
        ]),
        # relation ('item','rev_buys','user')
        "edge_index_rev_buys": jnp.stack([
            jax.random.randint(ks[5], (E,), 0, N_ITEM),
            jax.random.randint(ks[6], (E,), 0, N_USER),
        ]),
        "W_follows": jax.random.normal(ks[7], (D, D), dtype=jnp.float32) * 0.05,
        "W_buys": jax.random.normal(jax.random.fold_in(key, 10), (D, D), dtype=jnp.float32) * 0.05,
        "W_rev_buys": jax.random.normal(jax.random.fold_in(key, 11), (D, D), dtype=jnp.float32) * 0.05,
    }
    return inputs


def reference(x_user, x_item, edge_index_follows, edge_index_buys, edge_index_rev_buys, W_follows, W_buys, W_rev_buys):
    # HeteroGraphConv forward: apply each relation sub-module, then
    # aggregate per-dsttype results with 'stack' (th.stack along dim=1).
    n_user = x_user.shape[0]
    n_item = x_item.shape[0]
    h_follows = _graph_conv(x_user, edge_index_follows, W_follows, n_user)
    h_buys = _graph_conv(x_user, edge_index_buys, W_buys, n_item)
    h_rev_buys = _graph_conv(x_item, edge_index_rev_buys, W_rev_buys, n_user)
    # dsttype 'user' receives ('follows', 'rev_buys') in canonical etype order
    out_user = jnp.stack([h_follows, h_rev_buys], axis=1)  # [N_USER, 2, D]
    # dsttype 'item' receives ('buys',)
    out_item = jnp.stack([h_buys], axis=1)  # [N_ITEM, 1, D]
    return out_user, out_item

if __name__ == "__main__":
    import jax
    _d = setup_inputs()
    print(jax.jit(kernel)(*tuple(_d.values())))

</pallas_src>

<mosaic_0001>
#map = affine_map<(d0, d1) -> (0)>
#map1 = affine_map<(d0, d1) -> (0, 0)>
#map2 = affine_map<(d0, d1) -> (0, 0, 0)>
module attributes {stable_mosaic.version = 14 : i64} {
  func.func @body(%arg0: i32, %arg1: i32, %arg2: memref<322560xi32, #tpu.memory_space<hbm>>, %arg3: memref<322560xi32, #tpu.memory_space<hbm>>, %arg4: memref<322560xi32, #tpu.memory_space<hbm>>, %arg5: memref<322560xi32, #tpu.memory_space<hbm>>, %arg6: memref<322560xi32, #tpu.memory_space<hbm>>, %arg7: memref<322560xi32, #tpu.memory_space<hbm>>, %arg8: memref<10000x128xf32, #tpu.memory_space<hbm>>, %arg9: memref<10000x128xf32, #tpu.memory_space<hbm>>, %arg10: memref<10240x128xf32, #tpu.memory_space<hbm>>, %arg11: memref<2x10240x128xf32, #tpu.memory_space<hbm>>, %arg12: memref<2x10240x128xf32, #tpu.memory_space<hbm>>, %arg13: memref<2x10240x128xf32, #tpu.memory_space<hbm>>, %arg14: memref<10240x128xf32, #tpu.memory_space<vmem_shared>>, %arg15: memref<2x80xi32, #tpu.memory_space<vmem>>, %arg16: memref<2x80xi32, #tpu.memory_space<vmem>>, %arg17: memref<2x80xi32, #tpu.memory_space<vmem>>, %arg18: memref<2x80xi32, #tpu.memory_space<vmem>>, %arg19: memref<2x80xi32, #tpu.memory_space<vmem>>, %arg20: memref<2x80xi32, #tpu.memory_space<vmem>>, %arg21: memref<80x128xf32, #tpu.memory_space<vmem>>, %arg22: memref<80x128xf32, #tpu.memory_space<vmem>>, %arg23: memref<!tpu.dma_semaphore, #tpu.memory_space<semaphore_mem>>, %arg24: memref<!tpu.dma_semaphore, #tpu.memory_space<semaphore_mem>>, %arg25: memref<!tpu.dma_semaphore, #tpu.memory_space<semaphore_mem>>, %arg26: memref<!tpu.dma_semaphore, #tpu.memory_space<semaphore_mem>>, %arg27: memref<!tpu.dma_semaphore, #tpu.memory_space<semaphore_mem>>, %arg28: memref<!tpu.dma_semaphore, #tpu.memory_space<semaphore_mem>>, %arg29: memref<!tpu.dma_semaphore, #tpu.memory_space<semaphore_mem>>, %arg30: memref<!tpu.dma_semaphore, #tpu.memory_space<semaphore_mem>>, %arg31: memref<!tpu.dma_semaphore, #tpu.memory_space<semaphore_mem>>, %arg32: memref<!tpu.dma_semaphore, #tpu.memory_space<semaphore_mem>>) attributes {dimension_semantics = [#tpu.dimension_semantics<core_parallel>, #tpu.dimension_semantics<subcore_parallel>], iteration_bounds = array<i64: 2, 16>, scalar_prefetch = 0 : i64, scratch_operands = 19 : i64, tpu.core_type = #tpu.core_type<sc_vector_subcore>, window_params = [{transform_indices = #map}, {transform_indices = #map}, {transform_indices = #map}, {transform_indices = #map}, {transform_indices = #map}, {transform_indices = #map}, {transform_indices = #map1}, {transform_indices = #map1}, {transform_indices = #map1}, {transform_indices = #map2}, {transform_indices = #map2}, {transform_indices = #map2}]} {
    %mul3A = arith.constant 16 : i32
    %mul3A_0 = arith.muli %arg0, %mul3A : i32
    %add3A = arith.addi %mul3A_0, %arg1 : i32
    %mul3A_1 = arith.constant 640 : i32
    %mul3A_2 = arith.muli %arg1, %mul3A_1 : i32
    "tpu.region"() ({
      %run_scoped3A = tpu.sem_alloc : memref<!tpu.dma_semaphore, #tpu.memory_space<semaphore_mem>>
      %dma_start3A_403 = arith.constant 0 : i32
      %dma_start3A_404 = arith.constant 0 : i32
      %dma_start3A_405 = tpu.memref_slice %arg10[%dma_start3A_403, %dma_start3A_404] : memref<10240x128xf32, #tpu.memory_space<hbm>> -> memref<80x128xf32, #tpu.memory_space<hbm>>
      %dma_start3A_406 = arith.constant 0 : i32
      %dma_start3A_407 = arith.constant 0 : i32
      %dma_start3A_408 = tpu.memref_slice %arg10[%dma_start3A_406, %dma_start3A_407] : memref<10240x128xf32, #tpu.memory_space<hbm>> -> memref<80x128xf32, #tpu.memory_space<hbm>>
      tpu.enqueue_dma source(%dma_start3A_408 : memref<80x128xf32, #tpu.memory_space<hbm>>) target(%arg21 : memref<80x128xf32, #tpu.memory_space<vmem>>) target_semaphore(%run_scoped3A : memref<!tpu.dma_semaphore, #tpu.memory_space<semaphore_mem>>)
      %dma_wait3A_409 = arith.constant 0 : i32
      %dma_wait3A_410 = arith.constant 0 : i32
      %dma_wait3A_411 = tpu.memref_slice %arg10[%dma_wait3A_409, %dma_wait3A_410] : memref<10240x128xf32, #tpu.memory_space<hbm>> -> memref<80x128xf32, #tpu.memory_space<hbm>>
      %dma_wait3A_412 = arith.constant 0 : i32
      %dma_wait3A_413 = arith.constant 0 : i32
      %dma_wait3A_414 = tpu.memref_slice %arg10[%dma_wait3A_412, %dma_wait3A_413] : memref<10240x128xf32, #tpu.memory_space<hbm>> -> memref<80x128xf32, #tpu.memory_space<hbm>>
      tpu.wait_dma2 semaphore(%run_scoped3A : memref<!tpu.dma_semaphore, #tpu.memory_space<semaphore_mem>>) src(%dma_wait3A_414 : memref<80x128xf32, #tpu.memory_space<hbm>>) dst(%arg21 : memref<80x128xf32, #tpu.memory_space<vmem>>)
      tpu.yield
    }) : () -> ()
    %add3A_3 = arith.constant 0 : i32
    %add3A_4 = arith.addi %mul3A_2, %add3A_3 : i32
    "tpu.region"() ({
      %run_scoped3A = tpu.sem_alloc : memref<!tpu.dma_semaphore, #tpu.memory_space<semaphore_mem>>
      %dma_start3A_403 = arith.constant 0 : i32
      %dma_start3A_404 = tpu.memref_slice %arg14[%add3A_4, %dma_start3A_403] : memref<10240x128xf32, #tpu.memory_space<vmem_shared>> -> memref<80x128xf32, #tpu.memory_space<vmem_shared>>
      %dma_start3A_405 = arith.constant 0 : i32
      %dma_start3A_406 = tpu.memref_slice %arg14[%add3A_4, %dma_start3A_405] : memref<10240x128xf32, #tpu.memory_space<vmem_shared>> -> memref<80x128xf32, #tpu.memory_space<vmem_shared>>
      tpu.enqueue_dma source(%arg21 : memref<80x128xf32, #tpu.memory_space<vmem>>) target(%dma_start3A_406 : memref<80x128xf32, #tpu.memory_space<vmem_shared>>) target_semaphore(%run_scoped3A : memref<!tpu.dma_semaphore, #tpu.memory_space<semaphore_mem>>)
      %dma_wait3A_407 = arith.constant 0 : i32
      %dma_wait3A_408 = tpu.memref_slice %arg14[%add3A_4, %dma_wait3A_407] : memref<10240x128xf32, #tpu.memory_space<vmem_shared>> -> memref<80x128xf32, #tpu.memory_space<vmem_shared>>
      %dma_wait3A_409 = arith.constant 0 : i32
      %dma_wait3A_410 = tpu.memref_slice %arg14[%add3A_4, %dma_wait3A_409] : memref<10240x128xf32, #tpu.memory_space<vmem_shared>> -> memref<80x128xf32, #tpu.memory_space<vmem_shared>>
      tpu.wait_dma2 semaphore(%run_scoped3A : memref<!tpu.dma_semaphore, #tpu.memory_space<semaphore_mem>>) src(%arg21 : memref<80x128xf32, #tpu.memory_space<vmem>>) dst(%dma_wait3A_410 : memref<80x128xf32, #tpu.memory_space<vmem_shared>>)
      tpu.yield
    }) : () -> ()
    %add3A_5 = arith.constant 80 : i32
    %add3A_6 = arith.addi %mul3A_2, %add3A_5 : i32
    "tpu.region"() ({
      %run_scoped3A = tpu.sem_alloc : memref<!tpu.dma_semaphore, #tpu.memory_space<semaphore_mem>>
      %dma_start3A_403 = arith.constant 0 : i32
      %dma_start3A_404 = tpu.memref_slice %arg14[%add3A_6, %dma_start3A_403] : memref<10240x128xf32, #tpu.memory_space<vmem_shared>> -> memref<80x128xf32, #tpu.memory_space<vmem_shared>>
      %dma_start3A_405 = arith.constant 0 : i32
      %dma_start3A_406 = tpu.memref_slice %arg14[%add3A_6, %dma_start3A_405] : memref<10240x128xf32, #tpu.memory_space<vmem_shared>> -> memref<80x128xf32, #tpu.memory_space<vmem_shared>>
      tpu.enqueue_dma source(%arg21 : memref<80x128xf32, #tpu.memory_space<vmem>>) target(%dma_start3A_406 : memref<80x128xf32, #tpu.memory_space<vmem_shared>>) target_semaphore(%run_scoped3A : memref<!tpu.dma_semaphore, #tpu.memory_space<semaphore_mem>>)
      %dma_wait3A_407 = arith.constant 0 : i32
      %dma_wait3A_408 = tpu.memref_slice %arg14[%add3A_6, %dma_wait3A_407] : memref<10240x128xf32, #tpu.memory_space<vmem_shared>> -> memref<80x128xf32, #tpu.memory_space<vmem_shared>>
      %dma_wait3A_409 = arith.constant 0 : i32
      %dma_wait3A_410 = tpu.memref_slice %arg14[%add3A_6, %dma_wait3A_409] : memref<10240x128xf32, #tpu.memory_space<vmem_shared>> -> memref<80x128xf32, #tpu.memory_space<vmem_shared>>
      tpu.wait_dma2 semaphore(%run_scoped3A : memref<!tpu.dma_semaphore, #tpu.memory_space<semaphore_mem>>) src(%arg21 : memref<80x128xf32, #tpu.memory_space<vmem>>) dst(%dma_wait3A_410 : memref<80x128xf32, #tpu.memory_space<vmem_shared>>)
      tpu.yield
    }) : () -> ()
    %add3A_7 = arith.constant 160 : i32
    %add3A_8 = arith.addi %mul3A_2, %add3A_7 : i32
    "tpu.region"() ({
      %run_scoped3A = tpu.sem_alloc : memref<!tpu.dma_semaphore, #tpu.memory_space<semaphore_mem>>
      %dma_start3A_403 = arith.constant 0 : i32
      %dma_start3A_404 = tpu.memref_slice %arg14[%add3A_8, %dma_start3A_403] : memref<10240x128xf32, #tpu.memory_space<vmem_shared>> -> memref<80x128xf32, #tpu.memory_space<vmem_shared>>
      %dma_start3A_405 = arith.constant 0 : i32
      %dma_start3A_406 = tpu.memref_slice %arg14[%add3A_8, %dma_start3A_405] : memref<10240x128xf32, #tpu.memory_space<vmem_shared>> -> memref<80x128xf32, #tpu.memory_space<vmem_shared>>
      tpu.enqueue_dma source(%arg21 : memref<80x128xf32, #tpu.memory_space<vmem>>) target(%dma_start3A_406 : memref<80x128xf32, #tpu.memory_space<vmem_shared>>) target_semaphore(%run_scoped3A : memref<!tpu.dma_semaphore, #tpu.memory_space<semaphore_mem>>)
      %dma_wait3A_407 = arith.constant 0 : i32
      %dma_wait3A_408 = tpu.memref_slice %arg14[%add3A_8, %dma_wait3A_407] : memref<10240x128xf32, #tpu.memory_space<vmem_shared>> -> memref<80x128xf32, #tpu.memory_space<vmem_shared>>
      %dma_wait3A_409 = arith.constant 0 : i32
      %dma_wait3A_410 = tpu.memref_slice %arg14[%add3A_8, %dma_wait3A_409] : memref<10240x128xf32, #tpu.memory_space<vmem_shared>> -> memref<80x128xf32, #tpu.memory_space<vmem_shared>>
      tpu.wait_dma2 semaphore(%run_scoped3A : memref<!tpu.dma_semaphore, #tpu.memory_space<semaphore_mem>>) src(%arg21 : memref<80x128xf32, #tpu.memory_space<vmem>>) dst(%dma_wait3A_410 : memref<80x128xf32, #tpu.memory_space<vmem_shared>>)
      tpu.yield
    }) : () -> ()
    %add3A_9 = arith.constant 240 : i32
    %add3A_10 = arith.addi %mul3A_2, %add3A_9 : i32
    "tpu.region"() ({
      %run_scoped3A = tpu.sem_alloc : memref<!tpu.dma_semaphore, #tpu.memory_space<semaphore_mem>>
      %dma_start3A_403 = arith.constant 0 : i32
      %dma_start3A_404 = tpu.memref_slice %arg14[%add3A_10, %dma_start3A_403] : memref<10240x128xf32, #tpu.memory_space<vmem_shared>> -> memref<80x128xf32, #tpu.memory_space<vmem_shared>>
      %dma_start3A_405 = arith.constant 0 : i32
      %dma_start3A_406 = tpu.memref_slice %arg14[%add3A_10, %dma_start3A_405] : memref<10240x128xf32, #tpu.memory_space<vmem_shared>> -> memref<80x128xf32, #tpu.memory_space<vmem_shared>>
      tpu.enqueue_dma source(%arg21 : memref<80x128xf32, #tpu.memory_space<vmem>>) target(%dma_start3A_406 : memref<80x128xf32, #tpu.memory_space<vmem_shared>>) target_semaphore(%run_scoped3A : memref<!tpu.dma_semaphore, #tpu.memory_space<semaphore_mem>>)
      %dma_wait3A_407 = arith.constant 0 : i32
      %dma_wait3A_408 = tpu.memref_slice %arg14[%add3A_10, %dma_wait3A_407] : memref<10240x128xf32, #tpu.memory_space<vmem_shared>> -> memref<80x128xf32, #tpu.memory_space<vmem_shared>>
      %dma_wait3A_409 = arith.constant 0 : i32
      %dma_wait3A_410 = tpu.memref_slice %arg14[%add3A_10, %dma_wait3A_409] : memref<10240x128xf32, #tpu.memory_space<vmem_shared>> -> memref<80x128xf32, #tpu.memory_space<vmem_shared>>
      tpu.wait_dma2 semaphore(%run_scoped3A : memref<!tpu.dma_semaphore, #tpu.memory_space<semaphore_mem>>) src(%arg21 : memref<80x128xf32, #tpu.memory_space<vmem>>) dst(%dma_wait3A_410 : memref<80x128xf32, #tpu.memory_space<vmem_shared>>)
      tpu.yield
    }) : () -> ()
    %add3A_11 = arith.constant 320 : i32
    %add3A_12 = arith.addi %mul3A_2, %add3A_11 : i32
    "tpu.region"() ({
      %run_scoped3A = tpu.sem_alloc : memref<!tpu.dma_semaphore, #tpu.memory_space<semaphore_mem>>
      %dma_start3A_403 = arith.constant 0 : i32
      %dma_start3A_404 = tpu.memref_slice %arg14[%add3A_12, %dma_start3A_403] : memref<10240x128xf32, #tpu.memory_space<vmem_shared>> -> memref<80x128xf32, #tpu.memory_space<vmem_shared>>
      %dma_start3A_405 = arith.constant 0 : i32
      %dma_start3A_406 = tpu.memref_slice %arg14[%add3A_12, %dma_start3A_405] : memref<10240x128xf32, #tpu.memory_space<vmem_shared>> -> memref<80x128xf32, #tpu.memory_space<vmem_shared>>
      tpu.enqueue_dma source(%arg21 : memref<80x128xf32, #tpu.memory_space<vmem>>) target(%dma_start3A_406 : memref<80x128xf32, #tpu.memory_space<vmem_shared>>) target_semaphore(%run_scoped3A : memref<!tpu.dma_semaphore, #tpu.memory_space<semaphore_mem>>)
      %dma_wait3A_407 = arith.constant 0 : i32
      %dma_wait3A_408 = tpu.memref_slice %arg14[%add3A_12, %dma_wait3A_407] : memref<10240x128xf32, #tpu.memory_space<vmem_shared>> -> memref<80x128xf32, #tpu.memory_space<vmem_shared>>
      %dma_wait3A_409 = arith.constant 0 : i32
      %dma_wait3A_410 = tpu.memref_slice %arg14[%add3A_12, %dma_wait3A_409] : memref<10240x128xf32, #tpu.memory_space<vmem_shared>> -> memref<80x128xf32, #tpu.memory_space<vmem_shared>>
      tpu.wait_dma2 semaphore(%run_scoped3A : memref<!tpu.dma_semaphore, #tpu.memory_space<semaphore_mem>>) src(%arg21 : memref<80x128xf32, #tpu.memory_space<vmem>>) dst(%dma_wait3A_410 : memref<80x128xf32, #tpu.memory_space<vmem_shared>>)
      tpu.yield
    }) : () -> ()
    %add3A_13 = arith.constant 400 : i32
    %add3A_14 = arith.addi %mul3A_2, %add3A_13 : i32
    "tpu.region"() ({
      %run_scoped3A = tpu.sem_alloc : memref<!tpu.dma_semaphore, #tpu.memory_space<semaphore_mem>>
      %dma_start3A_403 = arith.constant 0 : i32
      %dma_start3A_404 = tpu.memref_slice %arg14[%add3A_14, %dma_start3A_403] : memref<10240x128xf32, #tpu.memory_space<vmem_shared>> -> memref<80x128xf32, #tpu.memory_space<vmem_shared>>
      %dma_start3A_405 = arith.constant 0 : i32
      %dma_start3A_406 = tpu.memref_slice %arg14[%add3A_14, %dma_start3A_405] : memref<10240x128xf32, #tpu.memory_space<vmem_shared>> -> memref<80x128xf32, #tpu.memory_space<vmem_shared>>
      tpu.enqueue_dma source(%arg21 : memref<80x128xf32, #tpu.memory_space<vmem>>) target(%dma_start3A_406 : memref<80x128xf32, #tpu.memory_space<vmem_shared>>) target_semaphore(%run_scoped3A : memref<!tpu.dma_semaphore, #tpu.memory_space<semaphore_mem>>)
      %dma_wait3A_407 = arith.constant 0 : i32
      %dma_wait3A_408 = tpu.memref_slice %arg14[%add3A_14, %dma_wait3A_407] : memref<10240x128xf32, #tpu.memory_space<vmem_shared>> -> memref<80x128xf32, #tpu.memory_space<vmem_shared>>
      %dma_wait3A_409 = arith.constant 0 : i32
      %dma_wait3A_410 = tpu.memref_slice %arg14[%add3A_14, %dma_wait3A_409] : memref<10240x128xf32, #tpu.memory_space<vmem_shared>> -> memref<80x128xf32, #tpu.memory_space<vmem_shared>>
      tpu.wait_dma2 semaphore(%run_scoped3A : memref<!tpu.dma_semaphore, #tpu.memory_space<semaphore_mem>>) src(%arg21 : memref<80x128xf32, #tpu.memory_space<vmem>>) dst(%dma_wait3A_410 : memref<80x128xf32, #tpu.memory_space<vmem_shared>>)
      tpu.yield
    }) : () -> ()
    %add3A_15 = arith.constant 480 : i32
    %add3A_16 = arith.addi %mul3A_2, %add3A_15 : i32
    "tpu.region"() ({
      %run_scoped3A = tpu.sem_alloc : memref<!tpu.dma_semaphore, #tpu.memory_space<semaphore_mem>>
      %dma_start3A_403 = arith.constant 0 : i32
      %dma_start3A_404 = tpu.memref_slice %arg14[%add3A_16, %dma_start3A_403] : memref<10240x128xf32, #tpu.memory_space<vmem_shared>> -> memref<80x128xf32, #tpu.memory_space<vmem_shared>>
      %dma_start3A_405 = arith.constant 0 : i32
      %dma_start3A_406 = tpu.memref_slice %arg14[%add3A_16, %dma_start3A_405] : memref<10240x128xf32, #tpu.memory_space<vmem_shared>> -> memref<80x128xf32, #tpu.memory_space<vmem_shared>>
      tpu.enqueue_dma source(%arg21 : memref<80x128xf32, #tpu.memory_space<vmem>>) target(%dma_start3A_406 : memref<80x128xf32, #tpu.memory_space<vmem_shared>>) target_semaphore(%run_scoped3A : memref<!tpu.dma_semaphore, #tpu.memory_space<semaphore_mem>>)
      %dma_wait3A_407 = arith.constant 0 : i32
      %dma_wait3A_408 = tpu.memref_slice %arg14[%add3A_16, %dma_wait3A_407] : memref<10240x128xf32, #tpu.memory_space<vmem_shared>> -> memref<80x128xf32, #tpu.memory_space<vmem_shared>>
      %dma_wait3A_409 = arith.constant 0 : i32
      %dma_wait3A_410 = tpu.memref_slice %arg14[%add3A_16, %dma_wait3A_409] : memref<10240x128xf32, #tpu.memory_space<vmem_shared>> -> memref<80x128xf32, #tpu.memory_space<vmem_shared>>
      tpu.wait_dma2 semaphore(%run_scoped3A : memref<!tpu.dma_semaphore, #tpu.memory_space<semaphore_mem>>) src(%arg21 : memref<80x128xf32, #tpu.memory_space<vmem>>) dst(%dma_wait3A_410 : memref<80x128xf32, #tpu.memory_space<vmem_shared>>)
      tpu.yield
    }) : () -> ()
    %add3A_17 = arith.constant 560 : i32
    %add3A_18 = arith.addi %mul3A_2, %add3A_17 : i32
    "tpu.region"() ({
      %run_scoped3A = tpu.sem_alloc : memref<!tpu.dma_semaphore, #tpu.memory_space<semaphore_mem>>
      %dma_start3A_403 = arith.constant 0 : i32
      %dma_start3A_404 = tpu.memref_slice %arg14[%add3A_18, %dma_start3A_403] : memref<10240x128xf32, #tpu.memory_space<vmem_shared>> -> memref<80x128xf32, #tpu.memory_space<vmem_shared>>
      %dma_start3A_405 = arith.constant 0 : i32
      %dma_start3A_406 = tpu.memref_slice %arg14[%add3A_18, %dma_start3A_405] : memref<10240x128xf32, #tpu.memory_space<vmem_shared>> -> memref<80x128xf32, #tpu.memory_space<vmem_shared>>
      tpu.enqueue_dma source(%arg21 : memref<80x128xf32, #tpu.memory_space<vmem>>) target(%dma_start3A_406 : memref<80x128xf32, #tpu.memory_space<vmem_shared>>) target_semaphore(%run_scoped3A : memref<!tpu.dma_semaphore, #tpu.memory_space<semaphore_mem>>)
      %dma_wait3A_407 = arith.constant 0 : i32
      %dma_wait3A_408 = tpu.memref_slice %arg14[%add3A_18, %dma_wait3A_407] : memref<10240x128xf32, #tpu.memory_space<vmem_shared>> -> memref<80x128xf32, #tpu.memory_space<vmem_shared>>
      %dma_wait3A_409 = arith.constant 0 : i32
      %dma_wait3A_410 = tpu.memref_slice %arg14[%add3A_18, %dma_wait3A_409] : memref<10240x128xf32, #tpu.memory_space<vmem_shared>> -> memref<80x128xf32, #tpu.memory_space<vmem_shared>>
      tpu.wait_dma2 semaphore(%run_scoped3A : memref<!tpu.dma_semaphore, #tpu.memory_space<semaphore_mem>>) src(%arg21 : memref<80x128xf32, #tpu.memory_space<vmem>>) dst(%dma_wait3A_410 : memref<80x128xf32, #tpu.memory_space<vmem_shared>>)
      tpu.yield
    }) : () -> ()
    %barrier3A = arith.constant 0 : index
    tpu.barrier barrier_id(%barrier3A)
    %mul3A_19 = arith.constant 10080 : i32
    %mul3A_20 = arith.muli %add3A, %mul3A_19 : i32
    %add3A_21 = arith.constant 0 : i32
    %add3A_22 = arith.addi %mul3A_20, %add3A_21 : i32
    %multiple_of3A = tpu.assume_multiple %add3A_22, 8 : i32
    %dma_start3A = arith.constant 0 : i32
    %dma_start3A_23 = arith.constant 0 : i32
    %dma_start3A_24 = tpu.memref_slice %arg15[%dma_start3A, %dma_start3A_23] : memref<2x80xi32, #tpu.memory_space<vmem>> -> memref<1x80xi32, #tpu.memory_space<vmem>>
    %dma_start3A_25 = tpu.memref_squeeze %dma_start3A_24 : memref<1x80xi32, #tpu.memory_space<vmem>> -> memref<80xi32, #tpu.memory_space<vmem>>
    %dma_start3A_26 = tpu.memref_slice %arg2[%multiple_of3A] : memref<322560xi32, #tpu.memory_space<hbm>> -> memref<80xi32, #tpu.memory_space<hbm>>
    %dma_start3A_27 = arith.constant 0 : i32
    %dma_start3A_28 = tpu.memref_slice %arg15[%dma_start3A, %dma_start3A_27] : memref<2x80xi32, #tpu.memory_space<vmem>> -> memref<1x80xi32, #tpu.memory_space<vmem>>
    %dma_start3A_29 = tpu.memref_squeeze %dma_start3A_28 : memref<1x80xi32, #tpu.memory_space<vmem>> -> memref<80xi32, #tpu.memory_space<vmem>>
    %dma_start3A_30 = tpu.memref_slice %arg2[%multiple_of3A] : memref<322560xi32, #tpu.memory_space<hbm>> -> memref<80xi32, #tpu.memory_space<hbm>>
    tpu.enqueue_dma source(%dma_start3A_30 : memref<80xi32, #tpu.memory_space<hbm>>) target(%dma_start3A_29 : memref<80xi32, #tpu.memory_space<vmem>>) target_semaphore(%arg27 : memref<!tpu.dma_semaphore, #tpu.memory_space<semaphore_mem>>)
    %dma_start3A_31 = arith.constant 1 : i32
    %dma_start3A_32 = arith.constant 0 : i32
    %dma_start3A_33 = tpu.memref_slice %arg15[%dma_start3A_31, %dma_start3A_32] : memref<2x80xi32, #tpu.memory_space<vmem>> -> memref<1x80xi32, #tpu.memory_space<vmem>>
    %dma_start3A_34 = tpu.memref_squeeze %dma_start3A_33 : memref<1x80xi32, #tpu.memory_space<vmem>> -> memref<80xi32, #tpu.memory_space<vmem>>
    %dma_start3A_35 = tpu.memref_slice %arg3[%multiple_of3A] : memref<322560xi32, #tpu.memory_space<hbm>> -> memref<80xi32, #tpu.memory_space<hbm>>
    %dma_start3A_36 = arith.constant 0 : i32
    %dma_start3A_37 = tpu.memref_slice %arg15[%dma_start3A_31, %dma_start3A_36] : memref<2x80xi32, #tpu.memory_space<vmem>> -> memref<1x80xi32, #tpu.memory_space<vmem>>
    %dma_start3A_38 = tpu.memref_squeeze %dma_start3A_37 : memref<1x80xi32, #tpu.memory_space<vmem>> -> memref<80xi32, #tpu.memory_space<vmem>>
    %dma_start3A_39 = tpu.memref_slice %arg3[%multiple_of3A] : memref<322560xi32, #tpu.memory_space<hbm>> -> memref<80xi32, #tpu.memory_space<hbm>>
    tpu.enqueue_dma source(%dma_start3A_39 : memref<80xi32, #tpu.memory_space<hbm>>) target(%dma_start3A_38 : memref<80xi32, #tpu.memory_space<vmem>>) target_semaphore(%arg27 : memref<!tpu.dma_semaphore, #tpu.memory_space<semaphore_mem>>)
    %add3A_40 = arith.constant 80 : i32
    %add3A_41 = arith.addi %mul3A_20, %add3A_40 : i32
    %multiple_of3A_42 = tpu.assume_multiple %add3A_41, 8 : i32
    %dma_start3A_43 = arith.constant 0 : i32
    %dma_start3A_44 = arith.constant 0 : i32
    %dma_start3A_45 = tpu.memref_slice %arg16[%dma_start3A_43, %dma_start3A_44] : memref<2x80xi32, #tpu.memory_space<vmem>> -> memref<1x80xi32, #tpu.memory_space<vmem>>
    %dma_start3A_46 = tpu.memref_squeeze %dma_start3A_45 : memref<1x80xi32, #tpu.memory_space<vmem>> -> memref<80xi32, #tpu.memory_space<vmem>>
    %dma_start3A_47 = tpu.memref_slice %arg2[%multiple_of3A_42] : memref<322560xi32, #tpu.memory_space<hbm>> -> memref<80xi32, #tpu.memory_space<hbm>>
    %dma_start3A_48 = arith.constant 0 : i32
    %dma_start3A_49 = tpu.memref_slice %arg16[%dma_start3A_43, %dma_start3A_48] : memref<2x80xi32, #tpu.memory_space<vmem>> -> memref<1x80xi32, #tpu.memory_space<vmem>>
    %dma_start3A_50 = tpu.memref_squeeze %dma_start3A_49 : memref<1x80xi32, #tpu.memory_space<vmem>> -> memref<80xi32, #tpu.memory_space<vmem>>
    %dma_start3A_51 = tpu.memref_slice %arg2[%multiple_of3A_42] : memref<322560xi32, #tpu.memory_space<hbm>> -> memref<80xi32, #tpu.memory_space<hbm>>
    tpu.enqueue_dma source(%dma_start3A_51 : memref<80xi32, #tpu.memory_space<hbm>>) target(%dma_start3A_50 : memref<80xi32, #tpu.memory_space<vmem>>) target_semaphore(%arg28 : memref<!tpu.dma_semaphore, #tpu.memory_space<semaphore_mem>>)
    %dma_start3A_52 = arith.constant 1 : i32
    %dma_start3A_53 = arith.constant 0 : i32
    %dma_start3A_54 = tpu.memref_slice %arg16[%dma_start3A_52, %dma_start3A_53] : memref<2x80xi32, #tpu.memory_space<vmem>> -> memref<1x80xi32, #tpu.memory_space<vmem>>
    %dma_start3A_55 = tpu.memref_squeeze %dma_start3A_54 : memref<1x80xi32, #tpu.memory_space<vmem>> -> memref<80xi32, #tpu.memory_space<vmem>>
    %dma_start3A_56 = tpu.memref_slice %arg3[%multiple_of3A_42] : memref<322560xi32, #tpu.memory_space<hbm>> -> memref<80xi32, #tpu.memory_space<hbm>>
    %dma_start3A_57 = arith.constant 0 : i32
    %dma_start3A_58 = tpu.memref_slice %arg16[%dma_start3A_52, %dma_start3A_57] : memref<2x80xi32, #tpu.memory_space<vmem>> -> memref<1x80xi32, #tpu.memory_space<vmem>>
    %dma_start3A_59 = tpu.memref_squeeze %dma_start3A_58 : memref<1x80xi32, #tpu.memory_space<vmem>> -> memref<80xi32, #tpu.memory_space<vmem>>
    %dma_start3A_60 = tpu.memref_slice %arg3[%multiple_of3A_42] : memref<322560xi32, #tpu.memory_space<hbm>> -> memref<80xi32, #tpu.memory_space<hbm>>
    tpu.enqueue_dma source(%dma_start3A_60 : memref<80xi32, #tpu.memory_space<hbm>>) target(%dma_start3A_59 : memref<80xi32, #tpu.memory_space<vmem>>) target_semaphore(%arg28 : memref<!tpu.dma_semaphore, #tpu.memory_space<semaphore_mem>>)
    %dma_wait3A = arith.constant 0 : i32
    %dma_wait3A_61 = arith.constant 0 : i32
    %dma_wait3A_62 = tpu.memref_slice %arg15[%dma_wait3A, %dma_wait3A_61] : memref<2x80xi32, #tpu.memory_space<vmem>> -> memref<1x80xi32, #tpu.memory_space<vmem>>
    %dma_wait3A_63 = tpu.memref_squeeze %dma_wait3A_62 : memref<1x80xi32, #tpu.memory_space<vmem>> -> memref<80xi32, #tpu.memory_space<vmem>>
    %dma_wait3A_64 = arith.constant 0 : i32
    %dma_wait3A_65 = tpu.memref_slice %arg2[%dma_wait3A_64] : memref<322560xi32, #tpu.memory_space<hbm>> -> memref<80xi32, #tpu.memory_space<hbm>>
    %dma_wait3A_66 = arith.constant 0 : i32
    %dma_wait3A_67 = tpu.memref_slice %arg15[%dma_wait3A, %dma_wait3A_66] : memref<2x80xi32, #tpu.memory_space<vmem>> -> memref<1x80xi32, #tpu.memory_space<vmem>>
    %dma_wait3A_68 = tpu.memref_squeeze %dma_wait3A_67 : memref<1x80xi32, #tpu.memory_space<vmem>> -> memref<80xi32, #tpu.memory_space<vmem>>
    %dma_wait3A_69 = arith.constant 0 : i32
    %dma_wait3A_70 = tpu.memref_slice %arg2[%dma_wait3A_69] : memref<322560xi32, #tpu.memory_space<hbm>> -> memref<80xi32, #tpu.memory_space<hbm>>
    tpu.wait_dma2 semaphore(%arg27 : memref<!tpu.dma_semaphore, #tpu.memory_space<semaphore_mem>>) src(%dma_wait3A_70 : memref<80xi32, #tpu.memory_space<hbm>>) dst(%dma_wait3A_68 : memref<80xi32, #tpu.memory_space<vmem>>)
    %dma_wait3A_71 = arith.constant 1 : i32
    %dma_wait3A_72 = arith.constant 0 : i32
    %dma_wait3A_73 = tpu.memref_slice %arg15[%dma_wait3A_71, %dma_wait3A_72] : memref<2x80xi32, #tpu.memory_space<vmem>> -> memref<1x80xi32, #tpu.memory_space<vmem>>
    %dma_wait3A_74 = tpu.memref_squeeze %dma_wait3A_73 : memref<1x80xi32, #tpu.memory_space<vmem>> -> memref<80xi32, #tpu.memory_space<vmem>>
    %dma_wait3A_75 = arith.constant 0 : i32
    %dma_wait3A_76 = tpu.memref_slice %arg2[%dma_wait3A_75] : memref<322560xi32, #tpu.memory_space<hbm>> -> memref<80xi32, #tpu.memory_space<hbm>>
    %dma_wait3A_77 = arith.constant 0 : i32
    %dma_wait3A_78 = tpu.memref_slice %arg15[%dma_wait3A_71, %dma_wait3A_77] : memref<2x80xi32, #tpu.memory_space<vmem>> -> memref<1x80xi32, #tpu.memory_space<vmem>>
    %dma_wait3A_79 = tpu.memref_squeeze %dma_wait3A_78 : memref<1x80xi32, #tpu.memory_space<vmem>> -> memref<80xi32, #tpu.memory_space<vmem>>
    %dma_wait3A_80 = arith.constant 0 : i32
    %dma_wait3A_81 = tpu.memref_slice %arg2[%dma_wait3A_80] : memref<322560xi32, #tpu.memory_space<hbm>> -> memref<80xi32, #tpu.memory_space<hbm>>
    tpu.wait_dma2 semaphore(%arg27 : memref<!tpu.dma_semaphore, #tpu.memory_space<semaphore_mem>>) src(%dma_wait3A_81 : memref<80xi32, #tpu.memory_space<hbm>>) dst(%dma_wait3A_79 : memref<80xi32, #tpu.memory_space<vmem>>)
    %dma_start3A_82 = arith.constant 0 : i32
    %dma_start3A_83 = arith.constant 0 : i32
    %dma_start3A_84 = tpu.memref_slice %arg15[%dma_start3A_82, %dma_start3A_83] : memref<2x80xi32, #tpu.memory_space<vmem>> -> memref<1x80xi32, #tpu.memory_space<vmem>>
    %dma_start3A_85 = tpu.memref_squeeze %dma_start3A_84 : memref<1x80xi32, #tpu.memory_space<vmem>> -> memref<80xi32, #tpu.memory_space<vmem>>
    %dma_start3A_86 = arith.constant 0 : i32
    %dma_start3A_87 = arith.constant 0 : i32
    %dma_start3A_88 = tpu.memref_slice %arg8[%dma_start3A_86, %dma_start3A_87] : memref<10000x128xf32, #tpu.memory_space<hbm>> -> memref<10000x128xf32, #tpu.memory_space<hbm>>
    tpu.enqueue_indirect_dma source(%dma_start3A_88 : memref<10000x128xf32, #tpu.memory_space<hbm>>) target(%arg21 : memref<80x128xf32, #tpu.memory_space<vmem>>) offsets(%dma_start3A_85 : memref<80xi32, #tpu.memory_space<vmem>>) semaphore(%arg23 : memref<!tpu.dma_semaphore, #tpu.memory_space<semaphore_mem>>)
    %scan3A = arith.constant 0 : i32
    %scan3A_89 = arith.constant 0 : i32
    %scan3A_90 = arith.constant 21 : i32
    %scan3A_91 = arith.addi %scan3A_89, %scan3A_90 : i32
    %scan3A_92 = arith.constant 1 : i32
    scf.for %scan3A_403 = %scan3A_89 to %scan3A_91 step %scan3A_92  : i32 {
      %mul3A_404 = arith.constant 6 : i32
      %mul3A_405 = arith.muli %scan3A_403, %mul3A_404 : i32
      %add3A_406 = arith.constant 0 : i32
      %add3A_407 = arith.addi %mul3A_405, %add3A_406 : i32
      %gt3A = arith.constant 0 : i32
      %gt3A_408 = arith.cmpi sgt, %add3A_407, %gt3A : i32
      %convert_element_type3A = arith.extui %gt3A_408 : i1 to i32
      %cond3A = arith.constant 0 : i32
      %cond3A_409 = arith.cmpi ne, %convert_element_type3A, %cond3A : i32
      scf.if %cond3A_409 {
        %dma_wait3A_606 = arith.constant 0 : i32
        %dma_wait3A_607 = arith.constant 0 : i32
        %dma_wait3A_608 = tpu.memref_slice %arg10[%dma_wait3A_606, %dma_wait3A_607] : memref<10240x128xf32, #tpu.memory_space<hbm>> -> memref<80x128xf32, #tpu.memory_space<hbm>>
        %dma_wait3A_609 = arith.constant 0 : i32
        %dma_wait3A_610 = arith.constant 0 : i32
        %dma_wait3A_611 = tpu.memref_slice %arg10[%dma_wait3A_609, %dma_wait3A_610] : memref<10240x128xf32, #tpu.memory_space<hbm>> -> memref<80x128xf32, #tpu.memory_space<hbm>>
        tpu.wait_dma2 semaphore(%arg26 : memref<!tpu.dma_semaphore, #tpu.memory_space<semaphore_mem>>) src(%dma_wait3A_611 : memref<80x128xf32, #tpu.memory_space<hbm>>) dst(%arg22 : memref<80x128xf32, #tpu.memory_space<vmem>>)
      } else {
      }
      %add3A_410 = arith.constant 1 : i32
      %add3A_411 = arith.addi %add3A_407, %add3A_410 : i32
      %lt3A = arith.constant 126 : i32
      %lt3A_412 = arith.cmpi slt, %add3A_411, %lt3A : i32
      %convert_element_type3A_413 = arith.extui %lt3A_412 : i1 to i32
      %cond3A_414 = arith.constant 0 : i32
      %cond3A_415 = arith.cmpi ne, %convert_element_type3A_413, %cond3A_414 : i32
      scf.if %cond3A_415 {
        %dma_wait3A_606 = arith.constant 0 : i32
        %dma_wait3A_607 = arith.constant 0 : i32
        %dma_wait3A_608 = tpu.memref_slice %arg16[%dma_wait3A_606, %dma_wait3A_607] : memref<2x80xi32, #tpu.memory_space<vmem>> -> memref<1x80xi32, #tpu.memory_space<vmem>>
        %dma_wait3A_609 = tpu.memref_squeeze %dma_wait3A_608 : memref<1x80xi32, #tpu.memory_space<vmem>> -> memref<80xi32, #tpu.memory_space<vmem>>
        %dma_wait3A_610 = arith.constant 0 : i32
        %dma_wait3A_611 = tpu.memref_slice %arg2[%dma_wait3A_610] : memref<322560xi32, #tpu.memory_space<hbm>> -> memref<80xi32, #tpu.memory_space<hbm>>
        %dma_wait3A_612 = arith.constant 0 : i32
        %dma_wait3A_613 = tpu.memref_slice %arg16[%dma_wait3A_606, %dma_wait3A_612] : memref<2x80xi32, #tpu.memory_space<vmem>> -> memref<1x80xi32, #tpu.memory_space<vmem>>
        %dma_wait3A_614 = tpu.memref_squeeze %dma_wait3A_613 : memref<1x80xi32, #tpu.memory_space<vmem>> -> memref<80xi32, #tpu.memory_space<vmem>>
        %dma_wait3A_615 = arith.constant 0 : i32
        %dma_wait3A_616 = tpu.memref_slice %arg2[%dma_wait3A_615] : memref<322560xi32, #tpu.memory_space<hbm>> -> memref<80xi32, #tpu.memory_space<hbm>>
        tpu.wait_dma2 semaphore(%arg28 : memref<!tpu.dma_semaphore, #tpu.memory_space<semaphore_mem>>) src(%dma_wait3A_616 : memref<80xi32, #tpu.memory_space<hbm>>) dst(%dma_wait3A_614 : memref<80xi32, #tpu.memory_space<vmem>>)
        %dma_wait3A_617 = arith.constant 1 : i32
        %dma_wait3A_618 = arith.constant 0 : i32
        %dma_wait3A_619 = tpu.memref_slice %arg16[%dma_wait3A_617, %dma_wait3A_618] : memref<2x80xi32, #tpu.memory_space<vmem>> -> memref<1x80xi32, #tpu.memory_space<vmem>>
        %dma_wait3A_620 = tpu.memref_squeeze %dma_wait3A_619 : memref<1x80xi32, #tpu.memory_space<vmem>> -> memref<80xi32, #tpu.memory_space<vmem>>
        %dma_wait3A_621 = arith.constant 0 : i32
        %dma_wait3A_622 = tpu.memref_slice %arg2[%dma_wait3A_621] : memref<322560xi32, #tpu.memory_space<hbm>> -> memref<80xi32, #tpu.memory_space<hbm>>
        %dma_wait3A_623 = arith.constant 0 : i32
        %dma_wait3A_624 = tpu.memref_slice %arg16[%dma_wait3A_617, %dma_wait3A_623] : memref<2x80xi32, #tpu.memory_space<vmem>> -> memref<1x80xi32, #tpu.memory_space<vmem>>
        %dma_wait3A_625 = tpu.memref_squeeze %dma_wait3A_624 : memref<1x80xi32, #tpu.memory_space<vmem>> -> memref<80xi32, #tpu.memory_space<vmem>>
        %dma_wait3A_626 = arith.constant 0 : i32
        %dma_wait3A_627 = tpu.memref_slice %arg2[%dma_wait3A_626] : memref<322560xi32, #tpu.memory_space<hbm>> -> memref<80xi32, #tpu.memory_space<hbm>>
        tpu.wait_dma2 semaphore(%arg28 : memref<!tpu.dma_semaphore, #tpu.memory_space<semaphore_mem>>) src(%dma_wait3A_627 : memref<80xi32, #tpu.memory_space<hbm>>) dst(%dma_wait3A_625 : memref<80xi32, #tpu.memory_space<vmem>>)
        %dma_start3A_628 = arith.constant 0 : i32
        %dma_start3A_629 = arith.constant 0 : i32
        %dma_start3A_630 = tpu.memref_slice %arg16[%dma_start3A_628, %dma_start3A_629] : memref<2x80xi32, #tpu.memory_space<vmem>> -> memref<1x80xi32, #tpu.memory_space<vmem>>
        %dma_start3A_631 = tpu.memref_squeeze %dma_start3A_630 : memref<1x80xi32, #tpu.memory_space<vmem>> -> memref<80xi32, #tpu.memory_space<vmem>>
        %dma_start3A_632 = arith.constant 0 : i32
        %dma_start3A_633 = arith.constant 0 : i32
        %dma_start3A_634 = tpu.memref_slice %arg8[%dma_start3A_632, %dma_start3A_633] : memref<10000x128xf32, #tpu.memory_space<hbm>> -> memref<10000x128xf32, #tpu.memory_space<hbm>>
        tpu.enqueue_indirect_dma source(%dma_start3A_634 : memref<10000x128xf32, #tpu.memory_space<hbm>>) target(%arg22 : memref<80x128xf32, #tpu.memory_space<vmem>>) offsets(%dma_start3A_631 : memref<80xi32, #tpu.memory_space<vmem>>) semaphore(%arg24 : memref<!tpu.dma_semaphore, #tpu.memory_space<semaphore_mem>>)
      } else {
      }
      %dma_wait3A_416 = arith.constant 0 : i32
      %dma_wait3A_417 = arith.constant 0 : i32
      %dma_wait3A_418 = tpu.memref_slice %arg10[%dma_wait3A_416, %dma_wait3A_417] : memref<10240x128xf32, #tpu.memory_space<hbm>> -> memref<80x128xf32, #tpu.memory_space<hbm>>
      %dma_wait3A_419 = arith.constant 0 : i32
      %dma_wait3A_420 = arith.constant 0 : i32
      %dma_wait3A_421 = tpu.memref_slice %arg10[%dma_wait3A_419, %dma_wait3A_420] : memref<10240x128xf32, #tpu.memory_space<hbm>> -> memref<80x128xf32, #tpu.memory_space<hbm>>
      tpu.wait_dma2 semaphore(%arg23 : memref<!tpu.dma_semaphore, #tpu.memory_space<semaphore_mem>>) src(%dma_wait3A_421 : memref<80x128xf32, #tpu.memory_space<hbm>>) dst(%arg21 : memref<80x128xf32, #tpu.memory_space<vmem>>)
      %dma_start3A_422 = arith.constant 1 : i32
      %dma_start3A_423 = arith.constant 0 : i32
      %dma_start3A_424 = tpu.memref_slice %arg15[%dma_start3A_422, %dma_start3A_423] : memref<2x80xi32, #tpu.memory_space<vmem>> -> memref<1x80xi32, #tpu.memory_space<vmem>>
      %dma_start3A_425 = tpu.memref_squeeze %dma_start3A_424 : memref<1x80xi32, #tpu.memory_space<vmem>> -> memref<80xi32, #tpu.memory_space<vmem>>
      %dma_start3A_426 = arith.constant 0 : i32
      %dma_start3A_427 = arith.constant 0 : i32
      %dma_start3A_428 = tpu.memref_slice %arg14[%dma_start3A_426, %dma_start3A_427] : memref<10240x128xf32, #tpu.memory_space<vmem_shared>> -> memref<10240x128xf32, #tpu.memory_space<vmem_shared>>
      tpu.enqueue_indirect_dma source(%arg21 : memref<80x128xf32, #tpu.memory_space<vmem>>) target(%dma_start3A_428 : memref<10240x128xf32, #tpu.memory_space<vmem_shared>>) offsets(%dma_start3A_425 : memref<80xi32, #tpu.memory_space<vmem>>) semaphore(%arg25 : memref<!tpu.dma_semaphore, #tpu.memory_space<semaphore_mem>>) {add = true}
      %add3A_429 = arith.constant 2 : i32
      %add3A_430 = arith.addi %add3A_407, %add3A_429 : i32
      %lt3A_431 = arith.constant 126 : i32
      %lt3A_432 = arith.cmpi slt, %add3A_430, %lt3A_431 : i32
      %convert_element_type3A_433 = arith.extui %lt3A_432 : i1 to i32
      %cond3A_434 = arith.constant 0 : i32
      %cond3A_435 = arith.cmpi ne, %convert_element_type3A_433, %cond3A_434 : i32
      scf.if %cond3A_435 {
        %add3A_606 = arith.constant 2 : i32
        %add3A_607 = arith.addi %add3A_407, %add3A_606 : i32
        %mul3A_608 = arith.constant 80 : i32
        %mul3A_609 = arith.muli %add3A_607, %mul3A_608 : i32
        %add3A_610 = arith.addi %mul3A_20, %mul3A_609 : i32
        %multiple_of3A_611 = tpu.assume_multiple %add3A_610, 8 : i32
        %dma_start3A_612 = arith.constant 0 : i32
        %dma_start3A_613 = arith.constant 0 : i32
        %dma_start3A_614 = tpu.memref_slice %arg17[%dma_start3A_612, %dma_start3A_613] : memref<2x80xi32, #tpu.memory_space<vmem>> -> memref<1x80xi32, #tpu.memory_space<vmem>>
        %dma_start3A_615 = tpu.memref_squeeze %dma_start3A_614 : memref<1x80xi32, #tpu.memory_space<vmem>> -> memref<80xi32, #tpu.memory_space<vmem>>
        %dma_start3A_616 = tpu.memref_slice %arg2[%multiple_of3A_611] : memref<322560xi32, #tpu.memory_space<hbm>> -> memref<80xi32, #tpu.memory_space<hbm>>
        %dma_start3A_617 = arith.constant 0 : i32
        %dma_start3A_618 = tpu.memref_slice %arg17[%dma_start3A_612, %dma_start3A_617] : memref<2x80xi32, #tpu.memory_space<vmem>> -> memref<1x80xi32, #tpu.memory_space<vmem>>
        %dma_start3A_619 = tpu.memref_squeeze %dma_start3A_618 : memref<1x80xi32, #tpu.memory_space<vmem>> -> memref<80xi32, #tpu.memory_space<vmem>>
        %dma_start3A_620 = tpu.memref_slice %arg2[%multiple_of3A_611] : memref<322560xi32, #tpu.memory_space<hbm>> -> memref<80xi32, #tpu.memory_space<hbm>>
        tpu.enqueue_dma source(%dma_start3A_620 : memref<80xi32, #tpu.memory_space<hbm>>) target(%dma_start3A_619 : memref<80xi32, #tpu.memory_space<vmem>>) target_semaphore(%arg29 : memref<!tpu.dma_semaphore, #tpu.memory_space<semaphore_mem>>)
        %dma_start3A_621 = arith.constant 1 : i32
        %dma_start3A_622 = arith.constant 0 : i32
        %dma_start3A_623 = tpu.memref_slice %arg17[%dma_start3A_621, %dma_start3A_622] : memref<2x80xi32, #tpu.memory_space<vmem>> -> memref<1x80xi32, #tpu.memory_space<vmem>>
        %dma_start3A_624 = tpu.memref_squeeze %dma_start3A_623 : memref<1x80xi32, #tpu.memory_space<vmem>> -> memref<80xi32, #tpu.memory_space<vmem>>
        %dma_start3A_625 = tpu.memref_slice %arg3[%multiple_of3A_611] : memref<322560xi32, #tpu.memory_space<hbm>> -> memref<80xi32, #tpu.memory_space<hbm>>
        %dma_start3A_626 = arith.constant 0 : i32
        %dma_start3A_627 = tpu.memref_slice %arg17[%dma_start3A_621, %dma_start3A_626] : memref<2x80xi32, #tpu.memory_space<vmem>> -> memref<1x80xi32, #tpu.memory_space<vmem>>
        %dma_start3A_628 = tpu.memref_squeeze %dma_start3A_627 : memref<1x80xi32, #tpu.memory_space<vmem>> -> memref<80xi32, #tpu.memory_space<vmem>>
        %dma_start3A_629 = tpu.memref_slice %arg3[%multiple_of3A_611] : memref<322560xi32, #tpu.memory_space<hbm>> -> memref<80xi32, #tpu.memory_space<hbm>>
        tpu.enqueue_dma source(%dma_start3A_629 : memref<80xi32, #tpu.memory_space<hbm>>) target(%dma_start3A_628 : memref<80xi32, #tpu.memory_space<vmem>>) target_semaphore(%arg29 : memref<!tpu.dma_semaphore, #tpu.memory_space<semaphore_mem>>)
      } else {
      }
      %add3A_436 = arith.constant 1 : i32
      %add3A_437 = arith.addi %mul3A_405, %add3A_436 : i32
      %gt3A_438 = arith.constant 0 : i32
      %gt3A_439 = arith.cmpi sgt, %add3A_437, %gt3A_438 : i32
      %convert_element_type3A_440 = arith.extui %gt3A_439 : i1 to i32
      %cond3A_441 = arith.constant 0 : i32
      %cond3A_442 = arith.cmpi ne, %convert_element_type3A_440, %cond3A_441 : i32
      scf.if %cond3A_442 {
        %dma_wait3A_606 = arith.constant 0 : i32
        %dma_wait3A_607 = arith.constant 0 : i32
        %dma_wait3A_608 = tpu.memref_slice %arg10[%dma_wait3A_606, %dma_wait3A_607] : memref<10240x128xf32, #tpu.memory_space<hbm>> -> memref<80x128xf32, #tpu.memory_space<hbm>>
        %dma_wait3A_609 = arith.constant 0 : i32
        %dma_wait3A_610 = arith.constant 0 : i32
        %dma_wait3A_611 = tpu.memref_slice %arg10[%dma_wait3A_609, %dma_wait3A_610] : memref<10240x128xf32, #tpu.memory_space<hbm>> -> memref<80x128xf32, #tpu.memory_space<hbm>>
        tpu.wait_dma2 semaphore(%arg25 : memref<!tpu.dma_semaphore, #tpu.memory_space<semaphore_mem>>) src(%dma_wait3A_611 : memref<80x128xf32, #tpu.memory_space<hbm>>) dst(%arg21 : memref<80x128xf32, #tpu.memory_space<vmem>>)
      } else {
      }
      %add3A_443 = arith.constant 1 : i32
      %add3A_444 = arith.addi %add3A_437, %add3A_443 : i32
      %lt3A_445 = arith.constant 126 : i32
      %lt3A_446 = arith.cmpi slt, %add3A_444, %lt3A_445 : i32
      %convert_element_type3A_447 = arith.extui %lt3A_446 : i1 to i32
      %cond3A_448 = arith.constant 0 : i32
      %cond3A_449 = arith.cmpi ne, %convert_element_type3A_447, %cond3A_448 : i32
      scf.if %cond3A_449 {
        %dma_wait3A_606 = arith.constant 0 : i32
        %dma_wait3A_607 = arith.constant 0 : i32
        %dma_wait3A_608 = tpu.memref_slice %arg17[%dma_wait3A_606, %dma_wait3A_607] : memref<2x80xi32, #tpu.memory_space<vmem>> -> memref<1x80xi32, #tpu.memory_space<vmem>>
        %dma_wait3A_609 = tpu.memref_squeeze %dma_wait3A_608 : memref<1x80xi32, #tpu.memory_space<vmem>> -> memref<80xi32, #tpu.memory_space<vmem>>
        %dma_wait3A_610 = arith.constant 0 : i32
        %dma_wait3A_611 = tpu.memref_slice %arg2[%dma_wait3A_610] : memref<322560xi32, #tpu.memory_space<hbm>> -> memref<80xi32, #tpu.memory_space<hbm>>
        %dma_wait3A_612 = arith.constant 0 : i32
        %dma_wait3A_613 = tpu.memref_slice %arg17[%dma_wait3A_606, %dma_wait3A_612] : memref<2x80xi32, #tpu.memory_space<vmem>> -> memref<1x80xi32, #tpu.memory_space<vmem>>
        %dma_wait3A_614 = tpu.memref_squeeze %dma_wait3A_613 : memref<1x80xi32, #tpu.memory_space<vmem>> -> memref<80xi32, #tpu.memory_space<vmem>>
        %dma_wait3A_615 = arith.constant 0 : i32
        %dma_wait3A_616 = tpu.memref_slice %arg2[%dma_wait3A_615] : memref<322560xi32, #tpu.memory_space<hbm>> -> memref<80xi32, #tpu.memory_space<hbm>>
        tpu.wait_dma2 semaphore(%arg29 : memref<!tpu.dma_semaphore, #tpu.memory_space<semaphore_mem>>) src(%dma_wait3A_616 : memref<80xi32, #tpu.memory_space<hbm>>) dst(%dma_wait3A_614 : memref<80xi32, #tpu.memory_space<vmem>>)
        %dma_wait3A_617 = arith.constant 1 : i32
        %dma_wait3A_618 = arith.constant 0 : i32
        %dma_wait3A_619 = tpu.memref_slice %arg17[%dma_wait3A_617, %dma_wait3A_618] : memref<2x80xi32, #tpu.memory_space<vmem>> -> memref<1x80xi32, #tpu.memory_space<vmem>>
        %dma_wait3A_620 = tpu.memref_squeeze %dma_wait3A_619 : memref<1x80xi32, #tpu.memory_space<vmem>> -> memref<80xi32, #tpu.memory_space<vmem>>
        %dma_wait3A_621 = arith.constant 0 : i32
        %dma_wait3A_622 = tpu.memref_slice %arg2[%dma_wait3A_621] : memref<322560xi32, #tpu.memory_space<hbm>> -> memref<80xi32, #tpu.memory_space<hbm>>
        %dma_wait3A_623 = arith.constant 0 : i32
        %dma_wait3A_624 = tpu.memref_slice %arg17[%dma_wait3A_617, %dma_wait3A_623] : memref<2x80xi32, #tpu.memory_space<vmem>> -> memref<1x80xi32, #tpu.memory_space<vmem>>
        %dma_wait3A_625 = tpu.memref_squeeze %dma_wait3A_624 : memref<1x80xi32, #tpu.memory_space<vmem>> -> memref<80xi32, #tpu.memory_space<vmem>>
        %dma_wait3A_626 = arith.constant 0 : i32
        %dma_wait3A_627 = tpu.memref_slice %arg2[%dma_wait3A_626] : memref<322560xi32, #tpu.memory_space<hbm>> -> memref<80xi32, #tpu.memory_space<hbm>>
        tpu.wait_dma2 semaphore(%arg29 : memref<!tpu.dma_semaphore, #tpu.memory_space<semaphore_mem>>) src(%dma_wait3A_627 : memref<80xi32, #tpu.memory_space<hbm>>) dst(%dma_wait3A_625 : memref<80xi32, #tpu.memory_space<vmem>>)
        %dma_start3A_628 = arith.constant 0 : i32
        %dma_start3A_629 = arith.constant 0 : i32
        %dma_start3A_630 = tpu.memref_slice %arg17[%dma_start3A_628, %dma_start3A_629] : memref<2x80xi32, #tpu.memory_space<vmem>> -> memref<1x80xi32, #tpu.memory_space<vmem>>
        %dma_start3A_631 = tpu.memref_squeeze %dma_start3A_630 : memref<1x80xi32, #tpu.memory_space<vmem>> -> memref<80xi32, #tpu.memory_space<vmem>>
        %dma_start3A_632 = arith.constant 0 : i32
        %dma_start3A_633 = arith.constant 0 : i32
        %dma_start3A_634 = tpu.memref_slice %arg8[%dma_start3A_632, %dma_start3A_633] : memref<10000x128xf32, #tpu.memory_space<hbm>> -> memref<10000x128xf32, #tpu.memory_space<hbm>>
        tpu.enqueue_indirect_dma source(%dma_start3A_634 : memref<10000x128xf32, #tpu.memory_space<hbm>>) target(%arg21 : memref<80x128xf32, #tpu.memory_space<vmem>>) offsets(%dma_start3A_631 : memref<80xi32, #tpu.memory_space<vmem>>) semaphore(%arg23 : memref<!tpu.dma_semaphore, #tpu.memory_space<semaphore_mem>>)
      } else {
      }
      %dma_wait3A_450 = arith.constant 0 : i32
      %dma_wait3A_451 = arith.constant 0 : i32
      %dma_wait3A_452 = tpu.memref_slice %arg10[%dma_wait3A_450, %dma_wait3A_451] : memref<10240x128xf32, #tpu.memory_space<hbm>> -> memref<80x128xf32, #tpu.memory_space<hbm>>
      %dma_wait3A_453 = arith.constant 0 : i32
      %dma_wait3A_454 = arith.constant 0 : i32
      %dma_wait3A_455 = tpu.memref_slice %arg10[%dma_wait3A_453, %dma_wait3A_454] : memref<10240x128xf32, #tpu.memory_space<hbm>> -> memref<80x128xf32, #tpu.memory_space<hbm>>
      tpu.wait_dma2 semaphore(%arg24 : memref<!tpu.dma_semaphore, #tpu.memory_space<semaphore_mem>>) src(%dma_wait3A_455 : memref<80x128xf32, #tpu.memory_space<hbm>>) dst(%arg22 : memref<80x128xf32, #tpu.memory_space<vmem>>)
      %dma_start3A_456 = arith.constant 1 : i32
      %dma_start3A_457 = arith.constant 0 : i32
      %dma_start3A_458 = tpu.memref_slice %arg16[%dma_start3A_456, %dma_start3A_457] : memref<2x80xi32, #tpu.memory_space<vmem>> -> memref<1x80xi32, #tpu.memory_space<vmem>>
      %dma_start3A_459 = tpu.memref_squeeze %dma_start3A_458 : memref<1x80xi32, #tpu.memory_space<vmem>> -> memref<80xi32, #tpu.memory_space<vmem>>
      %dma_start3A_460 = arith.constant 0 : i32
      %dma_start3A_461 = arith.constant 0 : i32
      %dma_start3A_462 = tpu.memref_slice %arg14[%dma_start3A_460, %dma_start3A_461] : memref<10240x128xf32, #tpu.memory_space<vmem_shared>> -> memref<10240x128xf32, #tpu.memory_space<vmem_shared>>
      tpu.enqueue_indirect_dma source(%arg22 : memref<80x128xf32, #tpu.memory_space<vmem>>) target(%dma_start3A_462 : memref<10240x128xf32, #tpu.memory_space<vmem_shared>>) offsets(%dma_start3A_459 : memref<80xi32, #tpu.memory_space<vmem>>) semaphore(%arg26 : memref<!tpu.dma_semaphore, #tpu.memory_space<semaphore_mem>>) {add = true}
      %add3A_463 = arith.constant 2 : i32
      %add3A_464 = arith.addi %add3A_437, %add3A_463 : i32
      %lt3A_465 = arith.constant 126 : i32
      %lt3A_466 = arith.cmpi slt, %add3A_464, %lt3A_465 : i32
      %convert_element_type3A_467 = arith.extui %lt3A_466 : i1 to i32
      %cond3A_468 = arith.constant 0 : i32
      %cond3A_469 = arith.cmpi ne, %convert_element_type3A_467, %cond3A_468 : i32
      scf.if %cond3A_469 {
        %add3A_606 = arith.constant 2 : i32
        %add3A_607 = arith.addi %add3A_437, %add3A_606 : i32
        %mul3A_608 = arith.constant 80 : i32
        %mul3A_609 = arith.muli %add3A_607, %mul3A_608 : i32
        %add3A_610 = arith.addi %mul3A_20, %mul3A_609 : i32
        %multiple_of3A_611 = tpu.assume_multiple %add3A_610, 8 : i32
        %dma_start3A_612 = arith.constant 0 : i32
        %dma_start3A_613 = arith.constant 0 : i32
        %dma_start3A_614 = tpu.memref_slice %arg18[%dma_start3A_612, %dma_start3A_613] : memref<2x80xi32, #tpu.memory_space<vmem>> -> memref<1x80xi32, #tpu.memory_space<vmem>>
        %dma_start3A_615 = tpu.memref_squeeze %dma_start3A_614 : memref<1x80xi32, #tpu.memory_space<vmem>> -> memref<80xi32, #tpu.memory_space<vmem>>
        %dma_start3A_616 = tpu.memref_slice %arg2[%multiple_of3A_611] : memref<322560xi32, #tpu.memory_space<hbm>> -> memref<80xi32, #tpu.memory_space<hbm>>
        %dma_start3A_617 = arith.constant 0 : i32
        %dma_start3A_618 = tpu.memref_slice %arg18[%dma_start3A_612, %dma_start3A_617] : memref<2x80xi32, #tpu.memory_space<vmem>> -> memref<1x80xi32, #tpu.memory_space<vmem>>
        %dma_start3A_619 = tpu.memref_squeeze %dma_start3A_618 : memref<1x80xi32, #tpu.memory_space<vmem>> -> memref<80xi32, #tpu.memory_space<vmem>>
        %dma_start3A_620 = tpu.memref_slice %arg2[%multiple_of3A_611] : memref<322560xi32, #tpu.memory_space<hbm>> -> memref<80xi32, #tpu.memory_space<hbm>>
        tpu.enqueue_dma source(%dma_start3A_620 : memref<80xi32, #tpu.memory_space<hbm>>) target(%dma_start3A_619 : memref<80xi32, #tpu.memory_space<vmem>>) target_semaphore(%arg30 : memref<!tpu.dma_semaphore, #tpu.memory_space<semaphore_mem>>)
        %dma_start3A_621 = arith.constant 1 : i32
        %dma_start3A_622 = arith.constant 0 : i32
        %dma_start3A_623 = tpu.memref_slice %arg18[%dma_start3A_621, %dma_start3A_622] : memref<2x80xi32, #tpu.memory_space<vmem>> -> memref<1x80xi32, #tpu.memory_space<vmem>>
        %dma_start3A_624 = tpu.memref_squeeze %dma_start3A_623 : memref<1x80xi32, #tpu.memory_space<vmem>> -> memref<80xi32, #tpu.memory_space<vmem>>
        %dma_start3A_625 = tpu.memref_slice %arg3[%multiple_of3A_611] : memref<322560xi32, #tpu.memory_space<hbm>> -> memref<80xi32, #tpu.memory_space<hbm>>
        %dma_start3A_626 = arith.constant 0 : i32
        %dma_start3A_627 = tpu.memref_slice %arg18[%dma_start3A_621, %dma_start3A_626] : memref<2x80xi32, #tpu.memory_space<vmem>> -> memref<1x80xi32, #tpu.memory_space<vmem>>
        %dma_start3A_628 = tpu.memref_squeeze %dma_start3A_627 : memref<1x80xi32, #tpu.memory_space<vmem>> -> memref<80xi32, #tpu.memory_space<vmem>>
        %dma_start3A_629 = tpu.memref_slice %arg3[%multiple_of3A_611] : memref<322560xi32, #tpu.memory_space<hbm>> -> memref<80xi32, #tpu.memory_space<hbm>>
        tpu.enqueue_dma source(%dma_start3A_629 : memref<80xi32, #tpu.memory_space<hbm>>) target(%dma_start3A_628 : memref<80xi32, #tpu.memory_space<vmem>>) target_semaphore(%arg30 : memref<!tpu.dma_semaphore, #tpu.memory_space<semaphore_mem>>)
      } else {
      }
      %add3A_470 = arith.constant 2 : i32
      %add3A_471 = arith.addi %mul3A_405, %add3A_470 : i32
      %gt3A_472 = arith.constant 0 : i32
      %gt3A_473 = arith.cmpi sgt, %add3A_471, %gt3A_472 : i32
      %convert_element_type3A_474 = arith.extui %gt3A_473 : i1 to i32
      %cond3A_475 = arith.constant 0 : i32
      %cond3A_476 = arith.cmpi ne, %convert_element_type3A_474, %cond3A_475 : i32
      scf.if %cond3A_476 {
        %dma_wait3A_606 = arith.constant 0 : i32
        %dma_wait3A_607 = arith.constant 0 : i32
        %dma_wait3A_608 = tpu.memref_slice %arg10[%dma_wait3A_606, %dma_wait3A_607] : memref<10240x128xf32, #tpu.memory_space<hbm>> -> memref<80x128xf32, #tpu.memory_space<hbm>>
        %dma_wait3A_609 = arith.constant 0 : i32
        %dma_wait3A_610 = arith.constant 0 : i32
        %dma_wait3A_611 = tpu.memref_slice %arg10[%dma_wait3A_609, %dma_wait3A_610] : memref<10240x128xf32, #tpu.memory_space<hbm>> -> memref<80x128xf32, #tpu.memory_space<hbm>>
        tpu.wait_dma2 semaphore(%arg26 : memref<!tpu.dma_semaphore, #tpu.memory_space<semaphore_mem>>) src(%dma_wait3A_611 : memref<80x128xf32, #tpu.memory_space<hbm>>) dst(%arg22 : memref<80x128xf32, #tpu.memory_space<vmem>>)
      } else {
      }
      %add3A_477 = arith.constant 1 : i32
      %add3A_478 = arith.addi %add3A_471, %add3A_477 : i32
      %lt3A_479 = arith.constant 126 : i32
      %lt3A_480 = arith.cmpi slt, %add3A_478, %lt3A_479 : i32
      %convert_element_type3A_481 = arith.extui %lt3A_480 : i1 to i32
      %cond3A_482 = arith.constant 0 : i32
      %cond3A_483 = arith.cmpi ne, %convert_element_type3A_481, %cond3A_482 : i32
      scf.if %cond3A_483 {
        %dma_wait3A_606 = arith.constant 0 : i32
        %dma_wait3A_607 = arith.constant 0 : i32
        %dma_wait3A_608 = tpu.memref_slice %arg18[%dma_wait3A_606, %dma_wait3A_607] : memref<2x80xi32, #tpu.memory_space<vmem>> -> memref<1x80xi32, #tpu.memory_space<vmem>>
        %dma_wait3A_609 = tpu.memref_squeeze %dma_wait3A_608 : memref<1x80xi32, #tpu.memory_space<vmem>> -> memref<80xi32, #tpu.memory_space<vmem>>
        %dma_wait3A_610 = arith.constant 0 : i32
        %dma_wait3A_611 = tpu.memref_slice %arg2[%dma_wait3A_610] : memref<322560xi32, #tpu.memory_space<hbm>> -> memref<80xi32, #tpu.memory_space<hbm>>
        %dma_wait3A_612 = arith.constant 0 : i32
        %dma_wait3A_613 = tpu.memref_slice %arg18[%dma_wait3A_606, %dma_wait3A_612] : memref<2x80xi32, #tpu.memory_space<vmem>> -> memref<1x80xi32, #tpu.memory_space<vmem>>
        %dma_wait3A_614 = tpu.memref_squeeze %dma_wait3A_613 : memref<1x80xi32, #tpu.memory_space<vmem>> -> memref<80xi32, #tpu.memory_space<vmem>>
        %dma_wait3A_615 = arith.constant 0 : i32
        %dma_wait3A_616 = tpu.memref_slice %arg2[%dma_wait3A_615] : memref<322560xi32, #tpu.memory_space<hbm>> -> memref<80xi32, #tpu.memory_space<hbm>>
        tpu.wait_dma2 semaphore(%arg30 : memref<!tpu.dma_semaphore, #tpu.memory_space<semaphore_mem>>) src(%dma_wait3A_616 : memref<80xi32, #tpu.memory_space<hbm>>) dst(%dma_wait3A_614 : memref<80xi32, #tpu.memory_space<vmem>>)
        %dma_wait3A_617 = arith.constant 1 : i32
        %dma_wait3A_618 = arith.constant 0 : i32
        %dma_wait3A_619 = tpu.memref_slice %arg18[%dma_wait3A_617, %dma_wait3A_618] : memref<2x80xi32, #tpu.memory_space<vmem>> -> memref<1x80xi32, #tpu.memory_space<vmem>>
        %dma_wait3A_620 = tpu.memref_squeeze %dma_wait3A_619 : memref<1x80xi32, #tpu.memory_space<vmem>> -> memref<80xi32, #tpu.memory_space<vmem>>
        %dma_wait3A_621 = arith.constant 0 : i32
        %dma_wait3A_622 = tpu.memref_slice %arg2[%dma_wait3A_621] : memref<322560xi32, #tpu.memory_space<hbm>> -> memref<80xi32, #tpu.memory_space<hbm>>
        %dma_wait3A_623 = arith.constant 0 : i32
        %dma_wait3A_624 = tpu.memref_slice %arg18[%dma_wait3A_617, %dma_wait3A_623] : memref<2x80xi32, #tpu.memory_space<vmem>> -> memref<1x80xi32, #tpu.memory_space<vmem>>
        %dma_wait3A_625 = tpu.memref_squeeze %dma_wait3A_624 : memref<1x80xi32, #tpu.memory_space<vmem>> -> memref<80xi32, #tpu.memory_space<vmem>>
        %dma_wait3A_626 = arith.constant 0 : i32
        %dma_wait3A_627 = tpu.memref_slice %arg2[%dma_wait3A_626] : memref<322560xi32, #tpu.memory_space<hbm>> -> memref<80xi32, #tpu.memory_space<hbm>>
        tpu.wait_dma2 semaphore(%arg30 : memref<!tpu.dma_semaphore, #tpu.memory_space<semaphore_mem>>) src(%dma_wait3A_627 : memref<80xi32, #tpu.memory_space<hbm>>) dst(%dma_wait3A_625 : memref<80xi32, #tpu.memory_space<vmem>>)
        %dma_start3A_628 = arith.constant 0 : i32
        %dma_start3A_629 = arith.constant 0 : i32
        %dma_start3A_630 = tpu.memref_slice %arg18[%dma_start3A_628, %dma_start3A_629] : memref<2x80xi32, #tpu.memory_space<vmem>> -> memref<1x80xi32, #tpu.memory_space<vmem>>
        %dma_start3A_631 = tpu.memref_squeeze %dma_start3A_630 : memref<1x80xi32, #tpu.memory_space<vmem>> -> memref<80xi32, #tpu.memory_space<vmem>>
        %dma_start3A_632 = arith.constant 0 : i32
        %dma_start3A_633 = arith.constant 0 : i32
        %dma_start3A_634 = tpu.memref_slice %arg8[%dma_start3A_632, %dma_start3A_633] : memref<10000x128xf32, #tpu.memory_space<hbm>> -> memref<10000x128xf32, #tpu.memory_space<hbm>>
        tpu.enqueue_indirect_dma source(%dma_start3A_634 : memref<10000x128xf32, #tpu.memory_space<hbm>>) target(%arg22 : memref<80x128xf32, #tpu.memory_space<vmem>>) offsets(%dma_start3A_631 : memref<80xi32, #tpu.memory_space<vmem>>) semaphore(%arg24 : memref<!tpu.dma_semaphore, #tpu.memory_space<semaphore_mem>>)
      } else {
      }
      %dma_wait3A_484 = arith.constant 0 : i32
      %dma_wait3A_485 = arith.constant 0 : i32
      %dma_wait3A_486 = tpu.memref_slice %arg10[%dma_wait3A_484, %dma_wait3A_485] : memref<10240x128xf32, #tpu.memory_space<hbm>> -> memref<80x128xf32, #tpu.memory_space<hbm>>
      %dma_wait3A_487 = arith.constant 0 : i32
      %dma_wait3A_488 = arith.constant 0 : i32
      %dma_wait3A_489 = tpu.memref_slice %arg10[%dma_wait3A_487, %dma_wait3A_488] : memref<10240x128xf32, #tpu.memory_space<hbm>> -> memref<80x128xf32, #tpu.memory_space<hbm>>
      tpu.wait_dma2 semaphore(%arg23 : memref<!tpu.dma_semaphore, #tpu.memory_space<semaphore_mem>>) src(%dma_wait3A_489 : memref<80x128xf32, #tpu.memory_space<hbm>>) dst(%arg21 : memref<80x128xf32, #tpu.memory_space<vmem>>)
      %dma_start3A_490 = arith.constant 1 : i32
      %dma_start3A_491 = arith.constant 0 : i32
      %dma_start3A_492 = tpu.memref_slice %arg17[%dma_start3A_490, %dma_start3A_491] : memref<2x80xi32, #tpu.memory_space<vmem>> -> memref<1x80xi32, #tpu.memory_space<vmem>>
      %dma_start3A_493 = tpu.memref_squeeze %dma_start3A_492 : memref<1x80xi32, #tpu.memory_space<vmem>> -> memref<80xi32, #tpu.memory_space<vmem>>
      %dma_start3A_494 = arith.constant 0 : i32
      %dma_start3A_495 = arith.constant 0 : i32
      %dma_start3A_496 = tpu.memref_slice %arg14[%dma_start3A_494, %dma_start3A_495] : memref<10240x128xf32, #tpu.memory_space<vmem_shared>> -> memref<10240x128xf32, #tpu.memory_space<vmem_shared>>
      tpu.enqueue_indirect_dma source(%arg21 : memref<80x128xf32, #tpu.memory_space<vmem>>) target(%dma_start3A_496 : memref<10240x128xf32, #tpu.memory_space<vmem_shared>>) offsets(%dma_start3A_493 : memref<80xi32, #tpu.memory_space<vmem>>) semaphore(%arg25 : memref<!tpu.dma_semaphore, #tpu.memory_space<semaphore_mem>>) {add = true}
      %add3A_497 = arith.constant 2 : i32
      %add3A_498 = arith.addi %add3A_471, %add3A_497 : i32
      %lt3A_499 = arith.constant 126 : i32
      %lt3A_500 = arith.cmpi slt, %add3A_498, %lt3A_499 : i32
      %convert_element_type3A_501 = arith.extui %lt3A_500 : i1 to i32
      %cond3A_502 = arith.constant 0 : i32
      %cond3A_503 = arith.cmpi ne, %convert_element_type3A_501, %cond3A_502 : i32
      scf.if %cond3A_503 {
        %add3A_606 = arith.constant 2 : i32
        %add3A_607 = arith.addi %add3A_471, %add3A_606 : i32
        %mul3A_608 = arith.constant 80 : i32
        %mul3A_609 = arith.muli %add3A_607, %mul3A_608 : i32
        %add3A_610 = arith.addi %mul3A_20, %mul3A_609 : i32
        %multiple_of3A_611 = tpu.assume_multiple %add3A_610, 8 : i32
        %dma_start3A_612 = arith.constant 0 : i32
        %dma_start3A_613 = arith.constant 0 : i32
        %dma_start3A_614 = tpu.memref_slice %arg19[%dma_start3A_612, %dma_start3A_613] : memref<2x80xi32, #tpu.memory_space<vmem>> -> memref<1x80xi32, #tpu.memory_space<vmem>>
        %dma_start3A_615 = tpu.memref_squeeze %dma_start3A_614 : memref<1x80xi32, #tpu.memory_space<vmem>> -> memref<80xi32, #tpu.memory_space<vmem>>
        %dma_start3A_616 = tpu.memref_slice %arg2[%multiple_of3A_611] : memref<322560xi32, #tpu.memory_space<hbm>> -> memref<80xi32, #tpu.memory_space<hbm>>
        %dma_start3A_617 = arith.constant 0 : i32
        %dma_start3A_618 = tpu.memref_slice %arg19[%dma_start3A_612, %dma_start3A_617] : memref<2x80xi32, #tpu.memory_space<vmem>> -> memref<1x80xi32, #tpu.memory_space<vmem>>
        %dma_start3A_619 = tpu.memref_squeeze %dma_start3A_618 : memref<1x80xi32, #tpu.memory_space<vmem>> -> memref<80xi32, #tpu.memory_space<vmem>>
        %dma_start3A_620 = tpu.memref_slice %arg2[%multiple_of3A_611] : memref<322560xi32, #tpu.memory_space<hbm>> -> memref<80xi32, #tpu.memory_space<hbm>>
        tpu.enqueue_dma source(%dma_start3A_620 : memref<80xi32, #tpu.memory_space<hbm>>) target(%dma_start3A_619 : memref<80xi32, #tpu.memory_space<vmem>>) target_semaphore(%arg31 : memref<!tpu.dma_semaphore, #tpu.memory_space<semaphore_mem>>)
        %dma_start3A_621 = arith.constant 1 : i32
        %dma_start3A_622 = arith.constant 0 : i32
        %dma_start3A_623 = tpu.memref_slice %arg19[%dma_start3A_621, %dma_start3A_622] : memref<2x80xi32, #tpu.memory_space<vmem>> -> memref<1x80xi32, #tpu.memory_space<vmem>>
        %dma_start3A_624 = tpu.memref_squeeze %dma_start3A_623 : memref<1x80xi32, #tpu.memory_space<vmem>> -> memref<80xi32, #tpu.memory_space<vmem>>
        %dma_start3A_625 = tpu.memref_slice %arg3[%multiple_of3A_611] : memref<322560xi32, #tpu.memory_space<hbm>> -> memref<80xi32, #tpu.memory_space<hbm>>
        %dma_start3A_626 = arith.constant 0 : i32
        %dma_start3A_627 = tpu.memref_slice %arg19[%dma_start3A_621, %dma_start3A_626] : memref<2x80xi32, #tpu.memory_space<vmem>> -> memref<1x80xi32, #tpu.memory_space<vmem>>
        %dma_start3A_628 = tpu.memref_squeeze %dma_start3A_627 : memref<1x80xi32, #tpu.memory_space<vmem>> -> memref<80xi32, #tpu.memory_space<vmem>>
        %dma_start3A_629 = tpu.memref_slice %arg3[%multiple_of3A_611] : memref<322560xi32, #tpu.memory_space<hbm>> -> memref<80xi32, #tpu.memory_space<hbm>>
        tpu.enqueue_dma source(%dma_start3A_629 : memref<80xi32, #tpu.memory_space<hbm>>) target(%dma_start3A_628 : memref<80xi32, #tpu.memory_space<vmem>>) target_semaphore(%arg31 : memref<!tpu.dma_semaphore, #tpu.memory_space<semaphore_mem>>)
      } else {
      }
      %add3A_504 = arith.constant 3 : i32
      %add3A_505 = arith.addi %mul3A_405, %add3A_504 : i32
      %gt3A_506 = arith.constant 0 : i32
      %gt3A_507 = arith.cmpi sgt, %add3A_505, %gt3A_506 : i32
      %convert_element_type3A_508 = arith.extui %gt3A_507 : i1 to i32
      %cond3A_509 = arith.constant 0 : i32
      %cond3A_510 = arith.cmpi ne, %convert_element_type3A_508, %cond3A_509 : i32
      scf.if %cond3A_510 {
        %dma_wait3A_606 = arith.constant 0 : i32
        %dma_wait3A_607 = arith.constant 0 : i32
        %dma_wait3A_608 = tpu.memref_slice %arg10[%dma_wait3A_606, %dma_wait3A_607] : memref<10240x128xf32, #tpu.memory_space<hbm>> -> memref<80x128xf32, #tpu.memory_space<hbm>>
        %dma_wait3A_609 = arith.constant 0 : i32
        %dma_wait3A_610 = arith.constant 0 : i32
        %dma_wait3A_611 = tpu.memref_slice %arg10[%dma_wait3A_609, %dma_wait3A_610] : memref<10240x128xf32, #tpu.memory_space<hbm>> -> memref<80x128xf32, #tpu.memory_space<hbm>>
        tpu.wait_dma2 semaphore(%arg25 : memref<!tpu.dma_semaphore, #tpu.memory_space<semaphore_mem>>) src(%dma_wait3A_611 : memref<80x128xf32, #tpu.memory_space<hbm>>) dst(%arg21 : memref<80x128xf32, #tpu.memory_space<vmem>>)
      } else {
      }
      %add3A_511 = arith.constant 1 : i32
      %add3A_512 = arith.addi %add3A_505, %add3A_511 : i32
      %lt3A_513 = arith.constant 126 : i32
      %lt3A_514 = arith.cmpi slt, %add3A_512, %lt3A_513 : i32
      %convert_element_type3A_515 = arith.extui %lt3A_514 : i1 to i32
      %cond3A_516 = arith.constant 0 : i32
      %cond3A_517 = arith.cmpi ne, %convert_element_type3A_515, %cond3A_516 : i32
      scf.if %cond3A_517 {
        %dma_wait3A_606 = arith.constant 0 : i32
        %dma_wait3A_607 = arith.constant 0 : i32
        %dma_wait3A_608 = tpu.memref_slice %arg19[%dma_wait3A_606, %dma_wait3A_607] : memref<2x80xi32, #tpu.memory_space<vmem>> -> memref<1x80xi32, #tpu.memory_space<vmem>>
        %dma_wait3A_609 = tpu.memref_squeeze %dma_wait3A_608 : memref<1x80xi32, #tpu.memory_space<vmem>> -> memref<80xi32, #tpu.memory_space<vmem>>
        %dma_wait3A_610 = arith.constant 0 : i32
        %dma_wait3A_611 = tpu.memref_slice %arg2[%dma_wait3A_610] : memref<322560xi32, #tpu.memory_space<hbm>> -> memref<80xi32, #tpu.memory_space<hbm>>
        %dma_wait3A_612 = arith.constant 0 : i32
        %dma_wait3A_613 = tpu.memref_slice %arg19[%dma_wait3A_606, %dma_wait3A_612] : memref<2x80xi32, #tpu.memory_space<vmem>> -> memref<1x80xi32, #tpu.memory_space<vmem>>
        %dma_wait3A_614 = tpu.memref_squeeze %dma_wait3A_613 : memref<1x80xi32, #tpu.memory_space<vmem>> -> memref<80xi32, #tpu.memory_space<vmem>>
        %dma_wait3A_615 = arith.constant 0 : i32
        %dma_wait3A_616 = tpu.memref_slice %arg2[%dma_wait3A_615] : memref<322560xi32, #tpu.memory_space<hbm>> -> memref<80xi32, #tpu.memory_space<hbm>>
        tpu.wait_dma2 semaphore(%arg31 : memref<!tpu.dma_semaphore, #tpu.memory_space<semaphore_mem>>) src(%dma_wait3A_616 : memref<80xi32, #tpu.memory_space<hbm>>) dst(%dma_wait3A_614 : memref<80xi32, #tpu.memory_space<vmem>>)
        %dma_wait3A_617 = arith.constant 1 : i32
        %dma_wait3A_618 = arith.constant 0 : i32
        %dma_wait3A_619 = tpu.memref_slice %arg19[%dma_wait3A_617, %dma_wait3A_618] : memref<2x80xi32, #tpu.memory_space<vmem>> -> memref<1x80xi32, #tpu.memory_space<vmem>>
        %dma_wait3A_620 = tpu.memref_squeeze %dma_wait3A_619 : memref<1x80xi32, #tpu.memory_space<vmem>> -> memref<80xi32, #tpu.memory_space<vmem>>
        %dma_wait3A_621 = arith.constant 0 : i32
        %dma_wait3A_622 = tpu.memref_slice %arg2[%dma_wait3A_621] : memref<322560xi32, #tpu.memory_space<hbm>> -> memref<80xi32, #tpu.memory_space<hbm>>
        %dma_wait3A_623 = arith.constant 0 : i32
        %dma_wait3A_624 = tpu.memref_slice %arg19[%dma_wait3A_617, %dma_wait3A_623] : memref<2x80xi32, #tpu.memory_space<vmem>> -> memref<1x80xi32, #tpu.memory_space<vmem>>
        %dma_wait3A_625 = tpu.memref_squeeze %dma_wait3A_624 : memref<1x80xi32, #tpu.memory_space<vmem>> -> memref<80xi32, #tpu.memory_space<vmem>>
        %dma_wait3A_626 = arith.constant 0 : i32
        %dma_wait3A_627 = tpu.memref_slice %arg2[%dma_wait3A_626] : memref<322560xi32, #tpu.memory_space<hbm>> -> memref<80xi32, #tpu.memory_space<hbm>>
        tpu.wait_dma2 semaphore(%arg31 : memref<!tpu.dma_semaphore, #tpu.memory_space<semaphore_mem>>) src(%dma_wait3A_627 : memref<80xi32, #tpu.memory_space<hbm>>) dst(%dma_wait3A_625 : memref<80xi32, #tpu.memory_space<vmem>>)
        %dma_start3A_628 = arith.constant 0 : i32
        %dma_start3A_629 = arith.constant 0 : i32
        %dma_start3A_630 = tpu.memref_slice %arg19[%dma_start3A_628, %dma_start3A_629] : memref<2x80xi32, #tpu.memory_space<vmem>> -> memref<1x80xi32, #tpu.memory_space<vmem>>
        %dma_start3A_631 = tpu.memref_squeeze %dma_start3A_630 : memref<1x80xi32, #tpu.memory_space<vmem>> -> memref<80xi32, #tpu.memory_space<vmem>>
        %dma_start3A_632 = arith.constant 0 : i32
        %dma_start3A_633 = arith.constant 0 : i32
        %dma_start3A_634 = tpu.memref_slice %arg8[%dma_start3A_632, %dma_start3A_633] : memref<10000x128xf32, #tpu.memory_space<hbm>> -> memref<10000x128xf32, #tpu.memory_space<hbm>>
        tpu.enqueue_indirect_dma source(%dma_start3A_634 : memref<10000x128xf32, #tpu.memory_space<hbm>>) target(%arg21 : memref<80x128xf32, #tpu.memory_space<vmem>>) offsets(%dma_start3A_631 : memref<80xi32, #tpu.memory_space<vmem>>) semaphore(%arg23 : memref<!tpu.dma_semaphore, #tpu.memory_space<semaphore_mem>>)
      } else {
      }
      %dma_wait3A_518 = arith.constant 0 : i32
      %dma_wait3A_519 = arith.constant 0 : i32
      %dma_wait3A_520 = tpu.memref_slice %arg10[%dma_wait3A_518, %dma_wait3A_519] : memref<10240x128xf32, #tpu.memory_space<hbm>> -> memref<80x128xf32, #tpu.memory_space<hbm>>
      %dma_wait3A_521 = arith.constant 0 : i32
      %dma_wait3A_522 = arith.constant 0 : i32
      %dma_wait3A_523 = tpu.memref_slice %arg10[%dma_wait3A_521, %dma_wait3A_522] : memref<10240x128xf32, #tpu.memory_space<hbm>> -> memref<80x128xf32, #tpu.memory_space<hbm>>
      tpu.wait_dma2 semaphore(%arg24 : memref<!tpu.dma_semaphore, #tpu.memory_space<semaphore_mem>>) src(%dma_wait3A_523 : memref<80x128xf32, #tpu.memory_space<hbm>>) dst(%arg22 : memref<80x128xf32, #tpu.memory_space<vmem>>)
      %dma_start3A_524 = arith.constant 1 : i32
      %dma_start3A_525 = arith.constant 0 : i32
      %dma_start3A_526 = tpu.memref_slice %arg18[%dma_start3A_524, %dma_start3A_525] : memref<2x80xi32, #tpu.memory_space<vmem>> -> memref<1x80xi32, #tpu.memory_space<vmem>>
      %dma_start3A_527 = tpu.memref_squeeze %dma_start3A_526 : memref<1x80xi32, #tpu.memory_space<vmem>> -> memref<80xi32, #tpu.memory_space<vmem>>
      %dma_start3A_528 = arith.constant 0 : i32
      %dma_start3A_529 = arith.constant 0 : i32
      %dma_start3A_530 = tpu.memref_slice %arg14[%dma_start3A_528, %dma_start3A_529] : memref<10240x128xf32, #tpu.memory_space<vmem_shared>> -> memref<10240x128xf32, #tpu.memory_space<vmem_shared>>
      tpu.enqueue_indirect_dma source(%arg22 : memref<80x128xf32, #tpu.memory_space<vmem>>) target(%dma_start3A_530 : memref<10240x128xf32, #tpu.memory_space<vmem_shared>>) offsets(%dma_start3A_527 : memref<80xi32, #tpu.memory_space<vmem>>) semaphore(%arg26 : memref<!tpu.dma_semaphore, #tpu.memory_space<semaphore_mem>>) {add = true}
      %add3A_531 = arith.constant 2 : i32
      %add3A_532 = arith.addi %add3A_505, %add3A_531 : i32
      %lt3A_533 = arith.constant 126 : i32
      %lt3A_534 = arith.cmpi slt, %add3A_532, %lt3A_533 : i32
      %convert_element_type3A_535 = arith.extui %lt3A_534 : i1 to i32
      %cond3A_536 = arith.constant 0 : i32
      %cond3A_537 = arith.cmpi ne, %convert_element_type3A_535, %cond3A_536 : i32
      scf.if %cond3A_537 {
        %add3A_606 = arith.constant 2 : i32
        %add3A_607 = arith.addi %add3A_505, %add3A_606 : i32
        %mul3A_608 = arith.constant 80 : i32
        %mul3A_609 = arith.muli %add3A_607, %mul3A_608 : i32
        %add3A_610 = arith.addi %mul3A_20, %mul3A_609 : i32
        %multiple_of3A_611 = tpu.assume_multiple %add3A_610, 8 : i32
        %dma_start3A_612 = arith.constant 0 : i32
        %dma_start3A_613 = arith.constant 0 : i32
        %dma_start3A_614 = tpu.memref_slice %arg20[%dma_start3A_612, %dma_start3A_613] : memref<2x80xi32, #tpu.memory_space<vmem>> -> memref<1x80xi32, #tpu.memory_space<vmem>>
        %dma_start3A_615 = tpu.memref_squeeze %dma_start3A_614 : memref<1x80xi32, #tpu.memory_space<vmem>> -> memref<80xi32, #tpu.memory_space<vmem>>
        %dma_start3A_616 = tpu.memref_slice %arg2[%multiple_of3A_611] : memref<322560xi32, #tpu.memory_space<hbm>> -> memref<80xi32, #tpu.memory_space<hbm>>
        %dma_start3A_617 = arith.constant 0 : i32
        %dma_start3A_618 = tpu.memref_slice %arg20[%dma_start3A_612, %dma_start3A_617] : memref<2x80xi32, #tpu.memory_space<vmem>> -> memref<1x80xi32, #tpu.memory_space<vmem>>
        %dma_start3A_619 = tpu.memref_squeeze %dma_start3A_618 : memref<1x80xi32, #tpu.memory_space<vmem>> -> memref<80xi32, #tpu.memory_space<vmem>>
        %dma_start3A_620 = tpu.memref_slice %arg2[%multiple_of3A_611] : memref<322560xi32, #tpu.memory_space<hbm>> -> memref<80xi32, #tpu.memory_space<hbm>>
        tpu.enqueue_dma source(%dma_start3A_620 : memref<80xi32, #tpu.memory_space<hbm>>) target(%dma_start3A_619 : memref<80xi32, #tpu.memory_space<vmem>>) target_semaphore(%arg32 : memref<!tpu.dma_semaphore, #tpu.memory_space<semaphore_mem>>)
        %dma_start3A_621 = arith.constant 1 : i32
        %dma_start3A_622 = arith.constant 0 : i32
        %dma_start3A_623 = tpu.memref_slice %arg20[%dma_start3A_621, %dma_start3A_622] : memref<2x80xi32, #tpu.memory_space<vmem>> -> memref<1x80xi32, #tpu.memory_space<vmem>>
        %dma_start3A_624 = tpu.memref_squeeze %dma_start3A_623 : memref<1x80xi32, #tpu.memory_space<vmem>> -> memref<80xi32, #tpu.memory_space<vmem>>
        %dma_start3A_625 = tpu.memref_slice %arg3[%multiple_of3A_611] : memref<322560xi32, #tpu.memory_space<hbm>> -> memref<80xi32, #tpu.memory_space<hbm>>
        %dma_start3A_626 = arith.constant 0 : i32
        %dma_start3A_627 = tpu.memref_slice %arg20[%dma_start3A_621, %dma_start3A_626] : memref<2x80xi32, #tpu.memory_space<vmem>> -> memref<1x80xi32, #tpu.memory_space<vmem>>
        %dma_start3A_628 = tpu.memref_squeeze %dma_start3A_627 : memref<1x80xi32, #tpu.memory_space<vmem>> -> memref<80xi32, #tpu.memory_space<vmem>>
        %dma_start3A_629 = tpu.memref_slice %arg3[%multiple_of3A_611] : memref<322560xi32, #tpu.memory_space<hbm>> -> memref<80xi32, #tpu.memory_space<hbm>>
        tpu.enqueue_dma source(%dma_start3A_629 : memref<80xi32, #tpu.memory_space<hbm>>) target(%dma_start3A_628 : memref<80xi32, #tpu.memory_space<vmem>>) target_semaphore(%arg32 : memref<!tpu.dma_semaphore, #tpu.memory_space<semaphore_mem>>)
      } else {
      }
      %add3A_538 = arith.constant 4 : i32
      %add3A_539 = arith.addi %mul3A_405, %add3A_538 : i32
      %gt3A_540 = arith.constant 0 : i32
      %gt3A_541 = arith.cmpi sgt, %add3A_539, %gt3A_540 : i32
      %convert_element_type3A_542 = arith.extui %gt3A_541 : i1 to i32
      %cond3A_543 = arith.constant 0 : i32
      %cond3A_544 = arith.cmpi ne, %convert_element_type3A_542, %cond3A_543 : i32
      scf.if %cond3A_544 {
        %dma_wait3A_606 = arith.constant 0 : i32
        %dma_wait3A_607 = arith.constant 0 : i32
        %dma_wait3A_608 = tpu.memref_slice %arg10[%dma_wait3A_606, %dma_wait3A_607] : memref<10240x128xf32, #tpu.memory_space<hbm>> -> memref<80x128xf32, #tpu.memory_space<hbm>>
        %dma_wait3A_609 = arith.constant 0 : i32
        %dma_wait3A_610 = arith.constant 0 : i32
        %dma_wait3A_611 = tpu.memref_slice %arg10[%dma_wait3A_609, %dma_wait3A_610] : memref<10240x128xf32, #tpu.memory_space<hbm>> -> memref<80x128xf32, #tpu.memory_space<hbm>>
        tpu.wait_dma2 semaphore(%arg26 : memref<!tpu.dma_semaphore, #tpu.memory_space<semaphore_mem>>) src(%dma_wait3A_611 : memref<80x128xf32, #tpu.memory_space<hbm>>) dst(%arg22 : memref<80x128xf32, #tpu.memory_space<vmem>>)
      } else {
      }
      %add3A_545 = arith.constant 1 : i32
      %add3A_546 = arith.addi %add3A_539, %add3A_545 : i32
      %lt3A_547 = arith.constant 126 : i32
      %lt3A_548 = arith.cmpi slt, %add3A_546, %lt3A_547 : i32
      %convert_element_type3A_549 = arith.extui %lt3A_548 : i1 to i32
      %cond3A_550 = arith.constant 0 : i32
      %cond3A_551 = arith.cmpi ne, %convert_element_type3A_549, %cond3A_550 : i32
      scf.if %cond3A_551 {
        %dma_wait3A_606 = arith.constant 0 : i32
        %dma_wait3A_607 = arith.constant 0 : i32
        %dma_wait3A_608 = tpu.memref_slice %arg20[%dma_wait3A_606, %dma_wait3A_607] : memref<2x80xi32, #tpu.memory_space<vmem>> -> memref<1x80xi32, #tpu.memory_space<vmem>>
        %dma_wait3A_609 = tpu.memref_squeeze %dma_wait3A_608 : memref<1x80xi32, #tpu.memory_space<vmem>> -> memref<80xi32, #tpu.memory_space<vmem>>
        %dma_wait3A_610 = arith.constant 0 : i32
        %dma_wait3A_611 = tpu.memref_slice %arg2[%dma_wait3A_610] : memref<322560xi32, #tpu.memory_space<hbm>> -> memref<80xi32, #tpu.memory_space<hbm>>
        %dma_wait3A_612 = arith.constant 0 : i32
        %dma_wait3A_613 = tpu.memref_slice %arg20[%dma_wait3A_606, %dma_wait3A_612] : memref<2x80xi32, #tpu.memory_space<vmem>> -> memref<1x80xi32, #tpu.memory_space<vmem>>
        %dma_wait3A_614 = tpu.memref_squeeze %dma_wait3A_613 : memref<1x80xi32, #tpu.memory_space<vmem>> -> memref<80xi32, #tpu.memory_space<vmem>>
        %dma_wait3A_615 = arith.constant 0 : i32
        %dma_wait3A_616 = tpu.memref_slice %arg2[%dma_wait3A_615] : memref<322560xi32, #tpu.memory_space<hbm>> -> memref<80xi32, #tpu.memory_space<hbm>>
        tpu.wait_dma2 semaphore(%arg32 : memref<!tpu.dma_semaphore, #tpu.memory_space<semaphore_mem>>) src(%dma_wait3A_616 : memref<80xi32, #tpu.memory_space<hbm>>) dst(%dma_wait3A_614 : memref<80xi32, #tpu.memory_space<vmem>>)
        %dma_wait3A_617 = arith.constant 1 : i32
        %dma_wait3A_618 = arith.constant 0 : i32
        %dma_wait3A_619 = tpu.memref_slice %arg20[%dma_wait3A_617, %dma_wait3A_618] : memref<2x80xi32, #tpu.memory_space<vmem>> -> memref<1x80xi32, #tpu.memory_space<vmem>>
        %dma_wait3A_620 = tpu.memref_squeeze %dma_wait3A_619 : memref<1x80xi32, #tpu.memory_space<vmem>> -> memref<80xi32, #tpu.memory_space<vmem>>
        %dma_wait3A_621 = arith.constant 0 : i32
        %dma_wait3A_622 = tpu.memref_slice %arg2[%dma_wait3A_621] : memref<322560xi32, #tpu.memory_space<hbm>> -> memref<80xi32, #tpu.memory_space<hbm>>
        %dma_wait3A_623 = arith.constant 0 : i32
        %dma_wait3A_624 = tpu.memref_slice %arg20[%dma_wait3A_617, %dma_wait3A_623] : memref<2x80xi32, #tpu.memory_space<vmem>> -> memref<1x80xi32, #tpu.memory_space<vmem>>
        %dma_wait3A_625 = tpu.memref_squeeze %dma_wait3A_624 : memref<1x80xi32, #tpu.memory_space<vmem>> -> memref<80xi32, #tpu.memory_space<vmem>>
        %dma_wait3A_626 = arith.constant 0 : i32
        %dma_wait3A_627 = tpu.memref_slice %arg2[%dma_wait3A_626] : memref<322560xi32, #tpu.memory_space<hbm>> -> memref<80xi32, #tpu.memory_space<hbm>>
        tpu.wait_dma2 semaphore(%arg32 : memref<!tpu.dma_semaphore, #tpu.memory_space<semaphore_mem>>) src(%dma_wait3A_627 : memref<80xi32, #tpu.memory_space<hbm>>) dst(%dma_wait3A_625 : memref<80xi32, #tpu.memory_space<vmem>>)
        %dma_start3A_628 = arith.constant 0 : i32
        %dma_start3A_629 = arith.constant 0 : i32
        %dma_start3A_630 = tpu.memref_slice %arg20[%dma_start3A_628, %dma_start3A_629] : memref<2x80xi32, #tpu.memory_space<vmem>> -> memref<1x80xi32, #tpu.memory_space<vmem>>
        %dma_start3A_631 = tpu.memref_squeeze %dma_start3A_630 : memref<1x80xi32, #tpu.memory_space<vmem>> -> memref<80xi32, #tpu.memory_space<vmem>>
        %dma_start3A_632 = arith.constant 0 : i32
        %dma_start3A_633 = arith.constant 0 : i32
        %dma_start3A_634 = tpu.memref_slice %arg8[%dma_start3A_632, %dma_start3A_633] : memref<10000x128xf32, #tpu.memory_space<hbm>> -> memref<10000x128xf32, #tpu.memory_space<hbm>>
        tpu.enqueue_indirect_dma source(%dma_start3A_634 : memref<10000x128xf32, #tpu.memory_space<hbm>>) target(%arg22 : memref<80x128xf32, #tpu.memory_space<vmem>>) offsets(%dma_start3A_631 : memref<80xi32, #tpu.memory_space<vmem>>) semaphore(%arg24 : memref<!tpu.dma_semaphore, #tpu.memory_space<semaphore_mem>>)
      } else {
      }
      %dma_wait3A_552 = arith.constant 0 : i32
      %dma_wait3A_553 = arith.constant 0 : i32
      %dma_wait3A_554 = tpu.memref_slice %arg10[%dma_wait3A_552, %dma_wait3A_553] : memref<10240x128xf32, #tpu.memory_space<hbm>> -> memref<80x128xf32, #tpu.memory_space<hbm>>
      %dma_wait3A_555 = arith.constant 0 : i32
      %dma_wait3A_556 = arith.constant 0 : i32
      %dma_wait3A_557 = tpu.memref_slice %arg10[%dma_wait3A_555, %dma_wait3A_556] : memref<10240x128xf32, #tpu.memory_space<hbm>> -> memref<80x128xf32, #tpu.memory_space<hbm>>
      tpu.wait_dma2 semaphore(%arg23 : memref<!tpu.dma_semaphore, #tpu.memory_space<semaphore_mem>>) src(%dma_wait3A_557 : memref<80x128xf32, #tpu.memory_space<hbm>>) dst(%arg21 : memref<80x128xf32, #tpu.memory_space<vmem>>)
      %dma_start3A_558 = arith.constant 1 : i32
      %dma_start3A_559 = arith.constant 0 : i32
      %dma_start3A_560 = tpu.memref_slice %arg19[%dma_start3A_558, %dma_start3A_559] : memref<2x80xi32, #tpu.memory_space<vmem>> -> memref<1x80xi32, #tpu.memory_space<vmem>>
      %dma_start3A_561 = tpu.memref_squeeze %dma_start3A_560 : memref<1x80xi32, #tpu.memory_space<vmem>> -> memref<80xi32, #tpu.memory_space<vmem>>
      %dma_start3A_562 = arith.constant 0 : i32
      %dma_start3A_563 = arith.constant 0 : i32
      %dma_start3A_564 = tpu.memref_slice %arg14[%dma_start3A_562, %dma_start3A_563] : memref<10240x128xf32, #tpu.memory_space<vmem_shared>> -> memref<10240x128xf32, #tpu.memory_space<vmem_shared>>
      tpu.enqueue_indirect_dma source(%arg21 : memref<80x128xf32, #tpu.memory_space<vmem>>) target(%dma_start3A_564 : memref<10240x128xf32, #tpu.memory_space<vmem_shared>>) offsets(%dma_start3A_561 : memref<80xi32, #tpu.memory_space<vmem>>) semaphore(%arg25 : memref<!tpu.dma_semaphore, #tpu.memory_space<semaphore_mem>>) {add = true}
      %add3A_565 = arith.constant 2 : i32
      %add3A_566 = arith.addi %add3A_539, %add3A_565 : i32
      %lt3A_567 = arith.constant 126 : i32
      %lt3A_568 = arith.cmpi slt, %add3A_566, %lt3A_567 : i32
      %convert_element_type3A_569 = arith.extui %lt3A_568 : i1 to i32
      %cond3A_570 = arith.constant 0 : i32
      %cond3A_571 = arith.cmpi ne, %convert_element_type3A_569, %cond3A_570 : i32
      scf.if %cond3A_571 {
        %add3A_606 = arith.constant 2 : i32
        %add3A_607 = arith.addi %add3A_539, %add3A_606 : i32
        %mul3A_608 = arith.constant 80 : i32
        %mul3A_609 = arith.muli %add3A_607, %mul3A_608 : i32
        %add3A_610 = arith.addi %mul3A_20, %mul3A_609 : i32
        %multiple_of3A_611 = tpu.assume_multiple %add3A_610, 8 : i32
        %dma_start3A_612 = arith.constant 0 : i32
        %dma_start3A_613 = arith.constant 0 : i32
        %dma_start3A_614 = tpu.memref_slice %arg15[%dma_start3A_612, %dma_start3A_613] : memref<2x80xi32, #tpu.memory_space<vmem>> -> memref<1x80xi32, #tpu.memory_space<vmem>>
        %dma_start3A_615 = tpu.memref_squeeze %dma_start3A_614 : memref<1x80xi32, #tpu.memory_space<vmem>> -> memref<80xi32, #tpu.memory_space<vmem>>
        %dma_start3A_616 = tpu.memref_slice %arg2[%multiple_of3A_611] : memref<322560xi32, #tpu.memory_space<hbm>> -> memref<80xi32, #tpu.memory_space<hbm>>
        %dma_start3A_617 = arith.constant 0 : i32
        %dma_start3A_618 = tpu.memref_slice %arg15[%dma_start3A_612, %dma_start3A_617] : memref<2x80xi32, #tpu.memory_space<vmem>> -> memref<1x80xi32, #tpu.memory_space<vmem>>
        %dma_start3A_619 = tpu.memref_squeeze %dma_start3A_618 : memref<1x80xi32, #tpu.memory_space<vmem>> -> memref<80xi32, #tpu.memory_space<vmem>>
        %dma_start3A_620 = tpu.memref_slice %arg2[%multiple_of3A_611] : memref<322560xi32, #tpu.memory_space<hbm>> -> memref<80xi32, #tpu.memory_space<hbm>>
        tpu.enqueue_dma source(%dma_start3A_620 : memref<80xi32, #tpu.memory_space<hbm>>) target(%dma_start3A_619 : memref<80xi32, #tpu.memory_space<vmem>>) target_semaphore(%arg27 : memref<!tpu.dma_semaphore, #tpu.memory_space<semaphore_mem>>)
        %dma_start3A_621 = arith.constant 1 : i32
        %dma_start3A_622 = arith.constant 0 : i32
        %dma_start3A_623 = tpu.memref_slice %arg15[%dma_start3A_621, %dma_start3A_622] : memref<2x80xi32, #tpu.memory_space<vmem>> -> memref<1x80xi32, #tpu.memory_space<vmem>>
        %dma_start3A_624 = tpu.memref_squeeze %dma_start3A_623 : memref<1x80xi32, #tpu.memory_space<vmem>> -> memref<80xi32, #tpu.memory_space<vmem>>
        %dma_start3A_625 = tpu.memref_slice %arg3[%multiple_of3A_611] : memref<322560xi32, #tpu.memory_space<hbm>> -> memref<80xi32, #tpu.memory_space<hbm>>
        %dma_start3A_626 = arith.constant 0 : i32
        %dma_start3A_627 = tpu.memref_slice %arg15[%dma_start3A_621, %dma_start3A_626] : memref<2x80xi32, #tpu.memory_space<vmem>> -> memref<1x80xi32, #tpu.memory_space<vmem>>
        %dma_start3A_628 = tpu.memref_squeeze %dma_start3A_627 : memref<1x80xi32, #tpu.memory_space<vmem>> -> memref<80xi32, #tpu.memory_space<vmem>>
        %dma_start3A_629 = tpu.memref_slice %arg3[%multiple_of3A_611] : memref<322560xi32, #tpu.memory_space<hbm>> -> memref<80xi32, #tpu.memory_space<hbm>>
        tpu.enqueue_dma source(%dma_start3A_629 : memref<80xi32, #tpu.memory_space<hbm>>) target(%dma_start3A_628 : memref<80xi32, #tpu.memory_space<vmem>>) target_semaphore(%arg27 : memref<!tpu.dma_semaphore, #tpu.memory_space<semaphore_mem>>)
      } else {
      }
      %add3A_572 = arith.constant 5 : i32
      %add3A_573 = arith.addi %mul3A_405, %add3A_572 : i32
      %gt3A_574 = arith.constant 0 : i32
      %gt3A_575 = arith.cmpi sgt, %add3A_573, %gt3A_574 : i32
      %convert_element_type3A_576 = arith.extui %gt3A_575 : i1 to i32
      %cond3A_577 = arith.constant 0 : i32
      %cond3A_578 = arith.cmpi ne, %convert_element_type3A_576, %cond3A_577 : i32
      scf.if %cond3A_578 {
        %dma_wait3A_606 = arith.constant 0 : i32
        %dma_wait3A_607 = arith.constant 0 : i32
        %dma_wait3A_608 = tpu.memref_slice %arg10[%dma_wait3A_606, %dma_wait3A_607] : memref<10240x128xf32, #tpu.memory_space<hbm>> -> memref<80x128xf32, #tpu.memory_space<hbm>>
        %dma_wait3A_609 = arith.constant 0 : i32
        %dma_wait3A_610 = arith.constant 0 : i32
        %dma_wait3A_611 = tpu.memref_slice %arg10[%dma_wait3A_609, %dma_wait3A_610] : memref<10240x128xf32, #tpu.memory_space<hbm>> -> memref<80x128xf32, #tpu.memory_space<hbm>>
        tpu.wait_dma2 semaphore(%arg25 : memref<!tpu.dma_semaphore, #tpu.memory_space<semaphore_mem>>) src(%dma_wait3A_611 : memref<80x128xf32, #tpu.memory_space<hbm>>) dst(%arg21 : memref<80x128xf32, #tpu.memory_space<vmem>>)
      } else {
      }
      %add3A_579 = arith.constant 1 : i32
      %add3A_580 = arith.addi %add3A_573, %add3A_579 : i32
      %lt3A_581 = arith.constant 126 : i32
      %lt3A_582 = arith.cmpi slt, %add3A_580, %lt3A_581 : i32
      %convert_element_type3A_583 = arith.extui %lt3A_582 : i1 to i32
      %cond3A_584 = arith.constant 0 : i32
      %cond3A_585 = arith.cmpi ne, %convert_element_type3A_583, %cond3A_584 : i32
      scf.if %cond3A_585 {
        %dma_wait3A_606 = arith.constant 0 : i32
        %dma_wait3A_607 = arith.constant 0 : i32
        %dma_wait3A_608 = tpu.memref_slice %arg15[%dma_wait3A_606, %dma_wait3A_607] : memref<2x80xi32, #tpu.memory_space<vmem>> -> memref<1x80xi32, #tpu.memory_space<vmem>>
        %dma_wait3A_609 = tpu.memref_squeeze %dma_wait3A_608 : memref<1x80xi32, #tpu.memory_space<vmem>> -> memref<80xi32, #tpu.memory_space<vmem>>
        %dma_wait3A_610 = arith.constant 0 : i32
        %dma_wait3A_611 = tpu.memref_slice %arg2[%dma_wait3A_610] : memref<322560xi32, #tpu.memory_space<hbm>> -> memref<80xi32, #tpu.memory_space<hbm>>
        %dma_wait3A_612 = arith.constant 0 : i32
        %dma_wait3A_613 = tpu.memref_slice %arg15[%dma_wait3A_606, %dma_wait3A_612] : memref<2x80xi32, #tpu.memory_space<vmem>> -> memref<1x80xi32, #tpu.memory_space<vmem>>
        %dma_wait3A_614 = tpu.memref_squeeze %dma_wait3A_613 : memref<1x80xi32, #tpu.memory_space<vmem>> -> memref<80xi32, #tpu.memory_space<vmem>>
        %dma_wait3A_615 = arith.constant 0 : i32
        %dma_wait3A_616 = tpu.memref_slice %arg2[%dma_wait3A_615] : memref<322560xi32, #tpu.memory_space<hbm>> -> memref<80xi32, #tpu.memory_space<hbm>>
        tpu.wait_dma2 semaphore(%arg27 : memref<!tpu.dma_semaphore, #tpu.memory_space<semaphore_mem>>) src(%dma_wait3A_616 : memref<80xi32, #tpu.memory_space<hbm>>) dst(%dma_wait3A_614 : memref<80xi32, #tpu.memory_space<vmem>>)
        %dma_wait3A_617 = arith.constant 1 : i32
        %dma_wait3A_618 = arith.constant 0 : i32
        %dma_wait3A_619 = tpu.memref_slice %arg15[%dma_wait3A_617, %dma_wait3A_618] : memref<2x80xi32, #tpu.memory_space<vmem>> -> memref<1x80xi32, #tpu.memory_space<vmem>>
        %dma_wait3A_620 = tpu.memref_squeeze %dma_wait3A_619 : memref<1x80xi32, #tpu.memory_space<vmem>> -> memref<80xi32, #tpu.memory_space<vmem>>
        %dma_wait3A_621 = arith.constant 0 : i32
        %dma_wait3A_622 = tpu.memref_slice %arg2[%dma_wait3A_621] : memref<322560xi32, #tpu.memory_space<hbm>> -> memref<80xi32, #tpu.memory_space<hbm>>
        %dma_wait3A_623 = arith.constant 0 : i32
        %dma_wait3A_624 = tpu.memref_slice %arg15[%dma_wait3A_617, %dma_wait3A_623] : memref<2x80xi32, #tpu.memory_space<vmem>> -> memref<1x80xi32, #tpu.memory_space<vmem>>
        %dma_wait3A_625 = tpu.memref_squeeze %dma_wait3A_624 : memref<1x80xi32, #tpu.memory_space<vmem>> -> memref<80xi32, #tpu.memory_space<vmem>>
        %dma_wait3A_626 = arith.constant 0 : i32
        %dma_wait3A_627 = tpu.memref_slice %arg2[%dma_wait3A_626] : memref<322560xi32, #tpu.memory_space<hbm>> -> memref<80xi32, #tpu.memory_space<hbm>>
        tpu.wait_dma2 semaphore(%arg27 : memref<!tpu.dma_semaphore, #tpu.memory_space<semaphore_mem>>) src(%dma_wait3A_627 : memref<80xi32, #tpu.memory_space<hbm>>) dst(%dma_wait3A_625 : memref<80xi32, #tpu.memory_space<vmem>>)
        %dma_start3A_628 = arith.constant 0 : i32
        %dma_start3A_629 = arith.constant 0 : i32
        %dma_start3A_630 = tpu.memref_slice %arg15[%dma_start3A_628, %dma_start3A_629] : memref<2x80xi32, #tpu.memory_space<vmem>> -> memref<1x80xi32, #tpu.memory_space<vmem>>
        %dma_start3A_631 = tpu.memref_squeeze %dma_start3A_630 : memref<1x80xi32, #tpu.memory_space<vmem>> -> memref<80xi32, #tpu.memory_space<vmem>>
        %dma_start3A_632 = arith.constant 0 : i32
        %dma_start3A_633 = arith.constant 0 : i32
        %dma_start3A_634 = tpu.memref_slice %arg8[%dma_start3A_632, %dma_start3A_633] : memref<10000x128xf32, #tpu.memory_space<hbm>> -> memref<10000x128xf32, #tpu.memory_space<hbm>>
        tpu.enqueue_indirect_dma source(%dma_start3A_634 : memref<10000x128xf32, #tpu.memory_space<hbm>>) target(%arg21 : memref<80x128xf32, #tpu.memory_space<vmem>>) offsets(%dma_start3A_631 : memref<80xi32, #tpu.memory_space<vmem>>) semaphore(%arg23 : memref<!tpu.dma_semaphore, #tpu.memory_space<semaphore_mem>>)
      } else {
      }
      %dma_wait3A_586 = arith.constant 0 : i32
      %dma_wait3A_587 = arith.constant 0 : i32
      %dma_wait3A_588 = tpu.memref_slice %arg10[%dma_wait3A_586, %dma_wait3A_587] : memref<10240x128xf32, #tpu.memory_space<hbm>> -> memref<80x128xf32, #tpu.memory_space<hbm>>
      %dma_wait3A_589 = arith.constant 0 : i32
      %dma_wait3A_590 = arith.constant 0 : i32
      %dma_wait3A_591 = tpu.memref_slice %arg10[%dma_wait3A_589, %dma_wait3A_590] : memref<10240x128xf32, #tpu.memory_space<hbm>> -> memref<80x128xf32, #tpu.memory_space<hbm>>
      tpu.wait_dma2 semaphore(%arg24 : memref<!tpu.dma_semaphore, #tpu.memory_space<semaphore_mem>>) src(%dma_wait3A_591 : memref<80x128xf32, #tpu.memory_space<hbm>>) dst(%arg22 : memref<80x128xf32, #tpu.memory_space<vmem>>)
      %dma_start3A_592 = arith.constant 1 : i32
      %dma_start3A_593 = arith.constant 0 : i32
      %dma_start3A_594 = tpu.memref_slice %arg20[%dma_start3A_592, %dma_start3A_593] : memref<2x80xi32, #tpu.memory_space<vmem>> -> memref<1x80xi32, #tpu.memory_space<vmem>>
      %dma_start3A_595 = tpu.memref_squeeze %dma_start3A_594 : memref<1x80xi32, #tpu.memory_space<vmem>> -> memref<80xi32, #tpu.memory_space<vmem>>
      %dma_start3A_596 = arith.constant 0 : i32
      %dma_start3A_597 = arith.constant 0 : i32
      %dma_start3A_598 = tpu.memref_slice %arg14[%dma_start3A_596, %dma_start3A_597] : memref<10240x128xf32, #tpu.memory_space<vmem_shared>> -> memref<10240x128xf32, #tpu.memory_space<vmem_shared>>
      tpu.enqueue_indirect_dma source(%arg22 : memref<80x128xf32, #tpu.memory_space<vmem>>) target(%dma_start3A_598 : memref<10240x128xf32, #tpu.memory_space<vmem_shared>>) offsets(%dma_start3A_595 : memref<80xi32, #tpu.memory_space<vmem>>) semaphore(%arg26 : memref<!tpu.dma_semaphore, #tpu.memory_space<semaphore_mem>>) {add = true}
      %add3A_599 = arith.constant 2 : i32
      %add3A_600 = arith.addi %add3A_573, %add3A_599 : i32
      %lt3A_601 = arith.constant 126 : i32
      %lt3A_602 = arith.cmpi slt, %add3A_600, %lt3A_601 : i32
      %convert_element_type3A_603 = arith.extui %lt3A_602 : i1 to i32
      %cond3A_604 = arith.constant 0 : i32
      %cond3A_605 = arith.cmpi ne, %convert_element_type3A_603, %cond3A_604 : i32
      scf.if %cond3A_605 {
        %add3A_606 = arith.constant 2 : i32
        %add3A_607 = arith.addi %add3A_573, %add3A_606 : i32
        %mul3A_608 = arith.constant 80 : i32
        %mul3A_609 = arith.muli %add3A_607, %mul3A_608 : i32
        %add3A_610 = arith.addi %mul3A_20, %mul3A_609 : i32
        %multiple_of3A_611 = tpu.assume_multiple %add3A_610, 8 : i32
        %dma_start3A_612 = arith.constant 0 : i32
        %dma_start3A_613 = arith.constant 0 : i32
        %dma_start3A_614 = tpu.memref_slice %arg16[%dma_start3A_612, %dma_start3A_613] : memref<2x80xi32, #tpu.memory_space<vmem>> -> memref<1x80xi32, #tpu.memory_space<vmem>>
        %dma_start3A_615 = tpu.memref_squeeze %dma_start3A_614 : memref<1x80xi32, #tpu.memory_space<vmem>> -> memref<80xi32, #tpu.memory_space<vmem>>
        %dma_start3A_616 = tpu.memref_slice %arg2[%multiple_of3A_611] : memref<322560xi32, #tpu.memory_space<hbm>> -> memref<80xi32, #tpu.memory_space<hbm>>
        %dma_start3A_617 = arith.constant 0 : i32
        %dma_start3A_618 = tpu.memref_slice %arg16[%dma_start3A_612, %dma_start3A_617] : memref<2x80xi32, #tpu.memory_space<vmem>> -> memref<1x80xi32, #tpu.memory_space<vmem>>
        %dma_start3A_619 = tpu.memref_squeeze %dma_start3A_618 : memref<1x80xi32, #tpu.memory_space<vmem>> -> memref<80xi32, #tpu.memory_space<vmem>>
        %dma_start3A_620 = tpu.memref_slice %arg2[%multiple_of3A_611] : memref<322560xi32, #tpu.memory_space<hbm>> -> memref<80xi32, #tpu.memory_space<hbm>>
        tpu.enqueue_dma source(%dma_start3A_620 : memref<80xi32, #tpu.memory_space<hbm>>) target(%dma_start3A_619 : memref<80xi32, #tpu.memory_space<vmem>>) target_semaphore(%arg28 : memref<!tpu.dma_semaphore, #tpu.memory_space<semaphore_mem>>)
        %dma_start3A_621 = arith.constant 1 : i32
        %dma_start3A_622 = arith.constant 0 : i32
        %dma_start3A_623 = tpu.memref_slice %arg16[%dma_start3A_621, %dma_start3A_622] : memref<2x80xi32, #tpu.memory_space<vmem>> -> memref<1x80xi32, #tpu.memory_space<vmem>>
        %dma_start3A_624 = tpu.memref_squeeze %dma_start3A_623 : memref<1x80xi32, #tpu.memory_space<vmem>> -> memref<80xi32, #tpu.memory_space<vmem>>
        %dma_start3A_625 = tpu.memref_slice %arg3[%multiple_of3A_611] : memref<322560xi32, #tpu.memory_space<hbm>> -> memref<80xi32, #tpu.memory_space<hbm>>
        %dma_start3A_626 = arith.constant 0 : i32
        %dma_start3A_627 = tpu.memref_slice %arg16[%dma_start3A_621, %dma_start3A_626] : memref<2x80xi32, #tpu.memory_space<vmem>> -> memref<1x80xi32, #tpu.memory_space<vmem>>
        %dma_start3A_628 = tpu.memref_squeeze %dma_start3A_627 : memref<1x80xi32, #tpu.memory_space<vmem>> -> memref<80xi32, #tpu.memory_space<vmem>>
        %dma_start3A_629 = tpu.memref_slice %arg3[%multiple_of3A_611] : memref<322560xi32, #tpu.memory_space<hbm>> -> memref<80xi32, #tpu.memory_space<hbm>>
        tpu.enqueue_dma source(%dma_start3A_629 : memref<80xi32, #tpu.memory_space<hbm>>) target(%dma_start3A_628 : memref<80xi32, #tpu.memory_space<vmem>>) target_semaphore(%arg28 : memref<!tpu.dma_semaphore, #tpu.memory_space<semaphore_mem>>)
      } else {
      }
    }
    %scan3A_93 = arith.constant 21 : i32
    %dma_wait3A_94 = arith.constant 0 : i32
    %dma_wait3A_95 = arith.constant 0 : i32
    %dma_wait3A_96 = tpu.memref_slice %arg10[%dma_wait3A_94, %dma_wait3A_95] : memref<10240x128xf32, #tpu.memory_space<hbm>> -> memref<80x128xf32, #tpu.memory_space<hbm>>
    %dma_wait3A_97 = arith.constant 0 : i32
    %dma_wait3A_98 = arith.constant 0 : i32
    %dma_wait3A_99 = tpu.memref_slice %arg10[%dma_wait3A_97, %dma_wait3A_98] : memref<10240x128xf32, #tpu.memory_space<hbm>> -> memref<80x128xf32, #tpu.memory_space<hbm>>
    tpu.wait_dma2 semaphore(%arg26 : memref<!tpu.dma_semaphore, #tpu.memory_space<semaphore_mem>>) src(%dma_wait3A_99 : memref<80x128xf32, #tpu.memory_space<hbm>>) dst(%arg22 : memref<80x128xf32, #tpu.memory_space<vmem>>)
    %barrier3A_100 = arith.constant 0 : index
    tpu.barrier barrier_id(%barrier3A_100)
    %add3A_101 = arith.constant 0 : i32
    %add3A_102 = arith.addi %mul3A_2, %add3A_101 : i32
    "tpu.region"() ({
      %run_scoped3A = tpu.sem_alloc : memref<!tpu.dma_semaphore, #tpu.memory_space<semaphore_mem>>
      %dma_start3A_403 = arith.constant 0 : i32
      %dma_start3A_404 = tpu.memref_slice %arg14[%add3A_102, %dma_start3A_403] : memref<10240x128xf32, #tpu.memory_space<vmem_shared>> -> memref<80x128xf32, #tpu.memory_space<vmem_shared>>
      %dma_start3A_405 = arith.constant 0 : i32
      %dma_start3A_406 = tpu.memref_slice %arg14[%add3A_102, %dma_start3A_405] : memref<10240x128xf32, #tpu.memory_space<vmem_shared>> -> memref<80x128xf32, #tpu.memory_space<vmem_shared>>
      tpu.enqueue_dma source(%dma_start3A_406 : memref<80x128xf32, #tpu.memory_space<vmem_shared>>) target(%arg21 : memref<80x128xf32, #tpu.memory_space<vmem>>) target_semaphore(%run_scoped3A : memref<!tpu.dma_semaphore, #tpu.memory_space<semaphore_mem>>)
      %dma_wait3A_407 = arith.constant 0 : i32
      %dma_wait3A_408 = tpu.memref_slice %arg14[%add3A_102, %dma_wait3A_407] : memref<10240x128xf32, #tpu.memory_space<vmem_shared>> -> memref<80x128xf32, #tpu.memory_space<vmem_shared>>
      %dma_wait3A_409 = arith.constant 0 : i32
      %dma_wait3A_410 = tpu.memref_slice %arg14[%add3A_102, %dma_wait3A_409] : memref<10240x128xf32, #tpu.memory_space<vmem_shared>> -> memref<80x128xf32, #tpu.memory_space<vmem_shared>>
      tpu.wait_dma2 semaphore(%run_scoped3A : memref<!tpu.dma_semaphore, #tpu.memory_space<semaphore_mem>>) src(%dma_wait3A_410 : memref<80x128xf32, #tpu.memory_space<vmem_shared>>) dst(%arg21 : memref<80x128xf32, #tpu.memory_space<vmem>>)
      tpu.yield
    }) : () -> ()
    %add3A_103 = arith.constant 0 : i32
    %add3A_104 = arith.addi %mul3A_2, %add3A_103 : i32
    "tpu.region"() ({
      %run_scoped3A = tpu.sem_alloc : memref<!tpu.dma_semaphore, #tpu.memory_space<semaphore_mem>>
      %dma_start3A_403 = arith.constant 0 : i32
      %dma_start3A_404 = tpu.memref_slice %arg11[%arg0, %add3A_104, %dma_start3A_403] : memref<2x10240x128xf32, #tpu.memory_space<hbm>> -> memref<1x80x128xf32, #tpu.memory_space<hbm>>
      %dma_start3A_405 = tpu.memref_squeeze %dma_start3A_404 : memref<1x80x128xf32, #tpu.memory_space<hbm>> -> memref<80x128xf32, #tpu.memory_space<hbm>>
      %dma_start3A_406 = arith.constant 0 : i32
      %dma_start3A_407 = tpu.memref_slice %arg11[%arg0, %add3A_104, %dma_start3A_406] : memref<2x10240x128xf32, #tpu.memory_space<hbm>> -> memref<1x80x128xf32, #tpu.memory_space<hbm>>
      %dma_start3A_408 = tpu.memref_squeeze %dma_start3A_407 : memref<1x80x128xf32, #tpu.memory_space<hbm>> -> memref<80x128xf32, #tpu.memory_space<hbm>>
      tpu.enqueue_dma source(%arg21 : memref<80x128xf32, #tpu.memory_space<vmem>>) target(%dma_start3A_408 : memref<80x128xf32, #tpu.memory_space<hbm>>) target_semaphore(%run_scoped3A : memref<!tpu.dma_semaphore, #tpu.memory_space<semaphore_mem>>)
      %dma_wait3A_409 = arith.constant 0 : i32
      %dma_wait3A_410 = tpu.memref_slice %arg11[%arg0, %add3A_104, %dma_wait3A_409] : memref<2x10240x128xf32, #tpu.memory_space<hbm>> -> memref<1x80x128xf32, #tpu.memory_space<hbm>>
      %dma_wait3A_411 = tpu.memref_squeeze %dma_wait3A_410 : memref<1x80x128xf32, #tpu.memory_space<hbm>> -> memref<80x128xf32, #tpu.memory_space<hbm>>
      %dma_wait3A_412 = arith.constant 0 : i32
      %dma_wait3A_413 = tpu.memref_slice %arg11[%arg0, %add3A_104, %dma_wait3A_412] : memref<2x10240x128xf32, #tpu.memory_space<hbm>> -> memref<1x80x128xf32, #tpu.memory_space<hbm>>
      %dma_wait3A_414 = tpu.memref_squeeze %dma_wait3A_413 : memref<1x80x128xf32, #tpu.memory_space<hbm>> -> memref<80x128xf32, #tpu.memory_space<hbm>>
      tpu.wait_dma2 semaphore(%run_scoped3A : memref<!tpu.dma_semaphore, #tpu.memory_space<semaphore_mem>>) src(%arg21 : memref<80x128xf32, #tpu.memory_space<vmem>>) dst(%dma_wait3A_414 : memref<80x128xf32, #tpu.memory_space<hbm>>)
      tpu.yield
    }) : () -> ()
    %add3A_105 = arith.constant 80 : i32
    %add3A_106 = arith.addi %mul3A_2, %add3A_105 : i32
    "tpu.region"() ({
      %run_scoped3A = tpu.sem_alloc : memref<!tpu.dma_semaphore, #tpu.memory_space<semaphore_mem>>
      %dma_start3A_403 = arith.constant 0 : i32
      %dma_start3A_404 = tpu.memref_slice %arg14[%add3A_106, %dma_start3A_403] : memref<10240x128xf32, #tpu.memory_space<vmem_shared>> -> memref<80x128xf32, #tpu.memory_space<vmem_shared>>
      %dma_start3A_405 = arith.constant 0 : i32
      %dma_start3A_406 = tpu.memref_slice %arg14[%add3A_106, %dma_start3A_405] : memref<10240x128xf32, #tpu.memory_space<vmem_shared>> -> memref<80x128xf32, #tpu.memory_space<vmem_shared>>
      tpu.enqueue_dma source(%dma_start3A_406 : memref<80x128xf32, #tpu.memory_space<vmem_shared>>) target(%arg21 : memref<80x128xf32, #tpu.memory_space<vmem>>) target_semaphore(%run_scoped3A : memref<!tpu.dma_semaphore, #tpu.memory_space<semaphore_mem>>)
      %dma_wait3A_407 = arith.constant 0 : i32
      %dma_wait3A_408 = tpu.memref_slice %arg14[%add3A_106, %dma_wait3A_407] : memref<10240x128xf32, #tpu.memory_space<vmem_shared>> -> memref<80x128xf32, #tpu.memory_space<vmem_shared>>
      %dma_wait3A_409 = arith.constant 0 : i32
      %dma_wait3A_410 = tpu.memref_slice %arg14[%add3A_106, %dma_wait3A_409] : memref<10240x128xf32, #tpu.memory_space<vmem_shared>> -> memref<80x128xf32, #tpu.memory_space<vmem_shared>>
      tpu.wait_dma2 semaphore(%run_scoped3A : memref<!tpu.dma_semaphore, #tpu.memory_space<semaphore_mem>>) src(%dma_wait3A_410 : memref<80x128xf32, #tpu.memory_space<vmem_shared>>) dst(%arg21 : memref<80x128xf32, #tpu.memory_space<vmem>>)
      tpu.yield
    }) : () -> ()
    %add3A_107 = arith.constant 80 : i32
    %add3A_108 = arith.addi %mul3A_2, %add3A_107 : i32
    "tpu.region"() ({
      %run_scoped3A = tpu.sem_alloc : memref<!tpu.dma_semaphore, #tpu.memory_space<semaphore_mem>>
      %dma_start3A_403 = arith.constant 0 : i32
      %dma_start3A_404 = tpu.memref_slice %arg11[%arg0, %add3A_108, %dma_start3A_403] : memref<2x10240x128xf32, #tpu.memory_space<hbm>> -> memref<1x80x128xf32, #tpu.memory_space<hbm>>
      %dma_start3A_405 = tpu.memref_squeeze %dma_start3A_404 : memref<1x80x128xf32, #tpu.memory_space<hbm>> -> memref<80x128xf32, #tpu.memory_space<hbm>>
      %dma_start3A_406 = arith.constant 0 : i32
      %dma_start3A_407 = tpu.memref_slice %arg11[%arg0, %add3A_108, %dma_start3A_406] : memref<2x10240x128xf32, #tpu.memory_space<hbm>> -> memref<1x80x128xf32, #tpu.memory_space<hbm>>
      %dma_start3A_408 = tpu.memref_squeeze %dma_start3A_407 : memref<1x80x128xf32, #tpu.memory_space<hbm>> -> memref<80x128xf32, #tpu.memory_space<hbm>>
      tpu.enqueue_dma source(%arg21 : memref<80x128xf32, #tpu.memory_space<vmem>>) target(%dma_start3A_408 : memref<80x128xf32, #tpu.memory_space<hbm>>) target_semaphore(%run_scoped3A : memref<!tpu.dma_semaphore, #tpu.memory_space<semaphore_mem>>)
      %dma_wait3A_409 = arith.constant 0 : i32
      %dma_wait3A_410 = tpu.memref_slice %arg11[%arg0, %add3A_108, %dma_wait3A_409] : memref<2x10240x128xf32, #tpu.memory_space<hbm>> -> memref<1x80x128xf32, #tpu.memory_space<hbm>>
      %dma_wait3A_411 = tpu.memref_squeeze %dma_wait3A_410 : memref<1x80x128xf32, #tpu.memory_space<hbm>> -> memref<80x128xf32, #tpu.memory_space<hbm>>
      %dma_wait3A_412 = arith.constant 0 : i32
      %dma_wait3A_413 = tpu.memref_slice %arg11[%arg0, %add3A_108, %dma_wait3A_412] : memref<2x10240x128xf32, #tpu.memory_space<hbm>> -> memref<1x80x128xf32, #tpu.memory_space<hbm>>
      %dma_wait3A_414 = tpu.memref_squeeze %dma_wait3A_413 : memref<1x80x128xf32, #tpu.memory_space<hbm>> -> memref<80x128xf32, #tpu.memory_space<hbm>>
      tpu.wait_dma2 semaphore(%run_scoped3A : memref<!tpu.dma_semaphore, #tpu.memory_space<semaphore_mem>>) src(%arg21 : memref<80x128xf32, #tpu.memory_space<vmem>>) dst(%dma_wait3A_414 : memref<80x128xf32, #tpu.memory_space<hbm>>)
      tpu.yield
    }) : () -> ()
    %add3A_109 = arith.constant 160 : i32
    %add3A_110 = arith.addi %mul3A_2, %add3A_109 : i32
    "tpu.region"() ({
      %run_scoped3A = tpu.sem_alloc : memref<!tpu.dma_semaphore, #tpu.memory_space<semaphore_mem>>
      %dma_start3A_403 = arith.constant 0 : i32
      %dma_start3A_404 = tpu.memref_slice %arg14[%add3A_110, %dma_start3A_403] : memref<10240x128xf32, #tpu.memory_space<vmem_shared>> -> memref<80x128xf32, #tpu.memory_space<vmem_shared>>
      %dma_start3A_405 = arith.constant 0 : i32
      %dma_start3A_406 = tpu.memref_slice %arg14[%add3A_110, %dma_start3A_405] : memref<10240x128xf32, #tpu.memory_space<vmem_shared>> -> memref<80x128xf32, #tpu.memory_space<vmem_shared>>
      tpu.enqueue_dma source(%dma_start3A_406 : memref<80x128xf32, #tpu.memory_space<vmem_shared>>) target(%arg21 : memref<80x128xf32, #tpu.memory_space<vmem>>) target_semaphore(%run_scoped3A : memref<!tpu.dma_semaphore, #tpu.memory_space<semaphore_mem>>)
      %dma_wait3A_407 = arith.constant 0 : i32
      %dma_wait3A_408 = tpu.memref_slice %arg14[%add3A_110, %dma_wait3A_407] : memref<10240x128xf32, #tpu.memory_space<vmem_shared>> -> memref<80x128xf32, #tpu.memory_space<vmem_shared>>
      %dma_wait3A_409 = arith.constant 0 : i32
      %dma_wait3A_410 = tpu.memref_slice %arg14[%add3A_110, %dma_wait3A_409] : memref<10240x128xf32, #tpu.memory_space<vmem_shared>> -> memref<80x128xf32, #tpu.memory_space<vmem_shared>>
      tpu.wait_dma2 semaphore(%run_scoped3A : memref<!tpu.dma_semaphore, #tpu.memory_space<semaphore_mem>>) src(%dma_wait3A_410 : memref<80x128xf32, #tpu.memory_space<vmem_shared>>) dst(%arg21 : memref<80x128xf32, #tpu.memory_space<vmem>>)
      tpu.yield
    }) : () -> ()
    %add3A_111 = arith.constant 160 : i32
    %add3A_112 = arith.addi %mul3A_2, %add3A_111 : i32
    "tpu.region"() ({
      %run_scoped3A = tpu.sem_alloc : memref<!tpu.dma_semaphore, #tpu.memory_space<semaphore_mem>>
      %dma_start3A_403 = arith.constant 0 : i32
      %dma_start3A_404 = tpu.memref_slice %arg11[%arg0, %add3A_112, %dma_start3A_403] : memref<2x10240x128xf32, #tpu.memory_space<hbm>> -> memref<1x80x128xf32, #tpu.memory_space<hbm>>
      %dma_start3A_405 = tpu.memref_squeeze %dma_start3A_404 : memref<1x80x128xf32, #tpu.memory_space<hbm>> -> memref<80x128xf32, #tpu.memory_space<hbm>>
      %dma_start3A_406 = arith.constant 0 : i32
      %dma_start3A_407 = tpu.memref_slice %arg11[%arg0, %add3A_112, %dma_start3A_406] : memref<2x10240x128xf32, #tpu.memory_space<hbm>> -> memref<1x80x128xf32, #tpu.memory_space<hbm>>
      %dma_start3A_408 = tpu.memref_squeeze %dma_start3A_407 : memref<1x80x128xf32, #tpu.memory_space<hbm>> -> memref<80x128xf32, #tpu.memory_space<hbm>>
      tpu.enqueue_dma source(%arg21 : memref<80x128xf32, #tpu.memory_space<vmem>>) target(%dma_start3A_408 : memref<80x128xf32, #tpu.memory_space<hbm>>) target_semaphore(%run_scoped3A : memref<!tpu.dma_semaphore, #tpu.memory_space<semaphore_mem>>)
      %dma_wait3A_409 = arith.constant 0 : i32
      %dma_wait3A_410 = tpu.memref_slice %arg11[%arg0, %add3A_112, %dma_wait3A_409] : memref<2x10240x128xf32, #tpu.memory_space<hbm>> -> memref<1x80x128xf32, #tpu.memory_space<hbm>>
      %dma_wait3A_411 = tpu.memref_squeeze %dma_wait3A_410 : memref<1x80x128xf32, #tpu.memory_space<hbm>> -> memref<80x128xf32, #tpu.memory_space<hbm>>
      %dma_wait3A_412 = arith.constant 0 : i32
      %dma_wait3A_413 = tpu.memref_slice %arg11[%arg0, %add3A_112, %dma_wait3A_412] : memref<2x10240x128xf32, #tpu.memory_space<hbm>> -> memref<1x80x128xf32, #tpu.memory_space<hbm>>
      %dma_wait3A_414 = tpu.memref_squeeze %dma_wait3A_413 : memref<1x80x128xf32, #tpu.memory_space<hbm>> -> memref<80x128xf32, #tpu.memory_space<hbm>>
      tpu.wait_dma2 semaphore(%run_scoped3A : memref<!tpu.dma_semaphore, #tpu.memory_space<semaphore_mem>>) src(%arg21 : memref<80x128xf32, #tpu.memory_space<vmem>>) dst(%dma_wait3A_414 : memref<80x128xf32, #tpu.memory_space<hbm>>)
      tpu.yield
    }) : () -> ()
    %add3A_113 = arith.constant 240 : i32
    %add3A_114 = arith.addi %mul3A_2, %add3A_113 : i32
    "tpu.region"() ({
      %run_scoped3A = tpu.sem_alloc : memref<!tpu.dma_semaphore, #tpu.memory_space<semaphore_mem>>
      %dma_start3A_403 = arith.constant 0 : i32
      %dma_start3A_404 = tpu.memref_slice %arg14[%add3A_114, %dma_start3A_403] : memref<10240x128xf32, #tpu.memory_space<vmem_shared>> -> memref<80x128xf32, #tpu.memory_space<vmem_shared>>
      %dma_start3A_405 = arith.constant 0 : i32
      %dma_start3A_406 = tpu.memref_slice %arg14[%add3A_114, %dma_start3A_405] : memref<10240x128xf32, #tpu.memory_space<vmem_shared>> -> memref<80x128xf32, #tpu.memory_space<vmem_shared>>
      tpu.enqueue_dma source(%dma_start3A_406 : memref<80x128xf32, #tpu.memory_space<vmem_shared>>) target(%arg21 : memref<80x128xf32, #tpu.memory_space<vmem>>) target_semaphore(%run_scoped3A : memref<!tpu.dma_semaphore, #tpu.memory_space<semaphore_mem>>)
      %dma_wait3A_407 = arith.constant 0 : i32
      %dma_wait3A_408 = tpu.memref_slice %arg14[%add3A_114, %dma_wait3A_407] : memref<10240x128xf32, #tpu.memory_space<vmem_shared>> -> memref<80x128xf32, #tpu.memory_space<vmem_shared>>
      %dma_wait3A_409 = arith.constant 0 : i32
      %dma_wait3A_410 = tpu.memref_slice %arg14[%add3A_114, %dma_wait3A_409] : memref<10240x128xf32, #tpu.memory_space<vmem_shared>> -> memref<80x128xf32, #tpu.memory_space<vmem_shared>>
      tpu.wait_dma2 semaphore(%run_scoped3A : memref<!tpu.dma_semaphore, #tpu.memory_space<semaphore_mem>>) src(%dma_wait3A_410 : memref<80x128xf32, #tpu.memory_space<vmem_shared>>) dst(%arg21 : memref<80x128xf32, #tpu.memory_space<vmem>>)
      tpu.yield
    }) : () -> ()
    %add3A_115 = arith.constant 240 : i32
    %add3A_116 = arith.addi %mul3A_2, %add3A_115 : i32
    "tpu.region"() ({
      %run_scoped3A = tpu.sem_alloc : memref<!tpu.dma_semaphore, #tpu.memory_space<semaphore_mem>>
      %dma_start3A_403 = arith.constant 0 : i32
      %dma_start3A_404 = tpu.memref_slice %arg11[%arg0, %add3A_116, %dma_start3A_403] : memref<2x10240x128xf32, #tpu.memory_space<hbm>> -> memref<1x80x128xf32, #tpu.memory_space<hbm>>
      %dma_start3A_405 = tpu.memref_squeeze %dma_start3A_404 : memref<1x80x128xf32, #tpu.memory_space<hbm>> -> memref<80x128xf32, #tpu.memory_space<hbm>>
      %dma_start3A_406 = arith.constant 0 : i32
      %dma_start3A_407 = tpu.memref_slice %arg11[%arg0, %add3A_116, %dma_start3A_406] : memref<2x10240x128xf32, #tpu.memory_space<hbm>> -> memref<1x80x128xf32, #tpu.memory_space<hbm>>
      %dma_start3A_408 = tpu.memref_squeeze %dma_start3A_407 : memref<1x80x128xf32, #tpu.memory_space<hbm>> -> memref<80x128xf32, #tpu.memory_space<hbm>>
      tpu.enqueue_dma source(%arg21 : memref<80x128xf32, #tpu.memory_space<vmem>>) target(%dma_start3A_408 : memref<80x128xf32, #tpu.memory_space<hbm>>) target_semaphore(%run_scoped3A : memref<!tpu.dma_semaphore, #tpu.memory_space<semaphore_mem>>)
      %dma_wait3A_409 = arith.constant 0 : i32
      %dma_wait3A_410 = tpu.memref_slice %arg11[%arg0, %add3A_116, %dma_wait3A_409] : memref<2x10240x128xf32, #tpu.memory_space<hbm>> -> memref<1x80x128xf32, #tpu.memory_space<hbm>>
      %dma_wait3A_411 = tpu.memref_squeeze %dma_wait3A_410 : memref<1x80x128xf32, #tpu.memory_space<hbm>> -> memref<80x128xf32, #tpu.memory_space<hbm>>
      %dma_wait3A_412 = arith.constant 0 : i32
      %dma_wait3A_413 = tpu.memref_slice %arg11[%arg0, %add3A_116, %dma_wait3A_412] : memref<2x10240x128xf32, #tpu.memory_space<hbm>> -> memref<1x80x128xf32, #tpu.memory_space<hbm>>
      %dma_wait3A_414 = tpu.memref_squeeze %dma_wait3A_413 : memref<1x80x128xf32, #tpu.memory_space<hbm>> -> memref<80x128xf32, #tpu.memory_space<hbm>>
      tpu.wait_dma2 semaphore(%run_scoped3A : memref<!tpu.dma_semaphore, #tpu.memory_space<semaphore_mem>>) src(%arg21 : memref<80x128xf32, #tpu.memory_space<vmem>>) dst(%dma_wait3A_414 : memref<80x128xf32, #tpu.memory_space<hbm>>)
      tpu.yield
    }) : () -> ()
    %add3A_117 = arith.constant 320 : i32
    %add3A_118 = arith.addi %mul3A_2, %add3A_117 : i32
    "tpu.region"() ({
      %run_scoped3A = tpu.sem_alloc : memref<!tpu.dma_semaphore, #tpu.memory_space<semaphore_mem>>
      %dma_start3A_403 = arith.constant 0 : i32
      %dma_start3A_404 = tpu.memref_slice %arg14[%add3A_118, %dma_start3A_403] : memref<10240x128xf32, #tpu.memory_space<vmem_shared>> -> memref<80x128xf32, #tpu.memory_space<vmem_shared>>
      %dma_start3A_405 = arith.constant 0 : i32
      %dma_start3A_406 = tpu.memref_slice %arg14[%add3A_118, %dma_start3A_405] : memref<10240x128xf32, #tpu.memory_space<vmem_shared>> -> memref<80x128xf32, #tpu.memory_space<vmem_shared>>
      tpu.enqueue_dma source(%dma_start3A_406 : memref<80x128xf32, #tpu.memory_space<vmem_shared>>) target(%arg21 : memref<80x128xf32, #tpu.memory_space<vmem>>) target_semaphore(%run_scoped3A : memref<!tpu.dma_semaphore, #tpu.memory_space<semaphore_mem>>)
      %dma_wait3A_407 = arith.constant 0 : i32
      %dma_wait3A_408 = tpu.memref_slice %arg14[%add3A_118, %dma_wait3A_407] : memref<10240x128xf32, #tpu.memory_space<vmem_shared>> -> memref<80x128xf32, #tpu.memory_space<vmem_shared>>
      %dma_wait3A_409 = arith.constant 0 : i32
      %dma_wait3A_410 = tpu.memref_slice %arg14[%add3A_118, %dma_wait3A_409] : memref<10240x128xf32, #tpu.memory_space<vmem_shared>> -> memref<80x128xf32, #tpu.memory_space<vmem_shared>>
      tpu.wait_dma2 semaphore(%run_scoped3A : memref<!tpu.dma_semaphore, #tpu.memory_space<semaphore_mem>>) src(%dma_wait3A_410 : memref<80x128xf32, #tpu.memory_space<vmem_shared>>) dst(%arg21 : memref<80x128xf32, #tpu.memory_space<vmem>>)
      tpu.yield
    }) : () -> ()
    %add3A_119 = arith.constant 320 : i32
    %add3A_120 = arith.addi %mul3A_2, %add3A_119 : i32
    "tpu.region"() ({
      %run_scoped3A = tpu.sem_alloc : memref<!tpu.dma_semaphore, #tpu.memory_space<semaphore_mem>>
      %dma_start3A_403 = arith.constant 0 : i32
      %dma_start3A_404 = tpu.memref_slice %arg11[%arg0, %add3A_120, %dma_start3A_403] : memref<2x10240x128xf32, #tpu.memory_space<hbm>> -> memref<1x80x128xf32, #tpu.memory_space<hbm>>
      %dma_start3A_405 = tpu.memref_squeeze %dma_start3A_404 : memref<1x80x128xf32, #tpu.memory_space<hbm>> -> memref<80x128xf32, #tpu.memory_space<hbm>>
      %dma_start3A_406 = arith.constant 0 : i32
      %dma_start3A_407 = tpu.memref_slice %arg11[%arg0, %add3A_120, %dma_start3A_406] : memref<2x10240x128xf32, #tpu.memory_space<hbm>> -> memref<1x80x128xf32, #tpu.memory_space<hbm>>
      %dma_start3A_408 = tpu.memref_squeeze %dma_start3A_407 : memref<1x80x128xf32, #tpu.memory_space<hbm>> -> memref<80x128xf32, #tpu.memory_space<hbm>>
      tpu.enqueue_dma source(%arg21 : memref<80x128xf32, #tpu.memory_space<vmem>>) target(%dma_start3A_408 : memref<80x128xf32, #tpu.memory_space<hbm>>) target_semaphore(%run_scoped3A : memref<!tpu.dma_semaphore, #tpu.memory_space<semaphore_mem>>)
      %dma_wait3A_409 = arith.constant 0 : i32
      %dma_wait3A_410 = tpu.memref_slice %arg11[%arg0, %add3A_120, %dma_wait3A_409] : memref<2x10240x128xf32, #tpu.memory_space<hbm>> -> memref<1x80x128xf32, #tpu.memory_space<hbm>>
      %dma_wait3A_411 = tpu.memref_squeeze %dma_wait3A_410 : memref<1x80x128xf32, #tpu.memory_space<hbm>> -> memref<80x128xf32, #tpu.memory_space<hbm>>
      %dma_wait3A_412 = arith.constant 0 : i32
      %dma_wait3A_413 = tpu.memref_slice %arg11[%arg0, %add3A_120, %dma_wait3A_412] : memref<2x10240x128xf32, #tpu.memory_space<hbm>> -> memref<1x80x128xf32, #tpu.memory_space<hbm>>
      %dma_wait3A_414 = tpu.memref_squeeze %dma_wait3A_413 : memref<1x80x128xf32, #tpu.memory_space<hbm>> -> memref<80x128xf32, #tpu.memory_space<hbm>>
      tpu.wait_dma2 semaphore(%run_scoped3A : memref<!tpu.dma_semaphore, #tpu.memory_space<semaphore_mem>>) src(%arg21 : memref<80x128xf32, #tpu.memory_space<vmem>>) dst(%dma_wait3A_414 : memref<80x128xf32, #tpu.memory_space<hbm>>)
      tpu.yield
    }) : () -> ()
    %add3A_121 = arith.constant 400 : i32
    %add3A_122 = arith.addi %mul3A_2, %add3A_121 : i32
    "tpu.region"() ({
      %run_scoped3A = tpu.sem_alloc : memref<!tpu.dma_semaphore, #tpu.memory_space<semaphore_mem>>
      %dma_start3A_403 = arith.constant 0 : i32
      %dma_start3A_404 = tpu.memref_slice %arg14[%add3A_122, %dma_start3A_403] : memref<10240x128xf32, #tpu.memory_space<vmem_shared>> -> memref<80x128xf32, #tpu.memory_space<vmem_shared>>
      %dma_start3A_405 = arith.constant 0 : i32
      %dma_start3A_406 = tpu.memref_slice %arg14[%add3A_122, %dma_start3A_405] : memref<10240x128xf32, #tpu.memory_space<vmem_shared>> -> memref<80x128xf32, #tpu.memory_space<vmem_shared>>
      tpu.enqueue_dma source(%dma_start3A_406 : memref<80x128xf32, #tpu.memory_space<vmem_shared>>) target(%arg21 : memref<80x128xf32, #tpu.memory_space<vmem>>) target_semaphore(%run_scoped3A : memref<!tpu.dma_semaphore, #tpu.memory_space<semaphore_mem>>)
      %dma_wait3A_407 = arith.constant 0 : i32
      %dma_wait3A_408 = tpu.memref_slice %arg14[%add3A_122, %dma_wait3A_407] : memref<10240x128xf32, #tpu.memory_space<vmem_shared>> -> memref<80x128xf32, #tpu.memory_space<vmem_shared>>
      %dma_wait3A_409 = arith.constant 0 : i32
      %dma_wait3A_410 = tpu.memref_slice %arg14[%add3A_122, %dma_wait3A_409] : memref<10240x128xf32, #tpu.memory_space<vmem_shared>> -> memref<80x128xf32, #tpu.memory_space<vmem_shared>>
      tpu.wait_dma2 semaphore(%run_scoped3A : memref<!tpu.dma_semaphore, #tpu.memory_space<semaphore_mem>>) src(%dma_wait3A_410 : memref<80x128xf32, #tpu.memory_space<vmem_shared>>) dst(%arg21 : memref<80x128xf32, #tpu.memory_space<vmem>>)
      tpu.yield
    }) : () -> ()
    %add3A_123 = arith.constant 400 : i32
    %add3A_124 = arith.addi %mul3A_2, %add3A_123 : i32
    "tpu.region"() ({
      %run_scoped3A = tpu.sem_alloc : memref<!tpu.dma_semaphore, #tpu.memory_space<semaphore_mem>>
      %dma_start3A_403 = arith.constant 0 : i32
      %dma_start3A_404 = tpu.memref_slice %arg11[%arg0, %add3A_124, %dma_start3A_403] : memref<2x10240x128xf32, #tpu.memory_space<hbm>> -> memref<1x80x128xf32, #tpu.memory_space<hbm>>
      %dma_start3A_405 = tpu.memref_squeeze %dma_start3A_404 : memref<1x80x128xf32, #tpu.memory_space<hbm>> -> memref<80x128xf32, #tpu.memory_space<hbm>>
      %dma_start3A_406 = arith.constant 0 : i32
      %dma_start3A_407 = tpu.memref_slice %arg11[%arg0, %add3A_124, %dma_start3A_406] : memref<2x10240x128xf32, #tpu.memory_space<hbm>> -> memref<1x80x128xf32, #tpu.memory_space<hbm>>
      %dma_start3A_408 = tpu.memref_squeeze %dma_start3A_407 : memref<1x80x128xf32, #tpu.memory_space<hbm>> -> memref<80x128xf32, #tpu.memory_space<hbm>>
      tpu.enqueue_dma source(%arg21 : memref<80x128xf32, #tpu.memory_space<vmem>>) target(%dma_start3A_408 : memref<80x128xf32, #tpu.memory_space<hbm>>) target_semaphore(%run_scoped3A : memref<!tpu.dma_semaphore, #tpu.memory_space<semaphore_mem>>)
      %dma_wait3A_409 = arith.constant 0 : i32
      %dma_wait3A_410 = tpu.memref_slice %arg11[%arg0, %add3A_124, %dma_wait3A_409] : memref<2x10240x128xf32, #tpu.memory_space<hbm>> -> memref<1x80x128xf32, #tpu.memory_space<hbm>>
      %dma_wait3A_411 = tpu.memref_squeeze %dma_wait3A_410 : memref<1x80x128xf32, #tpu.memory_space<hbm>> -> memref<80x128xf32, #tpu.memory_space<hbm>>
      %dma_wait3A_412 = arith.constant 0 : i32
      %dma_wait3A_413 = tpu.memref_slice %arg11[%arg0, %add3A_124, %dma_wait3A_412] : memref<2x10240x128xf32, #tpu.memory_space<hbm>> -> memref<1x80x128xf32, #tpu.memory_space<hbm>>
      %dma_wait3A_414 = tpu.memref_squeeze %dma_wait3A_413 : memref<1x80x128xf32, #tpu.memory_space<hbm>> -> memref<80x128xf32, #tpu.memory_space<hbm>>
      tpu.wait_dma2 semaphore(%run_scoped3A : memref<!tpu.dma_semaphore, #tpu.memory_space<semaphore_mem>>) src(%arg21 : memref<80x128xf32, #tpu.memory_space<vmem>>) dst(%dma_wait3A_414 : memref<80x128xf32, #tpu.memory_space<hbm>>)
      tpu.yield
    }) : () -> ()
    %add3A_125 = arith.constant 480 : i32
    %add3A_126 = arith.addi %mul3A_2, %add3A_125 : i32
    "tpu.region"() ({
      %run_scoped3A = tpu.sem_alloc : memref<!tpu.dma_semaphore, #tpu.memory_space<semaphore_mem>>
      %dma_start3A_403 = arith.constant 0 : i32
      %dma_start3A_404 = tpu.memref_slice %arg14[%add3A_126, %dma_start3A_403] : memref<10240x128xf32, #tpu.memory_space<vmem_shared>> -> memref<80x128xf32, #tpu.memory_space<vmem_shared>>
      %dma_start3A_405 = arith.constant 0 : i32
      %dma_start3A_406 = tpu.memref_slice %arg14[%add3A_126, %dma_start3A_405] : memref<10240x128xf32, #tpu.memory_space<vmem_shared>> -> memref<80x128xf32, #tpu.memory_space<vmem_shared>>
      tpu.enqueue_dma source(%dma_start3A_406 : memref<80x128xf32, #tpu.memory_space<vmem_shared>>) target(%arg21 : memref<80x128xf32, #tpu.memory_space<vmem>>) target_semaphore(%run_scoped3A : memref<!tpu.dma_semaphore, #tpu.memory_space<semaphore_mem>>)
      %dma_wait3A_407 = arith.constant 0 : i32
      %dma_wait3A_408 = tpu.memref_slice %arg14[%add3A_126, %dma_wait3A_407] : memref<10240x128xf32, #tpu.memory_space<vmem_shared>> -> memref<80x128xf32, #tpu.memory_space<vmem_shared>>
      %dma_wait3A_409 = arith.constant 0 : i32
      %dma_wait3A_410 = tpu.memref_slice %arg14[%add3A_126, %dma_wait3A_409] : memref<10240x128xf32, #tpu.memory_space<vmem_shared>> -> memref<80x128xf32, #tpu.memory_space<vmem_shared>>
      tpu.wait_dma2 semaphore(%run_scoped3A : memref<!tpu.dma_semaphore, #tpu.memory_space<semaphore_mem>>) src(%dma_wait3A_410 : memref<80x128xf32, #tpu.memory_space<vmem_shared>>) dst(%arg21 : memref<80x128xf32, #tpu.memory_space<vmem>>)
      tpu.yield
    }) : () -> ()
    %add3A_127 = arith.constant 480 : i32
    %add3A_128 = arith.addi %mul3A_2, %add3A_127 : i32
    "tpu.region"() ({
      %run_scoped3A = tpu.sem_alloc : memref<!tpu.dma_semaphore, #tpu.memory_space<semaphore_mem>>
      %dma_start3A_403 = arith.constant 0 : i32
      %dma_start3A_404 = tpu.memref_slice %arg11[%arg0, %add3A_128, %dma_start3A_403] : memref<2x10240x128xf32, #tpu.memory_space<hbm>> -> memref<1x80x128xf32, #tpu.memory_space<hbm>>
      %dma_start3A_405 = tpu.memref_squeeze %dma_start3A_404 : memref<1x80x128xf32, #tpu.memory_space<hbm>> -> memref<80x128xf32, #tpu.memory_space<hbm>>
      %dma_start3A_406 = arith.constant 0 : i32
      %dma_start3A_407 = tpu.memref_slice %arg11[%arg0, %add3A_128, %dma_start3A_406] : memref<2x10240x128xf32, #tpu.memory_space<hbm>> -> memref<1x80x128xf32, #tpu.memory_space<hbm>>
      %dma_start3A_408 = tpu.memref_squeeze %dma_start3A_407 : memref<1x80x128xf32, #tpu.memory_space<hbm>> -> memref<80x128xf32, #tpu.memory_space<hbm>>
      tpu.enqueue_dma source(%arg21 : memref<80x128xf32, #tpu.memory_space<vmem>>) target(%dma_start3A_408 : memref<80x128xf32, #tpu.memory_space<hbm>>) target_semaphore(%run_scoped3A : memref<!tpu.dma_semaphore, #tpu.memory_space<semaphore_mem>>)
      %dma_wait3A_409 = arith.constant 0 : i32
      %dma_wait3A_410 = tpu.memref_slice %arg11[%arg0, %add3A_128, %dma_wait3A_409] : memref<2x10240x128xf32, #tpu.memory_space<hbm>> -> memref<1x80x128xf32, #tpu.memory_space<hbm>>
      %dma_wait3A_411 = tpu.memref_squeeze %dma_wait3A_410 : memref<1x80x128xf32, #tpu.memory_space<hbm>> -> memref<80x128xf32, #tpu.memory_space<hbm>>
      %dma_wait3A_412 = arith.constant 0 : i32
      %dma_wait3A_413 = tpu.memref_slice %arg11[%arg0, %add3A_128, %dma_wait3A_412] : memref<2x10240x128xf32, #tpu.memory_space<hbm>> -> memref<1x80x128xf32, #tpu.memory_space<hbm>>
      %dma_wait3A_414 = tpu.memref_squeeze %dma_wait3A_413 : memref<1x80x128xf32, #tpu.memory_space<hbm>> -> memref<80x128xf32, #tpu.memory_space<hbm>>
      tpu.wait_dma2 semaphore(%run_scoped3A : memref<!tpu.dma_semaphore, #tpu.memory_space<semaphore_mem>>) src(%arg21 : memref<80x128xf32, #tpu.memory_space<vmem>>) dst(%dma_wait3A_414 : memref<80x128xf32, #tpu.memory_space<hbm>>)
      tpu.yield
    }) : () -> ()
    %add3A_129 = arith.constant 560 : i32
    %add3A_130 = arith.addi %mul3A_2, %add3A_129 : i32
    "tpu.region"() ({
      %run_scoped3A = tpu.sem_alloc : memref<!tpu.dma_semaphore, #tpu.memory_space<semaphore_mem>>
      %dma_start3A_403 = arith.constant 0 : i32
      %dma_start3A_404 = tpu.memref_slice %arg14[%add3A_130, %dma_start3A_403] : memref<10240x128xf32, #tpu.memory_space<vmem_shared>> -> memref<80x128xf32, #tpu.memory_space<vmem_shared>>
      %dma_start3A_405 = arith.constant 0 : i32
      %dma_start3A_406 = tpu.memref_slice %arg14[%add3A_130, %dma_start3A_405] : memref<10240x128xf32, #tpu.memory_space<vmem_shared>> -> memref<80x128xf32, #tpu.memory_space<vmem_shared>>
      tpu.enqueue_dma source(%dma_start3A_406 : memref<80x128xf32, #tpu.memory_space<vmem_shared>>) target(%arg21 : memref<80x128xf32, #tpu.memory_space<vmem>>) target_semaphore(%run_scoped3A : memref<!tpu.dma_semaphore, #tpu.memory_space<semaphore_mem>>)
      %dma_wait3A_407 = arith.constant 0 : i32
      %dma_wait3A_408 = tpu.memref_slice %arg14[%add3A_130, %dma_wait3A_407] : memref<10240x128xf32, #tpu.memory_space<vmem_shared>> -> memref<80x128xf32, #tpu.memory_space<vmem_shared>>
      %dma_wait3A_409 = arith.constant 0 : i32
      %dma_wait3A_410 = tpu.memref_slice %arg14[%add3A_130, %dma_wait3A_409] : memref<10240x128xf32, #tpu.memory_space<vmem_shared>> -> memref<80x128xf32, #tpu.memory_space<vmem_shared>>
      tpu.wait_dma2 semaphore(%run_scoped3A : memref<!tpu.dma_semaphore, #tpu.memory_space<semaphore_mem>>) src(%dma_wait3A_410 : memref<80x128xf32, #tpu.memory_space<vmem_shared>>) dst(%arg21 : memref<80x128xf32, #tpu.memory_space<vmem>>)
      tpu.yield
    }) : () -> ()
    %add3A_131 = arith.constant 560 : i32
    %add3A_132 = arith.addi %mul3A_2, %add3A_131 : i32
    "tpu.region"() ({
      %run_scoped3A = tpu.sem_alloc : memref<!tpu.dma_semaphore, #tpu.memory_space<semaphore_mem>>
      %dma_start3A_403 = arith.constant 0 : i32
      %dma_start3A_404 = tpu.memref_slice %arg11[%arg0, %add3A_132, %dma_start3A_403] : memref<2x10240x128xf32, #tpu.memory_space<hbm>> -> memref<1x80x128xf32, #tpu.memory_space<hbm>>
      %dma_start3A_405 = tpu.memref_squeeze %dma_start3A_404 : memref<1x80x128xf32, #tpu.memory_space<hbm>> -> memref<80x128xf32, #tpu.memory_space<hbm>>
      %dma_start3A_406 = arith.constant 0 : i32
      %dma_start3A_407 = tpu.memref_slice %arg11[%arg0, %add3A_132, %dma_start3A_406] : memref<2x10240x128xf32, #tpu.memory_space<hbm>> -> memref<1x80x128xf32, #tpu.memory_space<hbm>>
      %dma_start3A_408 = tpu.memref_squeeze %dma_start3A_407 : memref<1x80x128xf32, #tpu.memory_space<hbm>> -> memref<80x128xf32, #tpu.memory_space<hbm>>
      tpu.enqueue_dma source(%arg21 : memref<80x128xf32, #tpu.memory_space<vmem>>) target(%dma_start3A_408 : memref<80x128xf32, #tpu.memory_space<hbm>>) target_semaphore(%run_scoped3A : memref<!tpu.dma_semaphore, #tpu.memory_space<semaphore_mem>>)
      %dma_wait3A_409 = arith.constant 0 : i32
      %dma_wait3A_410 = tpu.memref_slice %arg11[%arg0, %add3A_132, %dma_wait3A_409] : memref<2x10240x128xf32, #tpu.memory_space<hbm>> -> memref<1x80x128xf32, #tpu.memory_space<hbm>>
      %dma_wait3A_411 = tpu.memref_squeeze %dma_wait3A_410 : memref<1x80x128xf32, #tpu.memory_space<hbm>> -> memref<80x128xf32, #tpu.memory_space<hbm>>
      %dma_wait3A_412 = arith.constant 0 : i32
      %dma_wait3A_413 = tpu.memref_slice %arg11[%arg0, %add3A_132, %dma_wait3A_412] : memref<2x10240x128xf32, #tpu.memory_space<hbm>> -> memref<1x80x128xf32, #tpu.memory_space<hbm>>
      %dma_wait3A_414 = tpu.memref_squeeze %dma_wait3A_413 : memref<1x80x128xf32, #tpu.memory_space<hbm>> -> memref<80x128xf32, #tpu.memory_space<hbm>>
      tpu.wait_dma2 semaphore(%run_scoped3A : memref<!tpu.dma_semaphore, #tpu.memory_space<semaphore_mem>>) src(%arg21 : memref<80x128xf32, #tpu.memory_space<vmem>>) dst(%dma_wait3A_414 : memref<80x128xf32, #tpu.memory_space<hbm>>)
      tpu.yield
    }) : () -> ()
    "tpu.region"() ({
      %run_scoped3A = tpu.sem_alloc : memref<!tpu.dma_semaphore, #tpu.memory_space<semaphore_mem>>
      %dma_start3A_403 = arith.constant 0 : i32
      %dma_start3A_404 = arith.constant 0 : i32
      %dma_start3A_405 = tpu.memref_slice %arg10[%dma_start3A_403, %dma_start3A_404] : memref<10240x128xf32, #tpu.memory_space<hbm>> -> memref<80x128xf32, #tpu.memory_space<hbm>>
      %dma_start3A_406 = arith.constant 0 : i32
      %dma_start3A_407 = arith.constant 0 : i32
      %dma_start3A_408 = tpu.memref_slice %arg10[%dma_start3A_406, %dma_start3A_407] : memref<10240x128xf32, #tpu.memory_space<hbm>> -> memref<80x128xf32, #tpu.memory_space<hbm>>
      tpu.enqueue_dma source(%dma_start3A_408 : memref<80x128xf32, #tpu.memory_space<hbm>>) target(%arg21 : memref<80x128xf32, #tpu.memory_space<vmem>>) target_semaphore(%run_scoped3A : memref<!tpu.dma_semaphore, #tpu.memory_space<semaphore_mem>>)
      %dma_wait3A_409 = arith.constant 0 : i32
      %dma_wait3A_410 = arith.constant 0 : i32
      %dma_wait3A_411 = tpu.memref_slice %arg10[%dma_wait3A_409, %dma_wait3A_410] : memref<10240x128xf32, #tpu.memory_space<hbm>> -> memref<80x128xf32, #tpu.memory_space<hbm>>
      %dma_wait3A_412 = arith.constant 0 : i32
      %dma_wait3A_413 = arith.constant 0 : i32
      %dma_wait3A_414 = tpu.memref_slice %arg10[%dma_wait3A_412, %dma_wait3A_413] : memref<10240x128xf32, #tpu.memory_space<hbm>> -> memref<80x128xf32, #tpu.memory_space<hbm>>
      tpu.wait_dma2 semaphore(%run_scoped3A : memref<!tpu.dma_semaphore, #tpu.memory_space<semaphore_mem>>) src(%dma_wait3A_414 : memref<80x128xf32, #tpu.memory_space<hbm>>) dst(%arg21 : memref<80x128xf32, #tpu.memory_space<vmem>>)
      tpu.yield
    }) : () -> ()
    %add3A_133 = arith.constant 0 : i32
    %add3A_134 = arith.addi %mul3A_2, %add3A_133 : i32
    "tpu.region"() ({
      %run_scoped3A = tpu.sem_alloc : memref<!tpu.dma_semaphore, #tpu.memory_space<semaphore_mem>>
      %dma_start3A_403 = arith.constant 0 : i32
      %dma_start3A_404 = tpu.memref_slice %arg14[%add3A_134, %dma_start3A_403] : memref<10240x128xf32, #tpu.memory_space<vmem_shared>> -> memref<80x128xf32, #tpu.memory_space<vmem_shared>>
      %dma_start3A_405 = arith.constant 0 : i32
      %dma_start3A_406 = tpu.memref_slice %arg14[%add3A_134, %dma_start3A_405] : memref<10240x128xf32, #tpu.memory_space<vmem_shared>> -> memref<80x128xf32, #tpu.memory_space<vmem_shared>>
      tpu.enqueue_dma source(%arg21 : memref<80x128xf32, #tpu.memory_space<vmem>>) target(%dma_start3A_406 : memref<80x128xf32, #tpu.memory_space<vmem_shared>>) target_semaphore(%run_scoped3A : memref<!tpu.dma_semaphore, #tpu.memory_space<semaphore_mem>>)
      %dma_wait3A_407 = arith.constant 0 : i32
      %dma_wait3A_408 = tpu.memref_slice %arg14[%add3A_134, %dma_wait3A_407] : memref<10240x128xf32, #tpu.memory_space<vmem_shared>> -> memref<80x128xf32, #tpu.memory_space<vmem_shared>>
      %dma_wait3A_409 = arith.constant 0 : i32
      %dma_wait3A_410 = tpu.memref_slice %arg14[%add3A_134, %dma_wait3A_409] : memref<10240x128xf32, #tpu.memory_space<vmem_shared>> -> memref<80x128xf32, #tpu.memory_space<vmem_shared>>
      tpu.wait_dma2 semaphore(%run_scoped3A : memref<!tpu.dma_semaphore, #tpu.memory_space<semaphore_mem>>) src(%arg21 : memref<80x128xf32, #tpu.memory_space<vmem>>) dst(%dma_wait3A_410 : memref<80x128xf32, #tpu.memory_space<vmem_shared>>)
      tpu.yield
    }) : () -> ()
    %add3A_135 = arith.constant 80 : i32
    %add3A_136 = arith.addi %mul3A_2, %add3A_135 : i32
    "tpu.region"() ({
      %run_scoped3A = tpu.sem_alloc : memref<!tpu.dma_semaphore, #tpu.memory_space<semaphore_mem>>
      %dma_start3A_403 = arith.constant 0 : i32
      %dma_start3A_404 = tpu.memref_slice %arg14[%add3A_136, %dma_start3A_403] : memref<10240x128xf32, #tpu.memory_space<vmem_shared>> -> memref<80x128xf32, #tpu.memory_space<vmem_shared>>
      %dma_start3A_405 = arith.constant 0 : i32
      %dma_start3A_406 = tpu.memref_slice %arg14[%add3A_136, %dma_start3A_405] : memref<10240x128xf32, #tpu.memory_space<vmem_shared>> -> memref<80x128xf32, #tpu.memory_space<vmem_shared>>
      tpu.enqueue_dma source(%arg21 : memref<80x128xf32, #tpu.memory_space<vmem>>) target(%dma_start3A_406 : memref<80x128xf32, #tpu.memory_space<vmem_shared>>) target_semaphore(%run_scoped3A : memref<!tpu.dma_semaphore, #tpu.memory_space<semaphore_mem>>)
      %dma_wait3A_407 = arith.constant 0 : i32
      %dma_wait3A_408 = tpu.memref_slice %arg14[%add3A_136, %dma_wait3A_407] : memref<10240x128xf32, #tpu.memory_space<vmem_shared>> -> memref<80x128xf32, #tpu.memory_space<vmem_shared>>
      %dma_wait3A_409 = arith.constant 0 : i32
      %dma_wait3A_410 = tpu.memref_slice %arg14[%add3A_136, %dma_wait3A_409] : memref<10240x128xf32, #tpu.memory_space<vmem_shared>> -> memref<80x128xf32, #tpu.memory_space<vmem_shared>>
      tpu.wait_dma2 semaphore(%run_scoped3A : memref<!tpu.dma_semaphore, #tpu.memory_space<semaphore_mem>>) src(%arg21 : memref<80x128xf32, #tpu.memory_space<vmem>>) dst(%dma_wait3A_410 : memref<80x128xf32, #tpu.memory_space<vmem_shared>>)
      tpu.yield
    }) : () -> ()
    %add3A_137 = arith.constant 160 : i32
    %add3A_138 = arith.addi %mul3A_2, %add3A_137 : i32
    "tpu.region"() ({
      %run_scoped3A = tpu.sem_alloc : memref<!tpu.dma_semaphore, #tpu.memory_space<semaphore_mem>>
      %dma_start3A_403 = arith.constant 0 : i32
      %dma_start3A_404 = tpu.memref_slice %arg14[%add3A_138, %dma_start3A_403] : memref<10240x128xf32, #tpu.memory_space<vmem_shared>> -> memref<80x128xf32, #tpu.memory_space<vmem_shared>>
      %dma_start3A_405 = arith.constant 0 : i32
      %dma_start3A_406 = tpu.memref_slice %arg14[%add3A_138, %dma_start3A_405] : memref<10240x128xf32, #tpu.memory_space<vmem_shared>> -> memref<80x128xf32, #tpu.memory_space<vmem_shared>>
      tpu.enqueue_dma source(%arg21 : memref<80x128xf32, #tpu.memory_space<vmem>>) target(%dma_start3A_406 : memref<80x128xf32, #tpu.memory_space<vmem_shared>>) target_semaphore(%run_scoped3A : memref<!tpu.dma_semaphore, #tpu.memory_space<semaphore_mem>>)
      %dma_wait3A_407 = arith.constant 0 : i32
      %dma_wait3A_408 = tpu.memref_slice %arg14[%add3A_138, %dma_wait3A_407] : memref<10240x128xf32, #tpu.memory_space<vmem_shared>> -> memref<80x128xf32, #tpu.memory_space<vmem_shared>>
      %dma_wait3A_409 = arith.constant 0 : i32
      %dma_wait3A_410 = tpu.memref_slice %arg14[%add3A_138, %dma_wait3A_409] : memref<10240x128xf32, #tpu.memory_space<vmem_shared>> -> memref<80x128xf32, #tpu.memory_space<vmem_shared>>
      tpu.wait_dma2 semaphore(%run_scoped3A : memref<!tpu.dma_semaphore, #tpu.memory_space<semaphore_mem>>) src(%arg21 : memref<80x128xf32, #tpu.memory_space<vmem>>) dst(%dma_wait3A_410 : memref<80x128xf32, #tpu.memory_space<vmem_shared>>)
      tpu.yield
    }) : () -> ()
    %add3A_139 = arith.constant 240 : i32
    %add3A_140 = arith.addi %mul3A_2, %add3A_139 : i32
    "tpu.region"() ({
      %run_scoped3A = tpu.sem_alloc : memref<!tpu.dma_semaphore, #tpu.memory_space<semaphore_mem>>
      %dma_start3A_403 = arith.constant 0 : i32
      %dma_start3A_404 = tpu.memref_slice %arg14[%add3A_140, %dma_start3A_403] : memref<10240x128xf32, #tpu.memory_space<vmem_shared>> -> memref<80x128xf32, #tpu.memory_space<vmem_shared>>
      %dma_start3A_405 = arith.constant 0 : i32
      %dma_start3A_406 = tpu.memref_slice %arg14[%add3A_140, %dma_start3A_405] : memref<10240x128xf32, #tpu.memory_space<vmem_shared>> -> memref<80x128xf32, #tpu.memory_space<vmem_shared>>
      tpu.enqueue_dma source(%arg21 : memref<80x128xf32, #tpu.memory_space<vmem>>) target(%dma_start3A_406 : memref<80x128xf32, #tpu.memory_space<vmem_shared>>) target_semaphore(%run_scoped3A : memref<!tpu.dma_semaphore, #tpu.memory_space<semaphore_mem>>)
      %dma_wait3A_407 = arith.constant 0 : i32
      %dma_wait3A_408 = tpu.memref_slice %arg14[%add3A_140, %dma_wait3A_407] : memref<10240x128xf32, #tpu.memory_space<vmem_shared>> -> memref<80x128xf32, #tpu.memory_space<vmem_shared>>
      %dma_wait3A_409 = arith.constant 0 : i32
      %dma_wait3A_410 = tpu.memref_slice %arg14[%add3A_140, %dma_wait3A_409] : memref<10240x128xf32, #tpu.memory_space<vmem_shared>> -> memref<80x128xf32, #tpu.memory_space<vmem_shared>>
      tpu.wait_dma2 semaphore(%run_scoped3A : memref<!tpu.dma_semaphore, #tpu.memory_space<semaphore_mem>>) src(%arg21 : memref<80x128xf32, #tpu.memory_space<vmem>>) dst(%dma_wait3A_410 : memref<80x128xf32, #tpu.memory_space<vmem_shared>>)
      tpu.yield
    }) : () -> ()
    %add3A_141 = arith.constant 320 : i32
    %add3A_142 = arith.addi %mul3A_2, %add3A_141 : i32
    "tpu.region"() ({
      %run_scoped3A = tpu.sem_alloc : memref<!tpu.dma_semaphore, #tpu.memory_space<semaphore_mem>>
      %dma_start3A_403 = arith.constant 0 : i32
      %dma_start3A_404 = tpu.memref_slice %arg14[%add3A_142, %dma_start3A_403] : memref<10240x128xf32, #tpu.memory_space<vmem_shared>> -> memref<80x128xf32, #tpu.memory_space<vmem_shared>>
      %dma_start3A_405 = arith.constant 0 : i32
      %dma_start3A_406 = tpu.memref_slice %arg14[%add3A_142, %dma_start3A_405] : memref<10240x128xf32, #tpu.memory_space<vmem_shared>> -> memref<80x128xf32, #tpu.memory_space<vmem_shared>>
      tpu.enqueue_dma source(%arg21 : memref<80x128xf32, #tpu.memory_space<vmem>>) target(%dma_start3A_406 : memref<80x128xf32, #tpu.memory_space<vmem_shared>>) target_semaphore(%run_scoped3A : memref<!tpu.dma_semaphore, #tpu.memory_space<semaphore_mem>>)
      %dma_wait3A_407 = arith.constant 0 : i32
      %dma_wait3A_408 = tpu.memref_slice %arg14[%add3A_142, %dma_wait3A_407] : memref<10240x128xf32, #tpu.memory_space<vmem_shared>> -> memref<80x128xf32, #tpu.memory_space<vmem_shared>>
      %dma_wait3A_409 = arith.constant 0 : i32
      %dma_wait3A_410 = tpu.memref_slice %arg14[%add3A_142, %dma_wait3A_409] : memref<10240x128xf32, #tpu.memory_space<vmem_shared>> -> memref<80x128xf32, #tpu.memory_space<vmem_shared>>
      tpu.wait_dma2 semaphore(%run_scoped3A : memref<!tpu.dma_semaphore, #tpu.memory_space<semaphore_mem>>) src(%arg21 : memref<80x128xf32, #tpu.memory_space<vmem>>) dst(%dma_wait3A_410 : memref<80x128xf32, #tpu.memory_space<vmem_shared>>)
      tpu.yield
    }) : () -> ()
    %add3A_143 = arith.constant 400 : i32
    %add3A_144 = arith.addi %mul3A_2, %add3A_143 : i32
    "tpu.region"() ({
      %run_scoped3A = tpu.sem_alloc : memref<!tpu.dma_semaphore, #tpu.memory_space<semaphore_mem>>
      %dma_start3A_403 = arith.constant 0 : i32
      %dma_start3A_404 = tpu.memref_slice %arg14[%add3A_144, %dma_start3A_403] : memref<10240x128xf32, #tpu.memory_space<vmem_shared>> -> memref<80x128xf32, #tpu.memory_space<vmem_shared>>
      %dma_start3A_405 = arith.constant 0 : i32
      %dma_start3A_406 = tpu.memref_slice %arg14[%add3A_144, %dma_start3A_405] : memref<10240x128xf32, #tpu.memory_space<vmem_shared>> -> memref<80x128xf32, #tpu.memory_space<vmem_shared>>
      tpu.enqueue_dma source(%arg21 : memref<80x128xf32, #tpu.memory_space<vmem>>) target(%dma_start3A_406 : memref<80x128xf32, #tpu.memory_space<vmem_shared>>) target_semaphore(%run_scoped3A : memref<!tpu.dma_semaphore, #tpu.memory_space<semaphore_mem>>)
      %dma_wait3A_407 = arith.constant 0 : i32
      %dma_wait3A_408 = tpu.memref_slice %arg14[%add3A_144, %dma_wait3A_407] : memref<10240x128xf32, #tpu.memory_space<vmem_shared>> -> memref<80x128xf32, #tpu.memory_space<vmem_shared>>
      %dma_wait3A_409 = arith.constant 0 : i32
      %dma_wait3A_410 = tpu.memref_slice %arg14[%add3A_144, %dma_wait3A_409] : memref<10240x128xf32, #tpu.memory_space<vmem_shared>> -> memref<80x128xf32, #tpu.memory_space<vmem_shared>>
      tpu.wait_dma2 semaphore(%run_scoped3A : memref<!tpu.dma_semaphore, #tpu.memory_space<semaphore_mem>>) src(%arg21 : memref<80x128xf32, #tpu.memory_space<vmem>>) dst(%dma_wait3A_410 : memref<80x128xf32, #tpu.memory_space<vmem_shared>>)
      tpu.yield
    }) : () -> ()
    %add3A_145 = arith.constant 480 : i32
    %add3A_146 = arith.addi %mul3A_2, %add3A_145 : i32
    "tpu.region"() ({
      %run_scoped3A = tpu.sem_alloc : memref<!tpu.dma_semaphore, #tpu.memory_space<semaphore_mem>>
      %dma_start3A_403 = arith.constant 0 : i32
      %dma_start3A_404 = tpu.memref_slice %arg14[%add3A_146, %dma_start3A_403] : memref<10240x128xf32, #tpu.memory_space<vmem_shared>> -> memref<80x128xf32, #tpu.memory_space<vmem_shared>>
      %dma_start3A_405 = arith.constant 0 : i32
      %dma_start3A_406 = tpu.memref_slice %arg14[%add3A_146, %dma_start3A_405] : memref<10240x128xf32, #tpu.memory_space<vmem_shared>> -> memref<80x128xf32, #tpu.memory_space<vmem_shared>>
      tpu.enqueue_dma source(%arg21 : memref<80x128xf32, #tpu.memory_space<vmem>>) target(%dma_start3A_406 : memref<80x128xf32, #tpu.memory_space<vmem_shared>>) target_semaphore(%run_scoped3A : memref<!tpu.dma_semaphore, #tpu.memory_space<semaphore_mem>>)
      %dma_wait3A_407 = arith.constant 0 : i32
      %dma_wait3A_408 = tpu.memref_slice %arg14[%add3A_146, %dma_wait3A_407] : memref<10240x128xf32, #tpu.memory_space<vmem_shared>> -> memref<80x128xf32, #tpu.memory_space<vmem_shared>>
      %dma_wait3A_409 = arith.constant 0 : i32
      %dma_wait3A_410 = tpu.memref_slice %arg14[%add3A_146, %dma_wait3A_409] : memref<10240x128xf32, #tpu.memory_space<vmem_shared>> -> memref<80x128xf32, #tpu.memory_space<vmem_shared>>
      tpu.wait_dma2 semaphore(%run_scoped3A : memref<!tpu.dma_semaphore, #tpu.memory_space<semaphore_mem>>) src(%arg21 : memref<80x128xf32, #tpu.memory_space<vmem>>) dst(%dma_wait3A_410 : memref<80x128xf32, #tpu.memory_space<vmem_shared>>)
      tpu.yield
    }) : () -> ()
    %add3A_147 = arith.constant 560 : i32
    %add3A_148 = arith.addi %mul3A_2, %add3A_147 : i32
    "tpu.region"() ({
      %run_scoped3A = tpu.sem_alloc : memref<!tpu.dma_semaphore, #tpu.memory_space<semaphore_mem>>
      %dma_start3A_403 = arith.constant 0 : i32
      %dma_start3A_404 = tpu.memref_slice %arg14[%add3A_148, %dma_start3A_403] : memref<10240x128xf32, #tpu.memory_space<vmem_shared>> -> memref<80x128xf32, #tpu.memory_space<vmem_shared>>
      %dma_start3A_405 = arith.constant 0 : i32
      %dma_start3A_406 = tpu.memref_slice %arg14[%add3A_148, %dma_start3A_405] : memref<10240x128xf32, #tpu.memory_space<vmem_shared>> -> memref<80x128xf32, #tpu.memory_space<vmem_shared>>
      tpu.enqueue_dma source(%arg21 : memref<80x128xf32, #tpu.memory_space<vmem>>) target(%dma_start3A_406 : memref<80x128xf32, #tpu.memory_space<vmem_shared>>) target_semaphore(%run_scoped3A : memref<!tpu.dma_semaphore, #tpu.memory_space<semaphore_mem>>)
      %dma_wait3A_407 = arith.constant 0 : i32
      %dma_wait3A_408 = tpu.memref_slice %arg14[%add3A_148, %dma_wait3A_407] : memref<10240x128xf32, #tpu.memory_space<vmem_shared>> -> memref<80x128xf32, #tpu.memory_space<vmem_shared>>
      %dma_wait3A_409 = arith.constant 0 : i32
      %dma_wait3A_410 = tpu.memref_slice %arg14[%add3A_148, %dma_wait3A_409] : memref<10240x128xf32, #tpu.memory_space<vmem_shared>> -> memref<80x128xf32, #tpu.memory_space<vmem_shared>>
      tpu.wait_dma2 semaphore(%run_scoped3A : memref<!tpu.dma_semaphore, #tpu.memory_space<semaphore_mem>>) src(%arg21 : memref<80x128xf32, #tpu.memory_space<vmem>>) dst(%dma_wait3A_410 : memref<80x128xf32, #tpu.memory_space<vmem_shared>>)
      tpu.yield
    }) : () -> ()
    %barrier3A_149 = arith.constant 0 : index
    tpu.barrier barrier_id(%barrier3A_149)
    %mul3A_150 = arith.constant 10080 : i32
    %mul3A_151 = arith.muli %add3A, %mul3A_150 : i32
    %add3A_152 = arith.constant 0 : i32
    %add3A_153 = arith.addi %mul3A_151, %add3A_152 : i32
    %multiple_of3A_154 = tpu.assume_multiple %add3A_153, 8 : i32
    %dma_start3A_155 = arith.constant 0 : i32
    %dma_start3A_156 = arith.constant 0 : i32
    %dma_start3A_157 = tpu.memref_slice %arg15[%dma_start3A_155, %dma_start3A_156] : memref<2x80xi32, #tpu.memory_space<vmem>> -> memref<1x80xi32, #tpu.memory_space<vmem>>
    %dma_start3A_158 = tpu.memref_squeeze %dma_start3A_157 : memref<1x80xi32, #tpu.memory_space<vmem>> -> memref<80xi32, #tpu.memory_space<vmem>>
    %dma_start3A_159 = tpu.memref_slice %arg4[%multiple_of3A_154] : memref<322560xi32, #tpu.memory_space<hbm>> -> memref<80xi32, #tpu.memory_space<hbm>>
    %dma_start3A_160 = arith.constant 0 : i32
    %dma_start3A_161 = tpu.memref_slice %arg15[%dma_start3A_155, %dma_start3A_160] : memref<2x80xi32, #tpu.memory_space<vmem>> -> memref<1x80xi32, #tpu.memory_space<vmem>>
    %dma_start3A_162 = tpu.memref_squeeze %dma_start3A_161 : memref<1x80xi32, #tpu.memory_space<vmem>> -> memref<80xi32, #tpu.memory_space<vmem>>
    %dma_start3A_163 = tpu.memref_slice %arg4[%multiple_of3A_154] : memref<322560xi32, #tpu.memory_space<hbm>> -> memref<80xi32, #tpu.memory_space<hbm>>
    tpu.enqueue_dma source(%dma_start3A_163 : memref<80xi32, #tpu.memory_space<hbm>>) target(%dma_start3A_162 : memref<80xi32, #tpu.memory_space<vmem>>) target_semaphore(%arg27 : memref<!tpu.dma_semaphore, #tpu.memory_space<semaphore_mem>>)
    %dma_start3A_164 = arith.constant 1 : i32
    %dma_start3A_165 = arith.constant 0 : i32
    %dma_start3A_166 = tpu.memref_slice %arg15[%dma_start3A_164, %dma_start3A_165] : memref<2x80xi32, #tpu.memory_space<vmem>> -> memref<1x80xi32, #tpu.memory_space<vmem>>
    %dma_start3A_167 = tpu.memref_squeeze %dma_start3A_166 : memref<1x80xi32, #tpu.memory_space<vmem>> -> memref<80xi32, #tpu.memory_space<vmem>>
    %dma_start3A_168 = tpu.memref_slice %arg5[%multiple_of3A_154] : memref<322560xi32, #tpu.memory_space<hbm>> -> memref<80xi32, #tpu.memory_space<hbm>>
    %dma_start3A_169 = arith.constant 0 : i32
    %dma_start3A_170 = tpu.memref_slice %arg15[%dma_start3A_164, %dma_start3A_169] : memref<2x80xi32, #tpu.memory_space<vmem>> -> memref<1x80xi32, #tpu.memory_space<vmem>>
    %dma_start3A_171 = tpu.memref_squeeze %dma_start3A_170 : memref<1x80xi32, #tpu.memory_space<vmem>> -> memref<80xi32, #tpu.memory_space<vmem>>
    %dma_start3A_172 = tpu.memref_slice %arg5[%multiple_of3A_154] : memref<322560xi32, #tpu.memory_space<hbm>> -> memref<80xi32, #tpu.memory_space<hbm>>
    tpu.enqueue_dma source(%dma_start3A_172 : memref<80xi32, #tpu.memory_space<hbm>>) target(%dma_start3A_171 : memref<80xi32, #tpu.memory_space<vmem>>) target_semaphore(%arg27 : memref<!tpu.dma_semaphore, #tpu.memory_space<semaphore_mem>>)
    %add3A_173 = arith.constant 80 : i32
    %add3A_174 = arith.addi %mul3A_151, %add3A_173 : i32
    %multiple_of3A_175 = tpu.assume_multiple %add3A_174, 8 : i32
    %dma_start3A_176 = arith.constant 0 : i32
    %dma_start3A_177 = arith.constant 0 : i32
    %dma_start3A_178 = tpu.memref_slice %arg16[%dma_start3A_176, %dma_start3A_177] : memref<2x80xi32, #tpu.memory_space<vmem>> -> memref<1x80xi32, #tpu.memory_space<vmem>>
    %dma_start3A_179 = tpu.memref_squeeze %dma_start3A_178 : memref<1x80xi32, #tpu.memory_space<vmem>> -> memref<80xi32, #tpu.memory_space<vmem>>
    %dma_start3A_180 = tpu.memref_slice %arg4[%multiple_of3A_175] : memref<322560xi32, #tpu.memory_space<hbm>> -> memref<80xi32, #tpu.memory_space<hbm>>
    %dma_start3A_181 = arith.constant 0 : i32
    %dma_start3A_182 = tpu.memref_slice %arg16[%dma_start3A_176, %dma_start3A_181] : memref<2x80xi32, #tpu.memory_space<vmem>> -> memref<1x80xi32, #tpu.memory_space<vmem>>
    %dma_start3A_183 = tpu.memref_squeeze %dma_start3A_182 : memref<1x80xi32, #tpu.memory_space<vmem>> -> memref<80xi32, #tpu.memory_space<vmem>>
    %dma_start3A_184 = tpu.memref_slice %arg4[%multiple_of3A_175] : memref<322560xi32, #tpu.memory_space<hbm>> -> memref<80xi32, #tpu.memory_space<hbm>>
    tpu.enqueue_dma source(%dma_start3A_184 : memref<80xi32, #tpu.memory_space<hbm>>) target(%dma_start3A_183 : memref<80xi32, #tpu.memory_space<vmem>>) target_semaphore(%arg28 : memref<!tpu.dma_semaphore, #tpu.memory_space<semaphore_mem>>)
    %dma_start3A_185 = arith.constant 1 : i32
    %dma_start3A_186 = arith.constant 0 : i32
    %dma_start3A_187 = tpu.memref_slice %arg16[%dma_start3A_185, %dma_start3A_186] : memref<2x80xi32, #tpu.memory_space<vmem>> -> memref<1x80xi32, #tpu.memory_space<vmem>>
    %dma_start3A_188 = tpu.memref_squeeze %dma_start3A_187 : memref<1x80xi32, #tpu.memory_space<vmem>> -> memref<80xi32, #tpu.memory_space<vmem>>
    %dma_start3A_189 = tpu.memref_slice %arg5[%multiple_of3A_175] : memref<322560xi32, #tpu.memory_space<hbm>> -> memref<80xi32, #tpu.memory_space<hbm>>
    %dma_start3A_190 = arith.constant 0 : i32
    %dma_start3A_191 = tpu.memref_slice %arg16[%dma_start3A_185, %dma_start3A_190] : memref<2x80xi32, #tpu.memory_space<vmem>> -> memref<1x80xi32, #tpu.memory_space<vmem>>
    %dma_start3A_192 = tpu.memref_squeeze %dma_start3A_191 : memref<1x80xi32, #tpu.memory_space<vmem>> -> memref<80xi32, #tpu.memory_space<vmem>>
    %dma_start3A_193 = tpu.memref_slice %arg5[%multiple_of3A_175] : memref<322560xi32, #tpu.memory_space<hbm>> -> memref<80xi32, #tpu.memory_space<hbm>>
    tpu.enqueue_dma source(%dma_start3A_193 : memref<80xi32, #tpu.memory_space<hbm>>) target(%dma_start3A_192 : memref<80xi32, #tpu.memory_space<vmem>>) target_semaphore(%arg28 : memref<!tpu.dma_semaphore, #tpu.memory_space<semaphore_mem>>)
    %dma_wait3A_194 = arith.constant 0 : i32
    %dma_wait3A_195 = arith.constant 0 : i32
    %dma_wait3A_196 = tpu.memref_slice %arg15[%dma_wait3A_194, %dma_wait3A_195] : memref<2x80xi32, #tpu.memory_space<vmem>> -> memref<1x80xi32, #tpu.memory_space<vmem>>
    %dma_wait3A_197 = tpu.memref_squeeze %dma_wait3A_196 : memref<1x80xi32, #tpu.memory_space<vmem>> -> memref<80xi32, #tpu.memory_space<vmem>>
    %dma_wait3A_198 = arith.constant 0 : i32
    %dma_wait3A_199 = tpu.memref_slice %arg4[%dma_wait3A_198] : memref<322560xi32, #tpu.memory_space<hbm>> -> memref<80xi32, #tpu.memory_space<hbm>>
    %dma_wait3A_200 = arith.constant 0 : i32
    %dma_wait3A_201 = tpu.memref_slice %arg15[%dma_wait3A_194, %dma_wait3A_200] : memref<2x80xi32, #tpu.memory_space<vmem>> -> memref<1x80xi32, #tpu.memory_space<vmem>>
    %dma_wait3A_202 = tpu.memref_squeeze %dma_wait3A_201 : memref<1x80xi32, #tpu.memory_space<vmem>> -> memref<80xi32, #tpu.memory_space<vmem>>
    %dma_wait3A_203 = arith.constant 0 : i32
    %dma_wait3A_204 = tpu.memref_slice %arg4[%dma_wait3A_203] : memref<322560xi32, #tpu.memory_space<hbm>> -> memref<80xi32, #tpu.memory_space<hbm>>
    tpu.wait_dma2 semaphore(%arg27 : memref<!tpu.dma_semaphore, #tpu.memory_space<semaphore_mem>>) src(%dma_wait3A_204 : memref<80xi32, #tpu.memory_space<hbm>>) dst(%dma_wait3A_202 : memref<80xi32, #tpu.memory_space<vmem>>)
    %dma_wait3A_205 = arith.constant 1 : i32
    %dma_wait3A_206 = arith.constant 0 : i32
    %dma_wait3A_207 = tpu.memref_slice %arg15[%dma_wait3A_205, %dma_wait3A_206] : memref<2x80xi32, #tpu.memory_space<vmem>> -> memref<1x80xi32, #tpu.memory_space<vmem>>
    %dma_wait3A_208 = tpu.memref_squeeze %dma_wait3A_207 : memref<1x80xi32, #tpu.memory_space<vmem>> -> memref<80xi32, #tpu.memory_space<vmem>>
    %dma_wait3A_209 = arith.constant 0 : i32
    %dma_wait3A_210 = tpu.memref_slice %arg4[%dma_wait3A_209] : memref<322560xi32, #tpu.memory_space<hbm>> -> memref<80xi32, #tpu.memory_space<hbm>>
    %dma_wait3A_211 = arith.constant 0 : i32
    %dma_wait3A_212 = tpu.memref_slice %arg15[%dma_wait3A_205, %dma_wait3A_211] : memref<2x80xi32, #tpu.memory_space<vmem>> -> memref<1x80xi32, #tpu.memory_space<vmem>>
    %dma_wait3A_213 = tpu.memref_squeeze %dma_wait3A_212 : memref<1x80xi32, #tpu.memory_space<vmem>> -> memref<80xi32, #tpu.memory_space<vmem>>
    %dma_wait3A_214 = arith.constant 0 : i32
    %dma_wait3A_215 = tpu.memref_slice %arg4[%dma_wait3A_214] : memref<322560xi32, #tpu.memory_space<hbm>> -> memref<80xi32, #tpu.memory_space<hbm>>
    tpu.wait_dma2 semaphore(%arg27 : memref<!tpu.dma_semaphore, #tpu.memory_space<semaphore_mem>>) src(%dma_wait3A_215 : memref<80xi32, #tpu.memory_space<hbm>>) dst(%dma_wait3A_213 : memref<80xi32, #tpu.memory_space<vmem>>)
    %dma_start3A_216 = arith.constant 0 : i32
    %dma_start3A_217 = arith.constant 0 : i32
    %dma_start3A_218 = tpu.memref_slice %arg15[%dma_start3A_216, %dma_start3A_217] : memref<2x80xi32, #tpu.memory_space<vmem>> -> memref<1x80xi32, #tpu.memory_space<vmem>>
    %dma_start3A_219 = tpu.memref_squeeze %dma_start3A_218 : memref<1x80xi32, #tpu.memory_space<vmem>> -> memref<80xi32, #tpu.memory_space<vmem>>
    %dma_start3A_220 = arith.constant 0 : i32
    %dma_start3A_221 = arith.constant 0 : i32
    %dma_start3A_222 = tpu.memref_slice %arg8[%dma_start3A_220, %dma_start3A_221] : memref<10000x128xf32, #tpu.memory_space<hbm>> -> memref<10000x128xf32, #tpu.memory_space<hbm>>
    tpu.enqueue_indirect_dma source(%dma_start3A_222 : memref<10000x128xf32, #tpu.memory_space<hbm>>) target(%arg21 : memref<80x128xf32, #tpu.memory_space<vmem>>) offsets(%dma_start3A_219 : memref<80xi32, #tpu.memory_space<vmem>>) semaphore(%arg23 : memref<!tpu.dma_semaphore, #tpu.memory_space<semaphore_mem>>)
    %scan3A_223 = arith.constant 0 : i32
    %scan3A_224 = arith.constant 0 : i32
    %scan3A_225 = arith.constant 21 : i32
    %scan3A_226 = arith.addi %scan3A_224, %scan3A_225 : i32
    %scan3A_227 = arith.constant 1 : i32
    scf.for %scan3A_403 = %scan3A_224 to %scan3A_226 step %scan3A_227  : i32 {
      %mul3A_404 = arith.constant 6 : i32
      %mul3A_405 = arith.muli %scan3A_403, %mul3A_404 : i32
      %add3A_406 = arith.constant 0 : i32
      %add3A_407 = arith.addi %mul3A_405, %add3A_406 : i32
      %gt3A = arith.constant 0 : i32
      %gt3A_408 = arith.cmpi sgt, %add3A_407, %gt3A : i32
      %convert_element_type3A = arith.extui %gt3A_408 : i1 to i32
      %cond3A = arith.constant 0 : i32
      %cond3A_409 = arith.cmpi ne, %convert_element_type3A, %cond3A : i32
      scf.if %cond3A_409 {
        %dma_wait3A_606 = arith.constant 0 : i32
        %dma_wait3A_607 = arith.constant 0 : i32
        %dma_wait3A_608 = tpu.memref_slice %arg10[%dma_wait3A_606, %dma_wait3A_607] : memref<10240x128xf32, #tpu.memory_space<hbm>> -> memref<80x128xf32, #tpu.memory_space<hbm>>
        %dma_wait3A_609 = arith.constant 0 : i32
        %dma_wait3A_610 = arith.constant 0 : i32
        %dma_wait3A_611 = tpu.memref_slice %arg10[%dma_wait3A_609, %dma_wait3A_610] : memref<10240x128xf32, #tpu.memory_space<hbm>> -> memref<80x128xf32, #tpu.memory_space<hbm>>
        tpu.wait_dma2 semaphore(%arg26 : memref<!tpu.dma_semaphore, #tpu.memory_space<semaphore_mem>>) src(%dma_wait3A_611 : memref<80x128xf32, #tpu.memory_space<hbm>>) dst(%arg22 : memref<80x128xf32, #tpu.memory_space<vmem>>)
      } else {
      }
      %add3A_410 = arith.constant 1 : i32
      %add3A_411 = arith.addi %add3A_407, %add3A_410 : i32
      %lt3A = arith.constant 126 : i32
      %lt3A_412 = arith.cmpi slt, %add3A_411, %lt3A : i32
      %convert_element_type3A_413 = arith.extui %lt3A_412 : i1 to i32
      %cond3A_414 = arith.constant 0 : i32
      %cond3A_415 = arith.cmpi ne, %convert_element_type3A_413, %cond3A_414 : i32
      scf.if %cond3A_415 {
        %dma_wait3A_606 = arith.constant 0 : i32
        %dma_wait3A_607 = arith.constant 0 : i32
        %dma_wait3A_608 = tpu.memref_slice %arg16[%dma_wait3A_606, %dma_wait3A_607] : memref<2x80xi32, #tpu.memory_space<vmem>> -> memref<1x80xi32, #tpu.memory_space<vmem>>
        %dma_wait3A_609 = tpu.memref_squeeze %dma_wait3A_608 : memref<1x80xi32, #tpu.memory_space<vmem>> -> memref<80xi32, #tpu.memory_space<vmem>>
        %dma_wait3A_610 = arith.constant 0 : i32
        %dma_wait3A_611 = tpu.memref_slice %arg4[%dma_wait3A_610] : memref<322560xi32, #tpu.memory_space<hbm>> -> memref<80xi32, #tpu.memory_space<hbm>>
        %dma_wait3A_612 = arith.constant 0 : i32
        %dma_wait3A_613 = tpu.memref_slice %arg16[%dma_wait3A_606, %dma_wait3A_612] : memref<2x80xi32, #tpu.memory_space<vmem>> -> memref<1x80xi32, #tpu.memory_space<vmem>>
        %dma_wait3A_614 = tpu.memref_squeeze %dma_wait3A_613 : memref<1x80xi32, #tpu.memory_space<vmem>> -> memref<80xi32, #tpu.memory_space<vmem>>
        %dma_wait3A_615 = arith.constant 0 : i32
        %dma_wait3A_616 = tpu.memref_slice %arg4[%dma_wait3A_615] : memref<322560xi32, #tpu.memory_space<hbm>> -> memref<80xi32, #tpu.memory_space<hbm>>
        tpu.wait_dma2 semaphore(%arg28 : memref<!tpu.dma_semaphore, #tpu.memory_space<semaphore_mem>>) src(%dma_wait3A_616 : memref<80xi32, #tpu.memory_space<hbm>>) dst(%dma_wait3A_614 : memref<80xi32, #tpu.memory_space<vmem>>)
        %dma_wait3A_617 = arith.constant 1 : i32
        %dma_wait3A_618 = arith.constant 0 : i32
        %dma_wait3A_619 = tpu.memref_slice %arg16[%dma_wait3A_617, %dma_wait3A_618] : memref<2x80xi32, #tpu.memory_space<vmem>> -> memref<1x80xi32, #tpu.memory_space<vmem>>
        %dma_wait3A_620 = tpu.memref_squeeze %dma_wait3A_619 : memref<1x80xi32, #tpu.memory_space<vmem>> -> memref<80xi32, #tpu.memory_space<vmem>>
        %dma_wait3A_621 = arith.constant 0 : i32
        %dma_wait3A_622 = tpu.memref_slice %arg4[%dma_wait3A_621] : memref<322560xi32, #tpu.memory_space<hbm>> -> memref<80xi32, #tpu.memory_space<hbm>>
        %dma_wait3A_623 = arith.constant 0 : i32
        %dma_wait3A_624 = tpu.memref_slice %arg16[%dma_wait3A_617, %dma_wait3A_623] : memref<2x80xi32, #tpu.memory_space<vmem>> -> memref<1x80xi32, #tpu.memory_space<vmem>>
        %dma_wait3A_625 = tpu.memref_squeeze %dma_wait3A_624 : memref<1x80xi32, #tpu.memory_space<vmem>> -> memref<80xi32, #tpu.memory_space<vmem>>
        %dma_wait3A_626 = arith.constant 0 : i32
        %dma_wait3A_627 = tpu.memref_slice %arg4[%dma_wait3A_626] : memref<322560xi32, #tpu.memory_space<hbm>> -> memref<80xi32, #tpu.memory_space<hbm>>
        tpu.wait_dma2 semaphore(%arg28 : memref<!tpu.dma_semaphore, #tpu.memory_space<semaphore_mem>>) src(%dma_wait3A_627 : memref<80xi32, #tpu.memory_space<hbm>>) dst(%dma_wait3A_625 : memref<80xi32, #tpu.memory_space<vmem>>)
        %dma_start3A_628 = arith.constant 0 : i32
        %dma_start3A_629 = arith.constant 0 : i32
        %dma_start3A_630 = tpu.memref_slice %arg16[%dma_start3A_628, %dma_start3A_629] : memref<2x80xi32, #tpu.memory_space<vmem>> -> memref<1x80xi32, #tpu.memory_space<vmem>>
        %dma_start3A_631 = tpu.memref_squeeze %dma_start3A_630 : memref<1x80xi32, #tpu.memory_space<vmem>> -> memref<80xi32, #tpu.memory_space<vmem>>
        %dma_start3A_632 = arith.constant 0 : i32
        %dma_start3A_633 = arith.constant 0 : i32
        %dma_start3A_634 = tpu.memref_slice %arg8[%dma_start3A_632, %dma_start3A_633] : memref<10000x128xf32, #tpu.memory_space<hbm>> -> memref<10000x128xf32, #tpu.memory_space<hbm>>
        tpu.enqueue_indirect_dma source(%dma_start3A_634 : memref<10000x128xf32, #tpu.memory_space<hbm>>) target(%arg22 : memref<80x128xf32, #tpu.memory_space<vmem>>) offsets(%dma_start3A_631 : memref<80xi32, #tpu.memory_space<vmem>>) semaphore(%arg24 : memref<!tpu.dma_semaphore, #tpu.memory_space<semaphore_mem>>)
      } else {
      }
      %dma_wait3A_416 = arith.constant 0 : i32
      %dma_wait3A_417 = arith.constant 0 : i32
      %dma_wait3A_418 = tpu.memref_slice %arg10[%dma_wait3A_416, %dma_wait3A_417] : memref<10240x128xf32, #tpu.memory_space<hbm>> -> memref<80x128xf32, #tpu.memory_space<hbm>>
      %dma_wait3A_419 = arith.constant 0 : i32
      %dma_wait3A_420 = arith.constant 0 : i32
      %dma_wait3A_421 = tpu.memref_slice %arg10[%dma_wait3A_419, %dma_wait3A_420] : memref<10240x128xf32, #tpu.memory_space<hbm>> -> memref<80x128xf32, #tpu.memory_space<hbm>>
      tpu.wait_dma2 semaphore(%arg23 : memref<!tpu.dma_semaphore, #tpu.memory_space<semaphore_mem>>) src(%dma_wait3A_421 : memref<80x128xf32, #tpu.memory_space<hbm>>) dst(%arg21 : memref<80x128xf32, #tpu.memory_space<vmem>>)
      %dma_start3A_422 = arith.constant 1 : i32
      %dma_start3A_423 = arith.constant 0 : i32
      %dma_start3A_424 = tpu.memref_slice %arg15[%dma_start3A_422, %dma_start3A_423] : memref<2x80xi32, #tpu.memory_space<vmem>> -> memref<1x80xi32, #tpu.memory_space<vmem>>
      %dma_start3A_425 = tpu.memref_squeeze %dma_start3A_424 : memref<1x80xi32, #tpu.memory_space<vmem>> -> memref<80xi32, #tpu.memory_space<vmem>>
      %dma_start3A_426 = arith.constant 0 : i32
      %dma_start3A_427 = arith.constant 0 : i32
      %dma_start3A_428 = tpu.memref_slice %arg14[%dma_start3A_426, %dma_start3A_427] : memref<10240x128xf32, #tpu.memory_space<vmem_shared>> -> memref<10240x128xf32, #tpu.memory_space<vmem_shared>>
      tpu.enqueue_indirect_dma source(%arg21 : memref<80x128xf32, #tpu.memory_space<vmem>>) target(%dma_start3A_428 : memref<10240x128xf32, #tpu.memory_space<vmem_shared>>) offsets(%dma_start3A_425 : memref<80xi32, #tpu.memory_space<vmem>>) semaphore(%arg25 : memref<!tpu.dma_semaphore, #tpu.memory_space<semaphore_mem>>) {add = true}
      %add3A_429 = arith.constant 2 : i32
      %add3A_430 = arith.addi %add3A_407, %add3A_429 : i32
      %lt3A_431 = arith.constant 126 : i32
      %lt3A_432 = arith.cmpi slt, %add3A_430, %lt3A_431 : i32
      %convert_element_type3A_433 = arith.extui %lt3A_432 : i1 to i32
      %cond3A_434 = arith.constant 0 : i32
      %cond3A_435 = arith.cmpi ne, %convert_element_type3A_433, %cond3A_434 : i32
      scf.if %cond3A_435 {
        %add3A_606 = arith.constant 2 : i32
        %add3A_607 = arith.addi %add3A_407, %add3A_606 : i32
        %mul3A_608 = arith.constant 80 : i32
        %mul3A_609 = arith.muli %add3A_607, %mul3A_608 : i32
        %add3A_610 = arith.addi %mul3A_151, %mul3A_609 : i32
        %multiple_of3A_611 = tpu.assume_multiple %add3A_610, 8 : i32
        %dma_start3A_612 = arith.constant 0 : i32
        %dma_start3A_613 = arith.constant 0 : i32
        %dma_start3A_614 = tpu.memref_slice %arg17[%dma_start3A_612, %dma_start3A_613] : memref<2x80xi32, #tpu.memory_space<vmem>> -> memref<1x80xi32, #tpu.memory_space<vmem>>
        %dma_start3A_615 = tpu.memref_squeeze %dma_start3A_614 : memref<1x80xi32, #tpu.memory_space<vmem>> -> memref<80xi32, #tpu.memory_space<vmem>>
        %dma_start3A_616 = tpu.memref_slice %arg4[%multiple_of3A_611] : memref<322560xi32, #tpu.memory_space<hbm>> -> memref<80xi32, #tpu.memory_space<hbm>>
        %dma_start3A_617 = arith.constant 0 : i32
        %dma_start3A_618 = tpu.memref_slice %arg17[%dma_start3A_612, %dma_start3A_617] : memref<2x80xi32, #tpu.memory_space<vmem>> -> memref<1x80xi32, #tpu.memory_space<vmem>>
        %dma_start3A_619 = tpu.memref_squeeze %dma_start3A_618 : memref<1x80xi32, #tpu.memory_space<vmem>> -> memref<80xi32, #tpu.memory_space<vmem>>
        %dma_start3A_620 = tpu.memref_slice %arg4[%multiple_of3A_611] : memref<322560xi32, #tpu.memory_space<hbm>> -> memref<80xi32, #tpu.memory_space<hbm>>
        tpu.enqueue_dma source(%dma_start3A_620 : memref<80xi32, #tpu.memory_space<hbm>>) target(%dma_start3A_619 : memref<80xi32, #tpu.memory_space<vmem>>) target_semaphore(%arg29 : memref<!tpu.dma_semaphore, #tpu.memory_space<semaphore_mem>>)
        %dma_start3A_621 = arith.constant 1 : i32
        %dma_start3A_622 = arith.constant 0 : i32
        %dma_start3A_623 = tpu.memref_slice %arg17[%dma_start3A_621, %dma_start3A_622] : memref<2x80xi32, #tpu.memory_space<vmem>> -> memref<1x80xi32, #tpu.memory_space<vmem>>
        %dma_start3A_624 = tpu.memref_squeeze %dma_start3A_623 : memref<1x80xi32, #tpu.memory_space<vmem>> -> memref<80xi32, #tpu.memory_space<vmem>>
        %dma_start3A_625 = tpu.memref_slice %arg5[%multiple_of3A_611] : memref<322560xi32, #tpu.memory_space<hbm>> -> memref<80xi32, #tpu.memory_space<hbm>>
        %dma_start3A_626 = arith.constant 0 : i32
        %dma_start3A_627 = tpu.memref_slice %arg17[%dma_start3A_621, %dma_start3A_626] : memref<2x80xi32, #tpu.memory_space<vmem>> -> memref<1x80xi32, #tpu.memory_space<vmem>>
        %dma_start3A_628 = tpu.memref_squeeze %dma_start3A_627 : memref<1x80xi32, #tpu.memory_space<vmem>> -> memref<80xi32, #tpu.memory_space<vmem>>
        %dma_start3A_629 = tpu.memref_slice %arg5[%multiple_of3A_611] : memref<322560xi32, #tpu.memory_space<hbm>> -> memref<80xi32, #tpu.memory_space<hbm>>
        tpu.enqueue_dma source(%dma_start3A_629 : memref<80xi32, #tpu.memory_space<hbm>>) target(%dma_start3A_628 : memref<80xi32, #tpu.memory_space<vmem>>) target_semaphore(%arg29 : memref<!tpu.dma_semaphore, #tpu.memory_space<semaphore_mem>>)
      } else {
      }
      %add3A_436 = arith.constant 1 : i32
      %add3A_437 = arith.addi %mul3A_405, %add3A_436 : i32
      %gt3A_438 = arith.constant 0 : i32
      %gt3A_439 = arith.cmpi sgt, %add3A_437, %gt3A_438 : i32
      %convert_element_type3A_440 = arith.extui %gt3A_439 : i1 to i32
      %cond3A_441 = arith.constant 0 : i32
      %cond3A_442 = arith.cmpi ne, %convert_element_type3A_440, %cond3A_441 : i32
      scf.if %cond3A_442 {
        %dma_wait3A_606 = arith.constant 0 : i32
        %dma_wait3A_607 = arith.constant 0 : i32
        %dma_wait3A_608 = tpu.memref_slice %arg10[%dma_wait3A_606, %dma_wait3A_607] : memref<10240x128xf32, #tpu.memory_space<hbm>> -> memref<80x128xf32, #tpu.memory_space<hbm>>
        %dma_wait3A_609 = arith.constant 0 : i32
        %dma_wait3A_610 = arith.constant 0 : i32
        %dma_wait3A_611 = tpu.memref_slice %arg10[%dma_wait3A_609, %dma_wait3A_610] : memref<10240x128xf32, #tpu.memory_space<hbm>> -> memref<80x128xf32, #tpu.memory_space<hbm>>
        tpu.wait_dma2 semaphore(%arg25 : memref<!tpu.dma_semaphore, #tpu.memory_space<semaphore_mem>>) src(%dma_wait3A_611 : memref<80x128xf32, #tpu.memory_space<hbm>>) dst(%arg21 : memref<80x128xf32, #tpu.memory_space<vmem>>)
      } else {
      }
      %add3A_443 = arith.constant 1 : i32
      %add3A_444 = arith.addi %add3A_437, %add3A_443 : i32
      %lt3A_445 = arith.constant 126 : i32
      %lt3A_446 = arith.cmpi slt, %add3A_444, %lt3A_445 : i32
      %convert_element_type3A_447 = arith.extui %lt3A_446 : i1 to i32
      %cond3A_448 = arith.constant 0 : i32
      %cond3A_449 = arith.cmpi ne, %convert_element_type3A_447, %cond3A_448 : i32
      scf.if %cond3A_449 {
        %dma_wait3A_606 = arith.constant 0 : i32
        %dma_wait3A_607 = arith.constant 0 : i32
        %dma_wait3A_608 = tpu.memref_slice %arg17[%dma_wait3A_606, %dma_wait3A_607] : memref<2x80xi32, #tpu.memory_space<vmem>> -> memref<1x80xi32, #tpu.memory_space<vmem>>
        %dma_wait3A_609 = tpu.memref_squeeze %dma_wait3A_608 : memref<1x80xi32, #tpu.memory_space<vmem>> -> memref<80xi32, #tpu.memory_space<vmem>>
        %dma_wait3A_610 = arith.constant 0 : i32
        %dma_wait3A_611 = tpu.memref_slice %arg4[%dma_wait3A_610] : memref<322560xi32, #tpu.memory_space<hbm>> -> memref<80xi32, #tpu.memory_space<hbm>>
        %dma_wait3A_612 = arith.constant 0 : i32
        %dma_wait3A_613 = tpu.memref_slice %arg17[%dma_wait3A_606, %dma_wait3A_612] : memref<2x80xi32, #tpu.memory_space<vmem>> -> memref<1x80xi32, #tpu.memory_space<vmem>>
        %dma_wait3A_614 = tpu.memref_squeeze %dma_wait3A_613 : memref<1x80xi32, #tpu.memory_space<vmem>> -> memref<80xi32, #tpu.memory_space<vmem>>
        %dma_wait3A_615 = arith.constant 0 : i32
        %dma_wait3A_616 = tpu.memref_slice %arg4[%dma_wait3A_615] : memref<322560xi32, #tpu.memory_space<hbm>> -> memref<80xi32, #tpu.memory_space<hbm>>
        tpu.wait_dma2 semaphore(%arg29 : memref<!tpu.dma_semaphore, #tpu.memory_space<semaphore_mem>>) src(%dma_wait3A_616 : memref<80xi32, #tpu.memory_space<hbm>>) dst(%dma_wait3A_614 : memref<80xi32, #tpu.memory_space<vmem>>)
        %dma_wait3A_617 = arith.constant 1 : i32
        %dma_wait3A_618 = arith.constant 0 : i32
        %dma_wait3A_619 = tpu.memref_slice %arg17[%dma_wait3A_617, %dma_wait3A_618] : memref<2x80xi32, #tpu.memory_space<vmem>> -> memref<1x80xi32, #tpu.memory_space<vmem>>
        %dma_wait3A_620 = tpu.memref_squeeze %dma_wait3A_619 : memref<1x80xi32, #tpu.memory_space<vmem>> -> memref<80xi32, #tpu.memory_space<vmem>>
        %dma_wait3A_621 = arith.constant 0 : i32
        %dma_wait3A_622 = tpu.memref_slice %arg4[%dma_wait3A_621] : memref<322560xi32, #tpu.memory_space<hbm>> -> memref<80xi32, #tpu.memory_space<hbm>>
        %dma_wait3A_623 = arith.constant 0 : i32
        %dma_wait3A_624 = tpu.memref_slice %arg17[%dma_wait3A_617, %dma_wait3A_623] : memref<2x80xi32, #tpu.memory_space<vmem>> -> memref<1x80xi32, #tpu.memory_space<vmem>>
        %dma_wait3A_625 = tpu.memref_squeeze %dma_wait3A_624 : memref<1x80xi32, #tpu.memory_space<vmem>> -> memref<80xi32, #tpu.memory_space<vmem>>
        %dma_wait3A_626 = arith.constant 0 : i32
        %dma_wait3A_627 = tpu.memref_slice %arg4[%dma_wait3A_626] : memref<322560xi32, #tpu.memory_space<hbm>> -> memref<80xi32, #tpu.memory_space<hbm>>
        tpu.wait_dma2 semaphore(%arg29 : memref<!tpu.dma_semaphore, #tpu.memory_space<semaphore_mem>>) src(%dma_wait3A_627 : memref<80xi32, #tpu.memory_space<hbm>>) dst(%dma_wait3A_625 : memref<80xi32, #tpu.memory_space<vmem>>)
        %dma_start3A_628 = arith.constant 0 : i32
        %dma_start3A_629 = arith.constant 0 : i32
        %dma_start3A_630 = tpu.memref_slice %arg17[%dma_start3A_628, %dma_start3A_629] : memref<2x80xi32, #tpu.memory_space<vmem>> -> memref<1x80xi32, #tpu.memory_space<vmem>>
        %dma_start3A_631 = tpu.memref_squeeze %dma_start3A_630 : memref<1x80xi32, #tpu.memory_space<vmem>> -> memref<80xi32, #tpu.memory_space<vmem>>
        %dma_start3A_632 = arith.constant 0 : i32
        %dma_start3A_633 = arith.constant 0 : i32
        %dma_start3A_634 = tpu.memref_slice %arg8[%dma_start3A_632, %dma_start3A_633] : memref<10000x128xf32, #tpu.memory_space<hbm>> -> memref<10000x128xf32, #tpu.memory_space<hbm>>
        tpu.enqueue_indirect_dma source(%dma_start3A_634 : memref<10000x128xf32, #tpu.memory_space<hbm>>) target(%arg21 : memref<80x128xf32, #tpu.memory_space<vmem>>) offsets(%dma_start3A_631 : memref<80xi32, #tpu.memory_space<vmem>>) semaphore(%arg23 : memref<!tpu.dma_semaphore, #tpu.memory_space<semaphore_mem>>)
      } else {
      }
      %dma_wait3A_450 = arith.constant 0 : i32
      %dma_wait3A_451 = arith.constant 0 : i32
      %dma_wait3A_452 = tpu.memref_slice %arg10[%dma_wait3A_450, %dma_wait3A_451] : memref<10240x128xf32, #tpu.memory_space<hbm>> -> memref<80x128xf32, #tpu.memory_space<hbm>>
      %dma_wait3A_453 = arith.constant 0 : i32
      %dma_wait3A_454 = arith.constant 0 : i32
      %dma_wait3A_455 = tpu.memref_slice %arg10[%dma_wait3A_453, %dma_wait3A_454] : memref<10240x128xf32, #tpu.memory_space<hbm>> -> memref<80x128xf32, #tpu.memory_space<hbm>>
      tpu.wait_dma2 semaphore(%arg24 : memref<!tpu.dma_semaphore, #tpu.memory_space<semaphore_mem>>) src(%dma_wait3A_455 : memref<80x128xf32, #tpu.memory_space<hbm>>) dst(%arg22 : memref<80x128xf32, #tpu.memory_space<vmem>>)
      %dma_start3A_456 = arith.constant 1 : i32
      %dma_start3A_457 = arith.constant 0 : i32
      %dma_start3A_458 = tpu.memref_slice %arg16[%dma_start3A_456, %dma_start3A_457] : memref<2x80xi32, #tpu.memory_space<vmem>> -> memref<1x80xi32, #tpu.memory_space<vmem>>
      %dma_start3A_459 = tpu.memref_squeeze %dma_start3A_458 : memref<1x80xi32, #tpu.memory_space<vmem>> -> memref<80xi32, #tpu.memory_space<vmem>>
      %dma_start3A_460 = arith.constant 0 : i32
      %dma_start3A_461 = arith.constant 0 : i32
      %dma_start3A_462 = tpu.memref_slice %arg14[%dma_start3A_460, %dma_start3A_461] : memref<10240x128xf32, #tpu.memory_space<vmem_shared>> -> memref<10240x128xf32, #tpu.memory_space<vmem_shared>>
      tpu.enqueue_indirect_dma source(%arg22 : memref<80x128xf32, #tpu.memory_space<vmem>>) target(%dma_start3A_462 : memref<10240x128xf32, #tpu.memory_space<vmem_shared>>) offsets(%dma_start3A_459 : memref<80xi32, #tpu.memory_space<vmem>>) semaphore(%arg26 : memref<!tpu.dma_semaphore, #tpu.memory_space<semaphore_mem>>) {add = true}
      %add3A_463 = arith.constant 2 : i32
      %add3A_464 = arith.addi %add3A_437, %add3A_463 : i32
      %lt3A_465 = arith.constant 126 : i32
      %lt3A_466 = arith.cmpi slt, %add3A_464, %lt3A_465 : i32
      %convert_element_type3A_467 = arith.extui %lt3A_466 : i1 to i32
      %cond3A_468 = arith.constant 0 : i32
      %cond3A_469 = arith.cmpi ne, %convert_element_type3A_467, %cond3A_468 : i32
      scf.if %cond3A_469 {
        %add3A_606 = arith.constant 2 : i32
        %add3A_607 = arith.addi %add3A_437, %add3A_606 : i32
        %mul3A_608 = arith.constant 80 : i32
        %mul3A_609 = arith.muli %add3A_607, %mul3A_608 : i32
        %add3A_610 = arith.addi %mul3A_151, %mul3A_609 : i32
        %multiple_of3A_611 = tpu.assume_multiple %add3A_610, 8 : i32
        %dma_start3A_612 = arith.constant 0 : i32
        %dma_start3A_613 = arith.constant 0 : i32
        %dma_start3A_614 = tpu.memref_slice %arg18[%dma_start3A_612, %dma_start3A_613] : memref<2x80xi32, #tpu.memory_space<vmem>> -> memref<1x80xi32, #tpu.memory_space<vmem>>
        %dma_start3A_615 = tpu.memref_squeeze %dma_start3A_614 : memref<1x80xi32, #tpu.memory_space<vmem>> -> memref<80xi32, #tpu.memory_space<vmem>>
        %dma_start3A_616 = tpu.memref_slice %arg4[%multiple_of3A_611] : memref<322560xi32, #tpu.memory_space<hbm>> -> memref<80xi32, #tpu.memory_space<hbm>>
        %dma_start3A_617 = arith.constant 0 : i32
        %dma_start3A_618 = tpu.memref_slice %arg18[%dma_start3A_612, %dma_start3A_617] : memref<2x80xi32, #tpu.memory_space<vmem>> -> memref<1x80xi32, #tpu.memory_space<vmem>>
        %dma_start3A_619 = tpu.memref_squeeze %dma_start3A_618 : memref<1x80xi32, #tpu.memory_space<vmem>> -> memref<80xi32, #tpu.memory_space<vmem>>
        %dma_start3A_620 = tpu.memref_slice %arg4[%multiple_of3A_611] : memref<322560xi32, #tpu.memory_space<hbm>> -> memref<80xi32, #tpu.memory_space<hbm>>
        tpu.enqueue_dma source(%dma_start3A_620 : memref<80xi32, #tpu.memory_space<hbm>>) target(%dma_start3A_619 : memref<80xi32, #tpu.memory_space<vmem>>) target_semaphore(%arg30 : memref<!tpu.dma_semaphore, #tpu.memory_space<semaphore_mem>>)
        %dma_start3A_621 = arith.constant 1 : i32
        %dma_start3A_622 = arith.constant 0 : i32
        %dma_start3A_623 = tpu.memref_slice %arg18[%dma_start3A_621, %dma_start3A_622] : memref<2x80xi32, #tpu.memory_space<vmem>> -> memref<1x80xi32, #tpu.memory_space<vmem>>
        %dma_start3A_624 = tpu.memref_squeeze %dma_start3A_623 : memref<1x80xi32, #tpu.memory_space<vmem>> -> memref<80xi32, #tpu.memory_space<vmem>>
        %dma_start3A_625 = tpu.memref_slice %arg5[%multiple_of3A_611] : memref<322560xi32, #tpu.memory_space<hbm>> -> memref<80xi32, #tpu.memory_space<hbm>>
        %dma_start3A_626 = arith.constant 0 : i32
        %dma_start3A_627 = tpu.memref_slice %arg18[%dma_start3A_621, %dma_start3A_626] : memref<2x80xi32, #tpu.memory_space<vmem>> -> memref<1x80xi32, #tpu.memory_space<vmem>>
        %dma_start3A_628 = tpu.memref_squeeze %dma_start3A_627 : memref<1x80xi32, #tpu.memory_space<vmem>> -> memref<80xi32, #tpu.memory_space<vmem>>
        %dma_start3A_629 = tpu.memref_slice %arg5[%multiple_of3A_611] : memref<322560xi32, #tpu.memory_space<hbm>> -> memref<80xi32, #tpu.memory_space<hbm>>
        tpu.enqueue_dma source(%dma_start3A_629 : memref<80xi32, #tpu.memory_space<hbm>>) target(%dma_start3A_628 : memref<80xi32, #tpu.memory_space<vmem>>) target_semaphore(%arg30 : memref<!tpu.dma_semaphore, #tpu.memory_space<semaphore_mem>>)
      } else {
      }
      %add3A_470 = arith.constant 2 : i32
      %add3A_471 = arith.addi %mul3A_405, %add3A_470 : i32
      %gt3A_472 = arith.constant 0 : i32
      %gt3A_473 = arith.cmpi sgt, %add3A_471, %gt3A_472 : i32
      %convert_element_type3A_474 = arith.extui %gt3A_473 : i1 to i32
      %cond3A_475 = arith.constant 0 : i32
      %cond3A_476 = arith.cmpi ne, %convert_element_type3A_474, %cond3A_475 : i32
      scf.if %cond3A_476 {
        %dma_wait3A_606 = arith.constant 0 : i32
        %dma_wait3A_607 = arith.constant 0 : i32
        %dma_wait3A_608 = tpu.memref_slice %arg10[%dma_wait3A_606, %dma_wait3A_607] : memref<10240x128xf32, #tpu.memory_space<hbm>> -> memref<80x128xf32, #tpu.memory_space<hbm>>
        %dma_wait3A_609 = arith.constant 0 : i32
        %dma_wait3A_610 = arith.constant 0 : i32
        %dma_wait3A_611 = tpu.memref_slice %arg10[%dma_wait3A_609, %dma_wait3A_610] : memref<10240x128xf32, #tpu.memory_space<hbm>> -> memref<80x128xf32, #tpu.memory_space<hbm>>
        tpu.wait_dma2 semaphore(%arg26 : memref<!tpu.dma_semaphore, #tpu.memory_space<semaphore_mem>>) src(%dma_wait3A_611 : memref<80x128xf32, #tpu.memory_space<hbm>>) dst(%arg22 : memref<80x128xf32, #tpu.memory_space<vmem>>)
      } else {
      }
      %add3A_477 = arith.constant 1 : i32
      %add3A_478 = arith.addi %add3A_471, %add3A_477 : i32
      %lt3A_479 = arith.constant 126 : i32
      %lt3A_480 = arith.cmpi slt, %add3A_478, %lt3A_479 : i32
      %convert_element_type3A_481 = arith.extui %lt3A_480 : i1 to i32
      %cond3A_482 = arith.constant 0 : i32
      %cond3A_483 = arith.cmpi ne, %convert_element_type3A_481, %cond3A_482 : i32
      scf.if %cond3A_483 {
        %dma_wait3A_606 = arith.constant 0 : i32
        %dma_wait3A_607 = arith.constant 0 : i32
        %dma_wait3A_608 = tpu.memref_slice %arg18[%dma_wait3A_606, %dma_wait3A_607] : memref<2x80xi32, #tpu.memory_space<vmem>> -> memref<1x80xi32, #tpu.memory_space<vmem>>
        %dma_wait3A_609 = tpu.memref_squeeze %dma_wait3A_608 : memref<1x80xi32, #tpu.memory_space<vmem>> -> memref<80xi32, #tpu.memory_space<vmem>>
        %dma_wait3A_610 = arith.constant 0 : i32
        %dma_wait3A_611 = tpu.memref_slice %arg4[%dma_wait3A_610] : memref<322560xi32, #tpu.memory_space<hbm>> -> memref<80xi32, #tpu.memory_space<hbm>>
        %dma_wait3A_612 = arith.constant 0 : i32
        %dma_wait3A_613 = tpu.memref_slice %arg18[%dma_wait3A_606, %dma_wait3A_612] : memref<2x80xi32, #tpu.memory_space<vmem>> -> memref<1x80xi32, #tpu.memory_space<vmem>>
        %dma_wait3A_614 = tpu.memref_squeeze %dma_wait3A_613 : memref<1x80xi32, #tpu.memory_space<vmem>> -> memref<80xi32, #tpu.memory_space<vmem>>
        %dma_wait3A_615 = arith.constant 0 : i32
        %dma_wait3A_616 = tpu.memref_slice %arg4[%dma_wait3A_615] : memref<322560xi32, #tpu.memory_space<hbm>> -> memref<80xi32, #tpu.memory_space<hbm>>
        tpu.wait_dma2 semaphore(%arg30 : memref<!tpu.dma_semaphore, #tpu.memory_space<semaphore_mem>>) src(%dma_wait3A_616 : memref<80xi32, #tpu.memory_space<hbm>>) dst(%dma_wait3A_614 : memref<80xi32, #tpu.memory_space<vmem>>)
        %dma_wait3A_617 = arith.constant 1 : i32
        %dma_wait3A_618 = arith.constant 0 : i32
        %dma_wait3A_619 = tpu.memref_slice %arg18[%dma_wait3A_617, %dma_wait3A_618] : memref<2x80xi32, #tpu.memory_space<vmem>> -> memref<1x80xi32, #tpu.memory_space<vmem>>
        %dma_wait3A_620 = tpu.memref_squeeze %dma_wait3A_619 : memref<1x80xi32, #tpu.memory_space<vmem>> -> memref<80xi32, #tpu.memory_space<vmem>>
        %dma_wait3A_621 = arith.constant 0 : i32
        %dma_wait3A_622 = tpu.memref_slice %arg4[%dma_wait3A_621] : memref<322560xi32, #tpu.memory_space<hbm>> -> memref<80xi32, #tpu.memory_space<hbm>>
        %dma_wait3A_623 = arith.constant 0 : i32
        %dma_wait3A_624 = tpu.memref_slice %arg18[%dma_wait3A_617, %dma_wait3A_623] : memref<2x80xi32, #tpu.memory_space<vmem>> -> memref<1x80xi32, #tpu.memory_space<vmem>>
        %dma_wait3A_625 = tpu.memref_squeeze %dma_wait3A_624 : memref<1x80xi32, #tpu.memory_space<vmem>> -> memref<80xi32, #tpu.memory_space<vmem>>
        %dma_wait3A_626 = arith.constant 0 : i32
        %dma_wait3A_627 = tpu.memref_slice %arg4[%dma_wait3A_626] : memref<322560xi32, #tpu.memory_space<hbm>> -> memref<80xi32, #tpu.memory_space<hbm>>
        tpu.wait_dma2 semaphore(%arg30 : memref<!tpu.dma_semaphore, #tpu.memory_space<semaphore_mem>>) src(%dma_wait3A_627 : memref<80xi32, #tpu.memory_space<hbm>>) dst(%dma_wait3A_625 : memref<80xi32, #tpu.memory_space<vmem>>)
        %dma_start3A_628 = arith.constant 0 : i32
        %dma_start3A_629 = arith.constant 0 : i32
        %dma_start3A_630 = tpu.memref_slice %arg18[%dma_start3A_628, %dma_start3A_629] : memref<2x80xi32, #tpu.memory_space<vmem>> -> memref<1x80xi32, #tpu.memory_space<vmem>>
        %dma_start3A_631 = tpu.memref_squeeze %dma_start3A_630 : memref<1x80xi32, #tpu.memory_space<vmem>> -> memref<80xi32, #tpu.memory_space<vmem>>
        %dma_start3A_632 = arith.constant 0 : i32
        %dma_start3A_633 = arith.constant 0 : i32
        %dma_start3A_634 = tpu.memref_slice %arg8[%dma_start3A_632, %dma_start3A_633] : memref<10000x128xf32, #tpu.memory_space<hbm>> -> memref<10000x128xf32, #tpu.memory_space<hbm>>
        tpu.enqueue_indirect_dma source(%dma_start3A_634 : memref<10000x128xf32, #tpu.memory_space<hbm>>) target(%arg22 : memref<80x128xf32, #tpu.memory_space<vmem>>) offsets(%dma_start3A_631 : memref<80xi32, #tpu.memory_space<vmem>>) semaphore(%arg24 : memref<!tpu.dma_semaphore, #tpu.memory_space<semaphore_mem>>)
      } else {
      }
      %dma_wait3A_484 = arith.constant 0 : i32
      %dma_wait3A_485 = arith.constant 0 : i32
      %dma_wait3A_486 = tpu.memref_slice %arg10[%dma_wait3A_484, %dma_wait3A_485] : memref<10240x128xf32, #tpu.memory_space<hbm>> -> memref<80x128xf32, #tpu.memory_space<hbm>>
      %dma_wait3A_487 = arith.constant 0 : i32
      %dma_wait3A_488 = arith.constant 0 : i32
      %dma_wait3A_489 = tpu.memref_slice %arg10[%dma_wait3A_487, %dma_wait3A_488] : memref<10240x128xf32, #tpu.memory_space<hbm>> -> memref<80x128xf32, #tpu.memory_space<hbm>>
      tpu.wait_dma2 semaphore(%arg23 : memref<!tpu.dma_semaphore, #tpu.memory_space<semaphore_mem>>) src(%dma_wait3A_489 : memref<80x128xf32, #tpu.memory_space<hbm>>) dst(%arg21 : memref<80x128xf32, #tpu.memory_space<vmem>>)
      %dma_start3A_490 = arith.constant 1 : i32
      %dma_start3A_491 = arith.constant 0 : i32
      %dma_start3A_492 = tpu.memref_slice %arg17[%dma_start3A_490, %dma_start3A_491] : memref<2x80xi32, #tpu.memory_space<vmem>> -> memref<1x80xi32, #tpu.memory_space<vmem>>
      %dma_start3A_493 = tpu.memref_squeeze %dma_start3A_492 : memref<1x80xi32, #tpu.memory_space<vmem>> -> memref<80xi32, #tpu.memory_space<vmem>>
      %dma_start3A_494 = arith.constant 0 : i32
      %dma_start3A_495 = arith.constant 0 : i32
      %dma_start3A_496 = tpu.memref_slice %arg14[%dma_start3A_494, %dma_start3A_495] : memref<10240x128xf32, #tpu.memory_space<vmem_shared>> -> memref<10240x128xf32, #tpu.memory_space<vmem_shared>>
      tpu.enqueue_indirect_dma source(%arg21 : memref<80x128xf32, #tpu.memory_space<vmem>>) target(%dma_start3A_496 : memref<10240x128xf32, #tpu.memory_space<vmem_shared>>) offsets(%dma_start3A_493 : memref<80xi32, #tpu.memory_space<vmem>>) semaphore(%arg25 : memref<!tpu.dma_semaphore, #tpu.memory_space<semaphore_mem>>) {add = true}
      %add3A_497 = arith.constant 2 : i32
      %add3A_498 = arith.addi %add3A_471, %add3A_497 : i32
      %lt3A_499 = arith.constant 126 : i32
      %lt3A_500 = arith.cmpi slt, %add3A_498, %lt3A_499 : i32
      %convert_element_type3A_501 = arith.extui %lt3A_500 : i1 to i32
      %cond3A_502 = arith.constant 0 : i32
      %cond3A_503 = arith.cmpi ne, %convert_element_type3A_501, %cond3A_502 : i32
      scf.if %cond3A_503 {
        %add3A_606 = arith.constant 2 : i32
        %add3A_607 = arith.addi %add3A_471, %add3A_606 : i32
        %mul3A_608 = arith.constant 80 : i32
        %mul3A_609 = arith.muli %add3A_607, %mul3A_608 : i32
        %add3A_610 = arith.addi %mul3A_151, %mul3A_609 : i32
        %multiple_of3A_611 = tpu.assume_multiple %add3A_610, 8 : i32
        %dma_start3A_612 = arith.constant 0 : i32
        %dma_start3A_613 = arith.constant 0 : i32
        %dma_start3A_614 = tpu.memref_slice %arg19[%dma_start3A_612, %dma_start3A_613] : memref<2x80xi32, #tpu.memory_space<vmem>> -> memref<1x80xi32, #tpu.memory_space<vmem>>
        %dma_start3A_615 = tpu.memref_squeeze %dma_start3A_614 : memref<1x80xi32, #tpu.memory_space<vmem>> -> memref<80xi32, #tpu.memory_space<vmem>>
        %dma_start3A_616 = tpu.memref_slice %arg4[%multiple_of3A_611] : memref<322560xi32, #tpu.memory_space<hbm>> -> memref<80xi32, #tpu.memory_space<hbm>>
        %dma_start3A_617 = arith.constant 0 : i32
        %dma_start3A_618 = tpu.memref_slice %arg19[%dma_start3A_612, %dma_start3A_617] : memref<2x80xi32, #tpu.memory_space<vmem>> -> memref<1x80xi32, #tpu.memory_space<vmem>>
        %dma_start3A_619 = tpu.memref_squeeze %dma_start3A_618 : memref<1x80xi32, #tpu.memory_space<vmem>> -> memref<80xi32, #tpu.memory_space<vmem>>
        %dma_start3A_620 = tpu.memref_slice %arg4[%multiple_of3A_611] : memref<322560xi32, #tpu.memory_space<hbm>> -> memref<80xi32, #tpu.memory_space<hbm>>
        tpu.enqueue_dma source(%dma_start3A_620 : memref<80xi32, #tpu.memory_space<hbm>>) target(%dma_start3A_619 : memref<80xi32, #tpu.memory_space<vmem>>) target_semaphore(%arg31 : memref<!tpu.dma_semaphore, #tpu.memory_space<semaphore_mem>>)
        %dma_start3A_621 = arith.constant 1 : i32
        %dma_start3A_622 = arith.constant 0 : i32
        %dma_start3A_623 = tpu.memref_slice %arg19[%dma_start3A_621, %dma_start3A_622] : memref<2x80xi32, #tpu.memory_space<vmem>> -> memref<1x80xi32, #tpu.memory_space<vmem>>
        %dma_start3A_624 = tpu.memref_squeeze %dma_start3A_623 : memref<1x80xi32, #tpu.memory_space<vmem>> -> memref<80xi32, #tpu.memory_space<vmem>>
        %dma_start3A_625 = tpu.memref_slice %arg5[%multiple_of3A_611] : memref<322560xi32, #tpu.memory_space<hbm>> -> memref<80xi32, #tpu.memory_space<hbm>>
        %dma_start3A_626 = arith.constant 0 : i32
        %dma_start3A_627 = tpu.memref_slice %arg19[%dma_start3A_621, %dma_start3A_626] : memref<2x80xi32, #tpu.memory_space<vmem>> -> memref<1x80xi32, #tpu.memory_space<vmem>>
        %dma_start3A_628 = tpu.memref_squeeze %dma_start3A_627 : memref<1x80xi32, #tpu.memory_space<vmem>> -> memref<80xi32, #tpu.memory_space<vmem>>
        %dma_start3A_629 = tpu.memref_slice %arg5[%multiple_of3A_611] : memref<322560xi32, #tpu.memory_space<hbm>> -> memref<80xi32, #tpu.memory_space<hbm>>
        tpu.enqueue_dma source(%dma_start3A_629 : memref<80xi32, #tpu.memory_space<hbm>>) target(%dma_start3A_628 : memref<80xi32, #tpu.memory_space<vmem>>) target_semaphore(%arg31 : memref<!tpu.dma_semaphore, #tpu.memory_space<semaphore_mem>>)
      } else {
      }
      %add3A_504 = arith.constant 3 : i32
      %add3A_505 = arith.addi %mul3A_405, %add3A_504 : i32
      %gt3A_506 = arith.constant 0 : i32
      %gt3A_507 = arith.cmpi sgt, %add3A_505, %gt3A_506 : i32
      %convert_element_type3A_508 = arith.extui %gt3A_507 : i1 to i32
      %cond3A_509 = arith.constant 0 : i32
      %cond3A_510 = arith.cmpi ne, %convert_element_type3A_508, %cond3A_509 : i32
      scf.if %cond3A_510 {
        %dma_wait3A_606 = arith.constant 0 : i32
        %dma_wait3A_607 = arith.constant 0 : i32
        %dma_wait3A_608 = tpu.memref_slice %arg10[%dma_wait3A_606, %dma_wait3A_607] : memref<10240x128xf32, #tpu.memory_space<hbm>> -> memref<80x128xf32, #tpu.memory_space<hbm>>
        %dma_wait3A_609 = arith.constant 0 : i32
        %dma_wait3A_610 = arith.constant 0 : i32
        %dma_wait3A_611 = tpu.memref_slice %arg10[%dma_wait3A_609, %dma_wait3A_610] : memref<10240x128xf32, #tpu.memory_space<hbm>> -> memref<80x128xf32, #tpu.memory_space<hbm>>
        tpu.wait_dma2 semaphore(%arg25 : memref<!tpu.dma_semaphore, #tpu.memory_space<semaphore_mem>>) src(%dma_wait3A_611 : memref<80x128xf32, #tpu.memory_space<hbm>>) dst(%arg21 : memref<80x128xf32, #tpu.memory_space<vmem>>)
      } else {
      }
      %add3A_511 = arith.constant 1 : i32
      %add3A_512 = arith.addi %add3A_505, %add3A_511 : i32
      %lt3A_513 = arith.constant 126 : i32
      %lt3A_514 = arith.cmpi slt, %add3A_512, %lt3A_513 : i32
      %convert_element_type3A_515 = arith.extui %lt3A_514 : i1 to i32
      %cond3A_516 = arith.constant 0 : i32
      %cond3A_517 = arith.cmpi ne, %convert_element_type3A_515, %cond3A_516 : i32
      scf.if %cond3A_517 {
        %dma_wait3A_606 = arith.constant 0 : i32
        %dma_wait3A_607 = arith.constant 0 : i32
        %dma_wait3A_608 = tpu.memref_slice %arg19[%dma_wait3A_606, %dma_wait3A_607] : memref<2x80xi32, #tpu.memory_space<vmem>> -> memref<1x80xi32, #tpu.memory_space<vmem>>
        %dma_wait3A_609 = tpu.memref_squeeze %dma_wait3A_608 : memref<1x80xi32, #tpu.memory_space<vmem>> -> memref<80xi32, #tpu.memory_space<vmem>>
        %dma_wait3A_610 = arith.constant 0 : i32
        %dma_wait3A_611 = tpu.memref_slice %arg4[%dma_wait3A_610] : memref<322560xi32, #tpu.memory_space<hbm>> -> memref<80xi32, #tpu.memory_space<hbm>>
        %dma_wait3A_612 = arith.constant 0 : i32
        %dma_wait3A_613 = tpu.memref_slice %arg19[%dma_wait3A_606, %dma_wait3A_612] : memref<2x80xi32, #tpu.memory_space<vmem>> -> memref<1x80xi32, #tpu.memory_space<vmem>>
        %dma_wait3A_614 = tpu.memref_squeeze %dma_wait3A_613 : memref<1x80xi32, #tpu.memory_space<vmem>> -> memref<80xi32, #tpu.memory_space<vmem>>
        %dma_wait3A_615 = arith.constant 0 : i32
        %dma_wait3A_616 = tpu.memref_slice %arg4[%dma_wait3A_615] : memref<322560xi32, #tpu.memory_space<hbm>> -> memref<80xi32, #tpu.memory_space<hbm>>
        tpu.wait_dma2 semaphore(%arg31 : memref<!tpu.dma_semaphore, #tpu.memory_space<semaphore_mem>>) src(%dma_wait3A_616 : memref<80xi32, #tpu.memory_space<hbm>>) dst(%dma_wait3A_614 : memref<80xi32, #tpu.memory_space<vmem>>)
        %dma_wait3A_617 = arith.constant 1 : i32
        %dma_wait3A_618 = arith.constant 0 : i32
        %dma_wait3A_619 = tpu.memref_slice %arg19[%dma_wait3A_617, %dma_wait3A_618] : memref<2x80xi32, #tpu.memory_space<vmem>> -> memref<1x80xi32, #tpu.memory_space<vmem>>
        %dma_wait3A_620 = tpu.memref_squeeze %dma_wait3A_619 : memref<1x80xi32, #tpu.memory_space<vmem>> -> memref<80xi32, #tpu.memory_space<vmem>>
        %dma_wait3A_621 = arith.constant 0 : i32
        %dma_wait3A_622 = tpu.memref_slice %arg4[%dma_wait3A_621] : memref<322560xi32, #tpu.memory_space<hbm>> -> memref<80xi32, #tpu.memory_space<hbm>>
        %dma_wait3A_623 = arith.constant 0 : i32
        %dma_wait3A_624 = tpu.memref_slice %arg19[%dma_wait3A_617, %dma_wait3A_623] : memref<2x80xi32, #tpu.memory_space<vmem>> -> memref<1x80xi32, #tpu.memory_space<vmem>>
        %dma_wait3A_625 = tpu.memref_squeeze %dma_wait3A_624 : memref<1x80xi32, #tpu.memory_space<vmem>> -> memref<80xi32, #tpu.memory_space<vmem>>
        %dma_wait3A_626 = arith.constant 0 : i32
        %dma_wait3A_627 = tpu.memref_slice %arg4[%dma_wait3A_626] : memref<322560xi32, #tpu.memory_space<hbm>> -> memref<80xi32, #tpu.memory_space<hbm>>
        tpu.wait_dma2 semaphore(%arg31 : memref<!tpu.dma_semaphore, #tpu.memory_space<semaphore_mem>>) src(%dma_wait3A_627 : memref<80xi32, #tpu.memory_space<hbm>>) dst(%dma_wait3A_625 : memref<80xi32, #tpu.memory_space<vmem>>)
        %dma_start3A_628 = arith.constant 0 : i32
        %dma_start3A_629 = arith.constant 0 : i32
        %dma_start3A_630 = tpu.memref_slice %arg19[%dma_start3A_628, %dma_start3A_629] : memref<2x80xi32, #tpu.memory_space<vmem>> -> memref<1x80xi32, #tpu.memory_space<vmem>>
        %dma_start3A_631 = tpu.memref_squeeze %dma_start3A_630 : memref<1x80xi32, #tpu.memory_space<vmem>> -> memref<80xi32, #tpu.memory_space<vmem>>
        %dma_start3A_632 = arith.constant 0 : i32
        %dma_start3A_633 = arith.constant 0 : i32
        %dma_start3A_634 = tpu.memref_slice %arg8[%dma_start3A_632, %dma_start3A_633] : memref<10000x128xf32, #tpu.memory_space<hbm>> -> memref<10000x128xf32, #tpu.memory_space<hbm>>
        tpu.enqueue_indirect_dma source(%dma_start3A_634 : memref<10000x128xf32, #tpu.memory_space<hbm>>) target(%arg21 : memref<80x128xf32, #tpu.memory_space<vmem>>) offsets(%dma_start3A_631 : memref<80xi32, #tpu.memory_space<vmem>>) semaphore(%arg23 : memref<!tpu.dma_semaphore, #tpu.memory_space<semaphore_mem>>)
      } else {
      }
      %dma_wait3A_518 = arith.constant 0 : i32
      %dma_wait3A_519 = arith.constant 0 : i32
      %dma_wait3A_520 = tpu.memref_slice %arg10[%dma_wait3A_518, %dma_wait3A_519] : memref<10240x128xf32, #tpu.memory_space<hbm>> -> memref<80x128xf32, #tpu.memory_space<hbm>>
      %dma_wait3A_521 = arith.constant 0 : i32
      %dma_wait3A_522 = arith.constant 0 : i32
      %dma_wait3A_523 = tpu.memref_slice %arg10[%dma_wait3A_521, %dma_wait3A_522] : memref<10240x128xf32, #tpu.memory_space<hbm>> -> memref<80x128xf32, #tpu.memory_space<hbm>>
      tpu.wait_dma2 semaphore(%arg24 : memref<!tpu.dma_semaphore, #tpu.memory_space<semaphore_mem>>) src(%dma_wait3A_523 : memref<80x128xf32, #tpu.memory_space<hbm>>) dst(%arg22 : memref<80x128xf32, #tpu.memory_space<vmem>>)
      %dma_start3A_524 = arith.constant 1 : i32
      %dma_start3A_525 = arith.constant 0 : i32
      %dma_start3A_526 = tpu.memref_slice %arg18[%dma_start3A_524, %dma_start3A_525] : memref<2x80xi32, #tpu.memory_space<vmem>> -> memref<1x80xi32, #tpu.memory_space<vmem>>
      %dma_start3A_527 = tpu.memref_squeeze %dma_start3A_526 : memref<1x80xi32, #tpu.memory_space<vmem>> -> memref<80xi32, #tpu.memory_space<vmem>>
      %dma_start3A_528 = arith.constant 0 : i32
      %dma_start3A_529 = arith.constant 0 : i32
      %dma_start3A_530 = tpu.memref_slice %arg14[%dma_start3A_528, %dma_start3A_529] : memref<10240x128xf32, #tpu.memory_space<vmem_shared>> -> memref<10240x128xf32, #tpu.memory_space<vmem_shared>>
      tpu.enqueue_indirect_dma source(%arg22 : memref<80x128xf32, #tpu.memory_space<vmem>>) target(%dma_start3A_530 : memref<10240x128xf32, #tpu.memory_space<vmem_shared>>) offsets(%dma_start3A_527 : memref<80xi32, #tpu.memory_space<vmem>>) semaphore(%arg26 : memref<!tpu.dma_semaphore, #tpu.memory_space<semaphore_mem>>) {add = true}
      %add3A_531 = arith.constant 2 : i32
      %add3A_532 = arith.addi %add3A_505, %add3A_531 : i32
      %lt3A_533 = arith.constant 126 : i32
      %lt3A_534 = arith.cmpi slt, %add3A_532, %lt3A_533 : i32
      %convert_element_type3A_535 = arith.extui %lt3A_534 : i1 to i32
      %cond3A_536 = arith.constant 0 : i32
      %cond3A_537 = arith.cmpi ne, %convert_element_type3A_535, %cond3A_536 : i32
      scf.if %cond3A_537 {
        %add3A_606 = arith.constant 2 : i32
        %add3A_607 = arith.addi %add3A_505, %add3A_606 : i32
        %mul3A_608 = arith.constant 80 : i32
        %mul3A_609 = arith.muli %add3A_607, %mul3A_608 : i32
        %add3A_610 = arith.addi %mul3A_151, %mul3A_609 : i32
        %multiple_of3A_611 = tpu.assume_multiple %add3A_610, 8 : i32
        %dma_start3A_612 = arith.constant 0 : i32
        %dma_start3A_613 = arith.constant 0 : i32
        %dma_start3A_614 = tpu.memref_slice %arg20[%dma_start3A_612, %dma_start3A_613] : memref<2x80xi32, #tpu.memory_space<vmem>> -> memref<1x80xi32, #tpu.memory_space<vmem>>
        %dma_start3A_615 = tpu.memref_squeeze %dma_start3A_614 : memref<1x80xi32, #tpu.memory_space<vmem>> -> memref<80xi32, #tpu.memory_space<vmem>>
        %dma_start3A_616 = tpu.memref_slice %arg4[%multiple_of3A_611] : memref<322560xi32, #tpu.memory_space<hbm>> -> memref<80xi32, #tpu.memory_space<hbm>>
        %dma_start3A_617 = arith.constant 0 : i32
        %dma_start3A_618 = tpu.memref_slice %arg20[%dma_start3A_612, %dma_start3A_617] : memref<2x80xi32, #tpu.memory_space<vmem>> -> memref<1x80xi32, #tpu.memory_space<vmem>>
        %dma_start3A_619 = tpu.memref_squeeze %dma_start3A_618 : memref<1x80xi32, #tpu.memory_space<vmem>> -> memref<80xi32, #tpu.memory_space<vmem>>
        %dma_start3A_620 = tpu.memref_slice %arg4[%multiple_of3A_611] : memref<322560xi32, #tpu.memory_space<hbm>> -> memref<80xi32, #tpu.memory_space<hbm>>
        tpu.enqueue_dma source(%dma_start3A_620 : memref<80xi32, #tpu.memory_space<hbm>>) target(%dma_start3A_619 : memref<80xi32, #tpu.memory_space<vmem>>) target_semaphore(%arg32 : memref<!tpu.dma_semaphore, #tpu.memory_space<semaphore_mem>>)
        %dma_start3A_621 = arith.constant 1 : i32
        %dma_start3A_622 = arith.constant 0 : i32
        %dma_start3A_623 = tpu.memref_slice %arg20[%dma_start3A_621, %dma_start3A_622] : memref<2x80xi32, #tpu.memory_space<vmem>> -> memref<1x80xi32, #tpu.memory_space<vmem>>
        %dma_start3A_624 = tpu.memref_squeeze %dma_start3A_623 : memref<1x80xi32, #tpu.memory_space<vmem>> -> memref<80xi32, #tpu.memory_space<vmem>>
        %dma_start3A_625 = tpu.memref_slice %arg5[%multiple_of3A_611] : memref<322560xi32, #tpu.memory_space<hbm>> -> memref<80xi32, #tpu.memory_space<hbm>>
        %dma_start3A_626 = arith.constant 0 : i32
        %dma_start3A_627 = tpu.memref_slice %arg20[%dma_start3A_621, %dma_start3A_626] : memref<2x80xi32, #tpu.memory_space<vmem>> -> memref<1x80xi32, #tpu.memory_space<vmem>>
        %dma_start3A_628 = tpu.memref_squeeze %dma_start3A_627 : memref<1x80xi32, #tpu.memory_space<vmem>> -> memref<80xi32, #tpu.memory_space<vmem>>
        %dma_start3A_629 = tpu.memref_slice %arg5[%multiple_of3A_611] : memref<322560xi32, #tpu.memory_space<hbm>> -> memref<80xi32, #tpu.memory_space<hbm>>
        tpu.enqueue_dma source(%dma_start3A_629 : memref<80xi32, #tpu.memory_space<hbm>>) target(%dma_start3A_628 : memref<80xi32, #tpu.memory_space<vmem>>) target_semaphore(%arg32 : memref<!tpu.dma_semaphore, #tpu.memory_space<semaphore_mem>>)
      } else {
      }
      %add3A_538 = arith.constant 4 : i32
      %add3A_539 = arith.addi %mul3A_405, %add3A_538 : i32
      %gt3A_540 = arith.constant 0 : i32
      %gt3A_541 = arith.cmpi sgt, %add3A_539, %gt3A_540 : i32
      %convert_element_type3A_542 = arith.extui %gt3A_541 : i1 to i32
      %cond3A_543 = arith.constant 0 : i32
      %cond3A_544 = arith.cmpi ne, %convert_element_type3A_542, %cond3A_543 : i32
      scf.if %cond3A_544 {
        %dma_wait3A_606 = arith.constant 0 : i32
        %dma_wait3A_607 = arith.constant 0 : i32
        %dma_wait3A_608 = tpu.memref_slice %arg10[%dma_wait3A_606, %dma_wait3A_607] : memref<10240x128xf32, #tpu.memory_space<hbm>> -> memref<80x128xf32, #tpu.memory_space<hbm>>
        %dma_wait3A_609 = arith.constant 0 : i32
        %dma_wait3A_610 = arith.constant 0 : i32
        %dma_wait3A_611 = tpu.memref_slice %arg10[%dma_wait3A_609, %dma_wait3A_610] : memref<10240x128xf32, #tpu.memory_space<hbm>> -> memref<80x128xf32, #tpu.memory_space<hbm>>
        tpu.wait_dma2 semaphore(%arg26 : memref<!tpu.dma_semaphore, #tpu.memory_space<semaphore_mem>>) src(%dma_wait3A_611 : memref<80x128xf32, #tpu.memory_space<hbm>>) dst(%arg22 : memref<80x128xf32, #tpu.memory_space<vmem>>)
      } else {
      }
      %add3A_545 = arith.constant 1 : i32
      %add3A_546 = arith.addi %add3A_539, %add3A_545 : i32
      %lt3A_547 = arith.constant 126 : i32
      %lt3A_548 = arith.cmpi slt, %add3A_546, %lt3A_547 : i32
      %convert_element_type3A_549 = arith.extui %lt3A_548 : i1 to i32
      %cond3A_550 = arith.constant 0 : i32
      %cond3A_551 = arith.cmpi ne, %convert_element_type3A_549, %cond3A_550 : i32
      scf.if %cond3A_551 {
        %dma_wait3A_606 = arith.constant 0 : i32
        %dma_wait3A_607 = arith.constant 0 : i32
        %dma_wait3A_608 = tpu.memref_slice %arg20[%dma_wait3A_606, %dma_wait3A_607] : memref<2x80xi32, #tpu.memory_space<vmem>> -> memref<1x80xi32, #tpu.memory_space<vmem>>
        %dma_wait3A_609 = tpu.memref_squeeze %dma_wait3A_608 : memref<1x80xi32, #tpu.memory_space<vmem>> -> memref<80xi32, #tpu.memory_space<vmem>>
        %dma_wait3A_610 = arith.constant 0 : i32
        %dma_wait3A_611 = tpu.memref_slice %arg4[%dma_wait3A_610] : memref<322560xi32, #tpu.memory_space<hbm>> -> memref<80xi32, #tpu.memory_space<hbm>>
        %dma_wait3A_612 = arith.constant 0 : i32
        %dma_wait3A_613 = tpu.memref_slice %arg20[%dma_wait3A_606, %dma_wait3A_612] : memref<2x80xi32, #tpu.memory_space<vmem>> -> memref<1x80xi32, #tpu.memory_space<vmem>>
        %dma_wait3A_614 = tpu.memref_squeeze %dma_wait3A_613 : memref<1x80xi32, #tpu.memory_space<vmem>> -> memref<80xi32, #tpu.memory_space<vmem>>
        %dma_wait3A_615 = arith.constant 0 : i32
        %dma_wait3A_616 = tpu.memref_slice %arg4[%dma_wait3A_615] : memref<322560xi32, #tpu.memory_space<hbm>> -> memref<80xi32, #tpu.memory_space<hbm>>
        tpu.wait_dma2 semaphore(%arg32 : memref<!tpu.dma_semaphore, #tpu.memory_space<semaphore_mem>>) src(%dma_wait3A_616 : memref<80xi32, #tpu.memory_space<hbm>>) dst(%dma_wait3A_614 : memref<80xi32, #tpu.memory_space<vmem>>)
        %dma_wait3A_617 = arith.constant 1 : i32
        %dma_wait3A_618 = arith.constant 0 : i32
        %dma_wait3A_619 = tpu.memref_slice %arg20[%dma_wait3A_617, %dma_wait3A_618] : memref<2x80xi32, #tpu.memory_space<vmem>> -> memref<1x80xi32, #tpu.memory_space<vmem>>
        %dma_wait3A_620 = tpu.memref_squeeze %dma_wait3A_619 : memref<1x80xi32, #tpu.memory_space<vmem>> -> memref<80xi32, #tpu.memory_space<vmem>>
        %dma_wait3A_621 = arith.constant 0 : i32
        %dma_wait3A_622 = tpu.memref_slice %arg4[%dma_wait3A_621] : memref<322560xi32, #tpu.memory_space<hbm>> -> memref<80xi32, #tpu.memory_space<hbm>>
        %dma_wait3A_623 = arith.constant 0 : i32
        %dma_wait3A_624 = tpu.memref_slice %arg20[%dma_wait3A_617, %dma_wait3A_623] : memref<2x80xi32, #tpu.memory_space<vmem>> -> memref<1x80xi32, #tpu.memory_space<vmem>>
        %dma_wait3A_625 = tpu.memref_squeeze %dma_wait3A_624 : memref<1x80xi32, #tpu.memory_space<vmem>> -> memref<80xi32, #tpu.memory_space<vmem>>
        %dma_wait3A_626 = arith.constant 0 : i32
        %dma_wait3A_627 = tpu.memref_slice %arg4[%dma_wait3A_626] : memref<322560xi32, #tpu.memory_space<hbm>> -> memref<80xi32, #tpu.memory_space<hbm>>
        tpu.wait_dma2 semaphore(%arg32 : memref<!tpu.dma_semaphore, #tpu.memory_space<semaphore_mem>>) src(%dma_wait3A_627 : memref<80xi32, #tpu.memory_space<hbm>>) dst(%dma_wait3A_625 : memref<80xi32, #tpu.memory_space<vmem>>)
        %dma_start3A_628 = arith.constant 0 : i32
        %dma_start3A_629 = arith.constant 0 : i32
        %dma_start3A_630 = tpu.memref_slice %arg20[%dma_start3A_628, %dma_start3A_629] : memref<2x80xi32, #tpu.memory_space<vmem>> -> memref<1x80xi32, #tpu.memory_space<vmem>>
        %dma_start3A_631 = tpu.memref_squeeze %dma_start3A_630 : memref<1x80xi32, #tpu.memory_space<vmem>> -> memref<80xi32, #tpu.memory_space<vmem>>
        %dma_start3A_632 = arith.constant 0 : i32
        %dma_start3A_633 = arith.constant 0 : i32
        %dma_start3A_634 = tpu.memref_slice %arg8[%dma_start3A_632, %dma_start3A_633] : memref<10000x128xf32, #tpu.memory_space<hbm>> -> memref<10000x128xf32, #tpu.memory_space<hbm>>
        tpu.enqueue_indirect_dma source(%dma_start3A_634 : memref<10000x128xf32, #tpu.memory_space<hbm>>) target(%arg22 : memref<80x128xf32, #tpu.memory_space<vmem>>) offsets(%dma_start3A_631 : memref<80xi32, #tpu.memory_space<vmem>>) semaphore(%arg24 : memref<!tpu.dma_semaphore, #tpu.memory_space<semaphore_mem>>)
      } else {
      }
      %dma_wait3A_552 = arith.constant 0 : i32
      %dma_wait3A_553 = arith.constant 0 : i32
      %dma_wait3A_554 = tpu.memref_slice %arg10[%dma_wait3A_552, %dma_wait3A_553] : memref<10240x128xf32, #tpu.memory_space<hbm>> -> memref<80x128xf32, #tpu.memory_space<hbm>>
      %dma_wait3A_555 = arith.constant 0 : i32
      %dma_wait3A_556 = arith.constant 0 : i32
      %dma_wait3A_557 = tpu.memref_slice %arg10[%dma_wait3A_555, %dma_wait3A_556] : memref<10240x128xf32, #tpu.memory_space<hbm>> -> memref<80x128xf32, #tpu.memory_space<hbm>>
      tpu.wait_dma2 semaphore(%arg23 : memref<!tpu.dma_semaphore, #tpu.memory_space<semaphore_mem>>) src(%dma_wait3A_557 : memref<80x128xf32, #tpu.memory_space<hbm>>) dst(%arg21 : memref<80x128xf32, #tpu.memory_space<vmem>>)
      %dma_start3A_558 = arith.constant 1 : i32
      %dma_start3A_559 = arith.constant 0 : i32
      %dma_start3A_560 = tpu.memref_slice %arg19[%dma_start3A_558, %dma_start3A_559] : memref<2x80xi32, #tpu.memory_space<vmem>> -> memref<1x80xi32, #tpu.memory_space<vmem>>
      %dma_start3A_561 = tpu.memref_squeeze %dma_start3A_560 : memref<1x80xi32, #tpu.memory_space<vmem>> -> memref<80xi32, #tpu.memory_space<vmem>>
      %dma_start3A_562 = arith.constant 0 : i32
      %dma_start3A_563 = arith.constant 0 : i32
      %dma_start3A_564 = tpu.memref_slice %arg14[%dma_start3A_562, %dma_start3A_563] : memref<10240x128xf32, #tpu.memory_space<vmem_shared>> -> memref<10240x128xf32, #tpu.memory_space<vmem_shared>>
      tpu.enqueue_indirect_dma source(%arg21 : memref<80x128xf32, #tpu.memory_space<vmem>>) target(%dma_start3A_564 : memref<10240x128xf32, #tpu.memory_space<vmem_shared>>) offsets(%dma_start3A_561 : memref<80xi32, #tpu.memory_space<vmem>>) semaphore(%arg25 : memref<!tpu.dma_semaphore, #tpu.memory_space<semaphore_mem>>) {add = true}
      %add3A_565 = arith.constant 2 : i32
      %add3A_566 = arith.addi %add3A_539, %add3A_565 : i32
      %lt3A_567 = arith.constant 126 : i32
      %lt3A_568 = arith.cmpi slt, %add3A_566, %lt3A_567 : i32
      %convert_element_type3A_569 = arith.extui %lt3A_568 : i1 to i32
      %cond3A_570 = arith.constant 0 : i32
      %cond3A_571 = arith.cmpi ne, %convert_element_type3A_569, %cond3A_570 : i32
      scf.if %cond3A_571 {
        %add3A_606 = arith.constant 2 : i32
        %add3A_607 = arith.addi %add3A_539, %add3A_606 : i32
        %mul3A_608 = arith.constant 80 : i32
        %mul3A_609 = arith.muli %add3A_607, %mul3A_608 : i32
        %add3A_610 = arith.addi %mul3A_151, %mul3A_609 : i32
        %multiple_of3A_611 = tpu.assume_multiple %add3A_610, 8 : i32
        %dma_start3A_612 = arith.constant 0 : i32
        %dma_start3A_613 = arith.constant 0 : i32
        %dma_start3A_614 = tpu.memref_slice %arg15[%dma_start3A_612, %dma_start3A_613] : memref<2x80xi32, #tpu.memory_space<vmem>> -> memref<1x80xi32, #tpu.memory_space<vmem>>
        %dma_start3A_615 = tpu.memref_squeeze %dma_start3A_614 : memref<1x80xi32, #tpu.memory_space<vmem>> -> memref<80xi32, #tpu.memory_space<vmem>>
        %dma_start3A_616 = tpu.memref_slice %arg4[%multiple_of3A_611] : memref<322560xi32, #tpu.memory_space<hbm>> -> memref<80xi32, #tpu.memory_space<hbm>>
        %dma_start3A_617 = arith.constant 0 : i32
        %dma_start3A_618 = tpu.memref_slice %arg15[%dma_start3A_612, %dma_start3A_617] : memref<2x80xi32, #tpu.memory_space<vmem>> -> memref<1x80xi32, #tpu.memory_space<vmem>>
        %dma_start3A_619 = tpu.memref_squeeze %dma_start3A_618 : memref<1x80xi32, #tpu.memory_space<vmem>> -> memref<80xi32, #tpu.memory_space<vmem>>
        %dma_start3A_620 = tpu.memref_slice %arg4[%multiple_of3A_611] : memref<322560xi32, #tpu.memory_space<hbm>> -> memref<80xi32, #tpu.memory_space<hbm>>
        tpu.enqueue_dma source(%dma_start3A_620 : memref<80xi32, #tpu.memory_space<hbm>>) target(%dma_start3A_619 : memref<80xi32, #tpu.memory_space<vmem>>) target_semaphore(%arg27 : memref<!tpu.dma_semaphore, #tpu.memory_space<semaphore_mem>>)
        %dma_start3A_621 = arith.constant 1 : i32
        %dma_start3A_622 = arith.constant 0 : i32
        %dma_start3A_623 = tpu.memref_slice %arg15[%dma_start3A_621, %dma_start3A_622] : memref<2x80xi32, #tpu.memory_space<vmem>> -> memref<1x80xi32, #tpu.memory_space<vmem>>
        %dma_start3A_624 = tpu.memref_squeeze %dma_start3A_623 : memref<1x80xi32, #tpu.memory_space<vmem>> -> memref<80xi32, #tpu.memory_space<vmem>>
        %dma_start3A_625 = tpu.memref_slice %arg5[%multiple_of3A_611] : memref<322560xi32, #tpu.memory_space<hbm>> -> memref<80xi32, #tpu.memory_space<hbm>>
        %dma_start3A_626 = arith.constant 0 : i32
        %dma_start3A_627 = tpu.memref_slice %arg15[%dma_start3A_621, %dma_start3A_626] : memref<2x80xi32, #tpu.memory_space<vmem>> -> memref<1x80xi32, #tpu.memory_space<vmem>>
        %dma_start3A_628 = tpu.memref_squeeze %dma_start3A_627 : memref<1x80xi32, #tpu.memory_space<vmem>> -> memref<80xi32, #tpu.memory_space<vmem>>
        %dma_start3A_629 = tpu.memref_slice %arg5[%multiple_of3A_611] : memref<322560xi32, #tpu.memory_space<hbm>> -> memref<80xi32, #tpu.memory_space<hbm>>
        tpu.enqueue_dma source(%dma_start3A_629 : memref<80xi32, #tpu.memory_space<hbm>>) target(%dma_start3A_628 : memref<80xi32, #tpu.memory_space<vmem>>) target_semaphore(%arg27 : memref<!tpu.dma_semaphore, #tpu.memory_space<semaphore_mem>>)
      } else {
      }
      %add3A_572 = arith.constant 5 : i32
      %add3A_573 = arith.addi %mul3A_405, %add3A_572 : i32
      %gt3A_574 = arith.constant 0 : i32
      %gt3A_575 = arith.cmpi sgt, %add3A_573, %gt3A_574 : i32
      %convert_element_type3A_576 = arith.extui %gt3A_575 : i1 to i32
      %cond3A_577 = arith.constant 0 : i32
      %cond3A_578 = arith.cmpi ne, %convert_element_type3A_576, %cond3A_577 : i32
      scf.if %cond3A_578 {
        %dma_wait3A_606 = arith.constant 0 : i32
        %dma_wait3A_607 = arith.constant 0 : i32
        %dma_wait3A_608 = tpu.memref_slice %arg10[%dma_wait3A_606, %dma_wait3A_607] : memref<10240x128xf32, #tpu.memory_space<hbm>> -> memref<80x128xf32, #tpu.memory_space<hbm>>
        %dma_wait3A_609 = arith.constant 0 : i32
        %dma_wait3A_610 = arith.constant 0 : i32
        %dma_wait3A_611 = tpu.memref_slice %arg10[%dma_wait3A_609, %dma_wait3A_610] : memref<10240x128xf32, #tpu.memory_space<hbm>> -> memref<80x128xf32, #tpu.memory_space<hbm>>
        tpu.wait_dma2 semaphore(%arg25 : memref<!tpu.dma_semaphore, #tpu.memory_space<semaphore_mem>>) src(%dma_wait3A_611 : memref<80x128xf32, #tpu.memory_space<hbm>>) dst(%arg21 : memref<80x128xf32, #tpu.memory_space<vmem>>)
      } else {
      }
      %add3A_579 = arith.constant 1 : i32
      %add3A_580 = arith.addi %add3A_573, %add3A_579 : i32
      %lt3A_581 = arith.constant 126 : i32
      %lt3A_582 = arith.cmpi slt, %add3A_580, %lt3A_581 : i32
      %convert_element_type3A_583 = arith.extui %lt3A_582 : i1 to i32
      %cond3A_584 = arith.constant 0 : i32
      %cond3A_585 = arith.cmpi ne, %convert_element_type3A_583, %cond3A_584 : i32
      scf.if %cond3A_585 {
        %dma_wait3A_606 = arith.constant 0 : i32
        %dma_wait3A_607 = arith.constant 0 : i32
        %dma_wait3A_608 = tpu.memref_slice %arg15[%dma_wait3A_606, %dma_wait3A_607] : memref<2x80xi32, #tpu.memory_space<vmem>> -> memref<1x80xi32, #tpu.memory_space<vmem>>
        %dma_wait3A_609 = tpu.memref_squeeze %dma_wait3A_608 : memref<1x80xi32, #tpu.memory_space<vmem>> -> memref<80xi32, #tpu.memory_space<vmem>>
        %dma_wait3A_610 = arith.constant 0 : i32
        %dma_wait3A_611 = tpu.memref_slice %arg4[%dma_wait3A_610] : memref<322560xi32, #tpu.memory_space<hbm>> -> memref<80xi32, #tpu.memory_space<hbm>>
        %dma_wait3A_612 = arith.constant 0 : i32
        %dma_wait3A_613 = tpu.memref_slice %arg15[%dma_wait3A_606, %dma_wait3A_612] : memref<2x80xi32, #tpu.memory_space<vmem>> -> memref<1x80xi32, #tpu.memory_space<vmem>>
        %dma_wait3A_614 = tpu.memref_squeeze %dma_wait3A_613 : memref<1x80xi32, #tpu.memory_space<vmem>> -> memref<80xi32, #tpu.memory_space<vmem>>
        %dma_wait3A_615 = arith.constant 0 : i32
        %dma_wait3A_616 = tpu.memref_slice %arg4[%dma_wait3A_615] : memref<322560xi32, #tpu.memory_space<hbm>> -> memref<80xi32, #tpu.memory_space<hbm>>
        tpu.wait_dma2 semaphore(%arg27 : memref<!tpu.dma_semaphore, #tpu.memory_space<semaphore_mem>>) src(%dma_wait3A_616 : memref<80xi32, #tpu.memory_space<hbm>>) dst(%dma_wait3A_614 : memref<80xi32, #tpu.memory_space<vmem>>)
        %dma_wait3A_617 = arith.constant 1 : i32
        %dma_wait3A_618 = arith.constant 0 : i32
        %dma_wait3A_619 = tpu.memref_slice %arg15[%dma_wait3A_617, %dma_wait3A_618] : memref<2x80xi32, #tpu.memory_space<vmem>> -> memref<1x80xi32, #tpu.memory_space<vmem>>
        %dma_wait3A_620 = tpu.memref_squeeze %dma_wait3A_619 : memref<1x80xi32, #tpu.memory_space<vmem>> -> memref<80xi32, #tpu.memory_space<vmem>>
        %dma_wait3A_621 = arith.constant 0 : i32
        %dma_wait3A_622 = tpu.memref_slice %arg4[%dma_wait3A_621] : memref<322560xi32, #tpu.memory_space<hbm>> -> memref<80xi32, #tpu.memory_space<hbm>>
        %dma_wait3A_623 = arith.constant 0 : i32
        %dma_wait3A_624 = tpu.memref_slice %arg15[%dma_wait3A_617, %dma_wait3A_623] : memref<2x80xi32, #tpu.memory_space<vmem>> -> memref<1x80xi32, #tpu.memory_space<vmem>>
        %dma_wait3A_625 = tpu.memref_squeeze %dma_wait3A_624 : memref<1x80xi32, #tpu.memory_space<vmem>> -> memref<80xi32, #tpu.memory_space<vmem>>
        %dma_wait3A_626 = arith.constant 0 : i32
        %dma_wait3A_627 = tpu.memref_slice %arg4[%dma_wait3A_626] : memref<322560xi32, #tpu.memory_space<hbm>> -> memref<80xi32, #tpu.memory_space<hbm>>
        tpu.wait_dma2 semaphore(%arg27 : memref<!tpu.dma_semaphore, #tpu.memory_space<semaphore_mem>>) src(%dma_wait3A_627 : memref<80xi32, #tpu.memory_space<hbm>>) dst(%dma_wait3A_625 : memref<80xi32, #tpu.memory_space<vmem>>)
        %dma_start3A_628 = arith.constant 0 : i32
        %dma_start3A_629 = arith.constant 0 : i32
        %dma_start3A_630 = tpu.memref_slice %arg15[%dma_start3A_628, %dma_start3A_629] : memref<2x80xi32, #tpu.memory_space<vmem>> -> memref<1x80xi32, #tpu.memory_space<vmem>>
        %dma_start3A_631 = tpu.memref_squeeze %dma_start3A_630 : memref<1x80xi32, #tpu.memory_space<vmem>> -> memref<80xi32, #tpu.memory_space<vmem>>
        %dma_start3A_632 = arith.constant 0 : i32
        %dma_start3A_633 = arith.constant 0 : i32
        %dma_start3A_634 = tpu.memref_slice %arg8[%dma_start3A_632, %dma_start3A_633] : memref<10000x128xf32, #tpu.memory_space<hbm>> -> memref<10000x128xf32, #tpu.memory_space<hbm>>
        tpu.enqueue_indirect_dma source(%dma_start3A_634 : memref<10000x128xf32, #tpu.memory_space<hbm>>) target(%arg21 : memref<80x128xf32, #tpu.memory_space<vmem>>) offsets(%dma_start3A_631 : memref<80xi32, #tpu.memory_space<vmem>>) semaphore(%arg23 : memref<!tpu.dma_semaphore, #tpu.memory_space<semaphore_mem>>)
      } else {
      }
      %dma_wait3A_586 = arith.constant 0 : i32
      %dma_wait3A_587 = arith.constant 0 : i32
      %dma_wait3A_588 = tpu.memref_slice %arg10[%dma_wait3A_586, %dma_wait3A_587] : memref<10240x128xf32, #tpu.memory_space<hbm>> -> memref<80x128xf32, #tpu.memory_space<hbm>>
      %dma_wait3A_589 = arith.constant 0 : i32
      %dma_wait3A_590 = arith.constant 0 : i32
      %dma_wait3A_591 = tpu.memref_slice %arg10[%dma_wait3A_589, %dma_wait3A_590] : memref<10240x128xf32, #tpu.memory_space<hbm>> -> memref<80x128xf32, #tpu.memory_space<hbm>>
      tpu.wait_dma2 semaphore(%arg24 : memref<!tpu.dma_semaphore, #tpu.memory_space<semaphore_mem>>) src(%dma_wait3A_591 : memref<80x128xf32, #tpu.memory_space<hbm>>) dst(%arg22 : memref<80x128xf32, #tpu.memory_space<vmem>>)
      %dma_start3A_592 = arith.constant 1 : i32
      %dma_start3A_593 = arith.constant 0 : i32
      %dma_start3A_594 = tpu.memref_slice %arg20[%dma_start3A_592, %dma_start3A_593] : memref<2x80xi32, #tpu.memory_space<vmem>> -> memref<1x80xi32, #tpu.memory_space<vmem>>
      %dma_start3A_595 = tpu.memref_squeeze %dma_start3A_594 : memref<1x80xi32, #tpu.memory_space<vmem>> -> memref<80xi32, #tpu.memory_space<vmem>>
      %dma_start3A_596 = arith.constant 0 : i32
      %dma_start3A_597 = arith.constant 0 : i32
      %dma_start3A_598 = tpu.memref_slice %arg14[%dma_start3A_596, %dma_start3A_597] : memref<10240x128xf32, #tpu.memory_space<vmem_shared>> -> memref<10240x128xf32, #tpu.memory_space<vmem_shared>>
      tpu.enqueue_indirect_dma source(%arg22 : memref<80x128xf32, #tpu.memory_space<vmem>>) target(%dma_start3A_598 : memref<10240x128xf32, #tpu.memory_space<vmem_shared>>) offsets(%dma_start3A_595 : memref<80xi32, #tpu.memory_space<vmem>>) semaphore(%arg26 : memref<!tpu.dma_semaphore, #tpu.memory_space<semaphore_mem>>) {add = true}
      %add3A_599 = arith.constant 2 : i32
      %add3A_600 = arith.addi %add3A_573, %add3A_599 : i32
      %lt3A_601 = arith.constant 126 : i32
      %lt3A_602 = arith.cmpi slt, %add3A_600, %lt3A_601 : i32
      %convert_element_type3A_603 = arith.extui %lt3A_602 : i1 to i32
      %cond3A_604 = arith.constant 0 : i32
      %cond3A_605 = arith.cmpi ne, %convert_element_type3A_603, %cond3A_604 : i32
      scf.if %cond3A_605 {
        %add3A_606 = arith.constant 2 : i32
        %add3A_607 = arith.addi %add3A_573, %add3A_606 : i32
        %mul3A_608 = arith.constant 80 : i32
        %mul3A_609 = arith.muli %add3A_607, %mul3A_608 : i32
        %add3A_610 = arith.addi %mul3A_151, %mul3A_609 : i32
        %multiple_of3A_611 = tpu.assume_multiple %add3A_610, 8 : i32
        %dma_start3A_612 = arith.constant 0 : i32
        %dma_start3A_613 = arith.constant 0 : i32
        %dma_start3A_614 = tpu.memref_slice %arg16[%dma_start3A_612, %dma_start3A_613] : memref<2x80xi32, #tpu.memory_space<vmem>> -> memref<1x80xi32, #tpu.memory_space<vmem>>
        %dma_start3A_615 = tpu.memref_squeeze %dma_start3A_614 : memref<1x80xi32, #tpu.memory_space<vmem>> -> memref<80xi32, #tpu.memory_space<vmem>>
        %dma_start3A_616 = tpu.memref_slice %arg4[%multiple_of3A_611] : memref<322560xi32, #tpu.memory_space<hbm>> -> memref<80xi32, #tpu.memory_space<hbm>>
        %dma_start3A_617 = arith.constant 0 : i32
        %dma_start3A_618 = tpu.memref_slice %arg16[%dma_start3A_612, %dma_start3A_617] : memref<2x80xi32, #tpu.memory_space<vmem>> -> memref<1x80xi32, #tpu.memory_space<vmem>>
        %dma_start3A_619 = tpu.memref_squeeze %dma_start3A_618 : memref<1x80xi32, #tpu.memory_space<vmem>> -> memref<80xi32, #tpu.memory_space<vmem>>
        %dma_start3A_620 = tpu.memref_slice %arg4[%multiple_of3A_611] : memref<322560xi32, #tpu.memory_space<hbm>> -> memref<80xi32, #tpu.memory_space<hbm>>
        tpu.enqueue_dma source(%dma_start3A_620 : memref<80xi32, #tpu.memory_space<hbm>>) target(%dma_start3A_619 : memref<80xi32, #tpu.memory_space<vmem>>) target_semaphore(%arg28 : memref<!tpu.dma_semaphore, #tpu.memory_space<semaphore_mem>>)
        %dma_start3A_621 = arith.constant 1 : i32
        %dma_start3A_622 = arith.constant 0 : i32
        %dma_start3A_623 = tpu.memref_slice %arg16[%dma_start3A_621, %dma_start3A_622] : memref<2x80xi32, #tpu.memory_space<vmem>> -> memref<1x80xi32, #tpu.memory_space<vmem>>
        %dma_start3A_624 = tpu.memref_squeeze %dma_start3A_623 : memref<1x80xi32, #tpu.memory_space<vmem>> -> memref<80xi32, #tpu.memory_space<vmem>>
        %dma_start3A_625 = tpu.memref_slice %arg5[%multiple_of3A_611] : memref<322560xi32, #tpu.memory_space<hbm>> -> memref<80xi32, #tpu.memory_space<hbm>>
        %dma_start3A_626 = arith.constant 0 : i32
        %dma_start3A_627 = tpu.memref_slice %arg16[%dma_start3A_621, %dma_start3A_626] : memref<2x80xi32, #tpu.memory_space<vmem>> -> memref<1x80xi32, #tpu.memory_space<vmem>>
        %dma_start3A_628 = tpu.memref_squeeze %dma_start3A_627 : memref<1x80xi32, #tpu.memory_space<vmem>> -> memref<80xi32, #tpu.memory_space<vmem>>
        %dma_start3A_629 = tpu.memref_slice %arg5[%multiple_of3A_611] : memref<322560xi32, #tpu.memory_space<hbm>> -> memref<80xi32, #tpu.memory_space<hbm>>
        tpu.enqueue_dma source(%dma_start3A_629 : memref<80xi32, #tpu.memory_space<hbm>>) target(%dma_start3A_628 : memref<80xi32, #tpu.memory_space<vmem>>) target_semaphore(%arg28 : memref<!tpu.dma_semaphore, #tpu.memory_space<semaphore_mem>>)
      } else {
      }
    }
    %scan3A_228 = arith.constant 21 : i32
    %dma_wait3A_229 = arith.constant 0 : i32
    %dma_wait3A_230 = arith.constant 0 : i32
    %dma_wait3A_231 = tpu.memref_slice %arg10[%dma_wait3A_229, %dma_wait3A_230] : memref<10240x128xf32, #tpu.memory_space<hbm>> -> memref<80x128xf32, #tpu.memory_space<hbm>>
    %dma_wait3A_232 = arith.constant 0 : i32
    %dma_wait3A_233 = arith.constant 0 : i32
    %dma_wait3A_234 = tpu.memref_slice %arg10[%dma_wait3A_232, %dma_wait3A_233] : memref<10240x128xf32, #tpu.memory_space<hbm>> -> memref<80x128xf32, #tpu.memory_space<hbm>>
    tpu.wait_dma2 semaphore(%arg26 : memref<!tpu.dma_semaphore, #tpu.memory_space<semaphore_mem>>) src(%dma_wait3A_234 : memref<80x128xf32, #tpu.memory_space<hbm>>) dst(%arg22 : memref<80x128xf32, #tpu.memory_space<vmem>>)
    %barrier3A_235 = arith.constant 0 : index
    tpu.barrier barrier_id(%barrier3A_235)
    %add3A_236 = arith.constant 0 : i32
    %add3A_237 = arith.addi %mul3A_2, %add3A_236 : i32
    "tpu.region"() ({
      %run_scoped3A = tpu.sem_alloc : memref<!tpu.dma_semaphore, #tpu.memory_space<semaphore_mem>>
      %dma_start3A_403 = arith.constant 0 : i32
      %dma_start3A_404 = tpu.memref_slice %arg14[%add3A_237, %dma_start3A_403] : memref<10240x128xf32, #tpu.memory_space<vmem_shared>> -> memref<80x128xf32, #tpu.memory_space<vmem_shared>>
      %dma_start3A_405 = arith.constant 0 : i32
      %dma_start3A_406 = tpu.memref_slice %arg14[%add3A_237, %dma_start3A_405] : memref<10240x128xf32, #tpu.memory_space<vmem_shared>> -> memref<80x128xf32, #tpu.memory_space<vmem_shared>>
      tpu.enqueue_dma source(%dma_start3A_406 : memref<80x128xf32, #tpu.memory_space<vmem_shared>>) target(%arg21 : memref<80x128xf32, #tpu.memory_space<vmem>>) target_semaphore(%run_scoped3A : memref<!tpu.dma_semaphore, #tpu.memory_space<semaphore_mem>>)
      %dma_wait3A_407 = arith.constant 0 : i32
      %dma_wait3A_408 = tpu.memref_slice %arg14[%add3A_237, %dma_wait3A_407] : memref<10240x128xf32, #tpu.memory_space<vmem_shared>> -> memref<80x128xf32, #tpu.memory_space<vmem_shared>>
      %dma_wait3A_409 = arith.constant 0 : i32
      %dma_wait3A_410 = tpu.memref_slice %arg14[%add3A_237, %dma_wait3A_409] : memref<10240x128xf32, #tpu.memory_space<vmem_shared>> -> memref<80x128xf32, #tpu.memory_space<vmem_shared>>
      tpu.wait_dma2 semaphore(%run_scoped3A : memref<!tpu.dma_semaphore, #tpu.memory_space<semaphore_mem>>) src(%dma_wait3A_410 : memref<80x128xf32, #tpu.memory_space<vmem_shared>>) dst(%arg21 : memref<80x128xf32, #tpu.memory_space<vmem>>)
      tpu.yield
    }) : () -> ()
    %add3A_238 = arith.constant 0 : i32
    %add3A_239 = arith.addi %mul3A_2, %add3A_238 : i32
    "tpu.region"() ({
      %run_scoped3A = tpu.sem_alloc : memref<!tpu.dma_semaphore, #tpu.memory_space<semaphore_mem>>
      %dma_start3A_403 = arith.constant 0 : i32
      %dma_start3A_404 = tpu.memref_slice %arg12[%arg0, %add3A_239, %dma_start3A_403] : memref<2x10240x128xf32, #tpu.memory_space<hbm>> -> memref<1x80x128xf32, #tpu.memory_space<hbm>>
      %dma_start3A_405 = tpu.memref_squeeze %dma_start3A_404 : memref<1x80x128xf32, #tpu.memory_space<hbm>> -> memref<80x128xf32, #tpu.memory_space<hbm>>
      %dma_start3A_406 = arith.constant 0 : i32
      %dma_start3A_407 = tpu.memref_slice %arg12[%arg0, %add3A_239, %dma_start3A_406] : memref<2x10240x128xf32, #tpu.memory_space<hbm>> -> memref<1x80x128xf32, #tpu.memory_space<hbm>>
      %dma_start3A_408 = tpu.memref_squeeze %dma_start3A_407 : memref<1x80x128xf32, #tpu.memory_space<hbm>> -> memref<80x128xf32, #tpu.memory_space<hbm>>
      tpu.enqueue_dma source(%arg21 : memref<80x128xf32, #tpu.memory_space<vmem>>) target(%dma_start3A_408 : memref<80x128xf32, #tpu.memory_space<hbm>>) target_semaphore(%run_scoped3A : memref<!tpu.dma_semaphore, #tpu.memory_space<semaphore_mem>>)
      %dma_wait3A_409 = arith.constant 0 : i32
      %dma_wait3A_410 = tpu.memref_slice %arg12[%arg0, %add3A_239, %dma_wait3A_409] : memref<2x10240x128xf32, #tpu.memory_space<hbm>> -> memref<1x80x128xf32, #tpu.memory_space<hbm>>
      %dma_wait3A_411 = tpu.memref_squeeze %dma_wait3A_410 : memref<1x80x128xf32, #tpu.memory_space<hbm>> -> memref<80x128xf32, #tpu.memory_space<hbm>>
      %dma_wait3A_412 = arith.constant 0 : i32
      %dma_wait3A_413 = tpu.memref_slice %arg12[%arg0, %add3A_239, %dma_wait3A_412] : memref<2x10240x128xf32, #tpu.memory_space<hbm>> -> memref<1x80x128xf32, #tpu.memory_space<hbm>>
      %dma_wait3A_414 = tpu.memref_squeeze %dma_wait3A_413 : memref<1x80x128xf32, #tpu.memory_space<hbm>> -> memref<80x128xf32, #tpu.memory_space<hbm>>
      tpu.wait_dma2 semaphore(%run_scoped3A : memref<!tpu.dma_semaphore, #tpu.memory_space<semaphore_mem>>) src(%arg21 : memref<80x128xf32, #tpu.memory_space<vmem>>) dst(%dma_wait3A_414 : memref<80x128xf32, #tpu.memory_space<hbm>>)
      tpu.yield
    }) : () -> ()
    %add3A_240 = arith.constant 80 : i32
    %add3A_241 = arith.addi %mul3A_2, %add3A_240 : i32
    "tpu.region"() ({
      %run_scoped3A = tpu.sem_alloc : memref<!tpu.dma_semaphore, #tpu.memory_space<semaphore_mem>>
      %dma_start3A_403 = arith.constant 0 : i32
      %dma_start3A_404 = tpu.memref_slice %arg14[%add3A_241, %dma_start3A_403] : memref<10240x128xf32, #tpu.memory_space<vmem_shared>> -> memref<80x128xf32, #tpu.memory_space<vmem_shared>>
      %dma_start3A_405 = arith.constant 0 : i32
      %dma_start3A_406 = tpu.memref_slice %arg14[%add3A_241, %dma_start3A_405] : memref<10240x128xf32, #tpu.memory_space<vmem_shared>> -> memref<80x128xf32, #tpu.memory_space<vmem_shared>>
      tpu.enqueue_dma source(%dma_start3A_406 : memref<80x128xf32, #tpu.memory_space<vmem_shared>>) target(%arg21 : memref<80x128xf32, #tpu.memory_space<vmem>>) target_semaphore(%run_scoped3A : memref<!tpu.dma_semaphore, #tpu.memory_space<semaphore_mem>>)
      %dma_wait3A_407 = arith.constant 0 : i32
      %dma_wait3A_408 = tpu.memref_slice %arg14[%add3A_241, %dma_wait3A_407] : memref<10240x128xf32, #tpu.memory_space<vmem_shared>> -> memref<80x128xf32, #tpu.memory_space<vmem_shared>>
      %dma_wait3A_409 = arith.constant 0 : i32
      %dma_wait3A_410 = tpu.memref_slice %arg14[%add3A_241, %dma_wait3A_409] : memref<10240x128xf32, #tpu.memory_space<vmem_shared>> -> memref<80x128xf32, #tpu.memory_space<vmem_shared>>
      tpu.wait_dma2 semaphore(%run_scoped3A : memref<!tpu.dma_semaphore, #tpu.memory_space<semaphore_mem>>) src(%dma_wait3A_410 : memref<80x128xf32, #tpu.memory_space<vmem_shared>>) dst(%arg21 : memref<80x128xf32, #tpu.memory_space<vmem>>)
      tpu.yield
    }) : () -> ()
    %add3A_242 = arith.constant 80 : i32
    %add3A_243 = arith.addi %mul3A_2, %add3A_242 : i32
    "tpu.region"() ({
      %run_scoped3A = tpu.sem_alloc : memref<!tpu.dma_semaphore, #tpu.memory_space<semaphore_mem>>
      %dma_start3A_403 = arith.constant 0 : i32
      %dma_start3A_404 = tpu.memref_slice %arg12[%arg0, %add3A_243, %dma_start3A_403] : memref<2x10240x128xf32, #tpu.memory_space<hbm>> -> memref<1x80x128xf32, #tpu.memory_space<hbm>>
      %dma_start3A_405 = tpu.memref_squeeze %dma_start3A_404 : memref<1x80x128xf32, #tpu.memory_space<hbm>> -> memref<80x128xf32, #tpu.memory_space<hbm>>
      %dma_start3A_406 = arith.constant 0 : i32
      %dma_start3A_407 = tpu.memref_slice %arg12[%arg0, %add3A_243, %dma_start3A_406] : memref<2x10240x128xf32, #tpu.memory_space<hbm>> -> memref<1x80x128xf32, #tpu.memory_space<hbm>>
      %dma_start3A_408 = tpu.memref_squeeze %dma_start3A_407 : memref<1x80x128xf32, #tpu.memory_space<hbm>> -> memref<80x128xf32, #tpu.memory_space<hbm>>
      tpu.enqueue_dma source(%arg21 : memref<80x128xf32, #tpu.memory_space<vmem>>) target(%dma_start3A_408 : memref<80x128xf32, #tpu.memory_space<hbm>>) target_semaphore(%run_scoped3A : memref<!tpu.dma_semaphore, #tpu.memory_space<semaphore_mem>>)
      %dma_wait3A_409 = arith.constant 0 : i32
      %dma_wait3A_410 = tpu.memref_slice %arg12[%arg0, %add3A_243, %dma_wait3A_409] : memref<2x10240x128xf32, #tpu.memory_space<hbm>> -> memref<1x80x128xf32, #tpu.memory_space<hbm>>
      %dma_wait3A_411 = tpu.memref_squeeze %dma_wait3A_410 : memref<1x80x128xf32, #tpu.memory_space<hbm>> -> memref<80x128xf32, #tpu.memory_space<hbm>>
      %dma_wait3A_412 = arith.constant 0 : i32
      %dma_wait3A_413 = tpu.memref_slice %arg12[%arg0, %add3A_243, %dma_wait3A_412] : memref<2x10240x128xf32, #tpu.memory_space<hbm>> -> memref<1x80x128xf32, #tpu.memory_space<hbm>>
      %dma_wait3A_414 = tpu.memref_squeeze %dma_wait3A_413 : memref<1x80x128xf32, #tpu.memory_space<hbm>> -> memref<80x128xf32, #tpu.memory_space<hbm>>
      tpu.wait_dma2 semaphore(%run_scoped3A : memref<!tpu.dma_semaphore, #tpu.memory_space<semaphore_mem>>) src(%arg21 : memref<80x128xf32, #tpu.memory_space<vmem>>) dst(%dma_wait3A_414 : memref<80x128xf32, #tpu.memory_space<hbm>>)
      tpu.yield
    }) : () -> ()
    %add3A_244 = arith.constant 160 : i32
    %add3A_245 = arith.addi %mul3A_2, %add3A_244 : i32
    "tpu.region"() ({
      %run_scoped3A = tpu.sem_alloc : memref<!tpu.dma_semaphore, #tpu.memory_space<semaphore_mem>>
      %dma_start3A_403 = arith.constant 0 : i32
      %dma_start3A_404 = tpu.memref_slice %arg14[%add3A_245, %dma_start3A_403] : memref<10240x128xf32, #tpu.memory_space<vmem_shared>> -> memref<80x128xf32, #tpu.memory_space<vmem_shared>>
      %dma_start3A_405 = arith.constant 0 : i32
      %dma_start3A_406 = tpu.memref_slice %arg14[%add3A_245, %dma_start3A_405] : memref<10240x128xf32, #tpu.memory_space<vmem_shared>> -> memref<80x128xf32, #tpu.memory_space<vmem_shared>>
      tpu.enqueue_dma source(%dma_start3A_406 : memref<80x128xf32, #tpu.memory_space<vmem_shared>>) target(%arg21 : memref<80x128xf32, #tpu.memory_space<vmem>>) target_semaphore(%run_scoped3A : memref<!tpu.dma_semaphore, #tpu.memory_space<semaphore_mem>>)
      %dma_wait3A_407 = arith.constant 0 : i32
      %dma_wait3A_408 = tpu.memref_slice %arg14[%add3A_245, %dma_wait3A_407] : memref<10240x128xf32, #tpu.memory_space<vmem_shared>> -> memref<80x128xf32, #tpu.memory_space<vmem_shared>>
      %dma_wait3A_409 = arith.constant 0 : i32
      %dma_wait3A_410 = tpu.memref_slice %arg14[%add3A_245, %dma_wait3A_409] : memref<10240x128xf32, #tpu.memory_space<vmem_shared>> -> memref<80x128xf32, #tpu.memory_space<vmem_shared>>
      tpu.wait_dma2 semaphore(%run_scoped3A : memref<!tpu.dma_semaphore, #tpu.memory_space<semaphore_mem>>) src(%dma_wait3A_410 : memref<80x128xf32, #tpu.memory_space<vmem_shared>>) dst(%arg21 : memref<80x128xf32, #tpu.memory_space<vmem>>)
      tpu.yield
    }) : () -> ()
    %add3A_246 = arith.constant 160 : i32
    %add3A_247 = arith.addi %mul3A_2, %add3A_246 : i32
    "tpu.region"() ({
      %run_scoped3A = tpu.sem_alloc : memref<!tpu.dma_semaphore, #tpu.memory_space<semaphore_mem>>
      %dma_start3A_403 = arith.constant 0 : i32
      %dma_start3A_404 = tpu.memref_slice %arg12[%arg0, %add3A_247, %dma_start3A_403] : memref<2x10240x128xf32, #tpu.memory_space<hbm>> -> memref<1x80x128xf32, #tpu.memory_space<hbm>>
      %dma_start3A_405 = tpu.memref_squeeze %dma_start3A_404 : memref<1x80x128xf32, #tpu.memory_space<hbm>> -> memref<80x128xf32, #tpu.memory_space<hbm>>
      %dma_start3A_406 = arith.constant 0 : i32
      %dma_start3A_407 = tpu.memref_slice %arg12[%arg0, %add3A_247, %dma_start3A_406] : memref<2x10240x128xf32, #tpu.memory_space<hbm>> -> memref<1x80x128xf32, #tpu.memory_space<hbm>>
      %dma_start3A_408 = tpu.memref_squeeze %dma_start3A_407 : memref<1x80x128xf32, #tpu.memory_space<hbm>> -> memref<80x128xf32, #tpu.memory_space<hbm>>
      tpu.enqueue_dma source(%arg21 : memref<80x128xf32, #tpu.memory_space<vmem>>) target(%dma_start3A_408 : memref<80x128xf32, #tpu.memory_space<hbm>>) target_semaphore(%run_scoped3A : memref<!tpu.dma_semaphore, #tpu.memory_space<semaphore_mem>>)
      %dma_wait3A_409 = arith.constant 0 : i32
      %dma_wait3A_410 = tpu.memref_slice %arg12[%arg0, %add3A_247, %dma_wait3A_409] : memref<2x10240x128xf32, #tpu.memory_space<hbm>> -> memref<1x80x128xf32, #tpu.memory_space<hbm>>
      %dma_wait3A_411 = tpu.memref_squeeze %dma_wait3A_410 : memref<1x80x128xf32, #tpu.memory_space<hbm>> -> memref<80x128xf32, #tpu.memory_space<hbm>>
      %dma_wait3A_412 = arith.constant 0 : i32
      %dma_wait3A_413 = tpu.memref_slice %arg12[%arg0, %add3A_247, %dma_wait3A_412] : memref<2x10240x128xf32, #tpu.memory_space<hbm>> -> memref<1x80x128xf32, #tpu.memory_space<hbm>>
      %dma_wait3A_414 = tpu.memref_squeeze %dma_wait3A_413 : memref<1x80x128xf32, #tpu.memory_space<hbm>> -> memref<80x128xf32, #tpu.memory_space<hbm>>
      tpu.wait_dma2 semaphore(%run_scoped3A : memref<!tpu.dma_semaphore, #tpu.memory_space<semaphore_mem>>) src(%arg21 : memref<80x128xf32, #tpu.memory_space<vmem>>) dst(%dma_wait3A_414 : memref<80x128xf32, #tpu.memory_space<hbm>>)
      tpu.yield
    }) : () -> ()
    %add3A_248 = arith.constant 240 : i32
    %add3A_249 = arith.addi %mul3A_2, %add3A_248 : i32
    "tpu.region"() ({
      %run_scoped3A = tpu.sem_alloc : memref<!tpu.dma_semaphore, #tpu.memory_space<semaphore_mem>>
      %dma_start3A_403 = arith.constant 0 : i32
      %dma_start3A_404 = tpu.memref_slice %arg14[%add3A_249, %dma_start3A_403] : memref<10240x128xf32, #tpu.memory_space<vmem_shared>> -> memref<80x128xf32, #tpu.memory_space<vmem_shared>>
      %dma_start3A_405 = arith.constant 0 : i32
      %dma_start3A_406 = tpu.memref_slice %arg14[%add3A_249, %dma_start3A_405] : memref<10240x128xf32, #tpu.memory_space<vmem_shared>> -> memref<80x128xf32, #tpu.memory_space<vmem_shared>>
      tpu.enqueue_dma source(%dma_start3A_406 : memref<80x128xf32, #tpu.memory_space<vmem_shared>>) target(%arg21 : memref<80x128xf32, #tpu.memory_space<vmem>>) target_semaphore(%run_scoped3A : memref<!tpu.dma_semaphore, #tpu.memory_space<semaphore_mem>>)
      %dma_wait3A_407 = arith.constant 0 : i32
      %dma_wait3A_408 = tpu.memref_slice %arg14[%add3A_249, %dma_wait3A_407] : memref<10240x128xf32, #tpu.memory_space<vmem_shared>> -> memref<80x128xf32, #tpu.memory_space<vmem_shared>>
      %dma_wait3A_409 = arith.constant 0 : i32
      %dma_wait3A_410 = tpu.memref_slice %arg14[%add3A_249, %dma_wait3A_409] : memref<10240x128xf32, #tpu.memory_space<vmem_shared>> -> memref<80x128xf32, #tpu.memory_space<vmem_shared>>
      tpu.wait_dma2 semaphore(%run_scoped3A : memref<!tpu.dma_semaphore, #tpu.memory_space<semaphore_mem>>) src(%dma_wait3A_410 : memref<80x128xf32, #tpu.memory_space<vmem_shared>>) dst(%arg21 : memref<80x128xf32, #tpu.memory_space<vmem>>)
      tpu.yield
    }) : () -> ()
    %add3A_250 = arith.constant 240 : i32
    %add3A_251 = arith.addi %mul3A_2, %add3A_250 : i32
    "tpu.region"() ({
      %run_scoped3A = tpu.sem_alloc : memref<!tpu.dma_semaphore, #tpu.memory_space<semaphore_mem>>
      %dma_start3A_403 = arith.constant 0 : i32
      %dma_start3A_404 = tpu.memref_slice %arg12[%arg0, %add3A_251, %dma_start3A_403] : memref<2x10240x128xf32, #tpu.memory_space<hbm>> -> memref<1x80x128xf32, #tpu.memory_space<hbm>>
      %dma_start3A_405 = tpu.memref_squeeze %dma_start3A_404 : memref<1x80x128xf32, #tpu.memory_space<hbm>> -> memref<80x128xf32, #tpu.memory_space<hbm>>
      %dma_start3A_406 = arith.constant 0 : i32
      %dma_start3A_407 = tpu.memref_slice %arg12[%arg0, %add3A_251, %dma_start3A_406] : memref<2x10240x128xf32, #tpu.memory_space<hbm>> -> memref<1x80x128xf32, #tpu.memory_space<hbm>>
      %dma_start3A_408 = tpu.memref_squeeze %dma_start3A_407 : memref<1x80x128xf32, #tpu.memory_space<hbm>> -> memref<80x128xf32, #tpu.memory_space<hbm>>
      tpu.enqueue_dma source(%arg21 : memref<80x128xf32, #tpu.memory_space<vmem>>) target(%dma_start3A_408 : memref<80x128xf32, #tpu.memory_space<hbm>>) target_semaphore(%run_scoped3A : memref<!tpu.dma_semaphore, #tpu.memory_space<semaphore_mem>>)
      %dma_wait3A_409 = arith.constant 0 : i32
      %dma_wait3A_410 = tpu.memref_slice %arg12[%arg0, %add3A_251, %dma_wait3A_409] : memref<2x10240x128xf32, #tpu.memory_space<hbm>> -> memref<1x80x128xf32, #tpu.memory_space<hbm>>
      %dma_wait3A_411 = tpu.memref_squeeze %dma_wait3A_410 : memref<1x80x128xf32, #tpu.memory_space<hbm>> -> memref<80x128xf32, #tpu.memory_space<hbm>>
      %dma_wait3A_412 = arith.constant 0 : i32
      %dma_wait3A_413 = tpu.memref_slice %arg12[%arg0, %add3A_251, %dma_wait3A_412] : memref<2x10240x128xf32, #tpu.memory_space<hbm>> -> memref<1x80x128xf32, #tpu.memory_space<hbm>>
      %dma_wait3A_414 = tpu.memref_squeeze %dma_wait3A_413 : memref<1x80x128xf32, #tpu.memory_space<hbm>> -> memref<80x128xf32, #tpu.memory_space<hbm>>
      tpu.wait_dma2 semaphore(%run_scoped3A : memref<!tpu.dma_semaphore, #tpu.memory_space<semaphore_mem>>) src(%arg21 : memref<80x128xf32, #tpu.memory_space<vmem>>) dst(%dma_wait3A_414 : memref<80x128xf32, #tpu.memory_space<hbm>>)
      tpu.yield
    }) : () -> ()
    %add3A_252 = arith.constant 320 : i32
    %add3A_253 = arith.addi %mul3A_2, %add3A_252 : i32
    "tpu.region"() ({
      %run_scoped3A = tpu.sem_alloc : memref<!tpu.dma_semaphore, #tpu.memory_space<semaphore_mem>>
      %dma_start3A_403 = arith.constant 0 : i32
      %dma_start3A_404 = tpu.memref_slice %arg14[%add3A_253, %dma_start3A_403] : memref<10240x128xf32, #tpu.memory_space<vmem_shared>> -> memref<80x128xf32, #tpu.memory_space<vmem_shared>>
      %dma_start3A_405 = arith.constant 0 : i32
      %dma_start3A_406 = tpu.memref_slice %arg14[%add3A_253, %dma_start3A_405] : memref<10240x128xf32, #tpu.memory_space<vmem_shared>> -> memref<80x128xf32, #tpu.memory_space<vmem_shared>>
      tpu.enqueue_dma source(%dma_start3A_406 : memref<80x128xf32, #tpu.memory_space<vmem_shared>>) target(%arg21 : memref<80x128xf32, #tpu.memory_space<vmem>>) target_semaphore(%run_scoped3A : memref<!tpu.dma_semaphore, #tpu.memory_space<semaphore_mem>>)
      %dma_wait3A_407 = arith.constant 0 : i32
      %dma_wait3A_408 = tpu.memref_slice %arg14[%add3A_253, %dma_wait3A_407] : memref<10240x128xf32, #tpu.memory_space<vmem_shared>> -> memref<80x128xf32, #tpu.memory_space<vmem_shared>>
      %dma_wait3A_409 = arith.constant 0 : i32
      %dma_wait3A_410 = tpu.memref_slice %arg14[%add3A_253, %dma_wait3A_409] : memref<10240x128xf32, #tpu.memory_space<vmem_shared>> -> memref<80x128xf32, #tpu.memory_space<vmem_shared>>
      tpu.wait_dma2 semaphore(%run_scoped3A : memref<!tpu.dma_semaphore, #tpu.memory_space<semaphore_mem>>) src(%dma_wait3A_410 : memref<80x128xf32, #tpu.memory_space<vmem_shared>>) dst(%arg21 : memref<80x128xf32, #tpu.memory_space<vmem>>)
      tpu.yield
    }) : () -> ()
    %add3A_254 = arith.constant 320 : i32
    %add3A_255 = arith.addi %mul3A_2, %add3A_254 : i32
    "tpu.region"() ({
      %run_scoped3A = tpu.sem_alloc : memref<!tpu.dma_semaphore, #tpu.memory_space<semaphore_mem>>
      %dma_start3A_403 = arith.constant 0 : i32
      %dma_start3A_404 = tpu.memref_slice %arg12[%arg0, %add3A_255, %dma_start3A_403] : memref<2x10240x128xf32, #tpu.memory_space<hbm>> -> memref<1x80x128xf32, #tpu.memory_space<hbm>>
      %dma_start3A_405 = tpu.memref_squeeze %dma_start3A_404 : memref<1x80x128xf32, #tpu.memory_space<hbm>> -> memref<80x128xf32, #tpu.memory_space<hbm>>
      %dma_start3A_406 = arith.constant 0 : i32
      %dma_start3A_407 = tpu.memref_slice %arg12[%arg0, %add3A_255, %dma_start3A_406] : memref<2x10240x128xf32, #tpu.memory_space<hbm>> -> memref<1x80x128xf32, #tpu.memory_space<hbm>>
      %dma_start3A_408 = tpu.memref_squeeze %dma_start3A_407 : memref<1x80x128xf32, #tpu.memory_space<hbm>> -> memref<80x128xf32, #tpu.memory_space<hbm>>
      tpu.enqueue_dma source(%arg21 : memref<80x128xf32, #tpu.memory_space<vmem>>) target(%dma_start3A_408 : memref<80x128xf32, #tpu.memory_space<hbm>>) target_semaphore(%run_scoped3A : memref<!tpu.dma_semaphore, #tpu.memory_space<semaphore_mem>>)
      %dma_wait3A_409 = arith.constant 0 : i32
      %dma_wait3A_410 = tpu.memref_slice %arg12[%arg0, %add3A_255, %dma_wait3A_409] : memref<2x10240x128xf32, #tpu.memory_space<hbm>> -> memref<1x80x128xf32, #tpu.memory_space<hbm>>
      %dma_wait3A_411 = tpu.memref_squeeze %dma_wait3A_410 : memref<1x80x128xf32, #tpu.memory_space<hbm>> -> memref<80x128xf32, #tpu.memory_space<hbm>>
      %dma_wait3A_412 = arith.constant 0 : i32
      %dma_wait3A_413 = tpu.memref_slice %arg12[%arg0, %add3A_255, %dma_wait3A_412] : memref<2x10240x128xf32, #tpu.memory_space<hbm>> -> memref<1x80x128xf32, #tpu.memory_space<hbm>>
      %dma_wait3A_414 = tpu.memref_squeeze %dma_wait3A_413 : memref<1x80x128xf32, #tpu.memory_space<hbm>> -> memref<80x128xf32, #tpu.memory_space<hbm>>
      tpu.wait_dma2 semaphore(%run_scoped3A : memref<!tpu.dma_semaphore, #tpu.memory_space<semaphore_mem>>) src(%arg21 : memref<80x128xf32, #tpu.memory_space<vmem>>) dst(%dma_wait3A_414 : memref<80x128xf32, #tpu.memory_space<hbm>>)
      tpu.yield
    }) : () -> ()
    %add3A_256 = arith.constant 400 : i32
    %add3A_257 = arith.addi %mul3A_2, %add3A_256 : i32
    "tpu.region"() ({
      %run_scoped3A = tpu.sem_alloc : memref<!tpu.dma_semaphore, #tpu.memory_space<semaphore_mem>>
      %dma_start3A_403 = arith.constant 0 : i32
      %dma_start3A_404 = tpu.memref_slice %arg14[%add3A_257, %dma_start3A_403] : memref<10240x128xf32, #tpu.memory_space<vmem_shared>> -> memref<80x128xf32, #tpu.memory_space<vmem_shared>>
      %dma_start3A_405 = arith.constant 0 : i32
      %dma_start3A_406 = tpu.memref_slice %arg14[%add3A_257, %dma_start3A_405] : memref<10240x128xf32, #tpu.memory_space<vmem_shared>> -> memref<80x128xf32, #tpu.memory_space<vmem_shared>>
      tpu.enqueue_dma source(%dma_start3A_406 : memref<80x128xf32, #tpu.memory_space<vmem_shared>>) target(%arg21 : memref<80x128xf32, #tpu.memory_space<vmem>>) target_semaphore(%run_scoped3A : memref<!tpu.dma_semaphore, #tpu.memory_space<semaphore_mem>>)
      %dma_wait3A_407 = arith.constant 0 : i32
      %dma_wait3A_408 = tpu.memref_slice %arg14[%add3A_257, %dma_wait3A_407] : memref<10240x128xf32, #tpu.memory_space<vmem_shared>> -> memref<80x128xf32, #tpu.memory_space<vmem_shared>>
      %dma_wait3A_409 = arith.constant 0 : i32
      %dma_wait3A_410 = tpu.memref_slice %arg14[%add3A_257, %dma_wait3A_409] : memref<10240x128xf32, #tpu.memory_space<vmem_shared>> -> memref<80x128xf32, #tpu.memory_space<vmem_shared>>
      tpu.wait_dma2 semaphore(%run_scoped3A : memref<!tpu.dma_semaphore, #tpu.memory_space<semaphore_mem>>) src(%dma_wait3A_410 : memref<80x128xf32, #tpu.memory_space<vmem_shared>>) dst(%arg21 : memref<80x128xf32, #tpu.memory_space<vmem>>)
      tpu.yield
    }) : () -> ()
    %add3A_258 = arith.constant 400 : i32
    %add3A_259 = arith.addi %mul3A_2, %add3A_258 : i32
    "tpu.region"() ({
      %run_scoped3A = tpu.sem_alloc : memref<!tpu.dma_semaphore, #tpu.memory_space<semaphore_mem>>
      %dma_start3A_403 = arith.constant 0 : i32
      %dma_start3A_404 = tpu.memref_slice %arg12[%arg0, %add3A_259, %dma_start3A_403] : memref<2x10240x128xf32, #tpu.memory_space<hbm>> -> memref<1x80x128xf32, #tpu.memory_space<hbm>>
      %dma_start3A_405 = tpu.memref_squeeze %dma_start3A_404 : memref<1x80x128xf32, #tpu.memory_space<hbm>> -> memref<80x128xf32, #tpu.memory_space<hbm>>
      %dma_start3A_406 = arith.constant 0 : i32
      %dma_start3A_407 = tpu.memref_slice %arg12[%arg0, %add3A_259, %dma_start3A_406] : memref<2x10240x128xf32, #tpu.memory_space<hbm>> -> memref<1x80x128xf32, #tpu.memory_space<hbm>>
      %dma_start3A_408 = tpu.memref_squeeze %dma_start3A_407 : memref<1x80x128xf32, #tpu.memory_space<hbm>> -> memref<80x128xf32, #tpu.memory_space<hbm>>
      tpu.enqueue_dma source(%arg21 : memref<80x128xf32, #tpu.memory_space<vmem>>) target(%dma_start3A_408 : memref<80x128xf32, #tpu.memory_space<hbm>>) target_semaphore(%run_scoped3A : memref<!tpu.dma_semaphore, #tpu.memory_space<semaphore_mem>>)
      %dma_wait3A_409 = arith.constant 0 : i32
      %dma_wait3A_410 = tpu.memref_slice %arg12[%arg0, %add3A_259, %dma_wait3A_409] : memref<2x10240x128xf32, #tpu.memory_space<hbm>> -> memref<1x80x128xf32, #tpu.memory_space<hbm>>
      %dma_wait3A_411 = tpu.memref_squeeze %dma_wait3A_410 : memref<1x80x128xf32, #tpu.memory_space<hbm>> -> memref<80x128xf32, #tpu.memory_space<hbm>>
      %dma_wait3A_412 = arith.constant 0 : i32
      %dma_wait3A_413 = tpu.memref_slice %arg12[%arg0, %add3A_259, %dma_wait3A_412] : memref<2x10240x128xf32, #tpu.memory_space<hbm>> -> memref<1x80x128xf32, #tpu.memory_space<hbm>>
      %dma_wait3A_414 = tpu.memref_squeeze %dma_wait3A_413 : memref<1x80x128xf32, #tpu.memory_space<hbm>> -> memref<80x128xf32, #tpu.memory_space<hbm>>
      tpu.wait_dma2 semaphore(%run_scoped3A : memref<!tpu.dma_semaphore, #tpu.memory_space<semaphore_mem>>) src(%arg21 : memref<80x128xf32, #tpu.memory_space<vmem>>) dst(%dma_wait3A_414 : memref<80x128xf32, #tpu.memory_space<hbm>>)
      tpu.yield
    }) : () -> ()
    %add3A_260 = arith.constant 480 : i32
    %add3A_261 = arith.addi %mul3A_2, %add3A_260 : i32
    "tpu.region"() ({
      %run_scoped3A = tpu.sem_alloc : memref<!tpu.dma_semaphore, #tpu.memory_space<semaphore_mem>>
      %dma_start3A_403 = arith.constant 0 : i32
      %dma_start3A_404 = tpu.memref_slice %arg14[%add3A_261, %dma_start3A_403] : memref<10240x128xf32, #tpu.memory_space<vmem_shared>> -> memref<80x128xf32, #tpu.memory_space<vmem_shared>>
      %dma_start3A_405 = arith.constant 0 : i32
      %dma_start3A_406 = tpu.memref_slice %arg14[%add3A_261, %dma_start3A_405] : memref<10240x128xf32, #tpu.memory_space<vmem_shared>> -> memref<80x128xf32, #tpu.memory_space<vmem_shared>>
      tpu.enqueue_dma source(%dma_start3A_406 : memref<80x128xf32, #tpu.memory_space<vmem_shared>>) target(%arg21 : memref<80x128xf32, #tpu.memory_space<vmem>>) target_semaphore(%run_scoped3A : memref<!tpu.dma_semaphore, #tpu.memory_space<semaphore_mem>>)
      %dma_wait3A_407 = arith.constant 0 : i32
      %dma_wait3A_408 = tpu.memref_slice %arg14[%add3A_261, %dma_wait3A_407] : memref<10240x128xf32, #tpu.memory_space<vmem_shared>> -> memref<80x128xf32, #tpu.memory_space<vmem_shared>>
      %dma_wait3A_409 = arith.constant 0 : i32
      %dma_wait3A_410 = tpu.memref_slice %arg14[%add3A_261, %dma_wait3A_409] : memref<10240x128xf32, #tpu.memory_space<vmem_shared>> -> memref<80x128xf32, #tpu.memory_space<vmem_shared>>
      tpu.wait_dma2 semaphore(%run_scoped3A : memref<!tpu.dma_semaphore, #tpu.memory_space<semaphore_mem>>) src(%dma_wait3A_410 : memref<80x128xf32, #tpu.memory_space<vmem_shared>>) dst(%arg21 : memref<80x128xf32, #tpu.memory_space<vmem>>)
      tpu.yield
    }) : () -> ()
    %add3A_262 = arith.constant 480 : i32
    %add3A_263 = arith.addi %mul3A_2, %add3A_262 : i32
    "tpu.region"() ({
      %run_scoped3A = tpu.sem_alloc : memref<!tpu.dma_semaphore, #tpu.memory_space<semaphore_mem>>
      %dma_start3A_403 = arith.constant 0 : i32
      %dma_start3A_404 = tpu.memref_slice %arg12[%arg0, %add3A_263, %dma_start3A_403] : memref<2x10240x128xf32, #tpu.memory_space<hbm>> -> memref<1x80x128xf32, #tpu.memory_space<hbm>>
      %dma_start3A_405 = tpu.memref_squeeze %dma_start3A_404 : memref<1x80x128xf32, #tpu.memory_space<hbm>> -> memref<80x128xf32, #tpu.memory_space<hbm>>
      %dma_start3A_406 = arith.constant 0 : i32
      %dma_start3A_407 = tpu.memref_slice %arg12[%arg0, %add3A_263, %dma_start3A_406] : memref<2x10240x128xf32, #tpu.memory_space<hbm>> -> memref<1x80x128xf32, #tpu.memory_space<hbm>>
      %dma_start3A_408 = tpu.memref_squeeze %dma_start3A_407 : memref<1x80x128xf32, #tpu.memory_space<hbm>> -> memref<80x128xf32, #tpu.memory_space<hbm>>
      tpu.enqueue_dma source(%arg21 : memref<80x128xf32, #tpu.memory_space<vmem>>) target(%dma_start3A_408 : memref<80x128xf32, #tpu.memory_space<hbm>>) target_semaphore(%run_scoped3A : memref<!tpu.dma_semaphore, #tpu.memory_space<semaphore_mem>>)
      %dma_wait3A_409 = arith.constant 0 : i32
      %dma_wait3A_410 = tpu.memref_slice %arg12[%arg0, %add3A_263, %dma_wait3A_409] : memref<2x10240x128xf32, #tpu.memory_space<hbm>> -> memref<1x80x128xf32, #tpu.memory_space<hbm>>
      %dma_wait3A_411 = tpu.memref_squeeze %dma_wait3A_410 : memref<1x80x128xf32, #tpu.memory_space<hbm>> -> memref<80x128xf32, #tpu.memory_space<hbm>>
      %dma_wait3A_412 = arith.constant 0 : i32
      %dma_wait3A_413 = tpu.memref_slice %arg12[%arg0, %add3A_263, %dma_wait3A_412] : memref<2x10240x128xf32, #tpu.memory_space<hbm>> -> memref<1x80x128xf32, #tpu.memory_space<hbm>>
      %dma_wait3A_414 = tpu.memref_squeeze %dma_wait3A_413 : memref<1x80x128xf32, #tpu.memory_space<hbm>> -> memref<80x128xf32, #tpu.memory_space<hbm>>
      tpu.wait_dma2 semaphore(%run_scoped3A : memref<!tpu.dma_semaphore, #tpu.memory_space<semaphore_mem>>) src(%arg21 : memref<80x128xf32, #tpu.memory_space<vmem>>) dst(%dma_wait3A_414 : memref<80x128xf32, #tpu.memory_space<hbm>>)
      tpu.yield
    }) : () -> ()
    %add3A_264 = arith.constant 560 : i32
    %add3A_265 = arith.addi %mul3A_2, %add3A_264 : i32
    "tpu.region"() ({
      %run_scoped3A = tpu.sem_alloc : memref<!tpu.dma_semaphore, #tpu.memory_space<semaphore_mem>>
      %dma_start3A_403 = arith.constant 0 : i32
      %dma_start3A_404 = tpu.memref_slice %arg14[%add3A_265, %dma_start3A_403] : memref<10240x128xf32, #tpu.memory_space<vmem_shared>> -> memref<80x128xf32, #tpu.memory_space<vmem_shared>>
      %dma_start3A_405 = arith.constant 0 : i32
      %dma_start3A_406 = tpu.memref_slice %arg14[%add3A_265, %dma_start3A_405] : memref<10240x128xf32, #tpu.memory_space<vmem_shared>> -> memref<80x128xf32, #tpu.memory_space<vmem_shared>>
      tpu.enqueue_dma source(%dma_start3A_406 : memref<80x128xf32, #tpu.memory_space<vmem_shared>>) target(%arg21 : memref<80x128xf32, #tpu.memory_space<vmem>>) target_semaphore(%run_scoped3A : memref<!tpu.dma_semaphore, #tpu.memory_space<semaphore_mem>>)
      %dma_wait3A_407 = arith.constant 0 : i32
      %dma_wait3A_408 = tpu.memref_slice %arg14[%add3A_265, %dma_wait3A_407] : memref<10240x128xf32, #tpu.memory_space<vmem_shared>> -> memref<80x128xf32, #tpu.memory_space<vmem_shared>>
      %dma_wait3A_409 = arith.constant 0 : i32
      %dma_wait3A_410 = tpu.memref_slice %arg14[%add3A_265, %dma_wait3A_409] : memref<10240x128xf32, #tpu.memory_space<vmem_shared>> -> memref<80x128xf32, #tpu.memory_space<vmem_shared>>
      tpu.wait_dma2 semaphore(%run_scoped3A : memref<!tpu.dma_semaphore, #tpu.memory_space<semaphore_mem>>) src(%dma_wait3A_410 : memref<80x128xf32, #tpu.memory_space<vmem_shared>>) dst(%arg21 : memref<80x128xf32, #tpu.memory_space<vmem>>)
      tpu.yield
    }) : () -> ()
    %add3A_266 = arith.constant 560 : i32
    %add3A_267 = arith.addi %mul3A_2, %add3A_266 : i32
    "tpu.region"() ({
      %run_scoped3A = tpu.sem_alloc : memref<!tpu.dma_semaphore, #tpu.memory_space<semaphore_mem>>
      %dma_start3A_403 = arith.constant 0 : i32
      %dma_start3A_404 = tpu.memref_slice %arg12[%arg0, %add3A_267, %dma_start3A_403] : memref<2x10240x128xf32, #tpu.memory_space<hbm>> -> memref<1x80x128xf32, #tpu.memory_space<hbm>>
      %dma_start3A_405 = tpu.memref_squeeze %dma_start3A_404 : memref<1x80x128xf32, #tpu.memory_space<hbm>> -> memref<80x128xf32, #tpu.memory_space<hbm>>
      %dma_start3A_406 = arith.constant 0 : i32
      %dma_start3A_407 = tpu.memref_slice %arg12[%arg0, %add3A_267, %dma_start3A_406] : memref<2x10240x128xf32, #tpu.memory_space<hbm>> -> memref<1x80x128xf32, #tpu.memory_space<hbm>>
      %dma_start3A_408 = tpu.memref_squeeze %dma_start3A_407 : memref<1x80x128xf32, #tpu.memory_space<hbm>> -> memref<80x128xf32, #tpu.memory_space<hbm>>
      tpu.enqueue_dma source(%arg21 : memref<80x128xf32, #tpu.memory_space<vmem>>) target(%dma_start3A_408 : memref<80x128xf32, #tpu.memory_space<hbm>>) target_semaphore(%run_scoped3A : memref<!tpu.dma_semaphore, #tpu.memory_space<semaphore_mem>>)
      %dma_wait3A_409 = arith.constant 0 : i32
      %dma_wait3A_410 = tpu.memref_slice %arg12[%arg0, %add3A_267, %dma_wait3A_409] : memref<2x10240x128xf32, #tpu.memory_space<hbm>> -> memref<1x80x128xf32, #tpu.memory_space<hbm>>
      %dma_wait3A_411 = tpu.memref_squeeze %dma_wait3A_410 : memref<1x80x128xf32, #tpu.memory_space<hbm>> -> memref<80x128xf32, #tpu.memory_space<hbm>>
      %dma_wait3A_412 = arith.constant 0 : i32
      %dma_wait3A_413 = tpu.memref_slice %arg12[%arg0, %add3A_267, %dma_wait3A_412] : memref<2x10240x128xf32, #tpu.memory_space<hbm>> -> memref<1x80x128xf32, #tpu.memory_space<hbm>>
      %dma_wait3A_414 = tpu.memref_squeeze %dma_wait3A_413 : memref<1x80x128xf32, #tpu.memory_space<hbm>> -> memref<80x128xf32, #tpu.memory_space<hbm>>
      tpu.wait_dma2 semaphore(%run_scoped3A : memref<!tpu.dma_semaphore, #tpu.memory_space<semaphore_mem>>) src(%arg21 : memref<80x128xf32, #tpu.memory_space<vmem>>) dst(%dma_wait3A_414 : memref<80x128xf32, #tpu.memory_space<hbm>>)
      tpu.yield
    }) : () -> ()
    "tpu.region"() ({
      %run_scoped3A = tpu.sem_alloc : memref<!tpu.dma_semaphore, #tpu.memory_space<semaphore_mem>>
      %dma_start3A_403 = arith.constant 0 : i32
      %dma_start3A_404 = arith.constant 0 : i32
      %dma_start3A_405 = tpu.memref_slice %arg10[%dma_start3A_403, %dma_start3A_404] : memref<10240x128xf32, #tpu.memory_space<hbm>> -> memref<80x128xf32, #tpu.memory_space<hbm>>
      %dma_start3A_406 = arith.constant 0 : i32
      %dma_start3A_407 = arith.constant 0 : i32
      %dma_start3A_408 = tpu.memref_slice %arg10[%dma_start3A_406, %dma_start3A_407] : memref<10240x128xf32, #tpu.memory_space<hbm>> -> memref<80x128xf32, #tpu.memory_space<hbm>>
      tpu.enqueue_dma source(%dma_start3A_408 : memref<80x128xf32, #tpu.memory_space<hbm>>) target(%arg21 : memref<80x128xf32, #tpu.memory_space<vmem>>) target_semaphore(%run_scoped3A : memref<!tpu.dma_semaphore, #tpu.memory_space<semaphore_mem>>)
      %dma_wait3A_409 = arith.constant 0 : i32
      %dma_wait3A_410 = arith.constant 0 : i32
      %dma_wait3A_411 = tpu.memref_slice %arg10[%dma_wait3A_409, %dma_wait3A_410] : memref<10240x128xf32, #tpu.memory_space<hbm>> -> memref<80x128xf32, #tpu.memory_space<hbm>>
      %dma_wait3A_412 = arith.constant 0 : i32
      %dma_wait3A_413 = arith.constant 0 : i32
      %dma_wait3A_414 = tpu.memref_slice %arg10[%dma_wait3A_412, %dma_wait3A_413] : memref<10240x128xf32, #tpu.memory_space<hbm>> -> memref<80x128xf32, #tpu.memory_space<hbm>>
      tpu.wait_dma2 semaphore(%run_scoped3A : memref<!tpu.dma_semaphore, #tpu.memory_space<semaphore_mem>>) src(%dma_wait3A_414 : memref<80x128xf32, #tpu.memory_space<hbm>>) dst(%arg21 : memref<80x128xf32, #tpu.memory_space<vmem>>)
      tpu.yield
    }) : () -> ()
    %add3A_268 = arith.constant 0 : i32
    %add3A_269 = arith.addi %mul3A_2, %add3A_268 : i32
    "tpu.region"() ({
      %run_scoped3A = tpu.sem_alloc : memref<!tpu.dma_semaphore, #tpu.memory_space<semaphore_mem>>
      %dma_start3A_403 = arith.constant 0 : i32
      %dma_start3A_404 = tpu.memref_slice %arg14[%add3A_269, %dma_start3A_403] : memref<10240x128xf32, #tpu.memory_space<vmem_shared>> -> memref<80x128xf32, #tpu.memory_space<vmem_shared>>
      %dma_start3A_405 = arith.constant 0 : i32
      %dma_start3A_406 = tpu.memref_slice %arg14[%add3A_269, %dma_start3A_405] : memref<10240x128xf32, #tpu.memory_space<vmem_shared>> -> memref<80x128xf32, #tpu.memory_space<vmem_shared>>
      tpu.enqueue_dma source(%arg21 : memref<80x128xf32, #tpu.memory_space<vmem>>) target(%dma_start3A_406 : memref<80x128xf32, #tpu.memory_space<vmem_shared>>) target_semaphore(%run_scoped3A : memref<!tpu.dma_semaphore, #tpu.memory_space<semaphore_mem>>)
      %dma_wait3A_407 = arith.constant 0 : i32
      %dma_wait3A_408 = tpu.memref_slice %arg14[%add3A_269, %dma_wait3A_407] : memref<10240x128xf32, #tpu.memory_space<vmem_shared>> -> memref<80x128xf32, #tpu.memory_space<vmem_shared>>
      %dma_wait3A_409 = arith.constant 0 : i32
      %dma_wait3A_410 = tpu.memref_slice %arg14[%add3A_269, %dma_wait3A_409] : memref<10240x128xf32, #tpu.memory_space<vmem_shared>> -> memref<80x128xf32, #tpu.memory_space<vmem_shared>>
      tpu.wait_dma2 semaphore(%run_scoped3A : memref<!tpu.dma_semaphore, #tpu.memory_space<semaphore_mem>>) src(%arg21 : memref<80x128xf32, #tpu.memory_space<vmem>>) dst(%dma_wait3A_410 : memref<80x128xf32, #tpu.memory_space<vmem_shared>>)
      tpu.yield
    }) : () -> ()
    %add3A_270 = arith.constant 80 : i32
    %add3A_271 = arith.addi %mul3A_2, %add3A_270 : i32
    "tpu.region"() ({
      %run_scoped3A = tpu.sem_alloc : memref<!tpu.dma_semaphore, #tpu.memory_space<semaphore_mem>>
      %dma_start3A_403 = arith.constant 0 : i32
      %dma_start3A_404 = tpu.memref_slice %arg14[%add3A_271, %dma_start3A_403] : memref<10240x128xf32, #tpu.memory_space<vmem_shared>> -> memref<80x128xf32, #tpu.memory_space<vmem_shared>>
      %dma_start3A_405 = arith.constant 0 : i32
      %dma_start3A_406 = tpu.memref_slice %arg14[%add3A_271, %dma_start3A_405] : memref<10240x128xf32, #tpu.memory_space<vmem_shared>> -> memref<80x128xf32, #tpu.memory_space<vmem_shared>>
      tpu.enqueue_dma source(%arg21 : memref<80x128xf32, #tpu.memory_space<vmem>>) target(%dma_start3A_406 : memref<80x128xf32, #tpu.memory_space<vmem_shared>>) target_semaphore(%run_scoped3A : memref<!tpu.dma_semaphore, #tpu.memory_space<semaphore_mem>>)
      %dma_wait3A_407 = arith.constant 0 : i32
      %dma_wait3A_408 = tpu.memref_slice %arg14[%add3A_271, %dma_wait3A_407] : memref<10240x128xf32, #tpu.memory_space<vmem_shared>> -> memref<80x128xf32, #tpu.memory_space<vmem_shared>>
      %dma_wait3A_409 = arith.constant 0 : i32
      %dma_wait3A_410 = tpu.memref_slice %arg14[%add3A_271, %dma_wait3A_409] : memref<10240x128xf32, #tpu.memory_space<vmem_shared>> -> memref<80x128xf32, #tpu.memory_space<vmem_shared>>
      tpu.wait_dma2 semaphore(%run_scoped3A : memref<!tpu.dma_semaphore, #tpu.memory_space<semaphore_mem>>) src(%arg21 : memref<80x128xf32, #tpu.memory_space<vmem>>) dst(%dma_wait3A_410 : memref<80x128xf32, #tpu.memory_space<vmem_shared>>)
      tpu.yield
    }) : () -> ()
    %add3A_272 = arith.constant 160 : i32
    %add3A_273 = arith.addi %mul3A_2, %add3A_272 : i32
    "tpu.region"() ({
      %run_scoped3A = tpu.sem_alloc : memref<!tpu.dma_semaphore, #tpu.memory_space<semaphore_mem>>
      %dma_start3A_403 = arith.constant 0 : i32
      %dma_start3A_404 = tpu.memref_slice %arg14[%add3A_273, %dma_start3A_403] : memref<10240x128xf32, #tpu.memory_space<vmem_shared>> -> memref<80x128xf32, #tpu.memory_space<vmem_shared>>
      %dma_start3A_405 = arith.constant 0 : i32
      %dma_start3A_406 = tpu.memref_slice %arg14[%add3A_273, %dma_start3A_405] : memref<10240x128xf32, #tpu.memory_space<vmem_shared>> -> memref<80x128xf32, #tpu.memory_space<vmem_shared>>
      tpu.enqueue_dma source(%arg21 : memref<80x128xf32, #tpu.memory_space<vmem>>) target(%dma_start3A_406 : memref<80x128xf32, #tpu.memory_space<vmem_shared>>) target_semaphore(%run_scoped3A : memref<!tpu.dma_semaphore, #tpu.memory_space<semaphore_mem>>)
      %dma_wait3A_407 = arith.constant 0 : i32
      %dma_wait3A_408 = tpu.memref_slice %arg14[%add3A_273, %dma_wait3A_407] : memref<10240x128xf32, #tpu.memory_space<vmem_shared>> -> memref<80x128xf32, #tpu.memory_space<vmem_shared>>
      %dma_wait3A_409 = arith.constant 0 : i32
      %dma_wait3A_410 = tpu.memref_slice %arg14[%add3A_273, %dma_wait3A_409] : memref<10240x128xf32, #tpu.memory_space<vmem_shared>> -> memref<80x128xf32, #tpu.memory_space<vmem_shared>>
      tpu.wait_dma2 semaphore(%run_scoped3A : memref<!tpu.dma_semaphore, #tpu.memory_space<semaphore_mem>>) src(%arg21 : memref<80x128xf32, #tpu.memory_space<vmem>>) dst(%dma_wait3A_410 : memref<80x128xf32, #tpu.memory_space<vmem_shared>>)
      tpu.yield
    }) : () -> ()
    %add3A_274 = arith.constant 240 : i32
    %add3A_275 = arith.addi %mul3A_2, %add3A_274 : i32
    "tpu.region"() ({
      %run_scoped3A = tpu.sem_alloc : memref<!tpu.dma_semaphore, #tpu.memory_space<semaphore_mem>>
      %dma_start3A_403 = arith.constant 0 : i32
      %dma_start3A_404 = tpu.memref_slice %arg14[%add3A_275, %dma_start3A_403] : memref<10240x128xf32, #tpu.memory_space<vmem_shared>> -> memref<80x128xf32, #tpu.memory_space<vmem_shared>>
      %dma_start3A_405 = arith.constant 0 : i32
      %dma_start3A_406 = tpu.memref_slice %arg14[%add3A_275, %dma_start3A_405] : memref<10240x128xf32, #tpu.memory_space<vmem_shared>> -> memref<80x128xf32, #tpu.memory_space<vmem_shared>>
      tpu.enqueue_dma source(%arg21 : memref<80x128xf32, #tpu.memory_space<vmem>>) target(%dma_start3A_406 : memref<80x128xf32, #tpu.memory_space<vmem_shared>>) target_semaphore(%run_scoped3A : memref<!tpu.dma_semaphore, #tpu.memory_space<semaphore_mem>>)
      %dma_wait3A_407 = arith.constant 0 : i32
      %dma_wait3A_408 = tpu.memref_slice %arg14[%add3A_275, %dma_wait3A_407] : memref<10240x128xf32, #tpu.memory_space<vmem_shared>> -> memref<80x128xf32, #tpu.memory_space<vmem_shared>>
      %dma_wait3A_409 = arith.constant 0 : i32
      %dma_wait3A_410 = tpu.memref_slice %arg14[%add3A_275, %dma_wait3A_409] : memref<10240x128xf32, #tpu.memory_space<vmem_shared>> -> memref<80x128xf32, #tpu.memory_space<vmem_shared>>
      tpu.wait_dma2 semaphore(%run_scoped3A : memref<!tpu.dma_semaphore, #tpu.memory_space<semaphore_mem>>) src(%arg21 : memref<80x128xf32, #tpu.memory_space<vmem>>) dst(%dma_wait3A_410 : memref<80x128xf32, #tpu.memory_space<vmem_shared>>)
      tpu.yield
    }) : () -> ()
    %add3A_276 = arith.constant 320 : i32
    %add3A_277 = arith.addi %mul3A_2, %add3A_276 : i32
    "tpu.region"() ({
      %run_scoped3A = tpu.sem_alloc : memref<!tpu.dma_semaphore, #tpu.memory_space<semaphore_mem>>
      %dma_start3A_403 = arith.constant 0 : i32
      %dma_start3A_404 = tpu.memref_slice %arg14[%add3A_277, %dma_start3A_403] : memref<10240x128xf32, #tpu.memory_space<vmem_shared>> -> memref<80x128xf32, #tpu.memory_space<vmem_shared>>
      %dma_start3A_405 = arith.constant 0 : i32
      %dma_start3A_406 = tpu.memref_slice %arg14[%add3A_277, %dma_start3A_405] : memref<10240x128xf32, #tpu.memory_space<vmem_shared>> -> memref<80x128xf32, #tpu.memory_space<vmem_shared>>
      tpu.enqueue_dma source(%arg21 : memref<80x128xf32, #tpu.memory_space<vmem>>) target(%dma_start3A_406 : memref<80x128xf32, #tpu.memory_space<vmem_shared>>) target_semaphore(%run_scoped3A : memref<!tpu.dma_semaphore, #tpu.memory_space<semaphore_mem>>)
      %dma_wait3A_407 = arith.constant 0 : i32
      %dma_wait3A_408 = tpu.memref_slice %arg14[%add3A_277, %dma_wait3A_407] : memref<10240x128xf32, #tpu.memory_space<vmem_shared>> -> memref<80x128xf32, #tpu.memory_space<vmem_shared>>
      %dma_wait3A_409 = arith.constant 0 : i32
      %dma_wait3A_410 = tpu.memref_slice %arg14[%add3A_277, %dma_wait3A_409] : memref<10240x128xf32, #tpu.memory_space<vmem_shared>> -> memref<80x128xf32, #tpu.memory_space<vmem_shared>>
      tpu.wait_dma2 semaphore(%run_scoped3A : memref<!tpu.dma_semaphore, #tpu.memory_space<semaphore_mem>>) src(%arg21 : memref<80x128xf32, #tpu.memory_space<vmem>>) dst(%dma_wait3A_410 : memref<80x128xf32, #tpu.memory_space<vmem_shared>>)
      tpu.yield
    }) : () -> ()
    %add3A_278 = arith.constant 400 : i32
    %add3A_279 = arith.addi %mul3A_2, %add3A_278 : i32
    "tpu.region"() ({
      %run_scoped3A = tpu.sem_alloc : memref<!tpu.dma_semaphore, #tpu.memory_space<semaphore_mem>>
      %dma_start3A_403 = arith.constant 0 : i32
      %dma_start3A_404 = tpu.memref_slice %arg14[%add3A_279, %dma_start3A_403] : memref<10240x128xf32, #tpu.memory_space<vmem_shared>> -> memref<80x128xf32, #tpu.memory_space<vmem_shared>>
      %dma_start3A_405 = arith.constant 0 : i32
      %dma_start3A_406 = tpu.memref_slice %arg14[%add3A_279, %dma_start3A_405] : memref<10240x128xf32, #tpu.memory_space<vmem_shared>> -> memref<80x128xf32, #tpu.memory_space<vmem_shared>>
      tpu.enqueue_dma source(%arg21 : memref<80x128xf32, #tpu.memory_space<vmem>>) target(%dma_start3A_406 : memref<80x128xf32, #tpu.memory_space<vmem_shared>>) target_semaphore(%run_scoped3A : memref<!tpu.dma_semaphore, #tpu.memory_space<semaphore_mem>>)
      %dma_wait3A_407 = arith.constant 0 : i32
      %dma_wait3A_408 = tpu.memref_slice %arg14[%add3A_279, %dma_wait3A_407] : memref<10240x128xf32, #tpu.memory_space<vmem_shared>> -> memref<80x128xf32, #tpu.memory_space<vmem_shared>>
      %dma_wait3A_409 = arith.constant 0 : i32
      %dma_wait3A_410 = tpu.memref_slice %arg14[%add3A_279, %dma_wait3A_409] : memref<10240x128xf32, #tpu.memory_space<vmem_shared>> -> memref<80x128xf32, #tpu.memory_space<vmem_shared>>
      tpu.wait_dma2 semaphore(%run_scoped3A : memref<!tpu.dma_semaphore, #tpu.memory_space<semaphore_mem>>) src(%arg21 : memref<80x128xf32, #tpu.memory_space<vmem>>) dst(%dma_wait3A_410 : memref<80x128xf32, #tpu.memory_space<vmem_shared>>)
      tpu.yield
    }) : () -> ()
    %add3A_280 = arith.constant 480 : i32
    %add3A_281 = arith.addi %mul3A_2, %add3A_280 : i32
    "tpu.region"() ({
      %run_scoped3A = tpu.sem_alloc : memref<!tpu.dma_semaphore, #tpu.memory_space<semaphore_mem>>
      %dma_start3A_403 = arith.constant 0 : i32
      %dma_start3A_404 = tpu.memref_slice %arg14[%add3A_281, %dma_start3A_403] : memref<10240x128xf32, #tpu.memory_space<vmem_shared>> -> memref<80x128xf32, #tpu.memory_space<vmem_shared>>
      %dma_start3A_405 = arith.constant 0 : i32
      %dma_start3A_406 = tpu.memref_slice %arg14[%add3A_281, %dma_start3A_405] : memref<10240x128xf32, #tpu.memory_space<vmem_shared>> -> memref<80x128xf32, #tpu.memory_space<vmem_shared>>
      tpu.enqueue_dma source(%arg21 : memref<80x128xf32, #tpu.memory_space<vmem>>) target(%dma_start3A_406 : memref<80x128xf32, #tpu.memory_space<vmem_shared>>) target_semaphore(%run_scoped3A : memref<!tpu.dma_semaphore, #tpu.memory_space<semaphore_mem>>)
      %dma_wait3A_407 = arith.constant 0 : i32
      %dma_wait3A_408 = tpu.memref_slice %arg14[%add3A_281, %dma_wait3A_407] : memref<10240x128xf32, #tpu.memory_space<vmem_shared>> -> memref<80x128xf32, #tpu.memory_space<vmem_shared>>
      %dma_wait3A_409 = arith.constant 0 : i32
      %dma_wait3A_410 = tpu.memref_slice %arg14[%add3A_281, %dma_wait3A_409] : memref<10240x128xf32, #tpu.memory_space<vmem_shared>> -> memref<80x128xf32, #tpu.memory_space<vmem_shared>>
      tpu.wait_dma2 semaphore(%run_scoped3A : memref<!tpu.dma_semaphore, #tpu.memory_space<semaphore_mem>>) src(%arg21 : memref<80x128xf32, #tpu.memory_space<vmem>>) dst(%dma_wait3A_410 : memref<80x128xf32, #tpu.memory_space<vmem_shared>>)
      tpu.yield
    }) : () -> ()
    %add3A_282 = arith.constant 560 : i32
    %add3A_283 = arith.addi %mul3A_2, %add3A_282 : i32
    "tpu.region"() ({
      %run_scoped3A = tpu.sem_alloc : memref<!tpu.dma_semaphore, #tpu.memory_space<semaphore_mem>>
      %dma_start3A_403 = arith.constant 0 : i32
      %dma_start3A_404 = tpu.memref_slice %arg14[%add3A_283, %dma_start3A_403] : memref<10240x128xf32, #tpu.memory_space<vmem_shared>> -> memref<80x128xf32, #tpu.memory_space<vmem_shared>>
      %dma_start3A_405 = arith.constant 0 : i32
      %dma_start3A_406 = tpu.memref_slice %arg14[%add3A_283, %dma_start3A_405] : memref<10240x128xf32, #tpu.memory_space<vmem_shared>> -> memref<80x128xf32, #tpu.memory_space<vmem_shared>>
      tpu.enqueue_dma source(%arg21 : memref<80x128xf32, #tpu.memory_space<vmem>>) target(%dma_start3A_406 : memref<80x128xf32, #tpu.memory_space<vmem_shared>>) target_semaphore(%run_scoped3A : memref<!tpu.dma_semaphore, #tpu.memory_space<semaphore_mem>>)
      %dma_wait3A_407 = arith.constant 0 : i32
      %dma_wait3A_408 = tpu.memref_slice %arg14[%add3A_283, %dma_wait3A_407] : memref<10240x128xf32, #tpu.memory_space<vmem_shared>> -> memref<80x128xf32, #tpu.memory_space<vmem_shared>>
      %dma_wait3A_409 = arith.constant 0 : i32
      %dma_wait3A_410 = tpu.memref_slice %arg14[%add3A_283, %dma_wait3A_409] : memref<10240x128xf32, #tpu.memory_space<vmem_shared>> -> memref<80x128xf32, #tpu.memory_space<vmem_shared>>
      tpu.wait_dma2 semaphore(%run_scoped3A : memref<!tpu.dma_semaphore, #tpu.memory_space<semaphore_mem>>) src(%arg21 : memref<80x128xf32, #tpu.memory_space<vmem>>) dst(%dma_wait3A_410 : memref<80x128xf32, #tpu.memory_space<vmem_shared>>)
      tpu.yield
    }) : () -> ()
    %barrier3A_284 = arith.constant 0 : index
    tpu.barrier barrier_id(%barrier3A_284)
    %mul3A_285 = arith.constant 10080 : i32
    %mul3A_286 = arith.muli %add3A, %mul3A_285 : i32
    %add3A_287 = arith.constant 0 : i32
    %add3A_288 = arith.addi %mul3A_286, %add3A_287 : i32
    %multiple_of3A_289 = tpu.assume_multiple %add3A_288, 8 : i32
    %dma_start3A_290 = arith.constant 0 : i32
    %dma_start3A_291 = arith.constant 0 : i32
    %dma_start3A_292 = tpu.memref_slice %arg15[%dma_start3A_290, %dma_start3A_291] : memref<2x80xi32, #tpu.memory_space<vmem>> -> memref<1x80xi32, #tpu.memory_space<vmem>>
    %dma_start3A_293 = tpu.memref_squeeze %dma_start3A_292 : memref<1x80xi32, #tpu.memory_space<vmem>> -> memref<80xi32, #tpu.memory_space<vmem>>
    %dma_start3A_294 = tpu.memref_slice %arg6[%multiple_of3A_289] : memref<322560xi32, #tpu.memory_space<hbm>> -> memref<80xi32, #tpu.memory_space<hbm>>
    %dma_start3A_295 = arith.constant 0 : i32
    %dma_start3A_296 = tpu.memref_slice %arg15[%dma_start3A_290, %dma_start3A_295] : memref<2x80xi32, #tpu.memory_space<vmem>> -> memref<1x80xi32, #tpu.memory_space<vmem>>
    %dma_start3A_297 = tpu.memref_squeeze %dma_start3A_296 : memref<1x80xi32, #tpu.memory_space<vmem>> -> memref<80xi32, #tpu.memory_space<vmem>>
    %dma_start3A_298 = tpu.memref_slice %arg6[%multiple_of3A_289] : memref<322560xi32, #tpu.memory_space<hbm>> -> memref<80xi32, #tpu.memory_space<hbm>>
    tpu.enqueue_dma source(%dma_start3A_298 : memref<80xi32, #tpu.memory_space<hbm>>) target(%dma_start3A_297 : memref<80xi32, #tpu.memory_space<vmem>>) target_semaphore(%arg27 : memref<!tpu.dma_semaphore, #tpu.memory_space<semaphore_mem>>)
    %dma_start3A_299 = arith.constant 1 : i32
    %dma_start3A_300 = arith.constant 0 : i32
    %dma_start3A_301 = tpu.memref_slice %arg15[%dma_start3A_299, %dma_start3A_300] : memref<2x80xi32, #tpu.memory_space<vmem>> -> memref<1x80xi32, #tpu.memory_space<vmem>>
    %dma_start3A_302 = tpu.memref_squeeze %dma_start3A_301 : memref<1x80xi32, #tpu.memory_space<vmem>> -> memref<80xi32, #tpu.memory_space<vmem>>
    %dma_start3A_303 = tpu.memref_slice %arg7[%multiple_of3A_289] : memref<322560xi32, #tpu.memory_space<hbm>> -> memref<80xi32, #tpu.memory_space<hbm>>
    %dma_start3A_304 = arith.constant 0 : i32
    %dma_start3A_305 = tpu.memref_slice %arg15[%dma_start3A_299, %dma_start3A_304] : memref<2x80xi32, #tpu.memory_space<vmem>> -> memref<1x80xi32, #tpu.memory_space<vmem>>
    %dma_start3A_306 = tpu.memref_squeeze %dma_start3A_305 : memref<1x80xi32, #tpu.memory_space<vmem>> -> memref<80xi32, #tpu.memory_space<vmem>>
    %dma_start3A_307 = tpu.memref_slice %arg7[%multiple_of3A_289] : memref<322560xi32, #tpu.memory_space<hbm>> -> memref<80xi32, #tpu.memory_space<hbm>>
    tpu.enqueue_dma source(%dma_start3A_307 : memref<80xi32, #tpu.memory_space<hbm>>) target(%dma_start3A_306 : memref<80xi32, #tpu.memory_space<vmem>>) target_semaphore(%arg27 : memref<!tpu.dma_semaphore, #tpu.memory_space<semaphore_mem>>)
    %add3A_308 = arith.constant 80 : i32
    %add3A_309 = arith.addi %mul3A_286, %add3A_308 : i32
    %multiple_of3A_310 = tpu.assume_multiple %add3A_309, 8 : i32
    %dma_start3A_311 = arith.constant 0 : i32
    %dma_start3A_312 = arith.constant 0 : i32
    %dma_start3A_313 = tpu.memref_slice %arg16[%dma_start3A_311, %dma_start3A_312] : memref<2x80xi32, #tpu.memory_space<vmem>> -> memref<1x80xi32, #tpu.memory_space<vmem>>
    %dma_start3A_314 = tpu.memref_squeeze %dma_start3A_313 : memref<1x80xi32, #tpu.memory_space<vmem>> -> memref<80xi32, #tpu.memory_space<vmem>>
    %dma_start3A_315 = tpu.memref_slice %arg6[%multiple_of3A_310] : memref<322560xi32, #tpu.memory_space<hbm>> -> memref<80xi32, #tpu.memory_space<hbm>>
    %dma_start3A_316 = arith.constant 0 : i32
    %dma_start3A_317 = tpu.memref_slice %arg16[%dma_start3A_311, %dma_start3A_316] : memref<2x80xi32, #tpu.memory_space<vmem>> -> memref<1x80xi32, #tpu.memory_space<vmem>>
    %dma_start3A_318 = tpu.memref_squeeze %dma_start3A_317 : memref<1x80xi32, #tpu.memory_space<vmem>> -> memref<80xi32, #tpu.memory_space<vmem>>
    %dma_start3A_319 = tpu.memref_slice %arg6[%multiple_of3A_310] : memref<322560xi32, #tpu.memory_space<hbm>> -> memref<80xi32, #tpu.memory_space<hbm>>
    tpu.enqueue_dma source(%dma_start3A_319 : memref<80xi32, #tpu.memory_space<hbm>>) target(%dma_start3A_318 : memref<80xi32, #tpu.memory_space<vmem>>) target_semaphore(%arg28 : memref<!tpu.dma_semaphore, #tpu.memory_space<semaphore_mem>>)
    %dma_start3A_320 = arith.constant 1 : i32
    %dma_start3A_321 = arith.constant 0 : i32
    %dma_start3A_322 = tpu.memref_slice %arg16[%dma_start3A_320, %dma_start3A_321] : memref<2x80xi32, #tpu.memory_space<vmem>> -> memref<1x80xi32, #tpu.memory_space<vmem>>
    %dma_start3A_323 = tpu.memref_squeeze %dma_start3A_322 : memref<1x80xi32, #tpu.memory_space<vmem>> -> memref<80xi32, #tpu.memory_space<vmem>>
    %dma_start3A_324 = tpu.memref_slice %arg7[%multiple_of3A_310] : memref<322560xi32, #tpu.memory_space<hbm>> -> memref<80xi32, #tpu.memory_space<hbm>>
    %dma_start3A_325 = arith.constant 0 : i32
    %dma_start3A_326 = tpu.memref_slice %arg16[%dma_start3A_320, %dma_start3A_325] : memref<2x80xi32, #tpu.memory_space<vmem>> -> memref<1x80xi32, #tpu.memory_space<vmem>>
    %dma_start3A_327 = tpu.memref_squeeze %dma_start3A_326 : memref<1x80xi32, #tpu.memory_space<vmem>> -> memref<80xi32, #tpu.memory_space<vmem>>
    %dma_start3A_328 = tpu.memref_slice %arg7[%multiple_of3A_310] : memref<322560xi32, #tpu.memory_space<hbm>> -> memref<80xi32, #tpu.memory_space<hbm>>
    tpu.enqueue_dma source(%dma_start3A_328 : memref<80xi32, #tpu.memory_space<hbm>>) target(%dma_start3A_327 : memref<80xi32, #tpu.memory_space<vmem>>) target_semaphore(%arg28 : memref<!tpu.dma_semaphore, #tpu.memory_space<semaphore_mem>>)
    %dma_wait3A_329 = arith.constant 0 : i32
    %dma_wait3A_330 = arith.constant 0 : i32
    %dma_wait3A_331 = tpu.memref_slice %arg15[%dma_wait3A_329, %dma_wait3A_330] : memref<2x80xi32, #tpu.memory_space<vmem>> -> memref<1x80xi32, #tpu.memory_space<vmem>>
    %dma_wait3A_332 = tpu.memref_squeeze %dma_wait3A_331 : memref<1x80xi32, #tpu.memory_space<vmem>> -> memref<80xi32, #tpu.memory_space<vmem>>
    %dma_wait3A_333 = arith.constant 0 : i32
    %dma_wait3A_334 = tpu.memref_slice %arg6[%dma_wait3A_333] : memref<322560xi32, #tpu.memory_space<hbm>> -> memref<80xi32, #tpu.memory_space<hbm>>
    %dma_wait3A_335 = arith.constant 0 : i32
    %dma_wait3A_336 = tpu.memref_slice %arg15[%dma_wait3A_329, %dma_wait3A_335] : memref<2x80xi32, #tpu.memory_space<vmem>> -> memref<1x80xi32, #tpu.memory_space<vmem>>
    %dma_wait3A_337 = tpu.memref_squeeze %dma_wait3A_336 : memref<1x80xi32, #tpu.memory_space<vmem>> -> memref<80xi32, #tpu.memory_space<vmem>>
    %dma_wait3A_338 = arith.constant 0 : i32
    %dma_wait3A_339 = tpu.memref_slice %arg6[%dma_wait3A_338] : memref<322560xi32, #tpu.memory_space<hbm>> -> memref<80xi32, #tpu.memory_space<hbm>>
    tpu.wait_dma2 semaphore(%arg27 : memref<!tpu.dma_semaphore, #tpu.memory_space<semaphore_mem>>) src(%dma_wait3A_339 : memref<80xi32, #tpu.memory_space<hbm>>) dst(%dma_wait3A_337 : memref<80xi32, #tpu.memory_space<vmem>>)
    %dma_wait3A_340 = arith.constant 1 : i32
    %dma_wait3A_341 = arith.constant 0 : i32
    %dma_wait3A_342 = tpu.memref_slice %arg15[%dma_wait3A_340, %dma_wait3A_341] : memref<2x80xi32, #tpu.memory_space<vmem>> -> memref<1x80xi32, #tpu.memory_space<vmem>>
    %dma_wait3A_343 = tpu.memref_squeeze %dma_wait3A_342 : memref<1x80xi32, #tpu.memory_space<vmem>> -> memref<80xi32, #tpu.memory_space<vmem>>
    %dma_wait3A_344 = arith.constant 0 : i32
    %dma_wait3A_345 = tpu.memref_slice %arg6[%dma_wait3A_344] : memref<322560xi32, #tpu.memory_space<hbm>> -> memref<80xi32, #tpu.memory_space<hbm>>
    %dma_wait3A_346 = arith.constant 0 : i32
    %dma_wait3A_347 = tpu.memref_slice %arg15[%dma_wait3A_340, %dma_wait3A_346] : memref<2x80xi32, #tpu.memory_space<vmem>> -> memref<1x80xi32, #tpu.memory_space<vmem>>
    %dma_wait3A_348 = tpu.memref_squeeze %dma_wait3A_347 : memref<1x80xi32, #tpu.memory_space<vmem>> -> memref<80xi32, #tpu.memory_space<vmem>>
    %dma_wait3A_349 = arith.constant 0 : i32
    %dma_wait3A_350 = tpu.memref_slice %arg6[%dma_wait3A_349] : memref<322560xi32, #tpu.memory_space<hbm>> -> memref<80xi32, #tpu.memory_space<hbm>>
    tpu.wait_dma2 semaphore(%arg27 : memref<!tpu.dma_semaphore, #tpu.memory_space<semaphore_mem>>) src(%dma_wait3A_350 : memref<80xi32, #tpu.memory_space<hbm>>) dst(%dma_wait3A_348 : memref<80xi32, #tpu.memory_space<vmem>>)
    %dma_start3A_351 = arith.constant 0 : i32
    %dma_start3A_352 = arith.constant 0 : i32
    %dma_start3A_353 = tpu.memref_slice %arg15[%dma_start3A_351, %dma_start3A_352] : memref<2x80xi32, #tpu.memory_space<vmem>> -> memref<1x80xi32, #tpu.memory_space<vmem>>
    %dma_start3A_354 = tpu.memref_squeeze %dma_start3A_353 : memref<1x80xi32, #tpu.memory_space<vmem>> -> memref<80xi32, #tpu.memory_space<vmem>>
    %dma_start3A_355 = arith.constant 0 : i32
    %dma_start3A_356 = arith.constant 0 : i32
    %dma_start3A_357 = tpu.memref_slice %arg9[%dma_start3A_355, %dma_start3A_356] : memref<10000x128xf32, #tpu.memory_space<hbm>> -> memref<10000x128xf32, #tpu.memory_space<hbm>>
    tpu.enqueue_indirect_dma source(%dma_start3A_357 : memref<10000x128xf32, #tpu.memory_space<hbm>>) target(%arg21 : memref<80x128xf32, #tpu.memory_space<vmem>>) offsets(%dma_start3A_354 : memref<80xi32, #tpu.memory_space<vmem>>) semaphore(%arg23 : memref<!tpu.dma_semaphore, #tpu.memory_space<semaphore_mem>>)
    %scan3A_358 = arith.constant 0 : i32
    %scan3A_359 = arith.constant 0 : i32
    %scan3A_360 = arith.constant 21 : i32
    %scan3A_361 = arith.addi %scan3A_359, %scan3A_360 : i32
    %scan3A_362 = arith.constant 1 : i32
    scf.for %scan3A_403 = %scan3A_359 to %scan3A_361 step %scan3A_362  : i32 {
      %mul3A_404 = arith.constant 6 : i32
      %mul3A_405 = arith.muli %scan3A_403, %mul3A_404 : i32
      %add3A_406 = arith.constant 0 : i32
      %add3A_407 = arith.addi %mul3A_405, %add3A_406 : i32
      %gt3A = arith.constant 0 : i32
      %gt3A_408 = arith.cmpi sgt, %add3A_407, %gt3A : i32
      %convert_element_type3A = arith.extui %gt3A_408 : i1 to i32
      %cond3A = arith.constant 0 : i32
      %cond3A_409 = arith.cmpi ne, %convert_element_type3A, %cond3A : i32
      scf.if %cond3A_409 {
        %dma_wait3A_606 = arith.constant 0 : i32
        %dma_wait3A_607 = arith.constant 0 : i32
        %dma_wait3A_608 = tpu.memref_slice %arg10[%dma_wait3A_606, %dma_wait3A_607] : memref<10240x128xf32, #tpu.memory_space<hbm>> -> memref<80x128xf32, #tpu.memory_space<hbm>>
        %dma_wait3A_609 = arith.constant 0 : i32
        %dma_wait3A_610 = arith.constant 0 : i32
        %dma_wait3A_611 = tpu.memref_slice %arg10[%dma_wait3A_609, %dma_wait3A_610] : memref<10240x128xf32, #tpu.memory_space<hbm>> -> memref<80x128xf32, #tpu.memory_space<hbm>>
        tpu.wait_dma2 semaphore(%arg26 : memref<!tpu.dma_semaphore, #tpu.memory_space<semaphore_mem>>) src(%dma_wait3A_611 : memref<80x128xf32, #tpu.memory_space<hbm>>) dst(%arg22 : memref<80x128xf32, #tpu.memory_space<vmem>>)
      } else {
      }
      %add3A_410 = arith.constant 1 : i32
      %add3A_411 = arith.addi %add3A_407, %add3A_410 : i32
      %lt3A = arith.constant 126 : i32
      %lt3A_412 = arith.cmpi slt, %add3A_411, %lt3A : i32
      %convert_element_type3A_413 = arith.extui %lt3A_412 : i1 to i32
      %cond3A_414 = arith.constant 0 : i32
      %cond3A_415 = arith.cmpi ne, %convert_element_type3A_413, %cond3A_414 : i32
      scf.if %cond3A_415 {
        %dma_wait3A_606 = arith.constant 0 : i32
        %dma_wait3A_607 = arith.constant 0 : i32
        %dma_wait3A_608 = tpu.memref_slice %arg16[%dma_wait3A_606, %dma_wait3A_607] : memref<2x80xi32, #tpu.memory_space<vmem>> -> memref<1x80xi32, #tpu.memory_space<vmem>>
        %dma_wait3A_609 = tpu.memref_squeeze %dma_wait3A_608 : memref<1x80xi32, #tpu.memory_space<vmem>> -> memref<80xi32, #tpu.memory_space<vmem>>
        %dma_wait3A_610 = arith.constant 0 : i32
        %dma_wait3A_611 = tpu.memref_slice %arg6[%dma_wait3A_610] : memref<322560xi32, #tpu.memory_space<hbm>> -> memref<80xi32, #tpu.memory_space<hbm>>
        %dma_wait3A_612 = arith.constant 0 : i32
        %dma_wait3A_613 = tpu.memref_slice %arg16[%dma_wait3A_606, %dma_wait3A_612] : memref<2x80xi32, #tpu.memory_space<vmem>> -> memref<1x80xi32, #tpu.memory_space<vmem>>
        %dma_wait3A_614 = tpu.memref_squeeze %dma_wait3A_613 : memref<1x80xi32, #tpu.memory_space<vmem>> -> memref<80xi32, #tpu.memory_space<vmem>>
        %dma_wait3A_615 = arith.constant 0 : i32
        %dma_wait3A_616 = tpu.memref_slice %arg6[%dma_wait3A_615] : memref<322560xi32, #tpu.memory_space<hbm>> -> memref<80xi32, #tpu.memory_space<hbm>>
        tpu.wait_dma2 semaphore(%arg28 : memref<!tpu.dma_semaphore, #tpu.memory_space<semaphore_mem>>) src(%dma_wait3A_616 : memref<80xi32, #tpu.memory_space<hbm>>) dst(%dma_wait3A_614 : memref<80xi32, #tpu.memory_space<vmem>>)
        %dma_wait3A_617 = arith.constant 1 : i32
        %dma_wait3A_618 = arith.constant 0 : i32
        %dma_wait3A_619 = tpu.memref_slice %arg16[%dma_wait3A_617, %dma_wait3A_618] : memref<2x80xi32, #tpu.memory_space<vmem>> -> memref<1x80xi32, #tpu.memory_space<vmem>>
        %dma_wait3A_620 = tpu.memref_squeeze %dma_wait3A_619 : memref<1x80xi32, #tpu.memory_space<vmem>> -> memref<80xi32, #tpu.memory_space<vmem>>
        %dma_wait3A_621 = arith.constant 0 : i32
        %dma_wait3A_622 = tpu.memref_slice %arg6[%dma_wait3A_621] : memref<322560xi32, #tpu.memory_space<hbm>> -> memref<80xi32, #tpu.memory_space<hbm>>
        %dma_wait3A_623 = arith.constant 0 : i32
        %dma_wait3A_624 = tpu.memref_slice %arg16[%dma_wait3A_617, %dma_wait3A_623] : memref<2x80xi32, #tpu.memory_space<vmem>> -> memref<1x80xi32, #tpu.memory_space<vmem>>
        %dma_wait3A_625 = tpu.memref_squeeze %dma_wait3A_624 : memref<1x80xi32, #tpu.memory_space<vmem>> -> memref<80xi32, #tpu.memory_space<vmem>>
        %dma_wait3A_626 = arith.constant 0 : i32
        %dma_wait3A_627 = tpu.memref_slice %arg6[%dma_wait3A_626] : memref<322560xi32, #tpu.memory_space<hbm>> -> memref<80xi32, #tpu.memory_space<hbm>>
        tpu.wait_dma2 semaphore(%arg28 : memref<!tpu.dma_semaphore, #tpu.memory_space<semaphore_mem>>) src(%dma_wait3A_627 : memref<80xi32, #tpu.memory_space<hbm>>) dst(%dma_wait3A_625 : memref<80xi32, #tpu.memory_space<vmem>>)
        %dma_start3A_628 = arith.constant 0 : i32
        %dma_start3A_629 = arith.constant 0 : i32
        %dma_start3A_630 = tpu.memref_slice %arg16[%dma_start3A_628, %dma_start3A_629] : memref<2x80xi32, #tpu.memory_space<vmem>> -> memref<1x80xi32, #tpu.memory_space<vmem>>
        %dma_start3A_631 = tpu.memref_squeeze %dma_start3A_630 : memref<1x80xi32, #tpu.memory_space<vmem>> -> memref<80xi32, #tpu.memory_space<vmem>>
        %dma_start3A_632 = arith.constant 0 : i32
        %dma_start3A_633 = arith.constant 0 : i32
        %dma_start3A_634 = tpu.memref_slice %arg9[%dma_start3A_632, %dma_start3A_633] : memref<10000x128xf32, #tpu.memory_space<hbm>> -> memref<10000x128xf32, #tpu.memory_space<hbm>>
        tpu.enqueue_indirect_dma source(%dma_start3A_634 : memref<10000x128xf32, #tpu.memory_space<hbm>>) target(%arg22 : memref<80x128xf32, #tpu.memory_space<vmem>>) offsets(%dma_start3A_631 : memref<80xi32, #tpu.memory_space<vmem>>) semaphore(%arg24 : memref<!tpu.dma_semaphore, #tpu.memory_space<semaphore_mem>>)
      } else {
      }
      %dma_wait3A_416 = arith.constant 0 : i32
      %dma_wait3A_417 = arith.constant 0 : i32
      %dma_wait3A_418 = tpu.memref_slice %arg10[%dma_wait3A_416, %dma_wait3A_417] : memref<10240x128xf32, #tpu.memory_space<hbm>> -> memref<80x128xf32, #tpu.memory_space<hbm>>
      %dma_wait3A_419 = arith.constant 0 : i32
      %dma_wait3A_420 = arith.constant 0 : i32
      %dma_wait3A_421 = tpu.memref_slice %arg10[%dma_wait3A_419, %dma_wait3A_420] : memref<10240x128xf32, #tpu.memory_space<hbm>> -> memref<80x128xf32, #tpu.memory_space<hbm>>
      tpu.wait_dma2 semaphore(%arg23 : memref<!tpu.dma_semaphore, #tpu.memory_space<semaphore_mem>>) src(%dma_wait3A_421 : memref<80x128xf32, #tpu.memory_space<hbm>>) dst(%arg21 : memref<80x128xf32, #tpu.memory_space<vmem>>)
      %dma_start3A_422 = arith.constant 1 : i32
      %dma_start3A_423 = arith.constant 0 : i32
      %dma_start3A_424 = tpu.memref_slice %arg15[%dma_start3A_422, %dma_start3A_423] : memref<2x80xi32, #tpu.memory_space<vmem>> -> memref<1x80xi32, #tpu.memory_space<vmem>>
      %dma_start3A_425 = tpu.memref_squeeze %dma_start3A_424 : memref<1x80xi32, #tpu.memory_space<vmem>> -> memref<80xi32, #tpu.memory_space<vmem>>
      %dma_start3A_426 = arith.constant 0 : i32
      %dma_start3A_427 = arith.constant 0 : i32
      %dma_start3A_428 = tpu.memref_slice %arg14[%dma_start3A_426, %dma_start3A_427] : memref<10240x128xf32, #tpu.memory_space<vmem_shared>> -> memref<10240x128xf32, #tpu.memory_space<vmem_shared>>
      tpu.enqueue_indirect_dma source(%arg21 : memref<80x128xf32, #tpu.memory_space<vmem>>) target(%dma_start3A_428 : memref<10240x128xf32, #tpu.memory_space<vmem_shared>>) offsets(%dma_start3A_425 : memref<80xi32, #tpu.memory_space<vmem>>) semaphore(%arg25 : memref<!tpu.dma_semaphore, #tpu.memory_space<semaphore_mem>>) {add = true}
      %add3A_429 = arith.constant 2 : i32
      %add3A_430 = arith.addi %add3A_407, %add3A_429 : i32
      %lt3A_431 = arith.constant 126 : i32
      %lt3A_432 = arith.cmpi slt, %add3A_430, %lt3A_431 : i32
      %convert_element_type3A_433 = arith.extui %lt3A_432 : i1 to i32
      %cond3A_434 = arith.constant 0 : i32
      %cond3A_435 = arith.cmpi ne, %convert_element_type3A_433, %cond3A_434 : i32
      scf.if %cond3A_435 {
        %add3A_606 = arith.constant 2 : i32
        %add3A_607 = arith.addi %add3A_407, %add3A_606 : i32
        %mul3A_608 = arith.constant 80 : i32
        %mul3A_609 = arith.muli %add3A_607, %mul3A_608 : i32
        %add3A_610 = arith.addi %mul3A_286, %mul3A_609 : i32
        %multiple_of3A_611 = tpu.assume_multiple %add3A_610, 8 : i32
        %dma_start3A_612 = arith.constant 0 : i32
        %dma_start3A_613 = arith.constant 0 : i32
        %dma_start3A_614 = tpu.memref_slice %arg17[%dma_start3A_612, %dma_start3A_613] : memref<2x80xi32, #tpu.memory_space<vmem>> -> memref<1x80xi32, #tpu.memory_space<vmem>>
        %dma_start3A_615 = tpu.memref_squeeze %dma_start3A_614 : memref<1x80xi32, #tpu.memory_space<vmem>> -> memref<80xi32, #tpu.memory_space<vmem>>
        %dma_start3A_616 = tpu.memref_slice %arg6[%multiple_of3A_611] : memref<322560xi32, #tpu.memory_space<hbm>> -> memref<80xi32, #tpu.memory_space<hbm>>
        %dma_start3A_617 = arith.constant 0 : i32
        %dma_start3A_618 = tpu.memref_slice %arg17[%dma_start3A_612, %dma_start3A_617] : memref<2x80xi32, #tpu.memory_space<vmem>> -> memref<1x80xi32, #tpu.memory_space<vmem>>
        %dma_start3A_619 = tpu.memref_squeeze %dma_start3A_618 : memref<1x80xi32, #tpu.memory_space<vmem>> -> memref<80xi32, #tpu.memory_space<vmem>>
        %dma_start3A_620 = tpu.memref_slice %arg6[%multiple_of3A_611] : memref<322560xi32, #tpu.memory_space<hbm>> -> memref<80xi32, #tpu.memory_space<hbm>>
        tpu.enqueue_dma source(%dma_start3A_620 : memref<80xi32, #tpu.memory_space<hbm>>) target(%dma_start3A_619 : memref<80xi32, #tpu.memory_space<vmem>>) target_semaphore(%arg29 : memref<!tpu.dma_semaphore, #tpu.memory_space<semaphore_mem>>)
        %dma_start3A_621 = arith.constant 1 : i32
        %dma_start3A_622 = arith.constant 0 : i32
        %dma_start3A_623 = tpu.memref_slice %arg17[%dma_start3A_621, %dma_start3A_622] : memref<2x80xi32, #tpu.memory_space<vmem>> -> memref<1x80xi32, #tpu.memory_space<vmem>>
        %dma_start3A_624 = tpu.memref_squeeze %dma_start3A_623 : memref<1x80xi32, #tpu.memory_space<vmem>> -> memref<80xi32, #tpu.memory_space<vmem>>
        %dma_start3A_625 = tpu.memref_slice %arg7[%multiple_of3A_611] : memref<322560xi32, #tpu.memory_space<hbm>> -> memref<80xi32, #tpu.memory_space<hbm>>
        %dma_start3A_626 = arith.constant 0 : i32
        %dma_start3A_627 = tpu.memref_slice %arg17[%dma_start3A_621, %dma_start3A_626] : memref<2x80xi32, #tpu.memory_space<vmem>> -> memref<1x80xi32, #tpu.memory_space<vmem>>
        %dma_start3A_628 = tpu.memref_squeeze %dma_start3A_627 : memref<1x80xi32, #tpu.memory_space<vmem>> -> memref<80xi32, #tpu.memory_space<vmem>>
        %dma_start3A_629 = tpu.memref_slice %arg7[%multiple_of3A_611] : memref<322560xi32, #tpu.memory_space<hbm>> -> memref<80xi32, #tpu.memory_space<hbm>>
        tpu.enqueue_dma source(%dma_start3A_629 : memref<80xi32, #tpu.memory_space<hbm>>) target(%dma_start3A_628 : memref<80xi32, #tpu.memory_space<vmem>>) target_semaphore(%arg29 : memref<!tpu.dma_semaphore, #tpu.memory_space<semaphore_mem>>)
      } else {
      }
      %add3A_436 = arith.constant 1 : i32
      %add3A_437 = arith.addi %mul3A_405, %add3A_436 : i32
      %gt3A_438 = arith.constant 0 : i32
      %gt3A_439 = arith.cmpi sgt, %add3A_437, %gt3A_438 : i32
      %convert_element_type3A_440 = arith.extui %gt3A_439 : i1 to i32
      %cond3A_441 = arith.constant 0 : i32
      %cond3A_442 = arith.cmpi ne, %convert_element_type3A_440, %cond3A_441 : i32
      scf.if %cond3A_442 {
        %dma_wait3A_606 = arith.constant 0 : i32
        %dma_wait3A_607 = arith.constant 0 : i32
        %dma_wait3A_608 = tpu.memref_slice %arg10[%dma_wait3A_606, %dma_wait3A_607] : memref<10240x128xf32, #tpu.memory_space<hbm>> -> memref<80x128xf32, #tpu.memory_space<hbm>>
        %dma_wait3A_609 = arith.constant 0 : i32
        %dma_wait3A_610 = arith.constant 0 : i32
        %dma_wait3A_611 = tpu.memref_slice %arg10[%dma_wait3A_609, %dma_wait3A_610] : memref<10240x128xf32, #tpu.memory_space<hbm>> -> memref<80x128xf32, #tpu.memory_space<hbm>>
        tpu.wait_dma2 semaphore(%arg25 : memref<!tpu.dma_semaphore, #tpu.memory_space<semaphore_mem>>) src(%dma_wait3A_611 : memref<80x128xf32, #tpu.memory_space<hbm>>) dst(%arg21 : memref<80x128xf32, #tpu.memory_space<vmem>>)
      } else {
      }
      %add3A_443 = arith.constant 1 : i32
      %add3A_444 = arith.addi %add3A_437, %add3A_443 : i32
      %lt3A_445 = arith.constant 126 : i32
      %lt3A_446 = arith.cmpi slt, %add3A_444, %lt3A_445 : i32
      %convert_element_type3A_447 = arith.extui %lt3A_446 : i1 to i32
      %cond3A_448 = arith.constant 0 : i32
      %cond3A_449 = arith.cmpi ne, %convert_element_type3A_447, %cond3A_448 : i32
      scf.if %cond3A_449 {
        %dma_wait3A_606 = arith.constant 0 : i32
        %dma_wait3A_607 = arith.constant 0 : i32
        %dma_wait3A_608 = tpu.memref_slice %arg17[%dma_wait3A_606, %dma_wait3A_607] : memref<2x80xi32, #tpu.memory_space<vmem>> -> memref<1x80xi32, #tpu.memory_space<vmem>>
        %dma_wait3A_609 = tpu.memref_squeeze %dma_wait3A_608 : memref<1x80xi32, #tpu.memory_space<vmem>> -> memref<80xi32, #tpu.memory_space<vmem>>
        %dma_wait3A_610 = arith.constant 0 : i32
        %dma_wait3A_611 = tpu.memref_slice %arg6[%dma_wait3A_610] : memref<322560xi32, #tpu.memory_space<hbm>> -> memref<80xi32, #tpu.memory_space<hbm>>
        %dma_wait3A_612 = arith.constant 0 : i32
        %dma_wait3A_613 = tpu.memref_slice %arg17[%dma_wait3A_606, %dma_wait3A_612] : memref<2x80xi32, #tpu.memory_space<vmem>> -> memref<1x80xi32, #tpu.memory_space<vmem>>
        %dma_wait3A_614 = tpu.memref_squeeze %dma_wait3A_613 : memref<1x80xi32, #tpu.memory_space<vmem>> -> memref<80xi32, #tpu.memory_space<vmem>>
        %dma_wait3A_615 = arith.constant 0 : i32
        %dma_wait3A_616 = tpu.memref_slice %arg6[%dma_wait3A_615] : memref<322560xi32, #tpu.memory_space<hbm>> -> memref<80xi32, #tpu.memory_space<hbm>>
        tpu.wait_dma2 semaphore(%arg29 : memref<!tpu.dma_semaphore, #tpu.memory_space<semaphore_mem>>) src(%dma_wait3A_616 : memref<80xi32, #tpu.memory_space<hbm>>) dst(%dma_wait3A_614 : memref<80xi32, #tpu.memory_space<vmem>>)
        %dma_wait3A_617 = arith.constant 1 : i32
        %dma_wait3A_618 = arith.constant 0 : i32
        %dma_wait3A_619 = tpu.memref_slice %arg17[%dma_wait3A_617, %dma_wait3A_618] : memref<2x80xi32, #tpu.memory_space<vmem>> -> memref<1x80xi32, #tpu.memory_space<vmem>>
        %dma_wait3A_620 = tpu.memref_squeeze %dma_wait3A_619 : memref<1x80xi32, #tpu.memory_space<vmem>> -> memref<80xi32, #tpu.memory_space<vmem>>
        %dma_wait3A_621 = arith.constant 0 : i32
        %dma_wait3A_622 = tpu.memref_slice %arg6[%dma_wait3A_621] : memref<322560xi32, #tpu.memory_space<hbm>> -> memref<80xi32, #tpu.memory_space<hbm>>
        %dma_wait3A_623 = arith.constant 0 : i32
        %dma_wait3A_624 = tpu.memref_slice %arg17[%dma_wait3A_617, %dma_wait3A_623] : memref<2x80xi32, #tpu.memory_space<vmem>> -> memref<1x80xi32, #tpu.memory_space<vmem>>
        %dma_wait3A_625 = tpu.memref_squeeze %dma_wait3A_624 : memref<1x80xi32, #tpu.memory_space<vmem>> -> memref<80xi32, #tpu.memory_space<vmem>>
        %dma_wait3A_626 = arith.constant 0 : i32
        %dma_wait3A_627 = tpu.memref_slice %arg6[%dma_wait3A_626] : memref<322560xi32, #tpu.memory_space<hbm>> -> memref<80xi32, #tpu.memory_space<hbm>>
        tpu.wait_dma2 semaphore(%arg29 : memref<!tpu.dma_semaphore, #tpu.memory_space<semaphore_mem>>) src(%dma_wait3A_627 : memref<80xi32, #tpu.memory_space<hbm>>) dst(%dma_wait3A_625 : memref<80xi32, #tpu.memory_space<vmem>>)
        %dma_start3A_628 = arith.constant 0 : i32
        %dma_start3A_629 = arith.constant 0 : i32
        %dma_start3A_630 = tpu.memref_slice %arg17[%dma_start3A_628, %dma_start3A_629] : memref<2x80xi32, #tpu.memory_space<vmem>> -> memref<1x80xi32, #tpu.memory_space<vmem>>
        %dma_start3A_631 = tpu.memref_squeeze %dma_start3A_630 : memref<1x80xi32, #tpu.memory_space<vmem>> -> memref<80xi32, #tpu.memory_space<vmem>>
        %dma_start3A_632 = arith.constant 0 : i32
        %dma_start3A_633 = arith.constant 0 : i32
        %dma_start3A_634 = tpu.memref_slice %arg9[%dma_start3A_632, %dma_start3A_633] : memref<10000x128xf32, #tpu.memory_space<hbm>> -> memref<10000x128xf32, #tpu.memory_space<hbm>>
        tpu.enqueue_indirect_dma source(%dma_start3A_634 : memref<10000x128xf32, #tpu.memory_space<hbm>>) target(%arg21 : memref<80x128xf32, #tpu.memory_space<vmem>>) offsets(%dma_start3A_631 : memref<80xi32, #tpu.memory_space<vmem>>) semaphore(%arg23 : memref<!tpu.dma_semaphore, #tpu.memory_space<semaphore_mem>>)
      } else {
      }
      %dma_wait3A_450 = arith.constant 0 : i32
      %dma_wait3A_451 = arith.constant 0 : i32
      %dma_wait3A_452 = tpu.memref_slice %arg10[%dma_wait3A_450, %dma_wait3A_451] : memref<10240x128xf32, #tpu.memory_space<hbm>> -> memref<80x128xf32, #tpu.memory_space<hbm>>
      %dma_wait3A_453 = arith.constant 0 : i32
      %dma_wait3A_454 = arith.constant 0 : i32
      %dma_wait3A_455 = tpu.memref_slice %arg10[%dma_wait3A_453, %dma_wait3A_454] : memref<10240x128xf32, #tpu.memory_space<hbm>> -> memref<80x128xf32, #tpu.memory_space<hbm>>
      tpu.wait_dma2 semaphore(%arg24 : memref<!tpu.dma_semaphore, #tpu.memory_space<semaphore_mem>>) src(%dma_wait3A_455 : memref<80x128xf32, #tpu.memory_space<hbm>>) dst(%arg22 : memref<80x128xf32, #tpu.memory_space<vmem>>)
      %dma_start3A_456 = arith.constant 1 : i32
      %dma_start3A_457 = arith.constant 0 : i32
      %dma_start3A_458 = tpu.memref_slice %arg16[%dma_start3A_456, %dma_start3A_457] : memref<2x80xi32, #tpu.memory_space<vmem>> -> memref<1x80xi32, #tpu.memory_space<vmem>>
      %dma_start3A_459 = tpu.memref_squeeze %dma_start3A_458 : memref<1x80xi32, #tpu.memory_space<vmem>> -> memref<80xi32, #tpu.memory_space<vmem>>
      %dma_start3A_460 = arith.constant 0 : i32
      %dma_start3A_461 = arith.constant 0 : i32
      %dma_start3A_462 = tpu.memref_slice %arg14[%dma_start3A_460, %dma_start3A_461] : memref<10240x128xf32, #tpu.memory_space<vmem_shared>> -> memref<10240x128xf32, #tpu.memory_space<vmem_shared>>
      tpu.enqueue_indirect_dma source(%arg22 : memref<80x128xf32, #tpu.memory_space<vmem>>) target(%dma_start3A_462 : memref<10240x128xf32, #tpu.memory_space<vmem_shared>>) offsets(%dma_start3A_459 : memref<80xi32, #tpu.memory_space<vmem>>) semaphore(%arg26 : memref<!tpu.dma_semaphore, #tpu.memory_space<semaphore_mem>>) {add = true}
      %add3A_463 = arith.constant 2 : i32
      %add3A_464 = arith.addi %add3A_437, %add3A_463 : i32
      %lt3A_465 = arith.constant 126 : i32
      %lt3A_466 = arith.cmpi slt, %add3A_464, %lt3A_465 : i32
      %convert_element_type3A_467 = arith.extui %lt3A_466 : i1 to i32
      %cond3A_468 = arith.constant 0 : i32
      %cond3A_469 = arith.cmpi ne, %convert_element_type3A_467, %cond3A_468 : i32
      scf.if %cond3A_469 {
        %add3A_606 = arith.constant 2 : i32
        %add3A_607 = arith.addi %add3A_437, %add3A_606 : i32
        %mul3A_608 = arith.constant 80 : i32
        %mul3A_609 = arith.muli %add3A_607, %mul3A_608 : i32
        %add3A_610 = arith.addi %mul3A_286, %mul3A_609 : i32
        %multiple_of3A_611 = tpu.assume_multiple %add3A_610, 8 : i32
        %dma_start3A_612 = arith.constant 0 : i32
        %dma_start3A_613 = arith.constant 0 : i32
        %dma_start3A_614 = tpu.memref_slice %arg18[%dma_start3A_612, %dma_start3A_613] : memref<2x80xi32, #tpu.memory_space<vmem>> -> memref<1x80xi32, #tpu.memory_space<vmem>>
        %dma_start3A_615 = tpu.memref_squeeze %dma_start3A_614 : memref<1x80xi32, #tpu.memory_space<vmem>> -> memref<80xi32, #tpu.memory_space<vmem>>
        %dma_start3A_616 = tpu.memref_slice %arg6[%multiple_of3A_611] : memref<322560xi32, #tpu.memory_space<hbm>> -> memref<80xi32, #tpu.memory_space<hbm>>
        %dma_start3A_617 = arith.constant 0 : i32
        %dma_start3A_618 = tpu.memref_slice %arg18[%dma_start3A_612, %dma_start3A_617] : memref<2x80xi32, #tpu.memory_space<vmem>> -> memref<1x80xi32, #tpu.memory_space<vmem>>
        %dma_start3A_619 = tpu.memref_squeeze %dma_start3A_618 : memref<1x80xi32, #tpu.memory_space<vmem>> -> memref<80xi32, #tpu.memory_space<vmem>>
        %dma_start3A_620 = tpu.memref_slice %arg6[%multiple_of3A_611] : memref<322560xi32, #tpu.memory_space<hbm>> -> memref<80xi32, #tpu.memory_space<hbm>>
        tpu.enqueue_dma source(%dma_start3A_620 : memref<80xi32, #tpu.memory_space<hbm>>) target(%dma_start3A_619 : memref<80xi32, #tpu.memory_space<vmem>>) target_semaphore(%arg30 : memref<!tpu.dma_semaphore, #tpu.memory_space<semaphore_mem>>)
        %dma_start3A_621 = arith.constant 1 : i32
        %dma_start3A_622 = arith.constant 0 : i32
        %dma_start3A_623 = tpu.memref_slice %arg18[%dma_start3A_621, %dma_start3A_622] : memref<2x80xi32, #tpu.memory_space<vmem>> -> memref<1x80xi32, #tpu.memory_space<vmem>>
        %dma_start3A_624 = tpu.memref_squeeze %dma_start3A_623 : memref<1x80xi32, #tpu.memory_space<vmem>> -> memref<80xi32, #tpu.memory_space<vmem>>
        %dma_start3A_625 = tpu.memref_slice %arg7[%multiple_of3A_611] : memref<322560xi32, #tpu.memory_space<hbm>> -> memref<80xi32, #tpu.memory_space<hbm>>
        %dma_start3A_626 = arith.constant 0 : i32
        %dma_start3A_627 = tpu.memref_slice %arg18[%dma_start3A_621, %dma_start3A_626] : memref<2x80xi32, #tpu.memory_space<vmem>> -> memref<1x80xi32, #tpu.memory_space<vmem>>
        %dma_start3A_628 = tpu.memref_squeeze %dma_start3A_627 : memref<1x80xi32, #tpu.memory_space<vmem>> -> memref<80xi32, #tpu.memory_space<vmem>>
        %dma_start3A_629 = tpu.memref_slice %arg7[%multiple_of3A_611] : memref<322560xi32, #tpu.memory_space<hbm>> -> memref<80xi32, #tpu.memory_space<hbm>>
        tpu.enqueue_dma source(%dma_start3A_629 : memref<80xi32, #tpu.memory_space<hbm>>) target(%dma_start3A_628 : memref<80xi32, #tpu.memory_space<vmem>>) target_semaphore(%arg30 : memref<!tpu.dma_semaphore, #tpu.memory_space<semaphore_mem>>)
      } else {
      }
      %add3A_470 = arith.constant 2 : i32
      %add3A_471 = arith.addi %mul3A_405, %add3A_470 : i32
      %gt3A_472 = arith.constant 0 : i32
      %gt3A_473 = arith.cmpi sgt, %add3A_471, %gt3A_472 : i32
      %convert_element_type3A_474 = arith.extui %gt3A_473 : i1 to i32
      %cond3A_475 = arith.constant 0 : i32
      %cond3A_476 = arith.cmpi ne, %convert_element_type3A_474, %cond3A_475 : i32
      scf.if %cond3A_476 {
        %dma_wait3A_606 = arith.constant 0 : i32
        %dma_wait3A_607 = arith.constant 0 : i32
        %dma_wait3A_608 = tpu.memref_slice %arg10[%dma_wait3A_606, %dma_wait3A_607] : memref<10240x128xf32, #tpu.memory_space<hbm>> -> memref<80x128xf32, #tpu.memory_space<hbm>>
        %dma_wait3A_609 = arith.constant 0 : i32
        %dma_wait3A_610 = arith.constant 0 : i32
        %dma_wait3A_611 = tpu.memref_slice %arg10[%dma_wait3A_609, %dma_wait3A_610] : memref<10240x128xf32, #tpu.memory_space<hbm>> -> memref<80x128xf32, #tpu.memory_space<hbm>>
        tpu.wait_dma2 semaphore(%arg26 : memref<!tpu.dma_semaphore, #tpu.memory_space<semaphore_mem>>) src(%dma_wait3A_611 : memref<80x128xf32, #tpu.memory_space<hbm>>) dst(%arg22 : memref<80x128xf32, #tpu.memory_space<vmem>>)
      } else {
      }
      %add3A_477 = arith.constant 1 : i32
      %add3A_478 = arith.addi %add3A_471, %add3A_477 : i32
      %lt3A_479 = arith.constant 126 : i32
      %lt3A_480 = arith.cmpi slt, %add3A_478, %lt3A_479 : i32
      %convert_element_type3A_481 = arith.extui %lt3A_480 : i1 to i32
      %cond3A_482 = arith.constant 0 : i32
      %cond3A_483 = arith.cmpi ne, %convert_element_type3A_481, %cond3A_482 : i32
      scf.if %cond3A_483 {
        %dma_wait3A_606 = arith.constant 0 : i32
        %dma_wait3A_607 = arith.constant 0 : i32
        %dma_wait3A_608 = tpu.memref_slice %arg18[%dma_wait3A_606, %dma_wait3A_607] : memref<2x80xi32, #tpu.memory_space<vmem>> -> memref<1x80xi32, #tpu.memory_space<vmem>>
        %dma_wait3A_609 = tpu.memref_squeeze %dma_wait3A_608 : memref<1x80xi32, #tpu.memory_space<vmem>> -> memref<80xi32, #tpu.memory_space<vmem>>
        %dma_wait3A_610 = arith.constant 0 : i32
        %dma_wait3A_611 = tpu.memref_slice %arg6[%dma_wait3A_610] : memref<322560xi32, #tpu.memory_space<hbm>> -> memref<80xi32, #tpu.memory_space<hbm>>
        %dma_wait3A_612 = arith.constant 0 : i32
        %dma_wait3A_613 = tpu.memref_slice %arg18[%dma_wait3A_606, %dma_wait3A_612] : memref<2x80xi32, #tpu.memory_space<vmem>> -> memref<1x80xi32, #tpu.memory_space<vmem>>
        %dma_wait3A_614 = tpu.memref_squeeze %dma_wait3A_613 : memref<1x80xi32, #tpu.memory_space<vmem>> -> memref<80xi32, #tpu.memory_space<vmem>>
        %dma_wait3A_615 = arith.constant 0 : i32
        %dma_wait3A_616 = tpu.memref_slice %arg6[%dma_wait3A_615] : memref<322560xi32, #tpu.memory_space<hbm>> -> memref<80xi32, #tpu.memory_space<hbm>>
        tpu.wait_dma2 semaphore(%arg30 : memref<!tpu.dma_semaphore, #tpu.memory_space<semaphore_mem>>) src(%dma_wait3A_616 : memref<80xi32, #tpu.memory_space<hbm>>) dst(%dma_wait3A_614 : memref<80xi32, #tpu.memory_space<vmem>>)
        %dma_wait3A_617 = arith.constant 1 : i32
        %dma_wait3A_618 = arith.constant 0 : i32
        %dma_wait3A_619 = tpu.memref_slice %arg18[%dma_wait3A_617, %dma_wait3A_618] : memref<2x80xi32, #tpu.memory_space<vmem>> -> memref<1x80xi32, #tpu.memory_space<vmem>>
        %dma_wait3A_620 = tpu.memref_squeeze %dma_wait3A_619 : memref<1x80xi32, #tpu.memory_space<vmem>> -> memref<80xi32, #tpu.memory_space<vmem>>
        %dma_wait3A_621 = arith.constant 0 : i32
        %dma_wait3A_622 = tpu.memref_slice %arg6[%dma_wait3A_621] : memref<322560xi32, #tpu.memory_space<hbm>> -> memref<80xi32, #tpu.memory_space<hbm>>
        %dma_wait3A_623 = arith.constant 0 : i32
        %dma_wait3A_624 = tpu.memref_slice %arg18[%dma_wait3A_617, %dma_wait3A_623] : memref<2x80xi32, #tpu.memory_space<vmem>> -> memref<1x80xi32, #tpu.memory_space<vmem>>
        %dma_wait3A_625 = tpu.memref_squeeze %dma_wait3A_624 : memref<1x80xi32, #tpu.memory_space<vmem>> -> memref<80xi32, #tpu.memory_space<vmem>>
        %dma_wait3A_626 = arith.constant 0 : i32
        %dma_wait3A_627 = tpu.memref_slice %arg6[%dma_wait3A_626] : memref<322560xi32, #tpu.memory_space<hbm>> -> memref<80xi32, #tpu.memory_space<hbm>>
        tpu.wait_dma2 semaphore(%arg30 : memref<!tpu.dma_semaphore, #tpu.memory_space<semaphore_mem>>) src(%dma_wait3A_627 : memref<80xi32, #tpu.memory_space<hbm>>) dst(%dma_wait3A_625 : memref<80xi32, #tpu.memory_space<vmem>>)
        %dma_start3A_628 = arith.constant 0 : i32
        %dma_start3A_629 = arith.constant 0 : i32
        %dma_start3A_630 = tpu.memref_slice %arg18[%dma_start3A_628, %dma_start3A_629] : memref<2x80xi32, #tpu.memory_space<vmem>> -> memref<1x80xi32, #tpu.memory_space<vmem>>
        %dma_start3A_631 = tpu.memref_squeeze %dma_start3A_630 : memref<1x80xi32, #tpu.memory_space<vmem>> -> memref<80xi32, #tpu.memory_space<vmem>>
        %dma_start3A_632 = arith.constant 0 : i32
        %dma_start3A_633 = arith.constant 0 : i32
        %dma_start3A_634 = tpu.memref_slice %arg9[%dma_start3A_632, %dma_start3A_633] : memref<10000x128xf32, #tpu.memory_space<hbm>> -> memref<10000x128xf32, #tpu.memory_space<hbm>>
        tpu.enqueue_indirect_dma source(%dma_start3A_634 : memref<10000x128xf32, #tpu.memory_space<hbm>>) target(%arg22 : memref<80x128xf32, #tpu.memory_space<vmem>>) offsets(%dma_start3A_631 : memref<80xi32, #tpu.memory_space<vmem>>) semaphore(%arg24 : memref<!tpu.dma_semaphore, #tpu.memory_space<semaphore_mem>>)
      } else {
      }
      %dma_wait3A_484 = arith.constant 0 : i32
      %dma_wait3A_485 = arith.constant 0 : i32
      %dma_wait3A_486 = tpu.memref_slice %arg10[%dma_wait3A_484, %dma_wait3A_485] : memref<10240x128xf32, #tpu.memory_space<hbm>> -> memref<80x128xf32, #tpu.memory_space<hbm>>
      %dma_wait3A_487 = arith.constant 0 : i32
      %dma_wait3A_488 = arith.constant 0 : i32
      %dma_wait3A_489 = tpu.memref_slice %arg10[%dma_wait3A_487, %dma_wait3A_488] : memref<10240x128xf32, #tpu.memory_space<hbm>> -> memref<80x128xf32, #tpu.memory_space<hbm>>
      tpu.wait_dma2 semaphore(%arg23 : memref<!tpu.dma_semaphore, #tpu.memory_space<semaphore_mem>>) src(%dma_wait3A_489 : memref<80x128xf32, #tpu.memory_space<hbm>>) dst(%arg21 : memref<80x128xf32, #tpu.memory_space<vmem>>)
      %dma_start3A_490 = arith.constant 1 : i32
      %dma_start3A_491 = arith.constant 0 : i32
      %dma_start3A_492 = tpu.memref_slice %arg17[%dma_start3A_490, %dma_start3A_491] : memref<2x80xi32, #tpu.memory_space<vmem>> -> memref<1x80xi32, #tpu.memory_space<vmem>>
      %dma_start3A_493 = tpu.memref_squeeze %dma_start3A_492 : memref<1x80xi32, #tpu.memory_space<vmem>> -> memref<80xi32, #tpu.memory_space<vmem>>
      %dma_start3A_494 = arith.constant 0 : i32
      %dma_start3A_495 = arith.constant 0 : i32
      %dma_start3A_496 = tpu.memref_slice %arg14[%dma_start3A_494, %dma_start3A_495] : memref<10240x128xf32, #tpu.memory_space<vmem_shared>> -> memref<10240x128xf32, #tpu.memory_space<vmem_shared>>
      tpu.enqueue_indirect_dma source(%arg21 : memref<80x128xf32, #tpu.memory_space<vmem>>) target(%dma_start3A_496 : memref<10240x128xf32, #tpu.memory_space<vmem_shared>>) offsets(%dma_start3A_493 : memref<80xi32, #tpu.memory_space<vmem>>) semaphore(%arg25 : memref<!tpu.dma_semaphore, #tpu.memory_space<semaphore_mem>>) {add = true}
      %add3A_497 = arith.constant 2 : i32
      %add3A_498 = arith.addi %add3A_471, %add3A_497 : i32
      %lt3A_499 = arith.constant 126 : i32
      %lt3A_500 = arith.cmpi slt, %add3A_498, %lt3A_499 : i32
      %convert_element_type3A_501 = arith.extui %lt3A_500 : i1 to i32
      %cond3A_502 = arith.constant 0 : i32
      %cond3A_503 = arith.cmpi ne, %convert_element_type3A_501, %cond3A_502 : i32
      scf.if %cond3A_503 {
        %add3A_606 = arith.constant 2 : i32
        %add3A_607 = arith.addi %add3A_471, %add3A_606 : i32
        %mul3A_608 = arith.constant 80 : i32
        %mul3A_609 = arith.muli %add3A_607, %mul3A_608 : i32
        %add3A_610 = arith.addi %mul3A_286, %mul3A_609 : i32
        %multiple_of3A_611 = tpu.assume_multiple %add3A_610, 8 : i32
        %dma_start3A_612 = arith.constant 0 : i32
        %dma_start3A_613 = arith.constant 0 : i32
        %dma_start3A_614 = tpu.memref_slice %arg19[%dma_start3A_612, %dma_start3A_613] : memref<2x80xi32, #tpu.memory_space<vmem>> -> memref<1x80xi32, #tpu.memory_space<vmem>>
        %dma_start3A_615 = tpu.memref_squeeze %dma_start3A_614 : memref<1x80xi32, #tpu.memory_space<vmem>> -> memref<80xi32, #tpu.memory_space<vmem>>
        %dma_start3A_616 = tpu.memref_slice %arg6[%multiple_of3A_611] : memref<322560xi32, #tpu.memory_space<hbm>> -> memref<80xi32, #tpu.memory_space<hbm>>
        %dma_start3A_617 = arith.constant 0 : i32
        %dma_start3A_618 = tpu.memref_slice %arg19[%dma_start3A_612, %dma_start3A_617] : memref<2x80xi32, #tpu.memory_space<vmem>> -> memref<1x80xi32, #tpu.memory_space<vmem>>
        %dma_start3A_619 = tpu.memref_squeeze %dma_start3A_618 : memref<1x80xi32, #tpu.memory_space<vmem>> -> memref<80xi32, #tpu.memory_space<vmem>>
        %dma_start3A_620 = tpu.memref_slice %arg6[%multiple_of3A_611] : memref<322560xi32, #tpu.memory_space<hbm>> -> memref<80xi32, #tpu.memory_space<hbm>>
        tpu.enqueue_dma source(%dma_start3A_620 : memref<80xi32, #tpu.memory_space<hbm>>) target(%dma_start3A_619 : memref<80xi32, #tpu.memory_space<vmem>>) target_semaphore(%arg31 : memref<!tpu.dma_semaphore, #tpu.memory_space<semaphore_mem>>)
        %dma_start3A_621 = arith.constant 1 : i32
        %dma_start3A_622 = arith.constant 0 : i32
        %dma_start3A_623 = tpu.memref_slice %arg19[%dma_start3A_621, %dma_start3A_622] : memref<2x80xi32, #tpu.memory_space<vmem>> -> memref<1x80xi32, #tpu.memory_space<vmem>>
        %dma_start3A_624 = tpu.memref_squeeze %dma_start3A_623 : memref<1x80xi32, #tpu.memory_space<vmem>> -> memref<80xi32, #tpu.memory_space<vmem>>
        %dma_start3A_625 = tpu.memref_slice %arg7[%multiple_of3A_611] : memref<322560xi32, #tpu.memory_space<hbm>> -> memref<80xi32, #tpu.memory_space<hbm>>
        %dma_start3A_626 = arith.constant 0 : i32
        %dma_start3A_627 = tpu.memref_slice %arg19[%dma_start3A_621, %dma_start3A_626] : memref<2x80xi32, #tpu.memory_space<vmem>> -> memref<1x80xi32, #tpu.memory_space<vmem>>
        %dma_start3A_628 = tpu.memref_squeeze %dma_start3A_627 : memref<1x80xi32, #tpu.memory_space<vmem>> -> memref<80xi32, #tpu.memory_space<vmem>>
        %dma_start3A_629 = tpu.memref_slice %arg7[%multiple_of3A_611] : memref<322560xi32, #tpu.memory_space<hbm>> -> memref<80xi32, #tpu.memory_space<hbm>>
        tpu.enqueue_dma source(%dma_start3A_629 : memref<80xi32, #tpu.memory_space<hbm>>) target(%dma_start3A_628 : memref<80xi32, #tpu.memory_space<vmem>>) target_semaphore(%arg31 : memref<!tpu.dma_semaphore, #tpu.memory_space<semaphore_mem>>)
      } else {
      }
      %add3A_504 = arith.constant 3 : i32
      %add3A_505 = arith.addi %mul3A_405, %add3A_504 : i32
      %gt3A_506 = arith.constant 0 : i32
      %gt3A_507 = arith.cmpi sgt, %add3A_505, %gt3A_506 : i32
      %convert_element_type3A_508 = arith.extui %gt3A_507 : i1 to i32
      %cond3A_509 = arith.constant 0 : i32
      %cond3A_510 = arith.cmpi ne, %convert_element_type3A_508, %cond3A_509 : i32
      scf.if %cond3A_510 {
        %dma_wait3A_606 = arith.constant 0 : i32
        %dma_wait3A_607 = arith.constant 0 : i32
        %dma_wait3A_608 = tpu.memref_slice %arg10[%dma_wait3A_606, %dma_wait3A_607] : memref<10240x128xf32, #tpu.memory_space<hbm>> -> memref<80x128xf32, #tpu.memory_space<hbm>>
        %dma_wait3A_609 = arith.constant 0 : i32
        %dma_wait3A_610 = arith.constant 0 : i32
        %dma_wait3A_611 = tpu.memref_slice %arg10[%dma_wait3A_609, %dma_wait3A_610] : memref<10240x128xf32, #tpu.memory_space<hbm>> -> memref<80x128xf32, #tpu.memory_space<hbm>>
        tpu.wait_dma2 semaphore(%arg25 : memref<!tpu.dma_semaphore, #tpu.memory_space<semaphore_mem>>) src(%dma_wait3A_611 : memref<80x128xf32, #tpu.memory_space<hbm>>) dst(%arg21 : memref<80x128xf32, #tpu.memory_space<vmem>>)
      } else {
      }
      %add3A_511 = arith.constant 1 : i32
      %add3A_512 = arith.addi %add3A_505, %add3A_511 : i32
      %lt3A_513 = arith.constant 126 : i32
      %lt3A_514 = arith.cmpi slt, %add3A_512, %lt3A_513 : i32
      %convert_element_type3A_515 = arith.extui %lt3A_514 : i1 to i32
      %cond3A_516 = arith.constant 0 : i32
      %cond3A_517 = arith.cmpi ne, %convert_element_type3A_515, %cond3A_516 : i32
      scf.if %cond3A_517 {
        %dma_wait3A_606 = arith.constant 0 : i32
        %dma_wait3A_607 = arith.constant 0 : i32
        %dma_wait3A_608 = tpu.memref_slice %arg19[%dma_wait3A_606, %dma_wait3A_607] : memref<2x80xi32, #tpu.memory_space<vmem>> -> memref<1x80xi32, #tpu.memory_space<vmem>>
        %dma_wait3A_609 = tpu.memref_squeeze %dma_wait3A_608 : memref<1x80xi32, #tpu.memory_space<vmem>> -> memref<80xi32, #tpu.memory_space<vmem>>
        %dma_wait3A_610 = arith.constant 0 : i32
        %dma_wait3A_611 = tpu.memref_slice %arg6[%dma_wait3A_610] : memref<322560xi32, #tpu.memory_space<hbm>> -> memref<80xi32, #tpu.memory_space<hbm>>
        %dma_wait3A_612 = arith.constant 0 : i32
        %dma_wait3A_613 = tpu.memref_slice %arg19[%dma_wait3A_606, %dma_wait3A_612] : memref<2x80xi32, #tpu.memory_space<vmem>> -> memref<1x80xi32, #tpu.memory_space<vmem>>
        %dma_wait3A_614 = tpu.memref_squeeze %dma_wait3A_613 : memref<1x80xi32, #tpu.memory_space<vmem>> -> memref<80xi32, #tpu.memory_space<vmem>>
        %dma_wait3A_615 = arith.constant 0 : i32
        %dma_wait3A_616 = tpu.memref_slice %arg6[%dma_wait3A_615] : memref<322560xi32, #tpu.memory_space<hbm>> -> memref<80xi32, #tpu.memory_space<hbm>>
        tpu.wait_dma2 semaphore(%arg31 : memref<!tpu.dma_semaphore, #tpu.memory_space<semaphore_mem>>) src(%dma_wait3A_616 : memref<80xi32, #tpu.memory_space<hbm>>) dst(%dma_wait3A_614 : memref<80xi32, #tpu.memory_space<vmem>>)
        %dma_wait3A_617 = arith.constant 1 : i32
        %dma_wait3A_618 = arith.constant 0 : i32
        %dma_wait3A_619 = tpu.memref_slice %arg19[%dma_wait3A_617, %dma_wait3A_618] : memref<2x80xi32, #tpu.memory_space<vmem>> -> memref<1x80xi32, #tpu.memory_space<vmem>>
        %dma_wait3A_620 = tpu.memref_squeeze %dma_wait3A_619 : memref<1x80xi32, #tpu.memory_space<vmem>> -> memref<80xi32, #tpu.memory_space<vmem>>
        %dma_wait3A_621 = arith.constant 0 : i32
        %dma_wait3A_622 = tpu.memref_slice %arg6[%dma_wait3A_621] : memref<322560xi32, #tpu.memory_space<hbm>> -> memref<80xi32, #tpu.memory_space<hbm>>
        %dma_wait3A_623 = arith.constant 0 : i32
        %dma_wait3A_624 = tpu.memref_slice %arg19[%dma_wait3A_617, %dma_wait3A_623] : memref<2x80xi32, #tpu.memory_space<vmem>> -> memref<1x80xi32, #tpu.memory_space<vmem>>
        %dma_wait3A_625 = tpu.memref_squeeze %dma_wait3A_624 : memref<1x80xi32, #tpu.memory_space<vmem>> -> memref<80xi32, #tpu.memory_space<vmem>>
        %dma_wait3A_626 = arith.constant 0 : i32
        %dma_wait3A_627 = tpu.memref_slice %arg6[%dma_wait3A_626] : memref<322560xi32, #tpu.memory_space<hbm>> -> memref<80xi32, #tpu.memory_space<hbm>>
        tpu.wait_dma2 semaphore(%arg31 : memref<!tpu.dma_semaphore, #tpu.memory_space<semaphore_mem>>) src(%dma_wait3A_627 : memref<80xi32, #tpu.memory_space<hbm>>) dst(%dma_wait3A_625 : memref<80xi32, #tpu.memory_space<vmem>>)
        %dma_start3A_628 = arith.constant 0 : i32
        %dma_start3A_629 = arith.constant 0 : i32
        %dma_start3A_630 = tpu.memref_slice %arg19[%dma_start3A_628, %dma_start3A_629] : memref<2x80xi32, #tpu.memory_space<vmem>> -> memref<1x80xi32, #tpu.memory_space<vmem>>
        %dma_start3A_631 = tpu.memref_squeeze %dma_start3A_630 : memref<1x80xi32, #tpu.memory_space<vmem>> -> memref<80xi32, #tpu.memory_space<vmem>>
        %dma_start3A_632 = arith.constant 0 : i32
        %dma_start3A_633 = arith.constant 0 : i32
        %dma_start3A_634 = tpu.memref_slice %arg9[%dma_start3A_632, %dma_start3A_633] : memref<10000x128xf32, #tpu.memory_space<hbm>> -> memref<10000x128xf32, #tpu.memory_space<hbm>>
        tpu.enqueue_indirect_dma source(%dma_start3A_634 : memref<10000x128xf32, #tpu.memory_space<hbm>>) target(%arg21 : memref<80x128xf32, #tpu.memory_space<vmem>>) offsets(%dma_start3A_631 : memref<80xi32, #tpu.memory_space<vmem>>) semaphore(%arg23 : memref<!tpu.dma_semaphore, #tpu.memory_space<semaphore_mem>>)
      } else {
      }
      %dma_wait3A_518 = arith.constant 0 : i32
      %dma_wait3A_519 = arith.constant 0 : i32
      %dma_wait3A_520 = tpu.memref_slice %arg10[%dma_wait3A_518, %dma_wait3A_519] : memref<10240x128xf32, #tpu.memory_space<hbm>> -> memref<80x128xf32, #tpu.memory_space<hbm>>
      %dma_wait3A_521 = arith.constant 0 : i32
      %dma_wait3A_522 = arith.constant 0 : i32
      %dma_wait3A_523 = tpu.memref_slice %arg10[%dma_wait3A_521, %dma_wait3A_522] : memref<10240x128xf32, #tpu.memory_space<hbm>> -> memref<80x128xf32, #tpu.memory_space<hbm>>
      tpu.wait_dma2 semaphore(%arg24 : memref<!tpu.dma_semaphore, #tpu.memory_space<semaphore_mem>>) src(%dma_wait3A_523 : memref<80x128xf32, #tpu.memory_space<hbm>>) dst(%arg22 : memref<80x128xf32, #tpu.memory_space<vmem>>)
      %dma_start3A_524 = arith.constant 1 : i32
      %dma_start3A_525 = arith.constant 0 : i32
      %dma_start3A_526 = tpu.memref_slice %arg18[%dma_start3A_524, %dma_start3A_525] : memref<2x80xi32, #tpu.memory_space<vmem>> -> memref<1x80xi32, #tpu.memory_space<vmem>>
      %dma_start3A_527 = tpu.memref_squeeze %dma_start3A_526 : memref<1x80xi32, #tpu.memory_space<vmem>> -> memref<80xi32, #tpu.memory_space<vmem>>
      %dma_start3A_528 = arith.constant 0 : i32
      %dma_start3A_529 = arith.constant 0 : i32
      %dma_start3A_530 = tpu.memref_slice %arg14[%dma_start3A_528, %dma_start3A_529] : memref<10240x128xf32, #tpu.memory_space<vmem_shared>> -> memref<10240x128xf32, #tpu.memory_space<vmem_shared>>
      tpu.enqueue_indirect_dma source(%arg22 : memref<80x128xf32, #tpu.memory_space<vmem>>) target(%dma_start3A_530 : memref<10240x128xf32, #tpu.memory_space<vmem_shared>>) offsets(%dma_start3A_527 : memref<80xi32, #tpu.memory_space<vmem>>) semaphore(%arg26 : memref<!tpu.dma_semaphore, #tpu.memory_space<semaphore_mem>>) {add = true}
      %add3A_531 = arith.constant 2 : i32
      %add3A_532 = arith.addi %add3A_505, %add3A_531 : i32
      %lt3A_533 = arith.constant 126 : i32
      %lt3A_534 = arith.cmpi slt, %add3A_532, %lt3A_533 : i32
      %convert_element_type3A_535 = arith.extui %lt3A_534 : i1 to i32
      %cond3A_536 = arith.constant 0 : i32
      %cond3A_537 = arith.cmpi ne, %convert_element_type3A_535, %cond3A_536 : i32
      scf.if %cond3A_537 {
        %add3A_606 = arith.constant 2 : i32
        %add3A_607 = arith.addi %add3A_505, %add3A_606 : i32
        %mul3A_608 = arith.constant 80 : i32
        %mul3A_609 = arith.muli %add3A_607, %mul3A_608 : i32
        %add3A_610 = arith.addi %mul3A_286, %mul3A_609 : i32
        %multiple_of3A_611 = tpu.assume_multiple %add3A_610, 8 : i32
        %dma_start3A_612 = arith.constant 0 : i32
        %dma_start3A_613 = arith.constant 0 : i32
        %dma_start3A_614 = tpu.memref_slice %arg20[%dma_start3A_612, %dma_start3A_613] : memref<2x80xi32, #tpu.memory_space<vmem>> -> memref<1x80xi32, #tpu.memory_space<vmem>>
        %dma_start3A_615 = tpu.memref_squeeze %dma_start3A_614 : memref<1x80xi32, #tpu.memory_space<vmem>> -> memref<80xi32, #tpu.memory_space<vmem>>
        %dma_start3A_616 = tpu.memref_slice %arg6[%multiple_of3A_611] : memref<322560xi32, #tpu.memory_space<hbm>> -> memref<80xi32, #tpu.memory_space<hbm>>
        %dma_start3A_617 = arith.constant 0 : i32
        %dma_start3A_618 = tpu.memref_slice %arg20[%dma_start3A_612, %dma_start3A_617] : memref<2x80xi32, #tpu.memory_space<vmem>> -> memref<1x80xi32, #tpu.memory_space<vmem>>
        %dma_start3A_619 = tpu.memref_squeeze %dma_start3A_618 : memref<1x80xi32, #tpu.memory_space<vmem>> -> memref<80xi32, #tpu.memory_space<vmem>>
        %dma_start3A_620 = tpu.memref_slice %arg6[%multiple_of3A_611] : memref<322560xi32, #tpu.memory_space<hbm>> -> memref<80xi32, #tpu.memory_space<hbm>>
        tpu.enqueue_dma source(%dma_start3A_620 : memref<80xi32, #tpu.memory_space<hbm>>) target(%dma_start3A_619 : memref<80xi32, #tpu.memory_space<vmem>>) target_semaphore(%arg32 : memref<!tpu.dma_semaphore, #tpu.memory_space<semaphore_mem>>)
        %dma_start3A_621 = arith.constant 1 : i32
        %dma_start3A_622 = arith.constant 0 : i32
        %dma_start3A_623 = tpu.memref_slice %arg20[%dma_start3A_621, %dma_start3A_622] : memref<2x80xi32, #tpu.memory_space<vmem>> -> memref<1x80xi32, #tpu.memory_space<vmem>>
        %dma_start3A_624 = tpu.memref_squeeze %dma_start3A_623 : memref<1x80xi32, #tpu.memory_space<vmem>> -> memref<80xi32, #tpu.memory_space<vmem>>
        %dma_start3A_625 = tpu.memref_slice %arg7[%multiple_of3A_611] : memref<322560xi32, #tpu.memory_space<hbm>> -> memref<80xi32, #tpu.memory_space<hbm>>
        %dma_start3A_626 = arith.constant 0 : i32
        %dma_start3A_627 = tpu.memref_slice %arg20[%dma_start3A_621, %dma_start3A_626] : memref<2x80xi32, #tpu.memory_space<vmem>> -> memref<1x80xi32, #tpu.memory_space<vmem>>
        %dma_start3A_628 = tpu.memref_squeeze %dma_start3A_627 : memref<1x80xi32, #tpu.memory_space<vmem>> -> memref<80xi32, #tpu.memory_space<vmem>>
        %dma_start3A_629 = tpu.memref_slice %arg7[%multiple_of3A_611] : memref<322560xi32, #tpu.memory_space<hbm>> -> memref<80xi32, #tpu.memory_space<hbm>>
        tpu.enqueue_dma source(%dma_start3A_629 : memref<80xi32, #tpu.memory_space<hbm>>) target(%dma_start3A_628 : memref<80xi32, #tpu.memory_space<vmem>>) target_semaphore(%arg32 : memref<!tpu.dma_semaphore, #tpu.memory_space<semaphore_mem>>)
      } else {
      }
      %add3A_538 = arith.constant 4 : i32
      %add3A_539 = arith.addi %mul3A_405, %add3A_538 : i32
      %gt3A_540 = arith.constant 0 : i32
      %gt3A_541 = arith.cmpi sgt, %add3A_539, %gt3A_540 : i32
      %convert_element_type3A_542 = arith.extui %gt3A_541 : i1 to i32
      %cond3A_543 = arith.constant 0 : i32
      %cond3A_544 = arith.cmpi ne, %convert_element_type3A_542, %cond3A_543 : i32
      scf.if %cond3A_544 {
        %dma_wait3A_606 = arith.constant 0 : i32
        %dma_wait3A_607 = arith.constant 0 : i32
        %dma_wait3A_608 = tpu.memref_slice %arg10[%dma_wait3A_606, %dma_wait3A_607] : memref<10240x128xf32, #tpu.memory_space<hbm>> -> memref<80x128xf32, #tpu.memory_space<hbm>>
        %dma_wait3A_609 = arith.constant 0 : i32
        %dma_wait3A_610 = arith.constant 0 : i32
        %dma_wait3A_611 = tpu.memref_slice %arg10[%dma_wait3A_609, %dma_wait3A_610] : memref<10240x128xf32, #tpu.memory_space<hbm>> -> memref<80x128xf32, #tpu.memory_space<hbm>>
        tpu.wait_dma2 semaphore(%arg26 : memref<!tpu.dma_semaphore, #tpu.memory_space<semaphore_mem>>) src(%dma_wait3A_611 : memref<80x128xf32, #tpu.memory_space<hbm>>) dst(%arg22 : memref<80x128xf32, #tpu.memory_space<vmem>>)
      } else {
      }
      %add3A_545 = arith.constant 1 : i32
      %add3A_546 = arith.addi %add3A_539, %add3A_545 : i32
      %lt3A_547 = arith.constant 126 : i32
      %lt3A_548 = arith.cmpi slt, %add3A_546, %lt3A_547 : i32
      %convert_element_type3A_549 = arith.extui %lt3A_548 : i1 to i32
      %cond3A_550 = arith.constant 0 : i32
      %cond3A_551 = arith.cmpi ne, %convert_element_type3A_549, %cond3A_550 : i32
      scf.if %cond3A_551 {
        %dma_wait3A_606 = arith.constant 0 : i32
        %dma_wait3A_607 = arith.constant 0 : i32
        %dma_wait3A_608 = tpu.memref_slice %arg20[%dma_wait3A_606, %dma_wait3A_607] : memref<2x80xi32, #tpu.memory_space<vmem>> -> memref<1x80xi32, #tpu.memory_space<vmem>>
        %dma_wait3A_609 = tpu.memref_squeeze %dma_wait3A_608 : memref<1x80xi32, #tpu.memory_space<vmem>> -> memref<80xi32, #tpu.memory_space<vmem>>
        %dma_wait3A_610 = arith.constant 0 : i32
        %dma_wait3A_611 = tpu.memref_slice %arg6[%dma_wait3A_610] : memref<322560xi32, #tpu.memory_space<hbm>> -> memref<80xi32, #tpu.memory_space<hbm>>
        %dma_wait3A_612 = arith.constant 0 : i32
        %dma_wait3A_613 = tpu.memref_slice %arg20[%dma_wait3A_606, %dma_wait3A_612] : memref<2x80xi32, #tpu.memory_space<vmem>> -> memref<1x80xi32, #tpu.memory_space<vmem>>
        %dma_wait3A_614 = tpu.memref_squeeze %dma_wait3A_613 : memref<1x80xi32, #tpu.memory_space<vmem>> -> memref<80xi32, #tpu.memory_space<vmem>>
        %dma_wait3A_615 = arith.constant 0 : i32
        %dma_wait3A_616 = tpu.memref_slice %arg6[%dma_wait3A_615] : memref<322560xi32, #tpu.memory_space<hbm>> -> memref<80xi32, #tpu.memory_space<hbm>>
        tpu.wait_dma2 semaphore(%arg32 : memref<!tpu.dma_semaphore, #tpu.memory_space<semaphore_mem>>) src(%dma_wait3A_616 : memref<80xi32, #tpu.memory_space<hbm>>) dst(%dma_wait3A_614 : memref<80xi32, #tpu.memory_space<vmem>>)
        %dma_wait3A_617 = arith.constant 1 : i32
        %dma_wait3A_618 = arith.constant 0 : i32
        %dma_wait3A_619 = tpu.memref_slice %arg20[%dma_wait3A_617, %dma_wait3A_618] : memref<2x80xi32, #tpu.memory_space<vmem>> -> memref<1x80xi32, #tpu.memory_space<vmem>>
        %dma_wait3A_620 = tpu.memref_squeeze %dma_wait3A_619 : memref<1x80xi32, #tpu.memory_space<vmem>> -> memref<80xi32, #tpu.memory_space<vmem>>
        %dma_wait3A_621 = arith.constant 0 : i32
        %dma_wait3A_622 = tpu.memref_slice %arg6[%dma_wait3A_621] : memref<322560xi32, #tpu.memory_space<hbm>> -> memref<80xi32, #tpu.memory_space<hbm>>
        %dma_wait3A_623 = arith.constant 0 : i32
        %dma_wait3A_624 = tpu.memref_slice %arg20[%dma_wait3A_617, %dma_wait3A_623] : memref<2x80xi32, #tpu.memory_space<vmem>> -> memref<1x80xi32, #tpu.memory_space<vmem>>
        %dma_wait3A_625 = tpu.memref_squeeze %dma_wait3A_624 : memref<1x80xi32, #tpu.memory_space<vmem>> -> memref<80xi32, #tpu.memory_space<vmem>>
        %dma_wait3A_626 = arith.constant 0 : i32
        %dma_wait3A_627 = tpu.memref_slice %arg6[%dma_wait3A_626] : memref<322560xi32, #tpu.memory_space<hbm>> -> memref<80xi32, #tpu.memory_space<hbm>>
        tpu.wait_dma2 semaphore(%arg32 : memref<!tpu.dma_semaphore, #tpu.memory_space<semaphore_mem>>) src(%dma_wait3A_627 : memref<80xi32, #tpu.memory_space<hbm>>) dst(%dma_wait3A_625 : memref<80xi32, #tpu.memory_space<vmem>>)
        %dma_start3A_628 = arith.constant 0 : i32
        %dma_start3A_629 = arith.constant 0 : i32
        %dma_start3A_630 = tpu.memref_slice %arg20[%dma_start3A_628, %dma_start3A_629] : memref<2x80xi32, #tpu.memory_space<vmem>> -> memref<1x80xi32, #tpu.memory_space<vmem>>
        %dma_start3A_631 = tpu.memref_squeeze %dma_start3A_630 : memref<1x80xi32, #tpu.memory_space<vmem>> -> memref<80xi32, #tpu.memory_space<vmem>>
        %dma_start3A_632 = arith.constant 0 : i32
        %dma_start3A_633 = arith.constant 0 : i32
        %dma_start3A_634 = tpu.memref_slice %arg9[%dma_start3A_632, %dma_start3A_633] : memref<10000x128xf32, #tpu.memory_space<hbm>> -> memref<10000x128xf32, #tpu.memory_space<hbm>>
        tpu.enqueue_indirect_dma source(%dma_start3A_634 : memref<10000x128xf32, #tpu.memory_space<hbm>>) target(%arg22 : memref<80x128xf32, #tpu.memory_space<vmem>>) offsets(%dma_start3A_631 : memref<80xi32, #tpu.memory_space<vmem>>) semaphore(%arg24 : memref<!tpu.dma_semaphore, #tpu.memory_space<semaphore_mem>>)
      } else {
      }
      %dma_wait3A_552 = arith.constant 0 : i32
      %dma_wait3A_553 = arith.constant 0 : i32
      %dma_wait3A_554 = tpu.memref_slice %arg10[%dma_wait3A_552, %dma_wait3A_553] : memref<10240x128xf32, #tpu.memory_space<hbm>> -> memref<80x128xf32, #tpu.memory_space<hbm>>
      %dma_wait3A_555 = arith.constant 0 : i32
      %dma_wait3A_556 = arith.constant 0 : i32
      %dma_wait3A_557 = tpu.memref_slice %arg10[%dma_wait3A_555, %dma_wait3A_556] : memref<10240x128xf32, #tpu.memory_space<hbm>> -> memref<80x128xf32, #tpu.memory_space<hbm>>
      tpu.wait_dma2 semaphore(%arg23 : memref<!tpu.dma_semaphore, #tpu.memory_space<semaphore_mem>>) src(%dma_wait3A_557 : memref<80x128xf32, #tpu.memory_space<hbm>>) dst(%arg21 : memref<80x128xf32, #tpu.memory_space<vmem>>)
      %dma_start3A_558 = arith.constant 1 : i32
      %dma_start3A_559 = arith.constant 0 : i32
      %dma_start3A_560 = tpu.memref_slice %arg19[%dma_start3A_558, %dma_start3A_559] : memref<2x80xi32, #tpu.memory_space<vmem>> -> memref<1x80xi32, #tpu.memory_space<vmem>>
      %dma_start3A_561 = tpu.memref_squeeze %dma_start3A_560 : memref<1x80xi32, #tpu.memory_space<vmem>> -> memref<80xi32, #tpu.memory_space<vmem>>
      %dma_start3A_562 = arith.constant 0 : i32
      %dma_start3A_563 = arith.constant 0 : i32
      %dma_start3A_564 = tpu.memref_slice %arg14[%dma_start3A_562, %dma_start3A_563] : memref<10240x128xf32, #tpu.memory_space<vmem_shared>> -> memref<10240x128xf32, #tpu.memory_space<vmem_shared>>
      tpu.enqueue_indirect_dma source(%arg21 : memref<80x128xf32, #tpu.memory_space<vmem>>) target(%dma_start3A_564 : memref<10240x128xf32, #tpu.memory_space<vmem_shared>>) offsets(%dma_start3A_561 : memref<80xi32, #tpu.memory_space<vmem>>) semaphore(%arg25 : memref<!tpu.dma_semaphore, #tpu.memory_space<semaphore_mem>>) {add = true}
      %add3A_565 = arith.constant 2 : i32
      %add3A_566 = arith.addi %add3A_539, %add3A_565 : i32
      %lt3A_567 = arith.constant 126 : i32
      %lt3A_568 = arith.cmpi slt, %add3A_566, %lt3A_567 : i32
      %convert_element_type3A_569 = arith.extui %lt3A_568 : i1 to i32
      %cond3A_570 = arith.constant 0 : i32
      %cond3A_571 = arith.cmpi ne, %convert_element_type3A_569, %cond3A_570 : i32
      scf.if %cond3A_571 {
        %add3A_606 = arith.constant 2 : i32
        %add3A_607 = arith.addi %add3A_539, %add3A_606 : i32
        %mul3A_608 = arith.constant 80 : i32
        %mul3A_609 = arith.muli %add3A_607, %mul3A_608 : i32
        %add3A_610 = arith.addi %mul3A_286, %mul3A_609 : i32
        %multiple_of3A_611 = tpu.assume_multiple %add3A_610, 8 : i32
        %dma_start3A_612 = arith.constant 0 : i32
        %dma_start3A_613 = arith.constant 0 : i32
        %dma_start3A_614 = tpu.memref_slice %arg15[%dma_start3A_612, %dma_start3A_613] : memref<2x80xi32, #tpu.memory_space<vmem>> -> memref<1x80xi32, #tpu.memory_space<vmem>>
        %dma_start3A_615 = tpu.memref_squeeze %dma_start3A_614 : memref<1x80xi32, #tpu.memory_space<vmem>> -> memref<80xi32, #tpu.memory_space<vmem>>
        %dma_start3A_616 = tpu.memref_slice %arg6[%multiple_of3A_611] : memref<322560xi32, #tpu.memory_space<hbm>> -> memref<80xi32, #tpu.memory_space<hbm>>
        %dma_start3A_617 = arith.constant 0 : i32
        %dma_start3A_618 = tpu.memref_slice %arg15[%dma_start3A_612, %dma_start3A_617] : memref<2x80xi32, #tpu.memory_space<vmem>> -> memref<1x80xi32, #tpu.memory_space<vmem>>
        %dma_start3A_619 = tpu.memref_squeeze %dma_start3A_618 : memref<1x80xi32, #tpu.memory_space<vmem>> -> memref<80xi32, #tpu.memory_space<vmem>>
        %dma_start3A_620 = tpu.memref_slice %arg6[%multiple_of3A_611] : memref<322560xi32, #tpu.memory_space<hbm>> -> memref<80xi32, #tpu.memory_space<hbm>>
        tpu.enqueue_dma source(%dma_start3A_620 : memref<80xi32, #tpu.memory_space<hbm>>) target(%dma_start3A_619 : memref<80xi32, #tpu.memory_space<vmem>>) target_semaphore(%arg27 : memref<!tpu.dma_semaphore, #tpu.memory_space<semaphore_mem>>)
        %dma_start3A_621 = arith.constant 1 : i32
        %dma_start3A_622 = arith.constant 0 : i32
        %dma_start3A_623 = tpu.memref_slice %arg15[%dma_start3A_621, %dma_start3A_622] : memref<2x80xi32, #tpu.memory_space<vmem>> -> memref<1x80xi32, #tpu.memory_space<vmem>>
        %dma_start3A_624 = tpu.memref_squeeze %dma_start3A_623 : memref<1x80xi32, #tpu.memory_space<vmem>> -> memref<80xi32, #tpu.memory_space<vmem>>
        %dma_start3A_625 = tpu.memref_slice %arg7[%multiple_of3A_611] : memref<322560xi32, #tpu.memory_space<hbm>> -> memref<80xi32, #tpu.memory_space<hbm>>
        %dma_start3A_626 = arith.constant 0 : i32
        %dma_start3A_627 = tpu.memref_slice %arg15[%dma_start3A_621, %dma_start3A_626] : memref<2x80xi32, #tpu.memory_space<vmem>> -> memref<1x80xi32, #tpu.memory_space<vmem>>
        %dma_start3A_628 = tpu.memref_squeeze %dma_start3A_627 : memref<1x80xi32, #tpu.memory_space<vmem>> -> memref<80xi32, #tpu.memory_space<vmem>>
        %dma_start3A_629 = tpu.memref_slice %arg7[%multiple_of3A_611] : memref<322560xi32, #tpu.memory_space<hbm>> -> memref<80xi32, #tpu.memory_space<hbm>>
        tpu.enqueue_dma source(%dma_start3A_629 : memref<80xi32, #tpu.memory_space<hbm>>) target(%dma_start3A_628 : memref<80xi32, #tpu.memory_space<vmem>>) target_semaphore(%arg27 : memref<!tpu.dma_semaphore, #tpu.memory_space<semaphore_mem>>)
      } else {
      }
      %add3A_572 = arith.constant 5 : i32
      %add3A_573 = arith.addi %mul3A_405, %add3A_572 : i32
      %gt3A_574 = arith.constant 0 : i32
      %gt3A_575 = arith.cmpi sgt, %add3A_573, %gt3A_574 : i32
      %convert_element_type3A_576 = arith.extui %gt3A_575 : i1 to i32
      %cond3A_577 = arith.constant 0 : i32
      %cond3A_578 = arith.cmpi ne, %convert_element_type3A_576, %cond3A_577 : i32
      scf.if %cond3A_578 {
        %dma_wait3A_606 = arith.constant 0 : i32
        %dma_wait3A_607 = arith.constant 0 : i32
        %dma_wait3A_608 = tpu.memref_slice %arg10[%dma_wait3A_606, %dma_wait3A_607] : memref<10240x128xf32, #tpu.memory_space<hbm>> -> memref<80x128xf32, #tpu.memory_space<hbm>>
        %dma_wait3A_609 = arith.constant 0 : i32
        %dma_wait3A_610 = arith.constant 0 : i32
        %dma_wait3A_611 = tpu.memref_slice %arg10[%dma_wait3A_609, %dma_wait3A_610] : memref<10240x128xf32, #tpu.memory_space<hbm>> -> memref<80x128xf32, #tpu.memory_space<hbm>>
        tpu.wait_dma2 semaphore(%arg25 : memref<!tpu.dma_semaphore, #tpu.memory_space<semaphore_mem>>) src(%dma_wait3A_611 : memref<80x128xf32, #tpu.memory_space<hbm>>) dst(%arg21 : memref<80x128xf32, #tpu.memory_space<vmem>>)
      } else {
      }
      %add3A_579 = arith.constant 1 : i32
      %add3A_580 = arith.addi %add3A_573, %add3A_579 : i32
      %lt3A_581 = arith.constant 126 : i32
      %lt3A_582 = arith.cmpi slt, %add3A_580, %lt3A_581 : i32
      %convert_element_type3A_583 = arith.extui %lt3A_582 : i1 to i32
      %cond3A_584 = arith.constant 0 : i32
      %cond3A_585 = arith.cmpi ne, %convert_element_type3A_583, %cond3A_584 : i32
      scf.if %cond3A_585 {
        %dma_wait3A_606 = arith.constant 0 : i32
        %dma_wait3A_607 = arith.constant 0 : i32
        %dma_wait3A_608 = tpu.memref_slice %arg15[%dma_wait3A_606, %dma_wait3A_607] : memref<2x80xi32, #tpu.memory_space<vmem>> -> memref<1x80xi32, #tpu.memory_space<vmem>>
        %dma_wait3A_609 = tpu.memref_squeeze %dma_wait3A_608 : memref<1x80xi32, #tpu.memory_space<vmem>> -> memref<80xi32, #tpu.memory_space<vmem>>
        %dma_wait3A_610 = arith.constant 0 : i32
        %dma_wait3A_611 = tpu.memref_slice %arg6[%dma_wait3A_610] : memref<322560xi32, #tpu.memory_space<hbm>> -> memref<80xi32, #tpu.memory_space<hbm>>
        %dma_wait3A_612 = arith.constant 0 : i32
        %dma_wait3A_613 = tpu.memref_slice %arg15[%dma_wait3A_606, %dma_wait3A_612] : memref<2x80xi32, #tpu.memory_space<vmem>> -> memref<1x80xi32, #tpu.memory_space<vmem>>
        %dma_wait3A_614 = tpu.memref_squeeze %dma_wait3A_613 : memref<1x80xi32, #tpu.memory_space<vmem>> -> memref<80xi32, #tpu.memory_space<vmem>>
        %dma_wait3A_615 = arith.constant 0 : i32
        %dma_wait3A_616 = tpu.memref_slice %arg6[%dma_wait3A_615] : memref<322560xi32, #tpu.memory_space<hbm>> -> memref<80xi32, #tpu.memory_space<hbm>>
        tpu.wait_dma2 semaphore(%arg27 : memref<!tpu.dma_semaphore, #tpu.memory_space<semaphore_mem>>) src(%dma_wait3A_616 : memref<80xi32, #tpu.memory_space<hbm>>) dst(%dma_wait3A_614 : memref<80xi32, #tpu.memory_space<vmem>>)
        %dma_wait3A_617 = arith.constant 1 : i32
        %dma_wait3A_618 = arith.constant 0 : i32
        %dma_wait3A_619 = tpu.memref_slice %arg15[%dma_wait3A_617, %dma_wait3A_618] : memref<2x80xi32, #tpu.memory_space<vmem>> -> memref<1x80xi32, #tpu.memory_space<vmem>>
        %dma_wait3A_620 = tpu.memref_squeeze %dma_wait3A_619 : memref<1x80xi32, #tpu.memory_space<vmem>> -> memref<80xi32, #tpu.memory_space<vmem>>
        %dma_wait3A_621 = arith.constant 0 : i32
        %dma_wait3A_622 = tpu.memref_slice %arg6[%dma_wait3A_621] : memref<322560xi32, #tpu.memory_space<hbm>> -> memref<80xi32, #tpu.memory_space<hbm>>
        %dma_wait3A_623 = arith.constant 0 : i32
        %dma_wait3A_624 = tpu.memref_slice %arg15[%dma_wait3A_617, %dma_wait3A_623] : memref<2x80xi32, #tpu.memory_space<vmem>> -> memref<1x80xi32, #tpu.memory_space<vmem>>
        %dma_wait3A_625 = tpu.memref_squeeze %dma_wait3A_624 : memref<1x80xi32, #tpu.memory_space<vmem>> -> memref<80xi32, #tpu.memory_space<vmem>>
        %dma_wait3A_626 = arith.constant 0 : i32
        %dma_wait3A_627 = tpu.memref_slice %arg6[%dma_wait3A_626] : memref<322560xi32, #tpu.memory_space<hbm>> -> memref<80xi32, #tpu.memory_space<hbm>>
        tpu.wait_dma2 semaphore(%arg27 : memref<!tpu.dma_semaphore, #tpu.memory_space<semaphore_mem>>) src(%dma_wait3A_627 : memref<80xi32, #tpu.memory_space<hbm>>) dst(%dma_wait3A_625 : memref<80xi32, #tpu.memory_space<vmem>>)
        %dma_start3A_628 = arith.constant 0 : i32
        %dma_start3A_629 = arith.constant 0 : i32
        %dma_start3A_630 = tpu.memref_slice %arg15[%dma_start3A_628, %dma_start3A_629] : memref<2x80xi32, #tpu.memory_space<vmem>> -> memref<1x80xi32, #tpu.memory_space<vmem>>
        %dma_start3A_631 = tpu.memref_squeeze %dma_start3A_630 : memref<1x80xi32, #tpu.memory_space<vmem>> -> memref<80xi32, #tpu.memory_space<vmem>>
        %dma_start3A_632 = arith.constant 0 : i32
        %dma_start3A_633 = arith.constant 0 : i32
        %dma_start3A_634 = tpu.memref_slice %arg9[%dma_start3A_632, %dma_start3A_633] : memref<10000x128xf32, #tpu.memory_space<hbm>> -> memref<10000x128xf32, #tpu.memory_space<hbm>>
        tpu.enqueue_indirect_dma source(%dma_start3A_634 : memref<10000x128xf32, #tpu.memory_space<hbm>>) target(%arg21 : memref<80x128xf32, #tpu.memory_space<vmem>>) offsets(%dma_start3A_631 : memref<80xi32, #tpu.memory_space<vmem>>) semaphore(%arg23 : memref<!tpu.dma_semaphore, #tpu.memory_space<semaphore_mem>>)
      } else {
      }
      %dma_wait3A_586 = arith.constant 0 : i32
      %dma_wait3A_587 = arith.constant 0 : i32
      %dma_wait3A_588 = tpu.memref_slice %arg10[%dma_wait3A_586, %dma_wait3A_587] : memref<10240x128xf32, #tpu.memory_space<hbm>> -> memref<80x128xf32, #tpu.memory_space<hbm>>
      %dma_wait3A_589 = arith.constant 0 : i32
      %dma_wait3A_590 = arith.constant 0 : i32
      %dma_wait3A_591 = tpu.memref_slice %arg10[%dma_wait3A_589, %dma_wait3A_590] : memref<10240x128xf32, #tpu.memory_space<hbm>> -> memref<80x128xf32, #tpu.memory_space<hbm>>
      tpu.wait_dma2 semaphore(%arg24 : memref<!tpu.dma_semaphore, #tpu.memory_space<semaphore_mem>>) src(%dma_wait3A_591 : memref<80x128xf32, #tpu.memory_space<hbm>>) dst(%arg22 : memref<80x128xf32, #tpu.memory_space<vmem>>)
      %dma_start3A_592 = arith.constant 1 : i32
      %dma_start3A_593 = arith.constant 0 : i32
      %dma_start3A_594 = tpu.memref_slice %arg20[%dma_start3A_592, %dma_start3A_593] : memref<2x80xi32, #tpu.memory_space<vmem>> -> memref<1x80xi32, #tpu.memory_space<vmem>>
      %dma_start3A_595 = tpu.memref_squeeze %dma_start3A_594 : memref<1x80xi32, #tpu.memory_space<vmem>> -> memref<80xi32, #tpu.memory_space<vmem>>
      %dma_start3A_596 = arith.constant 0 : i32
      %dma_start3A_597 = arith.constant 0 : i32
      %dma_start3A_598 = tpu.memref_slice %arg14[%dma_start3A_596, %dma_start3A_597] : memref<10240x128xf32, #tpu.memory_space<vmem_shared>> -> memref<10240x128xf32, #tpu.memory_space<vmem_shared>>
      tpu.enqueue_indirect_dma source(%arg22 : memref<80x128xf32, #tpu.memory_space<vmem>>) target(%dma_start3A_598 : memref<10240x128xf32, #tpu.memory_space<vmem_shared>>) offsets(%dma_start3A_595 : memref<80xi32, #tpu.memory_space<vmem>>) semaphore(%arg26 : memref<!tpu.dma_semaphore, #tpu.memory_space<semaphore_mem>>) {add = true}
      %add3A_599 = arith.constant 2 : i32
      %add3A_600 = arith.addi %add3A_573, %add3A_599 : i32
      %lt3A_601 = arith.constant 126 : i32
      %lt3A_602 = arith.cmpi slt, %add3A_600, %lt3A_601 : i32
      %convert_element_type3A_603 = arith.extui %lt3A_602 : i1 to i32
      %cond3A_604 = arith.constant 0 : i32
      %cond3A_605 = arith.cmpi ne, %convert_element_type3A_603, %cond3A_604 : i32
      scf.if %cond3A_605 {
        %add3A_606 = arith.constant 2 : i32
        %add3A_607 = arith.addi %add3A_573, %add3A_606 : i32
        %mul3A_608 = arith.constant 80 : i32
        %mul3A_609 = arith.muli %add3A_607, %mul3A_608 : i32
        %add3A_610 = arith.addi %mul3A_286, %mul3A_609 : i32
        %multiple_of3A_611 = tpu.assume_multiple %add3A_610, 8 : i32
        %dma_start3A_612 = arith.constant 0 : i32
        %dma_start3A_613 = arith.constant 0 : i32
        %dma_start3A_614 = tpu.memref_slice %arg16[%dma_start3A_612, %dma_start3A_613] : memref<2x80xi32, #tpu.memory_space<vmem>> -> memref<1x80xi32, #tpu.memory_space<vmem>>
        %dma_start3A_615 = tpu.memref_squeeze %dma_start3A_614 : memref<1x80xi32, #tpu.memory_space<vmem>> -> memref<80xi32, #tpu.memory_space<vmem>>
        %dma_start3A_616 = tpu.memref_slice %arg6[%multiple_of3A_611] : memref<322560xi32, #tpu.memory_space<hbm>> -> memref<80xi32, #tpu.memory_space<hbm>>
        %dma_start3A_617 = arith.constant 0 : i32
        %dma_start3A_618 = tpu.memref_slice %arg16[%dma_start3A_612, %dma_start3A_617] : memref<2x80xi32, #tpu.memory_space<vmem>> -> memref<1x80xi32, #tpu.memory_space<vmem>>
        %dma_start3A_619 = tpu.memref_squeeze %dma_start3A_618 : memref<1x80xi32, #tpu.memory_space<vmem>> -> memref<80xi32, #tpu.memory_space<vmem>>
        %dma_start3A_620 = tpu.memref_slice %arg6[%multiple_of3A_611] : memref<322560xi32, #tpu.memory_space<hbm>> -> memref<80xi32, #tpu.memory_space<hbm>>
        tpu.enqueue_dma source(%dma_start3A_620 : memref<80xi32, #tpu.memory_space<hbm>>) target(%dma_start3A_619 : memref<80xi32, #tpu.memory_space<vmem>>) target_semaphore(%arg28 : memref<!tpu.dma_semaphore, #tpu.memory_space<semaphore_mem>>)
        %dma_start3A_621 = arith.constant 1 : i32
        %dma_start3A_622 = arith.constant 0 : i32
        %dma_start3A_623 = tpu.memref_slice %arg16[%dma_start3A_621, %dma_start3A_622] : memref<2x80xi32, #tpu.memory_space<vmem>> -> memref<1x80xi32, #tpu.memory_space<vmem>>
        %dma_start3A_624 = tpu.memref_squeeze %dma_start3A_623 : memref<1x80xi32, #tpu.memory_space<vmem>> -> memref<80xi32, #tpu.memory_space<vmem>>
        %dma_start3A_625 = tpu.memref_slice %arg7[%multiple_of3A_611] : memref<322560xi32, #tpu.memory_space<hbm>> -> memref<80xi32, #tpu.memory_space<hbm>>
        %dma_start3A_626 = arith.constant 0 : i32
        %dma_start3A_627 = tpu.memref_slice %arg16[%dma_start3A_621, %dma_start3A_626] : memref<2x80xi32, #tpu.memory_space<vmem>> -> memref<1x80xi32, #tpu.memory_space<vmem>>
        %dma_start3A_628 = tpu.memref_squeeze %dma_start3A_627 : memref<1x80xi32, #tpu.memory_space<vmem>> -> memref<80xi32, #tpu.memory_space<vmem>>
        %dma_start3A_629 = tpu.memref_slice %arg7[%multiple_of3A_611] : memref<322560xi32, #tpu.memory_space<hbm>> -> memref<80xi32, #tpu.memory_space<hbm>>
        tpu.enqueue_dma source(%dma_start3A_629 : memref<80xi32, #tpu.memory_space<hbm>>) target(%dma_start3A_628 : memref<80xi32, #tpu.memory_space<vmem>>) target_semaphore(%arg28 : memref<!tpu.dma_semaphore, #tpu.memory_space<semaphore_mem>>)
      } else {
      }
    }
    %scan3A_363 = arith.constant 21 : i32
    %dma_wait3A_364 = arith.constant 0 : i32
    %dma_wait3A_365 = arith.constant 0 : i32
    %dma_wait3A_366 = tpu.memref_slice %arg10[%dma_wait3A_364, %dma_wait3A_365] : memref<10240x128xf32, #tpu.memory_space<hbm>> -> memref<80x128xf32, #tpu.memory_space<hbm>>
    %dma_wait3A_367 = arith.constant 0 : i32
    %dma_wait3A_368 = arith.constant 0 : i32
    %dma_wait3A_369 = tpu.memref_slice %arg10[%dma_wait3A_367, %dma_wait3A_368] : memref<10240x128xf32, #tpu.memory_space<hbm>> -> memref<80x128xf32, #tpu.memory_space<hbm>>
    tpu.wait_dma2 semaphore(%arg26 : memref<!tpu.dma_semaphore, #tpu.memory_space<semaphore_mem>>) src(%dma_wait3A_369 : memref<80x128xf32, #tpu.memory_space<hbm>>) dst(%arg22 : memref<80x128xf32, #tpu.memory_space<vmem>>)
    %barrier3A_370 = arith.constant 0 : index
    tpu.barrier barrier_id(%barrier3A_370)
    %add3A_371 = arith.constant 0 : i32
    %add3A_372 = arith.addi %mul3A_2, %add3A_371 : i32
    "tpu.region"() ({
      %run_scoped3A = tpu.sem_alloc : memref<!tpu.dma_semaphore, #tpu.memory_space<semaphore_mem>>
      %dma_start3A_403 = arith.constant 0 : i32
      %dma_start3A_404 = tpu.memref_slice %arg14[%add3A_372, %dma_start3A_403] : memref<10240x128xf32, #tpu.memory_space<vmem_shared>> -> memref<80x128xf32, #tpu.memory_space<vmem_shared>>
      %dma_start3A_405 = arith.constant 0 : i32
      %dma_start3A_406 = tpu.memref_slice %arg14[%add3A_372, %dma_start3A_405] : memref<10240x128xf32, #tpu.memory_space<vmem_shared>> -> memref<80x128xf32, #tpu.memory_space<vmem_shared>>
      tpu.enqueue_dma source(%dma_start3A_406 : memref<80x128xf32, #tpu.memory_space<vmem_shared>>) target(%arg21 : memref<80x128xf32, #tpu.memory_space<vmem>>) target_semaphore(%run_scoped3A : memref<!tpu.dma_semaphore, #tpu.memory_space<semaphore_mem>>)
      %dma_wait3A_407 = arith.constant 0 : i32
      %dma_wait3A_408 = tpu.memref_slice %arg14[%add3A_372, %dma_wait3A_407] : memref<10240x128xf32, #tpu.memory_space<vmem_shared>> -> memref<80x128xf32, #tpu.memory_space<vmem_shared>>
      %dma_wait3A_409 = arith.constant 0 : i32
      %dma_wait3A_410 = tpu.memref_slice %arg14[%add3A_372, %dma_wait3A_409] : memref<10240x128xf32, #tpu.memory_space<vmem_shared>> -> memref<80x128xf32, #tpu.memory_space<vmem_shared>>
      tpu.wait_dma2 semaphore(%run_scoped3A : memref<!tpu.dma_semaphore, #tpu.memory_space<semaphore_mem>>) src(%dma_wait3A_410 : memref<80x128xf32, #tpu.memory_space<vmem_shared>>) dst(%arg21 : memref<80x128xf32, #tpu.memory_space<vmem>>)
      tpu.yield
    }) : () -> ()
    %add3A_373 = arith.constant 0 : i32
    %add3A_374 = arith.addi %mul3A_2, %add3A_373 : i32
    "tpu.region"() ({
      %run_scoped3A = tpu.sem_alloc : memref<!tpu.dma_semaphore, #tpu.memory_space<semaphore_mem>>
      %dma_start3A_403 = arith.constant 0 : i32
      %dma_start3A_404 = tpu.memref_slice %arg13[%arg0, %add3A_374, %dma_start3A_403] : memref<2x10240x128xf32, #tpu.memory_space<hbm>> -> memref<1x80x128xf32, #tpu.memory_space<hbm>>
      %dma_start3A_405 = tpu.memref_squeeze %dma_start3A_404 : memref<1x80x128xf32, #tpu.memory_space<hbm>> -> memref<80x128xf32, #tpu.memory_space<hbm>>
      %dma_start3A_406 = arith.constant 0 : i32
      %dma_start3A_407 = tpu.memref_slice %arg13[%arg0, %add3A_374, %dma_start3A_406] : memref<2x10240x128xf32, #tpu.memory_space<hbm>> -> memref<1x80x128xf32, #tpu.memory_space<hbm>>
      %dma_start3A_408 = tpu.memref_squeeze %dma_start3A_407 : memref<1x80x128xf32, #tpu.memory_space<hbm>> -> memref<80x128xf32, #tpu.memory_space<hbm>>
      tpu.enqueue_dma source(%arg21 : memref<80x128xf32, #tpu.memory_space<vmem>>) target(%dma_start3A_408 : memref<80x128xf32, #tpu.memory_space<hbm>>) target_semaphore(%run_scoped3A : memref<!tpu.dma_semaphore, #tpu.memory_space<semaphore_mem>>)
      %dma_wait3A_409 = arith.constant 0 : i32
      %dma_wait3A_410 = tpu.memref_slice %arg13[%arg0, %add3A_374, %dma_wait3A_409] : memref<2x10240x128xf32, #tpu.memory_space<hbm>> -> memref<1x80x128xf32, #tpu.memory_space<hbm>>
      %dma_wait3A_411 = tpu.memref_squeeze %dma_wait3A_410 : memref<1x80x128xf32, #tpu.memory_space<hbm>> -> memref<80x128xf32, #tpu.memory_space<hbm>>
      %dma_wait3A_412 = arith.constant 0 : i32
      %dma_wait3A_413 = tpu.memref_slice %arg13[%arg0, %add3A_374, %dma_wait3A_412] : memref<2x10240x128xf32, #tpu.memory_space<hbm>> -> memref<1x80x128xf32, #tpu.memory_space<hbm>>
      %dma_wait3A_414 = tpu.memref_squeeze %dma_wait3A_413 : memref<1x80x128xf32, #tpu.memory_space<hbm>> -> memref<80x128xf32, #tpu.memory_space<hbm>>
      tpu.wait_dma2 semaphore(%run_scoped3A : memref<!tpu.dma_semaphore, #tpu.memory_space<semaphore_mem>>) src(%arg21 : memref<80x128xf32, #tpu.memory_space<vmem>>) dst(%dma_wait3A_414 : memref<80x128xf32, #tpu.memory_space<hbm>>)
      tpu.yield
    }) : () -> ()
    %add3A_375 = arith.constant 80 : i32
    %add3A_376 = arith.addi %mul3A_2, %add3A_375 : i32
    "tpu.region"() ({
      %run_scoped3A = tpu.sem_alloc : memref<!tpu.dma_semaphore, #tpu.memory_space<semaphore_mem>>
      %dma_start3A_403 = arith.constant 0 : i32
      %dma_start3A_404 = tpu.memref_slice %arg14[%add3A_376, %dma_start3A_403] : memref<10240x128xf32, #tpu.memory_space<vmem_shared>> -> memref<80x128xf32, #tpu.memory_space<vmem_shared>>
      %dma_start3A_405 = arith.constant 0 : i32
      %dma_start3A_406 = tpu.memref_slice %arg14[%add3A_376, %dma_start3A_405] : memref<10240x128xf32, #tpu.memory_space<vmem_shared>> -> memref<80x128xf32, #tpu.memory_space<vmem_shared>>
      tpu.enqueue_dma source(%dma_start3A_406 : memref<80x128xf32, #tpu.memory_space<vmem_shared>>) target(%arg21 : memref<80x128xf32, #tpu.memory_space<vmem>>) target_semaphore(%run_scoped3A : memref<!tpu.dma_semaphore, #tpu.memory_space<semaphore_mem>>)
      %dma_wait3A_407 = arith.constant 0 : i32
      %dma_wait3A_408 = tpu.memref_slice %arg14[%add3A_376, %dma_wait3A_407] : memref<10240x128xf32, #tpu.memory_space<vmem_shared>> -> memref<80x128xf32, #tpu.memory_space<vmem_shared>>
      %dma_wait3A_409 = arith.constant 0 : i32
      %dma_wait3A_410 = tpu.memref_slice %arg14[%add3A_376, %dma_wait3A_409] : memref<10240x128xf32, #tpu.memory_space<vmem_shared>> -> memref<80x128xf32, #tpu.memory_space<vmem_shared>>
      tpu.wait_dma2 semaphore(%run_scoped3A : memref<!tpu.dma_semaphore, #tpu.memory_space<semaphore_mem>>) src(%dma_wait3A_410 : memref<80x128xf32, #tpu.memory_space<vmem_shared>>) dst(%arg21 : memref<80x128xf32, #tpu.memory_space<vmem>>)
      tpu.yield
    }) : () -> ()
    %add3A_377 = arith.constant 80 : i32
    %add3A_378 = arith.addi %mul3A_2, %add3A_377 : i32
    "tpu.region"() ({
      %run_scoped3A = tpu.sem_alloc : memref<!tpu.dma_semaphore, #tpu.memory_space<semaphore_mem>>
      %dma_start3A_403 = arith.constant 0 : i32
      %dma_start3A_404 = tpu.memref_slice %arg13[%arg0, %add3A_378, %dma_start3A_403] : memref<2x10240x128xf32, #tpu.memory_space<hbm>> -> memref<1x80x128xf32, #tpu.memory_space<hbm>>
      %dma_start3A_405 = tpu.memref_squeeze %dma_start3A_404 : memref<1x80x128xf32, #tpu.memory_space<hbm>> -> memref<80x128xf32, #tpu.memory_space<hbm>>
      %dma_start3A_406 = arith.constant 0 : i32
      %dma_start3A_407 = tpu.memref_slice %arg13[%arg0, %add3A_378, %dma_start3A_406] : memref<2x10240x128xf32, #tpu.memory_space<hbm>> -> memref<1x80x128xf32, #tpu.memory_space<hbm>>
      %dma_start3A_408 = tpu.memref_squeeze %dma_start3A_407 : memref<1x80x128xf32, #tpu.memory_space<hbm>> -> memref<80x128xf32, #tpu.memory_space<hbm>>
      tpu.enqueue_dma source(%arg21 : memref<80x128xf32, #tpu.memory_space<vmem>>) target(%dma_start3A_408 : memref<80x128xf32, #tpu.memory_space<hbm>>) target_semaphore(%run_scoped3A : memref<!tpu.dma_semaphore, #tpu.memory_space<semaphore_mem>>)
      %dma_wait3A_409 = arith.constant 0 : i32
      %dma_wait3A_410 = tpu.memref_slice %arg13[%arg0, %add3A_378, %dma_wait3A_409] : memref<2x10240x128xf32, #tpu.memory_space<hbm>> -> memref<1x80x128xf32, #tpu.memory_space<hbm>>
      %dma_wait3A_411 = tpu.memref_squeeze %dma_wait3A_410 : memref<1x80x128xf32, #tpu.memory_space<hbm>> -> memref<80x128xf32, #tpu.memory_space<hbm>>
      %dma_wait3A_412 = arith.constant 0 : i32
      %dma_wait3A_413 = tpu.memref_slice %arg13[%arg0, %add3A_378, %dma_wait3A_412] : memref<2x10240x128xf32, #tpu.memory_space<hbm>> -> memref<1x80x128xf32, #tpu.memory_space<hbm>>
      %dma_wait3A_414 = tpu.memref_squeeze %dma_wait3A_413 : memref<1x80x128xf32, #tpu.memory_space<hbm>> -> memref<80x128xf32, #tpu.memory_space<hbm>>
      tpu.wait_dma2 semaphore(%run_scoped3A : memref<!tpu.dma_semaphore, #tpu.memory_space<semaphore_mem>>) src(%arg21 : memref<80x128xf32, #tpu.memory_space<vmem>>) dst(%dma_wait3A_414 : memref<80x128xf32, #tpu.memory_space<hbm>>)
      tpu.yield
    }) : () -> ()
    %add3A_379 = arith.constant 160 : i32
    %add3A_380 = arith.addi %mul3A_2, %add3A_379 : i32
    "tpu.region"() ({
      %run_scoped3A = tpu.sem_alloc : memref<!tpu.dma_semaphore, #tpu.memory_space<semaphore_mem>>
      %dma_start3A_403 = arith.constant 0 : i32
      %dma_start3A_404 = tpu.memref_slice %arg14[%add3A_380, %dma_start3A_403] : memref<10240x128xf32, #tpu.memory_space<vmem_shared>> -> memref<80x128xf32, #tpu.memory_space<vmem_shared>>
      %dma_start3A_405 = arith.constant 0 : i32
      %dma_start3A_406 = tpu.memref_slice %arg14[%add3A_380, %dma_start3A_405] : memref<10240x128xf32, #tpu.memory_space<vmem_shared>> -> memref<80x128xf32, #tpu.memory_space<vmem_shared>>
      tpu.enqueue_dma source(%dma_start3A_406 : memref<80x128xf32, #tpu.memory_space<vmem_shared>>) target(%arg21 : memref<80x128xf32, #tpu.memory_space<vmem>>) target_semaphore(%run_scoped3A : memref<!tpu.dma_semaphore, #tpu.memory_space<semaphore_mem>>)
      %dma_wait3A_407 = arith.constant 0 : i32
      %dma_wait3A_408 = tpu.memref_slice %arg14[%add3A_380, %dma_wait3A_407] : memref<10240x128xf32, #tpu.memory_space<vmem_shared>> -> memref<80x128xf32, #tpu.memory_space<vmem_shared>>
      %dma_wait3A_409 = arith.constant 0 : i32
      %dma_wait3A_410 = tpu.memref_slice %arg14[%add3A_380, %dma_wait3A_409] : memref<10240x128xf32, #tpu.memory_space<vmem_shared>> -> memref<80x128xf32, #tpu.memory_space<vmem_shared>>
      tpu.wait_dma2 semaphore(%run_scoped3A : memref<!tpu.dma_semaphore, #tpu.memory_space<semaphore_mem>>) src(%dma_wait3A_410 : memref<80x128xf32, #tpu.memory_space<vmem_shared>>) dst(%arg21 : memref<80x128xf32, #tpu.memory_space<vmem>>)
      tpu.yield
    }) : () -> ()
    %add3A_381 = arith.constant 160 : i32
    %add3A_382 = arith.addi %mul3A_2, %add3A_381 : i32
    "tpu.region"() ({
      %run_scoped3A = tpu.sem_alloc : memref<!tpu.dma_semaphore, #tpu.memory_space<semaphore_mem>>
      %dma_start3A_403 = arith.constant 0 : i32
      %dma_start3A_404 = tpu.memref_slice %arg13[%arg0, %add3A_382, %dma_start3A_403] : memref<2x10240x128xf32, #tpu.memory_space<hbm>> -> memref<1x80x128xf32, #tpu.memory_space<hbm>>
      %dma_start3A_405 = tpu.memref_squeeze %dma_start3A_404 : memref<1x80x128xf32, #tpu.memory_space<hbm>> -> memref<80x128xf32, #tpu.memory_space<hbm>>
      %dma_start3A_406 = arith.constant 0 : i32
      %dma_start3A_407 = tpu.memref_slice %arg13[%arg0, %add3A_382, %dma_start3A_406] : memref<2x10240x128xf32, #tpu.memory_space<hbm>> -> memref<1x80x128xf32, #tpu.memory_space<hbm>>
      %dma_start3A_408 = tpu.memref_squeeze %dma_start3A_407 : memref<1x80x128xf32, #tpu.memory_space<hbm>> -> memref<80x128xf32, #tpu.memory_space<hbm>>
      tpu.enqueue_dma source(%arg21 : memref<80x128xf32, #tpu.memory_space<vmem>>) target(%dma_start3A_408 : memref<80x128xf32, #tpu.memory_space<hbm>>) target_semaphore(%run_scoped3A : memref<!tpu.dma_semaphore, #tpu.memory_space<semaphore_mem>>)
      %dma_wait3A_409 = arith.constant 0 : i32
      %dma_wait3A_410 = tpu.memref_slice %arg13[%arg0, %add3A_382, %dma_wait3A_409] : memref<2x10240x128xf32, #tpu.memory_space<hbm>> -> memref<1x80x128xf32, #tpu.memory_space<hbm>>
      %dma_wait3A_411 = tpu.memref_squeeze %dma_wait3A_410 : memref<1x80x128xf32, #tpu.memory_space<hbm>> -> memref<80x128xf32, #tpu.memory_space<hbm>>
      %dma_wait3A_412 = arith.constant 0 : i32
      %dma_wait3A_413 = tpu.memref_slice %arg13[%arg0, %add3A_382, %dma_wait3A_412] : memref<2x10240x128xf32, #tpu.memory_space<hbm>> -> memref<1x80x128xf32, #tpu.memory_space<hbm>>
      %dma_wait3A_414 = tpu.memref_squeeze %dma_wait3A_413 : memref<1x80x128xf32, #tpu.memory_space<hbm>> -> memref<80x128xf32, #tpu.memory_space<hbm>>
      tpu.wait_dma2 semaphore(%run_scoped3A : memref<!tpu.dma_semaphore, #tpu.memory_space<semaphore_mem>>) src(%arg21 : memref<80x128xf32, #tpu.memory_space<vmem>>) dst(%dma_wait3A_414 : memref<80x128xf32, #tpu.memory_space<hbm>>)
      tpu.yield
    }) : () -> ()
    %add3A_383 = arith.constant 240 : i32
    %add3A_384 = arith.addi %mul3A_2, %add3A_383 : i32
    "tpu.region"() ({
      %run_scoped3A = tpu.sem_alloc : memref<!tpu.dma_semaphore, #tpu.memory_space<semaphore_mem>>
      %dma_start3A_403 = arith.constant 0 : i32
      %dma_start3A_404 = tpu.memref_slice %arg14[%add3A_384, %dma_start3A_403] : memref<10240x128xf32, #tpu.memory_space<vmem_shared>> -> memref<80x128xf32, #tpu.memory_space<vmem_shared>>
      %dma_start3A_405 = arith.constant 0 : i32
      %dma_start3A_406 = tpu.memref_slice %arg14[%add3A_384, %dma_start3A_405] : memref<10240x128xf32, #tpu.memory_space<vmem_shared>> -> memref<80x128xf32, #tpu.memory_space<vmem_shared>>
      tpu.enqueue_dma source(%dma_start3A_406 : memref<80x128xf32, #tpu.memory_space<vmem_shared>>) target(%arg21 : memref<80x128xf32, #tpu.memory_space<vmem>>) target_semaphore(%run_scoped3A : memref<!tpu.dma_semaphore, #tpu.memory_space<semaphore_mem>>)
      %dma_wait3A_407 = arith.constant 0 : i32
      %dma_wait3A_408 = tpu.memref_slice %arg14[%add3A_384, %dma_wait3A_407] : memref<10240x128xf32, #tpu.memory_space<vmem_shared>> -> memref<80x128xf32, #tpu.memory_space<vmem_shared>>
      %dma_wait3A_409 = arith.constant 0 : i32
      %dma_wait3A_410 = tpu.memref_slice %arg14[%add3A_384, %dma_wait3A_409] : memref<10240x128xf32, #tpu.memory_space<vmem_shared>> -> memref<80x128xf32, #tpu.memory_space<vmem_shared>>
      tpu.wait_dma2 semaphore(%run_scoped3A : memref<!tpu.dma_semaphore, #tpu.memory_space<semaphore_mem>>) src(%dma_wait3A_410 : memref<80x128xf32, #tpu.memory_space<vmem_shared>>) dst(%arg21 : memref<80x128xf32, #tpu.memory_space<vmem>>)
      tpu.yield
    }) : () -> ()
    %add3A_385 = arith.constant 240 : i32
    %add3A_386 = arith.addi %mul3A_2, %add3A_385 : i32
    "tpu.region"() ({
      %run_scoped3A = tpu.sem_alloc : memref<!tpu.dma_semaphore, #tpu.memory_space<semaphore_mem>>
      %dma_start3A_403 = arith.constant 0 : i32
      %dma_start3A_404 = tpu.memref_slice %arg13[%arg0, %add3A_386, %dma_start3A_403] : memref<2x10240x128xf32, #tpu.memory_space<hbm>> -> memref<1x80x128xf32, #tpu.memory_space<hbm>>
      %dma_start3A_405 = tpu.memref_squeeze %dma_start3A_404 : memref<1x80x128xf32, #tpu.memory_space<hbm>> -> memref<80x128xf32, #tpu.memory_space<hbm>>
      %dma_start3A_406 = arith.constant 0 : i32
      %dma_start3A_407 = tpu.memref_slice %arg13[%arg0, %add3A_386, %dma_start3A_406] : memref<2x10240x128xf32, #tpu.memory_space<hbm>> -> memref<1x80x128xf32, #tpu.memory_space<hbm>>
      %dma_start3A_408 = tpu.memref_squeeze %dma_start3A_407 : memref<1x80x128xf32, #tpu.memory_space<hbm>> -> memref<80x128xf32, #tpu.memory_space<hbm>>
      tpu.enqueue_dma source(%arg21 : memref<80x128xf32, #tpu.memory_space<vmem>>) target(%dma_start3A_408 : memref<80x128xf32, #tpu.memory_space<hbm>>) target_semaphore(%run_scoped3A : memref<!tpu.dma_semaphore, #tpu.memory_space<semaphore_mem>>)
      %dma_wait3A_409 = arith.constant 0 : i32
      %dma_wait3A_410 = tpu.memref_slice %arg13[%arg0, %add3A_386, %dma_wait3A_409] : memref<2x10240x128xf32, #tpu.memory_space<hbm>> -> memref<1x80x128xf32, #tpu.memory_space<hbm>>
      %dma_wait3A_411 = tpu.memref_squeeze %dma_wait3A_410 : memref<1x80x128xf32, #tpu.memory_space<hbm>> -> memref<80x128xf32, #tpu.memory_space<hbm>>
      %dma_wait3A_412 = arith.constant 0 : i32
      %dma_wait3A_413 = tpu.memref_slice %arg13[%arg0, %add3A_386, %dma_wait3A_412] : memref<2x10240x128xf32, #tpu.memory_space<hbm>> -> memref<1x80x128xf32, #tpu.memory_space<hbm>>
      %dma_wait3A_414 = tpu.memref_squeeze %dma_wait3A_413 : memref<1x80x128xf32, #tpu.memory_space<hbm>> -> memref<80x128xf32, #tpu.memory_space<hbm>>
      tpu.wait_dma2 semaphore(%run_scoped3A : memref<!tpu.dma_semaphore, #tpu.memory_space<semaphore_mem>>) src(%arg21 : memref<80x128xf32, #tpu.memory_space<vmem>>) dst(%dma_wait3A_414 : memref<80x128xf32, #tpu.memory_space<hbm>>)
      tpu.yield
    }) : () -> ()
    %add3A_387 = arith.constant 320 : i32
    %add3A_388 = arith.addi %mul3A_2, %add3A_387 : i32
    "tpu.region"() ({
      %run_scoped3A = tpu.sem_alloc : memref<!tpu.dma_semaphore, #tpu.memory_space<semaphore_mem>>
      %dma_start3A_403 = arith.constant 0 : i32
      %dma_start3A_404 = tpu.memref_slice %arg14[%add3A_388, %dma_start3A_403] : memref<10240x128xf32, #tpu.memory_space<vmem_shared>> -> memref<80x128xf32, #tpu.memory_space<vmem_shared>>
      %dma_start3A_405 = arith.constant 0 : i32
      %dma_start3A_406 = tpu.memref_slice %arg14[%add3A_388, %dma_start3A_405] : memref<10240x128xf32, #tpu.memory_space<vmem_shared>> -> memref<80x128xf32, #tpu.memory_space<vmem_shared>>
      tpu.enqueue_dma source(%dma_start3A_406 : memref<80x128xf32, #tpu.memory_space<vmem_shared>>) target(%arg21 : memref<80x128xf32, #tpu.memory_space<vmem>>) target_semaphore(%run_scoped3A : memref<!tpu.dma_semaphore, #tpu.memory_space<semaphore_mem>>)
      %dma_wait3A_407 = arith.constant 0 : i32
      %dma_wait3A_408 = tpu.memref_slice %arg14[%add3A_388, %dma_wait3A_407] : memref<10240x128xf32, #tpu.memory_space<vmem_shared>> -> memref<80x128xf32, #tpu.memory_space<vmem_shared>>
      %dma_wait3A_409 = arith.constant 0 : i32
      %dma_wait3A_410 = tpu.memref_slice %arg14[%add3A_388, %dma_wait3A_409] : memref<10240x128xf32, #tpu.memory_space<vmem_shared>> -> memref<80x128xf32, #tpu.memory_space<vmem_shared>>
      tpu.wait_dma2 semaphore(%run_scoped3A : memref<!tpu.dma_semaphore, #tpu.memory_space<semaphore_mem>>) src(%dma_wait3A_410 : memref<80x128xf32, #tpu.memory_space<vmem_shared>>) dst(%arg21 : memref<80x128xf32, #tpu.memory_space<vmem>>)
      tpu.yield
    }) : () -> ()
    %add3A_389 = arith.constant 320 : i32
    %add3A_390 = arith.addi %mul3A_2, %add3A_389 : i32
    "tpu.region"() ({
      %run_scoped3A = tpu.sem_alloc : memref<!tpu.dma_semaphore, #tpu.memory_space<semaphore_mem>>
      %dma_start3A_403 = arith.constant 0 : i32
      %dma_start3A_404 = tpu.memref_slice %arg13[%arg0, %add3A_390, %dma_start3A_403] : memref<2x10240x128xf32, #tpu.memory_space<hbm>> -> memref<1x80x128xf32, #tpu.memory_space<hbm>>
      %dma_start3A_405 = tpu.memref_squeeze %dma_start3A_404 : memref<1x80x128xf32, #tpu.memory_space<hbm>> -> memref<80x128xf32, #tpu.memory_space<hbm>>
      %dma_start3A_406 = arith.constant 0 : i32
      %dma_start3A_407 = tpu.memref_slice %arg13[%arg0, %add3A_390, %dma_start3A_406] : memref<2x10240x128xf32, #tpu.memory_space<hbm>> -> memref<1x80x128xf32, #tpu.memory_space<hbm>>
      %dma_start3A_408 = tpu.memref_squeeze %dma_start3A_407 : memref<1x80x128xf32, #tpu.memory_space<hbm>> -> memref<80x128xf32, #tpu.memory_space<hbm>>
      tpu.enqueue_dma source(%arg21 : memref<80x128xf32, #tpu.memory_space<vmem>>) target(%dma_start3A_408 : memref<80x128xf32, #tpu.memory_space<hbm>>) target_semaphore(%run_scoped3A : memref<!tpu.dma_semaphore, #tpu.memory_space<semaphore_mem>>)
      %dma_wait3A_409 = arith.constant 0 : i32
      %dma_wait3A_410 = tpu.memref_slice %arg13[%arg0, %add3A_390, %dma_wait3A_409] : memref<2x10240x128xf32, #tpu.memory_space<hbm>> -> memref<1x80x128xf32, #tpu.memory_space<hbm>>
      %dma_wait3A_411 = tpu.memref_squeeze %dma_wait3A_410 : memref<1x80x128xf32, #tpu.memory_space<hbm>> -> memref<80x128xf32, #tpu.memory_space<hbm>>
      %dma_wait3A_412 = arith.constant 0 : i32
      %dma_wait3A_413 = tpu.memref_slice %arg13[%arg0, %add3A_390, %dma_wait3A_412] : memref<2x10240x128xf32, #tpu.memory_space<hbm>> -> memref<1x80x128xf32, #tpu.memory_space<hbm>>
      %dma_wait3A_414 = tpu.memref_squeeze %dma_wait3A_413 : memref<1x80x128xf32, #tpu.memory_space<hbm>> -> memref<80x128xf32, #tpu.memory_space<hbm>>
      tpu.wait_dma2 semaphore(%run_scoped3A : memref<!tpu.dma_semaphore, #tpu.memory_space<semaphore_mem>>) src(%arg21 : memref<80x128xf32, #tpu.memory_space<vmem>>) dst(%dma_wait3A_414 : memref<80x128xf32, #tpu.memory_space<hbm>>)
      tpu.yield
    }) : () -> ()
    %add3A_391 = arith.constant 400 : i32
    %add3A_392 = arith.addi %mul3A_2, %add3A_391 : i32
    "tpu.region"() ({
      %run_scoped3A = tpu.sem_alloc : memref<!tpu.dma_semaphore, #tpu.memory_space<semaphore_mem>>
      %dma_start3A_403 = arith.constant 0 : i32
      %dma_start3A_404 = tpu.memref_slice %arg14[%add3A_392, %dma_start3A_403] : memref<10240x128xf32, #tpu.memory_space<vmem_shared>> -> memref<80x128xf32, #tpu.memory_space<vmem_shared>>
      %dma_start3A_405 = arith.constant 0 : i32
      %dma_start3A_406 = tpu.memref_slice %arg14[%add3A_392, %dma_start3A_405] : memref<10240x128xf32, #tpu.memory_space<vmem_shared>> -> memref<80x128xf32, #tpu.memory_space<vmem_shared>>
      tpu.enqueue_dma source(%dma_start3A_406 : memref<80x128xf32, #tpu.memory_space<vmem_shared>>) target(%arg21 : memref<80x128xf32, #tpu.memory_space<vmem>>) target_semaphore(%run_scoped3A : memref<!tpu.dma_semaphore, #tpu.memory_space<semaphore_mem>>)
      %dma_wait3A_407 = arith.constant 0 : i32
      %dma_wait3A_408 = tpu.memref_slice %arg14[%add3A_392, %dma_wait3A_407] : memref<10240x128xf32, #tpu.memory_space<vmem_shared>> -> memref<80x128xf32, #tpu.memory_space<vmem_shared>>
      %dma_wait3A_409 = arith.constant 0 : i32
      %dma_wait3A_410 = tpu.memref_slice %arg14[%add3A_392, %dma_wait3A_409] : memref<10240x128xf32, #tpu.memory_space<vmem_shared>> -> memref<80x128xf32, #tpu.memory_space<vmem_shared>>
      tpu.wait_dma2 semaphore(%run_scoped3A : memref<!tpu.dma_semaphore, #tpu.memory_space<semaphore_mem>>) src(%dma_wait3A_410 : memref<80x128xf32, #tpu.memory_space<vmem_shared>>) dst(%arg21 : memref<80x128xf32, #tpu.memory_space<vmem>>)
      tpu.yield
    }) : () -> ()
    %add3A_393 = arith.constant 400 : i32
    %add3A_394 = arith.addi %mul3A_2, %add3A_393 : i32
    "tpu.region"() ({
      %run_scoped3A = tpu.sem_alloc : memref<!tpu.dma_semaphore, #tpu.memory_space<semaphore_mem>>
      %dma_start3A_403 = arith.constant 0 : i32
      %dma_start3A_404 = tpu.memref_slice %arg13[%arg0, %add3A_394, %dma_start3A_403] : memref<2x10240x128xf32, #tpu.memory_space<hbm>> -> memref<1x80x128xf32, #tpu.memory_space<hbm>>
      %dma_start3A_405 = tpu.memref_squeeze %dma_start3A_404 : memref<1x80x128xf32, #tpu.memory_space<hbm>> -> memref<80x128xf32, #tpu.memory_space<hbm>>
      %dma_start3A_406 = arith.constant 0 : i32
      %dma_start3A_407 = tpu.memref_slice %arg13[%arg0, %add3A_394, %dma_start3A_406] : memref<2x10240x128xf32, #tpu.memory_space<hbm>> -> memref<1x80x128xf32, #tpu.memory_space<hbm>>
      %dma_start3A_408 = tpu.memref_squeeze %dma_start3A_407 : memref<1x80x128xf32, #tpu.memory_space<hbm>> -> memref<80x128xf32, #tpu.memory_space<hbm>>
      tpu.enqueue_dma source(%arg21 : memref<80x128xf32, #tpu.memory_space<vmem>>) target(%dma_start3A_408 : memref<80x128xf32, #tpu.memory_space<hbm>>) target_semaphore(%run_scoped3A : memref<!tpu.dma_semaphore, #tpu.memory_space<semaphore_mem>>)
      %dma_wait3A_409 = arith.constant 0 : i32
      %dma_wait3A_410 = tpu.memref_slice %arg13[%arg0, %add3A_394, %dma_wait3A_409] : memref<2x10240x128xf32, #tpu.memory_space<hbm>> -> memref<1x80x128xf32, #tpu.memory_space<hbm>>
      %dma_wait3A_411 = tpu.memref_squeeze %dma_wait3A_410 : memref<1x80x128xf32, #tpu.memory_space<hbm>> -> memref<80x128xf32, #tpu.memory_space<hbm>>
      %dma_wait3A_412 = arith.constant 0 : i32
      %dma_wait3A_413 = tpu.memref_slice %arg13[%arg0, %add3A_394, %dma_wait3A_412] : memref<2x10240x128xf32, #tpu.memory_space<hbm>> -> memref<1x80x128xf32, #tpu.memory_space<hbm>>
      %dma_wait3A_414 = tpu.memref_squeeze %dma_wait3A_413 : memref<1x80x128xf32, #tpu.memory_space<hbm>> -> memref<80x128xf32, #tpu.memory_space<hbm>>
      tpu.wait_dma2 semaphore(%run_scoped3A : memref<!tpu.dma_semaphore, #tpu.memory_space<semaphore_mem>>) src(%arg21 : memref<80x128xf32, #tpu.memory_space<vmem>>) dst(%dma_wait3A_414 : memref<80x128xf32, #tpu.memory_space<hbm>>)
      tpu.yield
    }) : () -> ()
    %add3A_395 = arith.constant 480 : i32
    %add3A_396 = arith.addi %mul3A_2, %add3A_395 : i32
    "tpu.region"() ({
      %run_scoped3A = tpu.sem_alloc : memref<!tpu.dma_semaphore, #tpu.memory_space<semaphore_mem>>
      %dma_start3A_403 = arith.constant 0 : i32
      %dma_start3A_404 = tpu.memref_slice %arg14[%add3A_396, %dma_start3A_403] : memref<10240x128xf32, #tpu.memory_space<vmem_shared>> -> memref<80x128xf32, #tpu.memory_space<vmem_shared>>
      %dma_start3A_405 = arith.constant 0 : i32
      %dma_start3A_406 = tpu.memref_slice %arg14[%add3A_396, %dma_start3A_405] : memref<10240x128xf32, #tpu.memory_space<vmem_shared>> -> memref<80x128xf32, #tpu.memory_space<vmem_shared>>
      tpu.enqueue_dma source(%dma_start3A_406 : memref<80x128xf32, #tpu.memory_space<vmem_shared>>) target(%arg21 : memref<80x128xf32, #tpu.memory_space<vmem>>) target_semaphore(%run_scoped3A : memref<!tpu.dma_semaphore, #tpu.memory_space<semaphore_mem>>)
      %dma_wait3A_407 = arith.constant 0 : i32
      %dma_wait3A_408 = tpu.memref_slice %arg14[%add3A_396, %dma_wait3A_407] : memref<10240x128xf32, #tpu.memory_space<vmem_shared>> -> memref<80x128xf32, #tpu.memory_space<vmem_shared>>
      %dma_wait3A_409 = arith.constant 0 : i32
      %dma_wait3A_410 = tpu.memref_slice %arg14[%add3A_396, %dma_wait3A_409] : memref<10240x128xf32, #tpu.memory_space<vmem_shared>> -> memref<80x128xf32, #tpu.memory_space<vmem_shared>>
      tpu.wait_dma2 semaphore(%run_scoped3A : memref<!tpu.dma_semaphore, #tpu.memory_space<semaphore_mem>>) src(%dma_wait3A_410 : memref<80x128xf32, #tpu.memory_space<vmem_shared>>) dst(%arg21 : memref<80x128xf32, #tpu.memory_space<vmem>>)
      tpu.yield
    }) : () -> ()
    %add3A_397 = arith.constant 480 : i32
    %add3A_398 = arith.addi %mul3A_2, %add3A_397 : i32
    "tpu.region"() ({
      %run_scoped3A = tpu.sem_alloc : memref<!tpu.dma_semaphore, #tpu.memory_space<semaphore_mem>>
      %dma_start3A_403 = arith.constant 0 : i32
      %dma_start3A_404 = tpu.memref_slice %arg13[%arg0, %add3A_398, %dma_start3A_403] : memref<2x10240x128xf32, #tpu.memory_space<hbm>> -> memref<1x80x128xf32, #tpu.memory_space<hbm>>
      %dma_start3A_405 = tpu.memref_squeeze %dma_start3A_404 : memref<1x80x128xf32, #tpu.memory_space<hbm>> -> memref<80x128xf32, #tpu.memory_space<hbm>>
      %dma_start3A_406 = arith.constant 0 : i32
      %dma_start3A_407 = tpu.memref_slice %arg13[%arg0, %add3A_398, %dma_start3A_406] : memref<2x10240x128xf32, #tpu.memory_space<hbm>> -> memref<1x80x128xf32, #tpu.memory_space<hbm>>
      %dma_start3A_408 = tpu.memref_squeeze %dma_start3A_407 : memref<1x80x128xf32, #tpu.memory_space<hbm>> -> memref<80x128xf32, #tpu.memory_space<hbm>>
      tpu.enqueue_dma source(%arg21 : memref<80x128xf32, #tpu.memory_space<vmem>>) target(%dma_start3A_408 : memref<80x128xf32, #tpu.memory_space<hbm>>) target_semaphore(%run_scoped3A : memref<!tpu.dma_semaphore, #tpu.memory_space<semaphore_mem>>)
      %dma_wait3A_409 = arith.constant 0 : i32
      %dma_wait3A_410 = tpu.memref_slice %arg13[%arg0, %add3A_398, %dma_wait3A_409] : memref<2x10240x128xf32, #tpu.memory_space<hbm>> -> memref<1x80x128xf32, #tpu.memory_space<hbm>>
      %dma_wait3A_411 = tpu.memref_squeeze %dma_wait3A_410 : memref<1x80x128xf32, #tpu.memory_space<hbm>> -> memref<80x128xf32, #tpu.memory_space<hbm>>
      %dma_wait3A_412 = arith.constant 0 : i32
      %dma_wait3A_413 = tpu.memref_slice %arg13[%arg0, %add3A_398, %dma_wait3A_412] : memref<2x10240x128xf32, #tpu.memory_space<hbm>> -> memref<1x80x128xf32, #tpu.memory_space<hbm>>
      %dma_wait3A_414 = tpu.memref_squeeze %dma_wait3A_413 : memref<1x80x128xf32, #tpu.memory_space<hbm>> -> memref<80x128xf32, #tpu.memory_space<hbm>>
      tpu.wait_dma2 semaphore(%run_scoped3A : memref<!tpu.dma_semaphore, #tpu.memory_space<semaphore_mem>>) src(%arg21 : memref<80x128xf32, #tpu.memory_space<vmem>>) dst(%dma_wait3A_414 : memref<80x128xf32, #tpu.memory_space<hbm>>)
      tpu.yield
    }) : () -> ()
    %add3A_399 = arith.constant 560 : i32
    %add3A_400 = arith.addi %mul3A_2, %add3A_399 : i32
    "tpu.region"() ({
      %run_scoped3A = tpu.sem_alloc : memref<!tpu.dma_semaphore, #tpu.memory_space<semaphore_mem>>
      %dma_start3A_403 = arith.constant 0 : i32
      %dma_start3A_404 = tpu.memref_slice %arg14[%add3A_400, %dma_start3A_403] : memref<10240x128xf32, #tpu.memory_space<vmem_shared>> -> memref<80x128xf32, #tpu.memory_space<vmem_shared>>
      %dma_start3A_405 = arith.constant 0 : i32
      %dma_start3A_406 = tpu.memref_slice %arg14[%add3A_400, %dma_start3A_405] : memref<10240x128xf32, #tpu.memory_space<vmem_shared>> -> memref<80x128xf32, #tpu.memory_space<vmem_shared>>
      tpu.enqueue_dma source(%dma_start3A_406 : memref<80x128xf32, #tpu.memory_space<vmem_shared>>) target(%arg21 : memref<80x128xf32, #tpu.memory_space<vmem>>) target_semaphore(%run_scoped3A : memref<!tpu.dma_semaphore, #tpu.memory_space<semaphore_mem>>)
      %dma_wait3A_407 = arith.constant 0 : i32
      %dma_wait3A_408 = tpu.memref_slice %arg14[%add3A_400, %dma_wait3A_407] : memref<10240x128xf32, #tpu.memory_space<vmem_shared>> -> memref<80x128xf32, #tpu.memory_space<vmem_shared>>
      %dma_wait3A_409 = arith.constant 0 : i32
      %dma_wait3A_410 = tpu.memref_slice %arg14[%add3A_400, %dma_wait3A_409] : memref<10240x128xf32, #tpu.memory_space<vmem_shared>> -> memref<80x128xf32, #tpu.memory_space<vmem_shared>>
      tpu.wait_dma2 semaphore(%run_scoped3A : memref<!tpu.dma_semaphore, #tpu.memory_space<semaphore_mem>>) src(%dma_wait3A_410 : memref<80x128xf32, #tpu.memory_space<vmem_shared>>) dst(%arg21 : memref<80x128xf32, #tpu.memory_space<vmem>>)
      tpu.yield
    }) : () -> ()
    %add3A_401 = arith.constant 560 : i32
    %add3A_402 = arith.addi %mul3A_2, %add3A_401 : i32
    "tpu.region"() ({
      %run_scoped3A = tpu.sem_alloc : memref<!tpu.dma_semaphore, #tpu.memory_space<semaphore_mem>>
      %dma_start3A_403 = arith.constant 0 : i32
      %dma_start3A_404 = tpu.memref_slice %arg13[%arg0, %add3A_402, %dma_start3A_403] : memref<2x10240x128xf32, #tpu.memory_space<hbm>> -> memref<1x80x128xf32, #tpu.memory_space<hbm>>
      %dma_start3A_405 = tpu.memref_squeeze %dma_start3A_404 : memref<1x80x128xf32, #tpu.memory_space<hbm>> -> memref<80x128xf32, #tpu.memory_space<hbm>>
      %dma_start3A_406 = arith.constant 0 : i32
      %dma_start3A_407 = tpu.memref_slice %arg13[%arg0, %add3A_402, %dma_start3A_406] : memref<2x10240x128xf32, #tpu.memory_space<hbm>> -> memref<1x80x128xf32, #tpu.memory_space<hbm>>
      %dma_start3A_408 = tpu.memref_squeeze %dma_start3A_407 : memref<1x80x128xf32, #tpu.memory_space<hbm>> -> memref<80x128xf32, #tpu.memory_space<hbm>>
      tpu.enqueue_dma source(%arg21 : memref<80x128xf32, #tpu.memory_space<vmem>>) target(%dma_start3A_408 : memref<80x128xf32, #tpu.memory_space<hbm>>) target_semaphore(%run_scoped3A : memref<!tpu.dma_semaphore, #tpu.memory_space<semaphore_mem>>)
      %dma_wait3A_409 = arith.constant 0 : i32
      %dma_wait3A_410 = tpu.memref_slice %arg13[%arg0, %add3A_402, %dma_wait3A_409] : memref<2x10240x128xf32, #tpu.memory_space<hbm>> -> memref<1x80x128xf32, #tpu.memory_space<hbm>>
      %dma_wait3A_411 = tpu.memref_squeeze %dma_wait3A_410 : memref<1x80x128xf32, #tpu.memory_space<hbm>> -> memref<80x128xf32, #tpu.memory_space<hbm>>
      %dma_wait3A_412 = arith.constant 0 : i32
      %dma_wait3A_413 = tpu.memref_slice %arg13[%arg0, %add3A_402, %dma_wait3A_412] : memref<2x10240x128xf32, #tpu.memory_space<hbm>> -> memref<1x80x128xf32, #tpu.memory_space<hbm>>
      %dma_wait3A_414 = tpu.memref_squeeze %dma_wait3A_413 : memref<1x80x128xf32, #tpu.memory_space<hbm>> -> memref<80x128xf32, #tpu.memory_space<hbm>>
      tpu.wait_dma2 semaphore(%run_scoped3A : memref<!tpu.dma_semaphore, #tpu.memory_space<semaphore_mem>>) src(%arg21 : memref<80x128xf32, #tpu.memory_space<vmem>>) dst(%dma_wait3A_414 : memref<80x128xf32, #tpu.memory_space<hbm>>)
      tpu.yield
    }) : () -> ()
    return
  }
}

#map = affine_map<(d0, d1) -> (0)>
module attributes {stable_mosaic.version = 14 : i64} {
  func.func @body(%arg0: i32, %arg1: i32, %arg2: memref<322560xi32, #tpu.memory_space<hbm>>, %arg3: memref<322560xi32, #tpu.memory_space<hbm>>, %arg4: memref<322560xi32, #tpu.memory_space<hbm>>, %arg5: memref<10240xf32, #tpu.memory_space<hbm>>, %arg6: memref<327680xf32, #tpu.memory_space<hbm>>, %arg7: memref<327680xf32, #tpu.memory_space<hbm>>, %arg8: memref<327680xf32, #tpu.memory_space<hbm>>, %arg9: memref<10240xf32, #tpu.memory_space<vmem>>, %arg10: memref<2016xi32, #tpu.memory_space<vmem>>) attributes {dimension_semantics = [#tpu.dimension_semantics<core_parallel>, #tpu.dimension_semantics<subcore_parallel>], iteration_bounds = array<i64: 2, 16>, scalar_prefetch = 0 : i64, scratch_operands = 2 : i64, tpu.core_type = #tpu.core_type<sc_vector_subcore>, window_params = [{transform_indices = #map}, {transform_indices = #map}, {transform_indices = #map}, {transform_indices = #map}, {transform_indices = #map}, {transform_indices = #map}, {transform_indices = #map}]} {
    %mul3A = arith.constant 16 : i32
    %mul3A_0 = arith.muli %arg0, %mul3A : i32
    %add3A = arith.addi %mul3A_0, %arg1 : i32
    %mul3A_1 = arith.constant 10080 : i32
    %mul3A_2 = arith.muli %add3A, %mul3A_1 : i32
    %broadcast_in_dim3A = arith.constant 1.000000e+00 : f32
    %broadcast_in_dim3A_3 = vector.broadcast %broadcast_in_dim3A : f32 to vector<16xf32>
    "tpu.region"() ({
      %run_scoped3A = tpu.sem_alloc : memref<!tpu.dma_semaphore, #tpu.memory_space<semaphore_mem>>
      tpu.enqueue_dma source(%arg5 : memref<10240xf32, #tpu.memory_space<hbm>>) target(%arg9 : memref<10240xf32, #tpu.memory_space<vmem>>) target_semaphore(%run_scoped3A : memref<!tpu.dma_semaphore, #tpu.memory_space<semaphore_mem>>)
      tpu.wait_dma2 semaphore(%run_scoped3A : memref<!tpu.dma_semaphore, #tpu.memory_space<semaphore_mem>>) src(%arg5 : memref<10240xf32, #tpu.memory_space<hbm>>) dst(%arg9 : memref<10240xf32, #tpu.memory_space<vmem>>)
      tpu.yield
    }) : () -> ()
    %add3A_4 = arith.constant 0 : i32
    %add3A_5 = arith.addi %mul3A_2, %add3A_4 : i32
    %multiple_of3A = tpu.assume_multiple %add3A_5, 8 : i32
    "tpu.region"() ({
      %run_scoped3A = tpu.sem_alloc : memref<!tpu.dma_semaphore, #tpu.memory_space<semaphore_mem>>
      %dma_start3A = tpu.memref_slice %arg2[%multiple_of3A] : memref<322560xi32, #tpu.memory_space<hbm>> -> memref<2016xi32, #tpu.memory_space<hbm>>
      %dma_start3A_143 = tpu.memref_slice %arg2[%multiple_of3A] : memref<322560xi32, #tpu.memory_space<hbm>> -> memref<2016xi32, #tpu.memory_space<hbm>>
      tpu.enqueue_dma source(%dma_start3A_143 : memref<2016xi32, #tpu.memory_space<hbm>>) target(%arg10 : memref<2016xi32, #tpu.memory_space<vmem>>) target_semaphore(%run_scoped3A : memref<!tpu.dma_semaphore, #tpu.memory_space<semaphore_mem>>)
      %dma_wait3A = tpu.memref_slice %arg2[%multiple_of3A] : memref<322560xi32, #tpu.memory_space<hbm>> -> memref<2016xi32, #tpu.memory_space<hbm>>
      %dma_wait3A_144 = tpu.memref_slice %arg2[%multiple_of3A] : memref<322560xi32, #tpu.memory_space<hbm>> -> memref<2016xi32, #tpu.memory_space<hbm>>
      tpu.wait_dma2 semaphore(%run_scoped3A : memref<!tpu.dma_semaphore, #tpu.memory_space<semaphore_mem>>) src(%dma_wait3A_144 : memref<2016xi32, #tpu.memory_space<hbm>>) dst(%arg10 : memref<2016xi32, #tpu.memory_space<vmem>>)
      tpu.yield
    }) : () -> ()
    %scan3A = arith.constant 0 : i32
    %scan3A_6 = arith.constant 0 : i32
    %scan3A_7 = arith.constant 126 : i32
    %scan3A_8 = arith.addi %scan3A_6, %scan3A_7 : i32
    %scan3A_9 = arith.constant 1 : i32
    scf.for %scan3A_143 = %scan3A_6 to %scan3A_8 step %scan3A_9  : i32 {
      %mul3A_144 = arith.constant 16 : i32
      %mul3A_145 = arith.muli %scan3A_143, %mul3A_144 : i32
      %get3A = arith.index_cast %mul3A_145 : i32 to index
      %get3A_146 = tpu.vector_load %arg10[%get3A] {strides = array<i32>} : memref<2016xi32, #tpu.memory_space<vmem>>, vector<16xi32>,
      tpu.vector_store_idx %arg9[%get3A_146], %broadcast_in_dim3A_3 {add = true} : memref<10240xf32, #tpu.memory_space<vmem>>[vector<16xi32>], vector<16xf32>,
    }
    %scan3A_10 = arith.constant 126 : i32
    %add3A_11 = arith.constant 2016 : i32
    %add3A_12 = arith.addi %mul3A_2, %add3A_11 : i32
    %multiple_of3A_13 = tpu.assume_multiple %add3A_12, 8 : i32
    "tpu.region"() ({
      %run_scoped3A = tpu.sem_alloc : memref<!tpu.dma_semaphore, #tpu.memory_space<semaphore_mem>>
      %dma_start3A = tpu.memref_slice %arg2[%multiple_of3A_13] : memref<322560xi32, #tpu.memory_space<hbm>> -> memref<2016xi32, #tpu.memory_space<hbm>>
      %dma_start3A_143 = tpu.memref_slice %arg2[%multiple_of3A_13] : memref<322560xi32, #tpu.memory_space<hbm>> -> memref<2016xi32, #tpu.memory_space<hbm>>
      tpu.enqueue_dma source(%dma_start3A_143 : memref<2016xi32, #tpu.memory_space<hbm>>) target(%arg10 : memref<2016xi32, #tpu.memory_space<vmem>>) target_semaphore(%run_scoped3A : memref<!tpu.dma_semaphore, #tpu.memory_space<semaphore_mem>>)
      %dma_wait3A = tpu.memref_slice %arg2[%multiple_of3A_13] : memref<322560xi32, #tpu.memory_space<hbm>> -> memref<2016xi32, #tpu.memory_space<hbm>>
      %dma_wait3A_144 = tpu.memref_slice %arg2[%multiple_of3A_13] : memref<322560xi32, #tpu.memory_space<hbm>> -> memref<2016xi32, #tpu.memory_space<hbm>>
      tpu.wait_dma2 semaphore(%run_scoped3A : memref<!tpu.dma_semaphore, #tpu.memory_space<semaphore_mem>>) src(%dma_wait3A_144 : memref<2016xi32, #tpu.memory_space<hbm>>) dst(%arg10 : memref<2016xi32, #tpu.memory_space<vmem>>)
      tpu.yield
    }) : () -> ()
    %scan3A_14 = arith.constant 0 : i32
    %scan3A_15 = arith.constant 0 : i32
    %scan3A_16 = arith.constant 126 : i32
    %scan3A_17 = arith.addi %scan3A_15, %scan3A_16 : i32
    %scan3A_18 = arith.constant 1 : i32
    scf.for %scan3A_143 = %scan3A_15 to %scan3A_17 step %scan3A_18  : i32 {
      %mul3A_144 = arith.constant 16 : i32
      %mul3A_145 = arith.muli %scan3A_143, %mul3A_144 : i32
      %get3A = arith.index_cast %mul3A_145 : i32 to index
      %get3A_146 = tpu.vector_load %arg10[%get3A] {strides = array<i32>} : memref<2016xi32, #tpu.memory_space<vmem>>, vector<16xi32>,
      tpu.vector_store_idx %arg9[%get3A_146], %broadcast_in_dim3A_3 {add = true} : memref<10240xf32, #tpu.memory_space<vmem>>[vector<16xi32>], vector<16xf32>,
    }
    %scan3A_19 = arith.constant 126 : i32
    %add3A_20 = arith.constant 4032 : i32
    %add3A_21 = arith.addi %mul3A_2, %add3A_20 : i32
    %multiple_of3A_22 = tpu.assume_multiple %add3A_21, 8 : i32
    "tpu.region"() ({
      %run_scoped3A = tpu.sem_alloc : memref<!tpu.dma_semaphore, #tpu.memory_space<semaphore_mem>>
      %dma_start3A = tpu.memref_slice %arg2[%multiple_of3A_22] : memref<322560xi32, #tpu.memory_space<hbm>> -> memref<2016xi32, #tpu.memory_space<hbm>>
      %dma_start3A_143 = tpu.memref_slice %arg2[%multiple_of3A_22] : memref<322560xi32, #tpu.memory_space<hbm>> -> memref<2016xi32, #tpu.memory_space<hbm>>
      tpu.enqueue_dma source(%dma_start3A_143 : memref<2016xi32, #tpu.memory_space<hbm>>) target(%arg10 : memref<2016xi32, #tpu.memory_space<vmem>>) target_semaphore(%run_scoped3A : memref<!tpu.dma_semaphore, #tpu.memory_space<semaphore_mem>>)
      %dma_wait3A = tpu.memref_slice %arg2[%multiple_of3A_22] : memref<322560xi32, #tpu.memory_space<hbm>> -> memref<2016xi32, #tpu.memory_space<hbm>>
      %dma_wait3A_144 = tpu.memref_slice %arg2[%multiple_of3A_22] : memref<322560xi32, #tpu.memory_space<hbm>> -> memref<2016xi32, #tpu.memory_space<hbm>>
      tpu.wait_dma2 semaphore(%run_scoped3A : memref<!tpu.dma_semaphore, #tpu.memory_space<semaphore_mem>>) src(%dma_wait3A_144 : memref<2016xi32, #tpu.memory_space<hbm>>) dst(%arg10 : memref<2016xi32, #tpu.memory_space<vmem>>)
      tpu.yield
    }) : () -> ()
    %scan3A_23 = arith.constant 0 : i32
    %scan3A_24 = arith.constant 0 : i32
    %scan3A_25 = arith.constant 126 : i32
    %scan3A_26 = arith.addi %scan3A_24, %scan3A_25 : i32
    %scan3A_27 = arith.constant 1 : i32
    scf.for %scan3A_143 = %scan3A_24 to %scan3A_26 step %scan3A_27  : i32 {
      %mul3A_144 = arith.constant 16 : i32
      %mul3A_145 = arith.muli %scan3A_143, %mul3A_144 : i32
      %get3A = arith.index_cast %mul3A_145 : i32 to index
      %get3A_146 = tpu.vector_load %arg10[%get3A] {strides = array<i32>} : memref<2016xi32, #tpu.memory_space<vmem>>, vector<16xi32>,
      tpu.vector_store_idx %arg9[%get3A_146], %broadcast_in_dim3A_3 {add = true} : memref<10240xf32, #tpu.memory_space<vmem>>[vector<16xi32>], vector<16xf32>,
    }
    %scan3A_28 = arith.constant 126 : i32
    %add3A_29 = arith.constant 6048 : i32
    %add3A_30 = arith.addi %mul3A_2, %add3A_29 : i32
    %multiple_of3A_31 = tpu.assume_multiple %add3A_30, 8 : i32
    "tpu.region"() ({
      %run_scoped3A = tpu.sem_alloc : memref<!tpu.dma_semaphore, #tpu.memory_space<semaphore_mem>>
      %dma_start3A = tpu.memref_slice %arg2[%multiple_of3A_31] : memref<322560xi32, #tpu.memory_space<hbm>> -> memref<2016xi32, #tpu.memory_space<hbm>>
      %dma_start3A_143 = tpu.memref_slice %arg2[%multiple_of3A_31] : memref<322560xi32, #tpu.memory_space<hbm>> -> memref<2016xi32, #tpu.memory_space<hbm>>
      tpu.enqueue_dma source(%dma_start3A_143 : memref<2016xi32, #tpu.memory_space<hbm>>) target(%arg10 : memref<2016xi32, #tpu.memory_space<vmem>>) target_semaphore(%run_scoped3A : memref<!tpu.dma_semaphore, #tpu.memory_space<semaphore_mem>>)
      %dma_wait3A = tpu.memref_slice %arg2[%multiple_of3A_31] : memref<322560xi32, #tpu.memory_space<hbm>> -> memref<2016xi32, #tpu.memory_space<hbm>>
      %dma_wait3A_144 = tpu.memref_slice %arg2[%multiple_of3A_31] : memref<322560xi32, #tpu.memory_space<hbm>> -> memref<2016xi32, #tpu.memory_space<hbm>>
      tpu.wait_dma2 semaphore(%run_scoped3A : memref<!tpu.dma_semaphore, #tpu.memory_space<semaphore_mem>>) src(%dma_wait3A_144 : memref<2016xi32, #tpu.memory_space<hbm>>) dst(%arg10 : memref<2016xi32, #tpu.memory_space<vmem>>)
      tpu.yield
    }) : () -> ()
    %scan3A_32 = arith.constant 0 : i32
    %scan3A_33 = arith.constant 0 : i32
    %scan3A_34 = arith.constant 126 : i32
    %scan3A_35 = arith.addi %scan3A_33, %scan3A_34 : i32
    %scan3A_36 = arith.constant 1 : i32
    scf.for %scan3A_143 = %scan3A_33 to %scan3A_35 step %scan3A_36  : i32 {
      %mul3A_144 = arith.constant 16 : i32
      %mul3A_145 = arith.muli %scan3A_143, %mul3A_144 : i32
      %get3A = arith.index_cast %mul3A_145 : i32 to index
      %get3A_146 = tpu.vector_load %arg10[%get3A] {strides = array<i32>} : memref<2016xi32, #tpu.memory_space<vmem>>, vector<16xi32>,
      tpu.vector_store_idx %arg9[%get3A_146], %broadcast_in_dim3A_3 {add = true} : memref<10240xf32, #tpu.memory_space<vmem>>[vector<16xi32>], vector<16xf32>,
    }
    %scan3A_37 = arith.constant 126 : i32
    %add3A_38 = arith.constant 8064 : i32
    %add3A_39 = arith.addi %mul3A_2, %add3A_38 : i32
    %multiple_of3A_40 = tpu.assume_multiple %add3A_39, 8 : i32
    "tpu.region"() ({
      %run_scoped3A = tpu.sem_alloc : memref<!tpu.dma_semaphore, #tpu.memory_space<semaphore_mem>>
      %dma_start3A = tpu.memref_slice %arg2[%multiple_of3A_40] : memref<322560xi32, #tpu.memory_space<hbm>> -> memref<2016xi32, #tpu.memory_space<hbm>>
      %dma_start3A_143 = tpu.memref_slice %arg2[%multiple_of3A_40] : memref<322560xi32, #tpu.memory_space<hbm>> -> memref<2016xi32, #tpu.memory_space<hbm>>
      tpu.enqueue_dma source(%dma_start3A_143 : memref<2016xi32, #tpu.memory_space<hbm>>) target(%arg10 : memref<2016xi32, #tpu.memory_space<vmem>>) target_semaphore(%run_scoped3A : memref<!tpu.dma_semaphore, #tpu.memory_space<semaphore_mem>>)
      %dma_wait3A = tpu.memref_slice %arg2[%multiple_of3A_40] : memref<322560xi32, #tpu.memory_space<hbm>> -> memref<2016xi32, #tpu.memory_space<hbm>>
      %dma_wait3A_144 = tpu.memref_slice %arg2[%multiple_of3A_40] : memref<322560xi32, #tpu.memory_space<hbm>> -> memref<2016xi32, #tpu.memory_space<hbm>>
      tpu.wait_dma2 semaphore(%run_scoped3A : memref<!tpu.dma_semaphore, #tpu.memory_space<semaphore_mem>>) src(%dma_wait3A_144 : memref<2016xi32, #tpu.memory_space<hbm>>) dst(%arg10 : memref<2016xi32, #tpu.memory_space<vmem>>)
      tpu.yield
    }) : () -> ()
    %scan3A_41 = arith.constant 0 : i32
    %scan3A_42 = arith.constant 0 : i32
    %scan3A_43 = arith.constant 126 : i32
    %scan3A_44 = arith.addi %scan3A_42, %scan3A_43 : i32
    %scan3A_45 = arith.constant 1 : i32
    scf.for %scan3A_143 = %scan3A_42 to %scan3A_44 step %scan3A_45  : i32 {
      %mul3A_144 = arith.constant 16 : i32
      %mul3A_145 = arith.muli %scan3A_143, %mul3A_144 : i32
      %get3A = arith.index_cast %mul3A_145 : i32 to index
      %get3A_146 = tpu.vector_load %arg10[%get3A] {strides = array<i32>} : memref<2016xi32, #tpu.memory_space<vmem>>, vector<16xi32>,
      tpu.vector_store_idx %arg9[%get3A_146], %broadcast_in_dim3A_3 {add = true} : memref<10240xf32, #tpu.memory_space<vmem>>[vector<16xi32>], vector<16xf32>,
    }
    %scan3A_46 = arith.constant 126 : i32
    %mul3A_47 = arith.constant 10240 : i32
    %mul3A_48 = arith.muli %add3A, %mul3A_47 : i32
    "tpu.region"() ({
      %run_scoped3A = tpu.sem_alloc : memref<!tpu.dma_semaphore, #tpu.memory_space<semaphore_mem>>
      %dma_start3A = tpu.memref_slice %arg6[%mul3A_48] : memref<327680xf32, #tpu.memory_space<hbm>> -> memref<10240xf32, #tpu.memory_space<hbm>>
      %dma_start3A_143 = tpu.memref_slice %arg6[%mul3A_48] : memref<327680xf32, #tpu.memory_space<hbm>> -> memref<10240xf32, #tpu.memory_space<hbm>>
      tpu.enqueue_dma source(%arg9 : memref<10240xf32, #tpu.memory_space<vmem>>) target(%dma_start3A_143 : memref<10240xf32, #tpu.memory_space<hbm>>) target_semaphore(%run_scoped3A : memref<!tpu.dma_semaphore, #tpu.memory_space<semaphore_mem>>)
      %dma_wait3A = tpu.memref_slice %arg6[%mul3A_48] : memref<327680xf32, #tpu.memory_space<hbm>> -> memref<10240xf32, #tpu.memory_space<hbm>>
      %dma_wait3A_144 = tpu.memref_slice %arg6[%mul3A_48] : memref<327680xf32, #tpu.memory_space<hbm>> -> memref<10240xf32, #tpu.memory_space<hbm>>
      tpu.wait_dma2 semaphore(%run_scoped3A : memref<!tpu.dma_semaphore, #tpu.memory_space<semaphore_mem>>) src(%arg9 : memref<10240xf32, #tpu.memory_space<vmem>>) dst(%dma_wait3A_144 : memref<10240xf32, #tpu.memory_space<hbm>>)
      tpu.yield
    }) : () -> ()
    "tpu.region"() ({
      %run_scoped3A = tpu.sem_alloc : memref<!tpu.dma_semaphore, #tpu.memory_space<semaphore_mem>>
      tpu.enqueue_dma source(%arg5 : memref<10240xf32, #tpu.memory_space<hbm>>) target(%arg9 : memref<10240xf32, #tpu.memory_space<vmem>>) target_semaphore(%run_scoped3A : memref<!tpu.dma_semaphore, #tpu.memory_space<semaphore_mem>>)
      tpu.wait_dma2 semaphore(%run_scoped3A : memref<!tpu.dma_semaphore, #tpu.memory_space<semaphore_mem>>) src(%arg5 : memref<10240xf32, #tpu.memory_space<hbm>>) dst(%arg9 : memref<10240xf32, #tpu.memory_space<vmem>>)
      tpu.yield
    }) : () -> ()
    %add3A_49 = arith.constant 0 : i32
    %add3A_50 = arith.addi %mul3A_2, %add3A_49 : i32
    %multiple_of3A_51 = tpu.assume_multiple %add3A_50, 8 : i32
    "tpu.region"() ({
      %run_scoped3A = tpu.sem_alloc : memref<!tpu.dma_semaphore, #tpu.memory_space<semaphore_mem>>
      %dma_start3A = tpu.memref_slice %arg3[%multiple_of3A_51] : memref<322560xi32, #tpu.memory_space<hbm>> -> memref<2016xi32, #tpu.memory_space<hbm>>
      %dma_start3A_143 = tpu.memref_slice %arg3[%multiple_of3A_51] : memref<322560xi32, #tpu.memory_space<hbm>> -> memref<2016xi32, #tpu.memory_space<hbm>>
      tpu.enqueue_dma source(%dma_start3A_143 : memref<2016xi32, #tpu.memory_space<hbm>>) target(%arg10 : memref<2016xi32, #tpu.memory_space<vmem>>) target_semaphore(%run_scoped3A : memref<!tpu.dma_semaphore, #tpu.memory_space<semaphore_mem>>)
      %dma_wait3A = tpu.memref_slice %arg3[%multiple_of3A_51] : memref<322560xi32, #tpu.memory_space<hbm>> -> memref<2016xi32, #tpu.memory_space<hbm>>
      %dma_wait3A_144 = tpu.memref_slice %arg3[%multiple_of3A_51] : memref<322560xi32, #tpu.memory_space<hbm>> -> memref<2016xi32, #tpu.memory_space<hbm>>
      tpu.wait_dma2 semaphore(%run_scoped3A : memref<!tpu.dma_semaphore, #tpu.memory_space<semaphore_mem>>) src(%dma_wait3A_144 : memref<2016xi32, #tpu.memory_space<hbm>>) dst(%arg10 : memref<2016xi32, #tpu.memory_space<vmem>>)
      tpu.yield
    }) : () -> ()
    %scan3A_52 = arith.constant 0 : i32
    %scan3A_53 = arith.constant 0 : i32
    %scan3A_54 = arith.constant 126 : i32
    %scan3A_55 = arith.addi %scan3A_53, %scan3A_54 : i32
    %scan3A_56 = arith.constant 1 : i32
    scf.for %scan3A_143 = %scan3A_53 to %scan3A_55 step %scan3A_56  : i32 {
      %mul3A_144 = arith.constant 16 : i32
      %mul3A_145 = arith.muli %scan3A_143, %mul3A_144 : i32
      %get3A = arith.index_cast %mul3A_145 : i32 to index
      %get3A_146 = tpu.vector_load %arg10[%get3A] {strides = array<i32>} : memref<2016xi32, #tpu.memory_space<vmem>>, vector<16xi32>,
      tpu.vector_store_idx %arg9[%get3A_146], %broadcast_in_dim3A_3 {add = true} : memref<10240xf32, #tpu.memory_space<vmem>>[vector<16xi32>], vector<16xf32>,
    }
    %scan3A_57 = arith.constant 126 : i32
    %add3A_58 = arith.constant 2016 : i32
    %add3A_59 = arith.addi %mul3A_2, %add3A_58 : i32
    %multiple_of3A_60 = tpu.assume_multiple %add3A_59, 8 : i32
    "tpu.region"() ({
      %run_scoped3A = tpu.sem_alloc : memref<!tpu.dma_semaphore, #tpu.memory_space<semaphore_mem>>
      %dma_start3A = tpu.memref_slice %arg3[%multiple_of3A_60] : memref<322560xi32, #tpu.memory_space<hbm>> -> memref<2016xi32, #tpu.memory_space<hbm>>
      %dma_start3A_143 = tpu.memref_slice %arg3[%multiple_of3A_60] : memref<322560xi32, #tpu.memory_space<hbm>> -> memref<2016xi32, #tpu.memory_space<hbm>>
      tpu.enqueue_dma source(%dma_start3A_143 : memref<2016xi32, #tpu.memory_space<hbm>>) target(%arg10 : memref<2016xi32, #tpu.memory_space<vmem>>) target_semaphore(%run_scoped3A : memref<!tpu.dma_semaphore, #tpu.memory_space<semaphore_mem>>)
      %dma_wait3A = tpu.memref_slice %arg3[%multiple_of3A_60] : memref<322560xi32, #tpu.memory_space<hbm>> -> memref<2016xi32, #tpu.memory_space<hbm>>
      %dma_wait3A_144 = tpu.memref_slice %arg3[%multiple_of3A_60] : memref<322560xi32, #tpu.memory_space<hbm>> -> memref<2016xi32, #tpu.memory_space<hbm>>
      tpu.wait_dma2 semaphore(%run_scoped3A : memref<!tpu.dma_semaphore, #tpu.memory_space<semaphore_mem>>) src(%dma_wait3A_144 : memref<2016xi32, #tpu.memory_space<hbm>>) dst(%arg10 : memref<2016xi32, #tpu.memory_space<vmem>>)
      tpu.yield
    }) : () -> ()
    %scan3A_61 = arith.constant 0 : i32
    %scan3A_62 = arith.constant 0 : i32
    %scan3A_63 = arith.constant 126 : i32
    %scan3A_64 = arith.addi %scan3A_62, %scan3A_63 : i32
    %scan3A_65 = arith.constant 1 : i32
    scf.for %scan3A_143 = %scan3A_62 to %scan3A_64 step %scan3A_65  : i32 {
      %mul3A_144 = arith.constant 16 : i32
      %mul3A_145 = arith.muli %scan3A_143, %mul3A_144 : i32
      %get3A = arith.index_cast %mul3A_145 : i32 to index
      %get3A_146 = tpu.vector_load %arg10[%get3A] {strides = array<i32>} : memref<2016xi32, #tpu.memory_space<vmem>>, vector<16xi32>,
      tpu.vector_store_idx %arg9[%get3A_146], %broadcast_in_dim3A_3 {add = true} : memref<10240xf32, #tpu.memory_space<vmem>>[vector<16xi32>], vector<16xf32>,
    }
    %scan3A_66 = arith.constant 126 : i32
    %add3A_67 = arith.constant 4032 : i32
    %add3A_68 = arith.addi %mul3A_2, %add3A_67 : i32
    %multiple_of3A_69 = tpu.assume_multiple %add3A_68, 8 : i32
    "tpu.region"() ({
      %run_scoped3A = tpu.sem_alloc : memref<!tpu.dma_semaphore, #tpu.memory_space<semaphore_mem>>
      %dma_start3A = tpu.memref_slice %arg3[%multiple_of3A_69] : memref<322560xi32, #tpu.memory_space<hbm>> -> memref<2016xi32, #tpu.memory_space<hbm>>
      %dma_start3A_143 = tpu.memref_slice %arg3[%multiple_of3A_69] : memref<322560xi32, #tpu.memory_space<hbm>> -> memref<2016xi32, #tpu.memory_space<hbm>>
      tpu.enqueue_dma source(%dma_start3A_143 : memref<2016xi32, #tpu.memory_space<hbm>>) target(%arg10 : memref<2016xi32, #tpu.memory_space<vmem>>) target_semaphore(%run_scoped3A : memref<!tpu.dma_semaphore, #tpu.memory_space<semaphore_mem>>)
      %dma_wait3A = tpu.memref_slice %arg3[%multiple_of3A_69] : memref<322560xi32, #tpu.memory_space<hbm>> -> memref<2016xi32, #tpu.memory_space<hbm>>
      %dma_wait3A_144 = tpu.memref_slice %arg3[%multiple_of3A_69] : memref<322560xi32, #tpu.memory_space<hbm>> -> memref<2016xi32, #tpu.memory_space<hbm>>
      tpu.wait_dma2 semaphore(%run_scoped3A : memref<!tpu.dma_semaphore, #tpu.memory_space<semaphore_mem>>) src(%dma_wait3A_144 : memref<2016xi32, #tpu.memory_space<hbm>>) dst(%arg10 : memref<2016xi32, #tpu.memory_space<vmem>>)
      tpu.yield
    }) : () -> ()
    %scan3A_70 = arith.constant 0 : i32
    %scan3A_71 = arith.constant 0 : i32
    %scan3A_72 = arith.constant 126 : i32
    %scan3A_73 = arith.addi %scan3A_71, %scan3A_72 : i32
    %scan3A_74 = arith.constant 1 : i32
    scf.for %scan3A_143 = %scan3A_71 to %scan3A_73 step %scan3A_74  : i32 {
      %mul3A_144 = arith.constant 16 : i32
      %mul3A_145 = arith.muli %scan3A_143, %mul3A_144 : i32
      %get3A = arith.index_cast %mul3A_145 : i32 to index
      %get3A_146 = tpu.vector_load %arg10[%get3A] {strides = array<i32>} : memref<2016xi32, #tpu.memory_space<vmem>>, vector<16xi32>,
      tpu.vector_store_idx %arg9[%get3A_146], %broadcast_in_dim3A_3 {add = true} : memref<10240xf32, #tpu.memory_space<vmem>>[vector<16xi32>], vector<16xf32>,
    }
    %scan3A_75 = arith.constant 126 : i32
    %add3A_76 = arith.constant 6048 : i32
    %add3A_77 = arith.addi %mul3A_2, %add3A_76 : i32
    %multiple_of3A_78 = tpu.assume_multiple %add3A_77, 8 : i32
    "tpu.region"() ({
      %run_scoped3A = tpu.sem_alloc : memref<!tpu.dma_semaphore, #tpu.memory_space<semaphore_mem>>
      %dma_start3A = tpu.memref_slice %arg3[%multiple_of3A_78] : memref<322560xi32, #tpu.memory_space<hbm>> -> memref<2016xi32, #tpu.memory_space<hbm>>
      %dma_start3A_143 = tpu.memref_slice %arg3[%multiple_of3A_78] : memref<322560xi32, #tpu.memory_space<hbm>> -> memref<2016xi32, #tpu.memory_space<hbm>>
      tpu.enqueue_dma source(%dma_start3A_143 : memref<2016xi32, #tpu.memory_space<hbm>>) target(%arg10 : memref<2016xi32, #tpu.memory_space<vmem>>) target_semaphore(%run_scoped3A : memref<!tpu.dma_semaphore, #tpu.memory_space<semaphore_mem>>)
      %dma_wait3A = tpu.memref_slice %arg3[%multiple_of3A_78] : memref<322560xi32, #tpu.memory_space<hbm>> -> memref<2016xi32, #tpu.memory_space<hbm>>
      %dma_wait3A_144 = tpu.memref_slice %arg3[%multiple_of3A_78] : memref<322560xi32, #tpu.memory_space<hbm>> -> memref<2016xi32, #tpu.memory_space<hbm>>
      tpu.wait_dma2 semaphore(%run_scoped3A : memref<!tpu.dma_semaphore, #tpu.memory_space<semaphore_mem>>) src(%dma_wait3A_144 : memref<2016xi32, #tpu.memory_space<hbm>>) dst(%arg10 : memref<2016xi32, #tpu.memory_space<vmem>>)
      tpu.yield
    }) : () -> ()
    %scan3A_79 = arith.constant 0 : i32
    %scan3A_80 = arith.constant 0 : i32
    %scan3A_81 = arith.constant 126 : i32
    %scan3A_82 = arith.addi %scan3A_80, %scan3A_81 : i32
    %scan3A_83 = arith.constant 1 : i32
    scf.for %scan3A_143 = %scan3A_80 to %scan3A_82 step %scan3A_83  : i32 {
      %mul3A_144 = arith.constant 16 : i32
      %mul3A_145 = arith.muli %scan3A_143, %mul3A_144 : i32
      %get3A = arith.index_cast %mul3A_145 : i32 to index
      %get3A_146 = tpu.vector_load %arg10[%get3A] {strides = array<i32>} : memref<2016xi32, #tpu.memory_space<vmem>>, vector<16xi32>,
      tpu.vector_store_idx %arg9[%get3A_146], %broadcast_in_dim3A_3 {add = true} : memref<10240xf32, #tpu.memory_space<vmem>>[vector<16xi32>], vector<16xf32>,
    }
    %scan3A_84 = arith.constant 126 : i32
    %add3A_85 = arith.constant 8064 : i32
    %add3A_86 = arith.addi %mul3A_2, %add3A_85 : i32
    %multiple_of3A_87 = tpu.assume_multiple %add3A_86, 8 : i32
    "tpu.region"() ({
      %run_scoped3A = tpu.sem_alloc : memref<!tpu.dma_semaphore, #tpu.memory_space<semaphore_mem>>
      %dma_start3A = tpu.memref_slice %arg3[%multiple_of3A_87] : memref<322560xi32, #tpu.memory_space<hbm>> -> memref<2016xi32, #tpu.memory_space<hbm>>
      %dma_start3A_143 = tpu.memref_slice %arg3[%multiple_of3A_87] : memref<322560xi32, #tpu.memory_space<hbm>> -> memref<2016xi32, #tpu.memory_space<hbm>>
      tpu.enqueue_dma source(%dma_start3A_143 : memref<2016xi32, #tpu.memory_space<hbm>>) target(%arg10 : memref<2016xi32, #tpu.memory_space<vmem>>) target_semaphore(%run_scoped3A : memref<!tpu.dma_semaphore, #tpu.memory_space<semaphore_mem>>)
      %dma_wait3A = tpu.memref_slice %arg3[%multiple_of3A_87] : memref<322560xi32, #tpu.memory_space<hbm>> -> memref<2016xi32, #tpu.memory_space<hbm>>
      %dma_wait3A_144 = tpu.memref_slice %arg3[%multiple_of3A_87] : memref<322560xi32, #tpu.memory_space<hbm>> -> memref<2016xi32, #tpu.memory_space<hbm>>
      tpu.wait_dma2 semaphore(%run_scoped3A : memref<!tpu.dma_semaphore, #tpu.memory_space<semaphore_mem>>) src(%dma_wait3A_144 : memref<2016xi32, #tpu.memory_space<hbm>>) dst(%arg10 : memref<2016xi32, #tpu.memory_space<vmem>>)
      tpu.yield
    }) : () -> ()
    %scan3A_88 = arith.constant 0 : i32
    %scan3A_89 = arith.constant 0 : i32
    %scan3A_90 = arith.constant 126 : i32
    %scan3A_91 = arith.addi %scan3A_89, %scan3A_90 : i32
    %scan3A_92 = arith.constant 1 : i32
    scf.for %scan3A_143 = %scan3A_89 to %scan3A_91 step %scan3A_92  : i32 {
      %mul3A_144 = arith.constant 16 : i32
      %mul3A_145 = arith.muli %scan3A_143, %mul3A_144 : i32
      %get3A = arith.index_cast %mul3A_145 : i32 to index
      %get3A_146 = tpu.vector_load %arg10[%get3A] {strides = array<i32>} : memref<2016xi32, #tpu.memory_space<vmem>>, vector<16xi32>,
      tpu.vector_store_idx %arg9[%get3A_146], %broadcast_in_dim3A_3 {add = true} : memref<10240xf32, #tpu.memory_space<vmem>>[vector<16xi32>], vector<16xf32>,
    }
    %scan3A_93 = arith.constant 126 : i32
    %mul3A_94 = arith.constant 10240 : i32
    %mul3A_95 = arith.muli %add3A, %mul3A_94 : i32
    "tpu.region"() ({
      %run_scoped3A = tpu.sem_alloc : memref<!tpu.dma_semaphore, #tpu.memory_space<semaphore_mem>>
      %dma_start3A = tpu.memref_slice %arg7[%mul3A_95] : memref<327680xf32, #tpu.memory_space<hbm>> -> memref<10240xf32, #tpu.memory_space<hbm>>
      %dma_start3A_143 = tpu.memref_slice %arg7[%mul3A_95] : memref<327680xf32, #tpu.memory_space<hbm>> -> memref<10240xf32, #tpu.memory_space<hbm>>
      tpu.enqueue_dma source(%arg9 : memref<10240xf32, #tpu.memory_space<vmem>>) target(%dma_start3A_143 : memref<10240xf32, #tpu.memory_space<hbm>>) target_semaphore(%run_scoped3A : memref<!tpu.dma_semaphore, #tpu.memory_space<semaphore_mem>>)
      %dma_wait3A = tpu.memref_slice %arg7[%mul3A_95] : memref<327680xf32, #tpu.memory_space<hbm>> -> memref<10240xf32, #tpu.memory_space<hbm>>
      %dma_wait3A_144 = tpu.memref_slice %arg7[%mul3A_95] : memref<327680xf32, #tpu.memory_space<hbm>> -> memref<10240xf32, #tpu.memory_space<hbm>>
      tpu.wait_dma2 semaphore(%run_scoped3A : memref<!tpu.dma_semaphore, #tpu.memory_space<semaphore_mem>>) src(%arg9 : memref<10240xf32, #tpu.memory_space<vmem>>) dst(%dma_wait3A_144 : memref<10240xf32, #tpu.memory_space<hbm>>)
      tpu.yield
    }) : () -> ()
    "tpu.region"() ({
      %run_scoped3A = tpu.sem_alloc : memref<!tpu.dma_semaphore, #tpu.memory_space<semaphore_mem>>
      tpu.enqueue_dma source(%arg5 : memref<10240xf32, #tpu.memory_space<hbm>>) target(%arg9 : memref<10240xf32, #tpu.memory_space<vmem>>) target_semaphore(%run_scoped3A : memref<!tpu.dma_semaphore, #tpu.memory_space<semaphore_mem>>)
      tpu.wait_dma2 semaphore(%run_scoped3A : memref<!tpu.dma_semaphore, #tpu.memory_space<semaphore_mem>>) src(%arg5 : memref<10240xf32, #tpu.memory_space<hbm>>) dst(%arg9 : memref<10240xf32, #tpu.memory_space<vmem>>)
      tpu.yield
    }) : () -> ()
    %add3A_96 = arith.constant 0 : i32
    %add3A_97 = arith.addi %mul3A_2, %add3A_96 : i32
    %multiple_of3A_98 = tpu.assume_multiple %add3A_97, 8 : i32
    "tpu.region"() ({
      %run_scoped3A = tpu.sem_alloc : memref<!tpu.dma_semaphore, #tpu.memory_space<semaphore_mem>>
      %dma_start3A = tpu.memref_slice %arg4[%multiple_of3A_98] : memref<322560xi32, #tpu.memory_space<hbm>> -> memref<2016xi32, #tpu.memory_space<hbm>>
      %dma_start3A_143 = tpu.memref_slice %arg4[%multiple_of3A_98] : memref<322560xi32, #tpu.memory_space<hbm>> -> memref<2016xi32, #tpu.memory_space<hbm>>
      tpu.enqueue_dma source(%dma_start3A_143 : memref<2016xi32, #tpu.memory_space<hbm>>) target(%arg10 : memref<2016xi32, #tpu.memory_space<vmem>>) target_semaphore(%run_scoped3A : memref<!tpu.dma_semaphore, #tpu.memory_space<semaphore_mem>>)
      %dma_wait3A = tpu.memref_slice %arg4[%multiple_of3A_98] : memref<322560xi32, #tpu.memory_space<hbm>> -> memref<2016xi32, #tpu.memory_space<hbm>>
      %dma_wait3A_144 = tpu.memref_slice %arg4[%multiple_of3A_98] : memref<322560xi32, #tpu.memory_space<hbm>> -> memref<2016xi32, #tpu.memory_space<hbm>>
      tpu.wait_dma2 semaphore(%run_scoped3A : memref<!tpu.dma_semaphore, #tpu.memory_space<semaphore_mem>>) src(%dma_wait3A_144 : memref<2016xi32, #tpu.memory_space<hbm>>) dst(%arg10 : memref<2016xi32, #tpu.memory_space<vmem>>)
      tpu.yield
    }) : () -> ()
    %scan3A_99 = arith.constant 0 : i32
    %scan3A_100 = arith.constant 0 : i32
    %scan3A_101 = arith.constant 126 : i32
    %scan3A_102 = arith.addi %scan3A_100, %scan3A_101 : i32
    %scan3A_103 = arith.constant 1 : i32
    scf.for %scan3A_143 = %scan3A_100 to %scan3A_102 step %scan3A_103  : i32 {
      %mul3A_144 = arith.constant 16 : i32
      %mul3A_145 = arith.muli %scan3A_143, %mul3A_144 : i32
      %get3A = arith.index_cast %mul3A_145 : i32 to index
      %get3A_146 = tpu.vector_load %arg10[%get3A] {strides = array<i32>} : memref<2016xi32, #tpu.memory_space<vmem>>, vector<16xi32>,
      tpu.vector_store_idx %arg9[%get3A_146], %broadcast_in_dim3A_3 {add = true} : memref<10240xf32, #tpu.memory_space<vmem>>[vector<16xi32>], vector<16xf32>,
    }
    %scan3A_104 = arith.constant 126 : i32
    %add3A_105 = arith.constant 2016 : i32
    %add3A_106 = arith.addi %mul3A_2, %add3A_105 : i32
    %multiple_of3A_107 = tpu.assume_multiple %add3A_106, 8 : i32
    "tpu.region"() ({
      %run_scoped3A = tpu.sem_alloc : memref<!tpu.dma_semaphore, #tpu.memory_space<semaphore_mem>>
      %dma_start3A = tpu.memref_slice %arg4[%multiple_of3A_107] : memref<322560xi32, #tpu.memory_space<hbm>> -> memref<2016xi32, #tpu.memory_space<hbm>>
      %dma_start3A_143 = tpu.memref_slice %arg4[%multiple_of3A_107] : memref<322560xi32, #tpu.memory_space<hbm>> -> memref<2016xi32, #tpu.memory_space<hbm>>
      tpu.enqueue_dma source(%dma_start3A_143 : memref<2016xi32, #tpu.memory_space<hbm>>) target(%arg10 : memref<2016xi32, #tpu.memory_space<vmem>>) target_semaphore(%run_scoped3A : memref<!tpu.dma_semaphore, #tpu.memory_space<semaphore_mem>>)
      %dma_wait3A = tpu.memref_slice %arg4[%multiple_of3A_107] : memref<322560xi32, #tpu.memory_space<hbm>> -> memref<2016xi32, #tpu.memory_space<hbm>>
      %dma_wait3A_144 = tpu.memref_slice %arg4[%multiple_of3A_107] : memref<322560xi32, #tpu.memory_space<hbm>> -> memref<2016xi32, #tpu.memory_space<hbm>>
      tpu.wait_dma2 semaphore(%run_scoped3A : memref<!tpu.dma_semaphore, #tpu.memory_space<semaphore_mem>>) src(%dma_wait3A_144 : memref<2016xi32, #tpu.memory_space<hbm>>) dst(%arg10 : memref<2016xi32, #tpu.memory_space<vmem>>)
      tpu.yield
    }) : () -> ()
    %scan3A_108 = arith.constant 0 : i32
    %scan3A_109 = arith.constant 0 : i32
    %scan3A_110 = arith.constant 126 : i32
    %scan3A_111 = arith.addi %scan3A_109, %scan3A_110 : i32
    %scan3A_112 = arith.constant 1 : i32
    scf.for %scan3A_143 = %scan3A_109 to %scan3A_111 step %scan3A_112  : i32 {
      %mul3A_144 = arith.constant 16 : i32
      %mul3A_145 = arith.muli %scan3A_143, %mul3A_144 : i32
      %get3A = arith.index_cast %mul3A_145 : i32 to index
      %get3A_146 = tpu.vector_load %arg10[%get3A] {strides = array<i32>} : memref<2016xi32, #tpu.memory_space<vmem>>, vector<16xi32>,
      tpu.vector_store_idx %arg9[%get3A_146], %broadcast_in_dim3A_3 {add = true} : memref<10240xf32, #tpu.memory_space<vmem>>[vector<16xi32>], vector<16xf32>,
    }
    %scan3A_113 = arith.constant 126 : i32
    %add3A_114 = arith.constant 4032 : i32
    %add3A_115 = arith.addi %mul3A_2, %add3A_114 : i32
    %multiple_of3A_116 = tpu.assume_multiple %add3A_115, 8 : i32
    "tpu.region"() ({
      %run_scoped3A = tpu.sem_alloc : memref<!tpu.dma_semaphore, #tpu.memory_space<semaphore_mem>>
      %dma_start3A = tpu.memref_slice %arg4[%multiple_of3A_116] : memref<322560xi32, #tpu.memory_space<hbm>> -> memref<2016xi32, #tpu.memory_space<hbm>>
      %dma_start3A_143 = tpu.memref_slice %arg4[%multiple_of3A_116] : memref<322560xi32, #tpu.memory_space<hbm>> -> memref<2016xi32, #tpu.memory_space<hbm>>
      tpu.enqueue_dma source(%dma_start3A_143 : memref<2016xi32, #tpu.memory_space<hbm>>) target(%arg10 : memref<2016xi32, #tpu.memory_space<vmem>>) target_semaphore(%run_scoped3A : memref<!tpu.dma_semaphore, #tpu.memory_space<semaphore_mem>>)
      %dma_wait3A = tpu.memref_slice %arg4[%multiple_of3A_116] : memref<322560xi32, #tpu.memory_space<hbm>> -> memref<2016xi32, #tpu.memory_space<hbm>>
      %dma_wait3A_144 = tpu.memref_slice %arg4[%multiple_of3A_116] : memref<322560xi32, #tpu.memory_space<hbm>> -> memref<2016xi32, #tpu.memory_space<hbm>>
      tpu.wait_dma2 semaphore(%run_scoped3A : memref<!tpu.dma_semaphore, #tpu.memory_space<semaphore_mem>>) src(%dma_wait3A_144 : memref<2016xi32, #tpu.memory_space<hbm>>) dst(%arg10 : memref<2016xi32, #tpu.memory_space<vmem>>)
      tpu.yield
    }) : () -> ()
    %scan3A_117 = arith.constant 0 : i32
    %scan3A_118 = arith.constant 0 : i32
    %scan3A_119 = arith.constant 126 : i32
    %scan3A_120 = arith.addi %scan3A_118, %scan3A_119 : i32
    %scan3A_121 = arith.constant 1 : i32
    scf.for %scan3A_143 = %scan3A_118 to %scan3A_120 step %scan3A_121  : i32 {
      %mul3A_144 = arith.constant 16 : i32
      %mul3A_145 = arith.muli %scan3A_143, %mul3A_144 : i32
      %get3A = arith.index_cast %mul3A_145 : i32 to index
      %get3A_146 = tpu.vector_load %arg10[%get3A] {strides = array<i32>} : memref<2016xi32, #tpu.memory_space<vmem>>, vector<16xi32>,
      tpu.vector_store_idx %arg9[%get3A_146], %broadcast_in_dim3A_3 {add = true} : memref<10240xf32, #tpu.memory_space<vmem>>[vector<16xi32>], vector<16xf32>,
    }
    %scan3A_122 = arith.constant 126 : i32
    %add3A_123 = arith.constant 6048 : i32
    %add3A_124 = arith.addi %mul3A_2, %add3A_123 : i32
    %multiple_of3A_125 = tpu.assume_multiple %add3A_124, 8 : i32
    "tpu.region"() ({
      %run_scoped3A = tpu.sem_alloc : memref<!tpu.dma_semaphore, #tpu.memory_space<semaphore_mem>>
      %dma_start3A = tpu.memref_slice %arg4[%multiple_of3A_125] : memref<322560xi32, #tpu.memory_space<hbm>> -> memref<2016xi32, #tpu.memory_space<hbm>>
      %dma_start3A_143 = tpu.memref_slice %arg4[%multiple_of3A_125] : memref<322560xi32, #tpu.memory_space<hbm>> -> memref<2016xi32, #tpu.memory_space<hbm>>
      tpu.enqueue_dma source(%dma_start3A_143 : memref<2016xi32, #tpu.memory_space<hbm>>) target(%arg10 : memref<2016xi32, #tpu.memory_space<vmem>>) target_semaphore(%run_scoped3A : memref<!tpu.dma_semaphore, #tpu.memory_space<semaphore_mem>>)
      %dma_wait3A = tpu.memref_slice %arg4[%multiple_of3A_125] : memref<322560xi32, #tpu.memory_space<hbm>> -> memref<2016xi32, #tpu.memory_space<hbm>>
      %dma_wait3A_144 = tpu.memref_slice %arg4[%multiple_of3A_125] : memref<322560xi32, #tpu.memory_space<hbm>> -> memref<2016xi32, #tpu.memory_space<hbm>>
      tpu.wait_dma2 semaphore(%run_scoped3A : memref<!tpu.dma_semaphore, #tpu.memory_space<semaphore_mem>>) src(%dma_wait3A_144 : memref<2016xi32, #tpu.memory_space<hbm>>) dst(%arg10 : memref<2016xi32, #tpu.memory_space<vmem>>)
      tpu.yield
    }) : () -> ()
    %scan3A_126 = arith.constant 0 : i32
    %scan3A_127 = arith.constant 0 : i32
    %scan3A_128 = arith.constant 126 : i32
    %scan3A_129 = arith.addi %scan3A_127, %scan3A_128 : i32
    %scan3A_130 = arith.constant 1 : i32
    scf.for %scan3A_143 = %scan3A_127 to %scan3A_129 step %scan3A_130  : i32 {
      %mul3A_144 = arith.constant 16 : i32
      %mul3A_145 = arith.muli %scan3A_143, %mul3A_144 : i32
      %get3A = arith.index_cast %mul3A_145 : i32 to index
      %get3A_146 = tpu.vector_load %arg10[%get3A] {strides = array<i32>} : memref<2016xi32, #tpu.memory_space<vmem>>, vector<16xi32>,
      tpu.vector_store_idx %arg9[%get3A_146], %broadcast_in_dim3A_3 {add = true} : memref<10240xf32, #tpu.memory_space<vmem>>[vector<16xi32>], vector<16xf32>,
    }
    %scan3A_131 = arith.constant 126 : i32
    %add3A_132 = arith.constant 8064 : i32
    %add3A_133 = arith.addi %mul3A_2, %add3A_132 : i32
    %multiple_of3A_134 = tpu.assume_multiple %add3A_133, 8 : i32
    "tpu.region"() ({
      %run_scoped3A = tpu.sem_alloc : memref<!tpu.dma_semaphore, #tpu.memory_space<semaphore_mem>>
      %dma_start3A = tpu.memref_slice %arg4[%multiple_of3A_134] : memref<322560xi32, #tpu.memory_space<hbm>> -> memref<2016xi32, #tpu.memory_space<hbm>>
      %dma_start3A_143 = tpu.memref_slice %arg4[%multiple_of3A_134] : memref<322560xi32, #tpu.memory_space<hbm>> -> memref<2016xi32, #tpu.memory_space<hbm>>
      tpu.enqueue_dma source(%dma_start3A_143 : memref<2016xi32, #tpu.memory_space<hbm>>) target(%arg10 : memref<2016xi32, #tpu.memory_space<vmem>>) target_semaphore(%run_scoped3A : memref<!tpu.dma_semaphore, #tpu.memory_space<semaphore_mem>>)
      %dma_wait3A = tpu.memref_slice %arg4[%multiple_of3A_134] : memref<322560xi32, #tpu.memory_space<hbm>> -> memref<2016xi32, #tpu.memory_space<hbm>>
      %dma_wait3A_144 = tpu.memref_slice %arg4[%multiple_of3A_134] : memref<322560xi32, #tpu.memory_space<hbm>> -> memref<2016xi32, #tpu.memory_space<hbm>>
      tpu.wait_dma2 semaphore(%run_scoped3A : memref<!tpu.dma_semaphore, #tpu.memory_space<semaphore_mem>>) src(%dma_wait3A_144 : memref<2016xi32, #tpu.memory_space<hbm>>) dst(%arg10 : memref<2016xi32, #tpu.memory_space<vmem>>)
      tpu.yield
    }) : () -> ()
    %scan3A_135 = arith.constant 0 : i32
    %scan3A_136 = arith.constant 0 : i32
    %scan3A_137 = arith.constant 126 : i32
    %scan3A_138 = arith.addi %scan3A_136, %scan3A_137 : i32
    %scan3A_139 = arith.constant 1 : i32
    scf.for %scan3A_143 = %scan3A_136 to %scan3A_138 step %scan3A_139  : i32 {
      %mul3A_144 = arith.constant 16 : i32
      %mul3A_145 = arith.muli %scan3A_143, %mul3A_144 : i32
      %get3A = arith.index_cast %mul3A_145 : i32 to index
      %get3A_146 = tpu.vector_load %arg10[%get3A] {strides = array<i32>} : memref<2016xi32, #tpu.memory_space<vmem>>, vector<16xi32>,
      tpu.vector_store_idx %arg9[%get3A_146], %broadcast_in_dim3A_3 {add = true} : memref<10240xf32, #tpu.memory_space<vmem>>[vector<16xi32>], vector<16xf32>,
    }
    %scan3A_140 = arith.constant 126 : i32
    %mul3A_141 = arith.constant 10240 : i32
    %mul3A_142 = arith.muli %add3A, %mul3A_141 : i32
    "tpu.region"() ({
      %run_scoped3A = tpu.sem_alloc : memref<!tpu.dma_semaphore, #tpu.memory_space<semaphore_mem>>
      %dma_start3A = tpu.memref_slice %arg8[%mul3A_142] : memref<327680xf32, #tpu.memory_space<hbm>> -> memref<10240xf32, #tpu.memory_space<hbm>>
      %dma_start3A_143 = tpu.memref_slice %arg8[%mul3A_142] : memref<327680xf32, #tpu.memory_space<hbm>> -> memref<10240xf32, #tpu.memory_space<hbm>>
      tpu.enqueue_dma source(%arg9 : memref<10240xf32, #tpu.memory_space<vmem>>) target(%dma_start3A_143 : memref<10240xf32, #tpu.memory_space<hbm>>) target_semaphore(%run_scoped3A : memref<!tpu.dma_semaphore, #tpu.memory_space<semaphore_mem>>)
      %dma_wait3A = tpu.memref_slice %arg8[%mul3A_142] : memref<327680xf32, #tpu.memory_space<hbm>> -> memref<10240xf32, #tpu.memory_space<hbm>>
      %dma_wait3A_144 = tpu.memref_slice %arg8[%mul3A_142] : memref<327680xf32, #tpu.memory_space<hbm>> -> memref<10240xf32, #tpu.memory_space<hbm>>
      tpu.wait_dma2 semaphore(%run_scoped3A : memref<!tpu.dma_semaphore, #tpu.memory_space<semaphore_mem>>) src(%arg9 : memref<10240xf32, #tpu.memory_space<vmem>>) dst(%dma_wait3A_144 : memref<10240xf32, #tpu.memory_space<hbm>>)
      tpu.yield
    }) : () -> ()
    return
  }
}

module attributes {stable_mosaic.version = 14 : i64} {
  func.func @body(%arg0: i32, %arg1: memref<2x128x128xf32, #tpu.memory_space<vmem>>, %arg2: memref<32x1x1x128xf32, #tpu.memory_space<vmem>>, %arg3: memref<128x128xf32, #tpu.memory_space<vmem>>, %arg4: memref<128x1x128xf32, #tpu.memory_space<vmem>>) attributes {dimension_semantics = [#tpu.dimension_semantics<arbitrary>], iteration_bounds = array<i64: 79>, scalar_prefetch = 0 : i64, scratch_operands = 0 : i64, tpu.core_type = #tpu.core_type<tc>, window_params = [{transform_indices = @transform_0, window_bounds = array<i64: 2, 128, 128>}, {transform_indices = @transform_1, window_bounds = array<i64: 32, 1, 1, 128>}, {pipeline_mode = #tpu.pipeline_mode<synchronous>, transform_indices = @transform_2, window_bounds = array<i64: 128, 128>}, {transform_indices = @transform_3, window_bounds = array<i64: 128, 1, 128>}]} {
    %broadcast_in_dim3A = arith.constant 1.000000e+00 : f32
    %broadcast_in_dim3A_0 = vector.broadcast %broadcast_in_dim3A : f32 to vector<32x1xf32>
    %get3A = arith.constant 0 : index
    %get3A_1 = arith.constant 0 : index
    %get3A_2 = arith.constant 0 : index
    %get3A_3 = vector.load %arg1[%get3A, %get3A_1, %get3A_2] : memref<2x128x128xf32, #tpu.memory_space<vmem>>, vector<1x128x128xf32>
    %get3A_4 = vector.shape_cast %get3A_3 : vector<1x128x128xf32> to vector<128x128xf32>
    %get3A_5 = arith.constant 1 : index
    %get3A_6 = arith.constant 0 : index
    %get3A_7 = arith.constant 0 : index
    %get3A_8 = vector.load %arg1[%get3A_5, %get3A_6, %get3A_7] : memref<2x128x128xf32, #tpu.memory_space<vmem>>, vector<1x128x128xf32>
    %get3A_9 = vector.shape_cast %get3A_8 : vector<1x128x128xf32> to vector<128x128xf32>
    %add3A = arith.addf %get3A_4, %get3A_9 : vector<128x128xf32>
    %get3A_10 = arith.constant 0 : index
    %get3A_11 = arith.constant 0 : index
    %get3A_12 = arith.constant 0 : index
    %get3A_13 = arith.constant 0 : index
    %get3A_14 = vector.load %arg2[%get3A_10, %get3A_11, %get3A_12, %get3A_13] : memref<32x1x1x128xf32, #tpu.memory_space<vmem>>, vector<32x1x1x128xf32>
    %get3A_15 = vector.shape_cast %get3A_14 : vector<32x1x1x128xf32> to vector<32x128xf32>
    %dot_general3A = arith.constant dense<0.000000e+00> : vector<128x1xf32>
    %dot_general3A_16 = tpu.matmul %get3A_15, %broadcast_in_dim3A_0, %dot_general3A {dimension_numbers = #tpu.dot_dimension_numbers<[0], [0], [1], [1], [0, 1, 1, 1], [], []>, transpose_lhs_hint = false} : vector<32x128xf32>, vector<32x1xf32>, vector<128x1xf32> -> vector<128x1xf32>
    %max3A = arith.constant 1.000000e+00 : f32
    %max3A_17 = vector.broadcast %max3A : f32 to vector<128x1xf32>
    %max3A_18 = arith.maximumf %dot_general3A_16, %max3A_17 : vector<128x1xf32>
    %div3A = vector.broadcast %max3A_18 : vector<128x1xf32> to vector<128x128xf32>
    %div3A_19 = arith.divf %add3A, %div3A : vector<128x128xf32>
    %get3A_20 = arith.constant 0 : index
    %get3A_21 = arith.constant 0 : index
    %get3A_22 = vector.load %arg3[%get3A_20, %get3A_21] : memref<128x128xf32, #tpu.memory_space<vmem>>, vector<128x128xf32>
    %dot_general3A_23 = arith.constant dense<0.000000e+00> : vector<128x128xf32>
    %dot_general3A_24 = tpu.matmul %div3A_19, %get3A_22, %dot_general3A_23 {dimension_numbers = #tpu.dot_dimension_numbers<[1], [0], [0], [1], [0, 0, 1, 1], [], []>, transpose_lhs_hint = false} : vector<128x128xf32>, vector<128x128xf32>, vector<128x128xf32> -> vector<128x128xf32>
    %swap3A = arith.constant 0 : index
    %swap3A_25 = arith.constant 0 : index
    %swap3A_26 = arith.constant 0 : index
    %swap3A_27 = vector.load %arg4[%swap3A, %swap3A_25, %swap3A_26] : memref<128x1x128xf32, #tpu.memory_space<vmem>>, vector<128x1x128xf32>
    %swap3A_28 = vector.shape_cast %swap3A_27 : vector<128x1x128xf32> to vector<128x128xf32>
    %swap3A_29 = vector.shape_cast %dot_general3A_24 : vector<128x128xf32> to vector<128x1x128xf32>
    tpu.vector_store %arg4[%swap3A, %swap3A_25, %swap3A_26], %swap3A_29 {strides = array<i32>} : memref<128x1x128xf32, #tpu.memory_space<vmem>>, vector<128x1x128xf32>,
    return
  }
  func.func @transform_0(%arg0: i32) -> (i32, i32, i32) {
    %c0_i32 = arith.constant 0 : i32
    %c0_i32_0 = arith.constant 0 : i32
    %c0_i32_1 = arith.constant 0 : i32
    return %c0_i32, %arg0, %c0_i32_0 : i32, i32, i32
  }
  func.func @transform_1(%arg0: i32) -> (i32, i32, i32, i32) {
    %c0_i32 = arith.constant 0 : i32
    %c0_i32_0 = arith.constant 0 : i32
    %c0_i32_1 = arith.constant 0 : i32
    %c0_i32_2 = arith.constant 0 : i32
    return %c0_i32, %arg0, %c0_i32_0, %c0_i32_1 : i32, i32, i32, i32
  }
  func.func @transform_2(%arg0: i32) -> (i32, i32) {
    %c0_i32 = arith.constant 0 : i32
    %c0_i32_0 = arith.constant 0 : i32
    %c0_i32_1 = arith.constant 0 : i32
    return %c0_i32, %c0_i32_0 : i32, i32
  }
  func.func @transform_3(%arg0: i32) -> (i32, i32, i32) {
    %c0_i32 = arith.constant 0 : i32
    %c0_i32_0 = arith.constant 0 : i32
    %c0_i32_1 = arith.constant 0 : i32
    return %arg0, %c0_i32, %c0_i32_0 : i32, i32, i32
  }
}

module attributes {stable_mosaic.version = 14 : i64} {
  func.func @body(%arg0: i32, %arg1: memref<2x128x128xf32, #tpu.memory_space<vmem>>, %arg2: memref<32x1x1x128xf32, #tpu.memory_space<vmem>>, %arg3: memref<128x128xf32, #tpu.memory_space<vmem>>, %arg4: memref<2x128x128xf32, #tpu.memory_space<vmem>>, %arg5: memref<32x1x1x128xf32, #tpu.memory_space<vmem>>, %arg6: memref<128x128xf32, #tpu.memory_space<vmem>>, %arg7: memref<128x2x128xf32, #tpu.memory_space<vmem>>) attributes {dimension_semantics = [#tpu.dimension_semantics<arbitrary>], iteration_bounds = array<i64: 79>, scalar_prefetch = 0 : i64, scratch_operands = 0 : i64, tpu.core_type = #tpu.core_type<tc>, window_params = [{transform_indices = @transform_0, window_bounds = array<i64: 2, 128, 128>}, {transform_indices = @transform_1, window_bounds = array<i64: 32, 1, 1, 128>}, {pipeline_mode = #tpu.pipeline_mode<synchronous>, transform_indices = @transform_2, window_bounds = array<i64: 128, 128>}, {transform_indices = @transform_3, window_bounds = array<i64: 2, 128, 128>}, {transform_indices = @transform_4, window_bounds = array<i64: 32, 1, 1, 128>}, {pipeline_mode = #tpu.pipeline_mode<synchronous>, transform_indices = @transform_5, window_bounds = array<i64: 128, 128>}, {transform_indices = @transform_6, window_bounds = array<i64: 128, 2, 128>}]} {
    %broadcast_in_dim3A = arith.constant 1.000000e+00 : f32
    %broadcast_in_dim3A_0 = vector.broadcast %broadcast_in_dim3A : f32 to vector<32x1xf32>
    %get3A = arith.constant 0 : index
    %get3A_1 = arith.constant 0 : index
    %get3A_2 = arith.constant 0 : index
    %get3A_3 = vector.load %arg1[%get3A, %get3A_1, %get3A_2] : memref<2x128x128xf32, #tpu.memory_space<vmem>>, vector<1x128x128xf32>
    %get3A_4 = vector.shape_cast %get3A_3 : vector<1x128x128xf32> to vector<128x128xf32>
    %get3A_5 = arith.constant 1 : index
    %get3A_6 = arith.constant 0 : index
    %get3A_7 = arith.constant 0 : index
    %get3A_8 = vector.load %arg1[%get3A_5, %get3A_6, %get3A_7] : memref<2x128x128xf32, #tpu.memory_space<vmem>>, vector<1x128x128xf32>
    %get3A_9 = vector.shape_cast %get3A_8 : vector<1x128x128xf32> to vector<128x128xf32>
    %add3A = arith.addf %get3A_4, %get3A_9 : vector<128x128xf32>
    %get3A_10 = arith.constant 0 : index
    %get3A_11 = arith.constant 0 : index
    %get3A_12 = arith.constant 0 : index
    %get3A_13 = arith.constant 0 : index
    %get3A_14 = vector.load %arg2[%get3A_10, %get3A_11, %get3A_12, %get3A_13] : memref<32x1x1x128xf32, #tpu.memory_space<vmem>>, vector<32x1x1x128xf32>
    %get3A_15 = vector.shape_cast %get3A_14 : vector<32x1x1x128xf32> to vector<32x128xf32>
    %dot_general3A = arith.constant dense<0.000000e+00> : vector<128x1xf32>
    %dot_general3A_16 = tpu.matmul %get3A_15, %broadcast_in_dim3A_0, %dot_general3A {dimension_numbers = #tpu.dot_dimension_numbers<[0], [0], [1], [1], [0, 1, 1, 1], [], []>, transpose_lhs_hint = false} : vector<32x128xf32>, vector<32x1xf32>, vector<128x1xf32> -> vector<128x1xf32>
    %max3A = arith.constant 1.000000e+00 : f32
    %max3A_17 = vector.broadcast %max3A : f32 to vector<128x1xf32>
    %max3A_18 = arith.maximumf %dot_general3A_16, %max3A_17 : vector<128x1xf32>
    %div3A = vector.broadcast %max3A_18 : vector<128x1xf32> to vector<128x128xf32>
    %div3A_19 = arith.divf %add3A, %div3A : vector<128x128xf32>
    %get3A_20 = arith.constant 0 : index
    %get3A_21 = arith.constant 0 : index
    %get3A_22 = vector.load %arg3[%get3A_20, %get3A_21] : memref<128x128xf32, #tpu.memory_space<vmem>>, vector<128x128xf32>
    %dot_general3A_23 = arith.constant dense<0.000000e+00> : vector<128x128xf32>
    %dot_general3A_24 = tpu.matmul %div3A_19, %get3A_22, %dot_general3A_23 {dimension_numbers = #tpu.dot_dimension_numbers<[1], [0], [0], [1], [0, 0, 1, 1], [], []>, transpose_lhs_hint = false} : vector<128x128xf32>, vector<128x128xf32>, vector<128x128xf32> -> vector<128x128xf32>
    %swap3A = arith.constant 0 : index
    %swap3A_25 = arith.constant 0 : index
    %swap3A_26 = arith.constant 0 : index
    %swap3A_27 = vector.load %arg7[%swap3A, %swap3A_25, %swap3A_26] : memref<128x2x128xf32, #tpu.memory_space<vmem>>, vector<128x1x128xf32>
    %swap3A_28 = vector.shape_cast %swap3A_27 : vector<128x1x128xf32> to vector<128x128xf32>
    %swap3A_29 = vector.shape_cast %dot_general3A_24 : vector<128x128xf32> to vector<128x1x128xf32>
    tpu.vector_store %arg7[%swap3A, %swap3A_25, %swap3A_26], %swap3A_29 {strides = array<i32>} : memref<128x2x128xf32, #tpu.memory_space<vmem>>, vector<128x1x128xf32>,
    %get3A_30 = arith.constant 0 : index
    %get3A_31 = arith.constant 0 : index
    %get3A_32 = arith.constant 0 : index
    %get3A_33 = vector.load %arg4[%get3A_30, %get3A_31, %get3A_32] : memref<2x128x128xf32, #tpu.memory_space<vmem>>, vector<1x128x128xf32>
    %get3A_34 = vector.shape_cast %get3A_33 : vector<1x128x128xf32> to vector<128x128xf32>
    %get3A_35 = arith.constant 1 : index
    %get3A_36 = arith.constant 0 : index
    %get3A_37 = arith.constant 0 : index
    %get3A_38 = vector.load %arg4[%get3A_35, %get3A_36, %get3A_37] : memref<2x128x128xf32, #tpu.memory_space<vmem>>, vector<1x128x128xf32>
    %get3A_39 = vector.shape_cast %get3A_38 : vector<1x128x128xf32> to vector<128x128xf32>
    %add3A_40 = arith.addf %get3A_34, %get3A_39 : vector<128x128xf32>
    %get3A_41 = arith.constant 0 : index
    %get3A_42 = arith.constant 0 : index
    %get3A_43 = arith.constant 0 : index
    %get3A_44 = arith.constant 0 : index
    %get3A_45 = vector.load %arg5[%get3A_41, %get3A_42, %get3A_43, %get3A_44] : memref<32x1x1x128xf32, #tpu.memory_space<vmem>>, vector<32x1x1x128xf32>
    %get3A_46 = vector.shape_cast %get3A_45 : vector<32x1x1x128xf32> to vector<32x128xf32>
    %dot_general3A_47 = arith.constant dense<0.000000e+00> : vector<128x1xf32>
    %dot_general3A_48 = tpu.matmul %get3A_46, %broadcast_in_dim3A_0, %dot_general3A_47 {dimension_numbers = #tpu.dot_dimension_numbers<[0], [0], [1], [1], [0, 1, 1, 1], [], []>, transpose_lhs_hint = false} : vector<32x128xf32>, vector<32x1xf32>, vector<128x1xf32> -> vector<128x1xf32>
    %max3A_49 = arith.constant 1.000000e+00 : f32
    %max3A_50 = vector.broadcast %max3A_49 : f32 to vector<128x1xf32>
    %max3A_51 = arith.maximumf %dot_general3A_48, %max3A_50 : vector<128x1xf32>
    %div3A_52 = vector.broadcast %max3A_51 : vector<128x1xf32> to vector<128x128xf32>
    %div3A_53 = arith.divf %add3A_40, %div3A_52 : vector<128x128xf32>
    %get3A_54 = arith.constant 0 : index
    %get3A_55 = arith.constant 0 : index
    %get3A_56 = vector.load %arg6[%get3A_54, %get3A_55] : memref<128x128xf32, #tpu.memory_space<vmem>>, vector<128x128xf32>
    %dot_general3A_57 = arith.constant dense<0.000000e+00> : vector<128x128xf32>
    %dot_general3A_58 = tpu.matmul %div3A_53, %get3A_56, %dot_general3A_57 {dimension_numbers = #tpu.dot_dimension_numbers<[1], [0], [0], [1], [0, 0, 1, 1], [], []>, transpose_lhs_hint = false} : vector<128x128xf32>, vector<128x128xf32>, vector<128x128xf32> -> vector<128x128xf32>
    %swap3A_59 = arith.constant 0 : index
    %swap3A_60 = arith.constant 1 : index
    %swap3A_61 = arith.constant 0 : index
    %swap3A_62 = vector.load %arg7[%swap3A_59, %swap3A_60, %swap3A_61] : memref<128x2x128xf32, #tpu.memory_space<vmem>>, vector<128x1x128xf32>
    %swap3A_63 = vector.shape_cast %swap3A_62 : vector<128x1x128xf32> to vector<128x128xf32>
    %swap3A_64 = vector.shape_cast %dot_general3A_58 : vector<128x128xf32> to vector<128x1x128xf32>
    tpu.vector_store %arg7[%swap3A_59, %swap3A_60, %swap3A_61], %swap3A_64 {strides = array<i32>} : memref<128x2x128xf32, #tpu.memory_space<vmem>>, vector<128x1x128xf32>,
    return
  }
  func.func @transform_0(%arg0: i32) -> (i32, i32, i32) {
    %c0_i32 = arith.constant 0 : i32
    %c0_i32_0 = arith.constant 0 : i32
    %c0_i32_1 = arith.constant 0 : i32
    return %c0_i32, %arg0, %c0_i32_0 : i32, i32, i32
  }
  func.func @transform_1(%arg0: i32) -> (i32, i32, i32, i32) {
    %c0_i32 = arith.constant 0 : i32
    %c0_i32_0 = arith.constant 0 : i32
    %c0_i32_1 = arith.constant 0 : i32
    %c0_i32_2 = arith.constant 0 : i32
    return %c0_i32, %arg0, %c0_i32_0, %c0_i32_1 : i32, i32, i32, i32
  }
  func.func @transform_2(%arg0: i32) -> (i32, i32) {
    %c0_i32 = arith.constant 0 : i32
    %c0_i32_0 = arith.constant 0 : i32
    %c0_i32_1 = arith.constant 0 : i32
    return %c0_i32, %c0_i32_0 : i32, i32
  }
  func.func @transform_3(%arg0: i32) -> (i32, i32, i32) {
    %c0_i32 = arith.constant 0 : i32
    %c0_i32_0 = arith.constant 0 : i32
    %c0_i32_1 = arith.constant 0 : i32
    return %c0_i32, %arg0, %c0_i32_0 : i32, i32, i32
  }
  func.func @transform_4(%arg0: i32) -> (i32, i32, i32, i32) {
    %c0_i32 = arith.constant 0 : i32
    %c0_i32_0 = arith.constant 0 : i32
    %c0_i32_1 = arith.constant 0 : i32
    %c0_i32_2 = arith.constant 0 : i32
    return %c0_i32, %arg0, %c0_i32_0, %c0_i32_1 : i32, i32, i32, i32
  }
  func.func @transform_5(%arg0: i32) -> (i32, i32) {
    %c0_i32 = arith.constant 0 : i32
    %c0_i32_0 = arith.constant 0 : i32
    %c0_i32_1 = arith.constant 0 : i32
    return %c0_i32, %c0_i32_0 : i32, i32
  }
  func.func @transform_6(%arg0: i32) -> (i32, i32, i32) {
    %c0_i32 = arith.constant 0 : i32
    %c0_i32_0 = arith.constant 0 : i32
    %c0_i32_1 = arith.constant 0 : i32
    return %arg0, %c0_i32, %c0_i32_0 : i32, i32, i32
  }
}

</mosaic_0001>

<sc_bundles>
// kernel: kernel.6.cloned.1.call-start
scs
__scs_entry_jumppad:
0x0: {  	(pc) =	sbr.rel $0x88, $3  }
0x1: {  	(tag) =	ssettag $0x0;
	lr =	simm.s32 $0x1  }
0x2: {  	[smem:$0x3F99] =	sst lr;
	_ =	strace $0xD0000000  }
0x3: {  	_ = 	snop  }
0x4: {  	_ = 	snop  }
0x5: {  	_ = 	snop  }
0x6: {  	_ = 	snop  }
0x7: {  	_ = 	snop  }
__scs_overlays_trampoline_lowered:
0x8: {  	[smem:$0x3FA8] =	sst s0  }
0x9: {  	[smem:$0x3FA9] =	sst s1  }
0xa: {  	[smem:$0x3FAA] =	sst s2  }
0xb: {  	[smem:$0x3FAB] =	sst s3  }
0xc: {  	[smem:$0x3FAC] =	sst s4  }
0xd: {  	[smem:$0x3FAD] =	sst s5  }
0xe: {  	[smem:$0x3FAE] =	sst s6  }
0xf: {  	[smem:$0x3FAF] =	sst s7  }
0x10: {  	[smem:$0x3FB0] =	sst s8  }
0x11: {  	[smem:$0x3FB1] =	sst s9;
	s0 =	simm.s32 @!p0 $0x0  }
0x12: {  	s1 =	sld [smem:$0x3F97];
	s0 =	simm.s32 @p0 $0x1  }
0x13: {  	[smem:$0x3FB2] =	sst s0;
	s0 =	simm.s32 @!p1 $0x0  }
0x14: {  	s2 =	sld [smem:$0x3F96];
	s0 =	simm.s32 @p1 $0x1  }
0x15: {  	[smem:$0x3FB3] =	sst s0;
	s0 =	simm.s32 @!p2 $0x0  }
0x16: {  	s3 =	sld [smem:$0x3FDB];
	s0 =	simm.s32 @p2 $0x1  }
0x17: {  	s4 =	simm.s32 $0x1BF5;
	[smem:$0x3FB5] =	sst s0  }
0x18: {  	s0 =	sld [smem:$0x3F98];
	_ =	swait.ge [sflag:s4], $0x0  }
0x19: {  	s7 =	sld [smem:$0x3F99]  }
0x1a: {  	s8 =	sadd.s32 $0xFFFFE003, lr  }
0x1b: {  	s9 =	sadd.s32 $0xFFFFFEF7, lr;
	s5 =	simm.s32 $0xFFFFFFFF;
	p2 =	slt.u32 s8, $0xFFFFF086  }
0x1c: {  	p1 =	slt.u32 s9, $0xF7A;
	s5 =	simm.s32 @!p2 $0x0  }
0x1d: {  	s5 =	simm.s32 @p1 $0x1;
	p0 =	seq.s32 s7, s2  }
0x1e: {  	s7 =	smul.u32 @!p0 $0xF7A, s2;
	p2 =	seq.s32 @!p0 s5, $0x0  }
0x1f: {  	s9 =	smul.u32 $0xF7A, s1;
	s8 =	simm.s32 @!p0 $0x1BF5;
	p2 =	por !p2, p0  }
0x20: {  	[sflag:s8] =	ssyncset.s32 @!p0 $0xFFFFF086;
	s6 =	sadd.s32 @!p0 s3, s7;
	s7 =	simm.s32 @!p0 $0x108  }
0x21: {  	s3 =	sadd.s32 s3, s9;
	s6 =	sadd.s32 @!p0 $0x88, s6;
	s7 =	simm.s32 @p2 $0x1082  }
0x22: {  	[simem:s7], [sflag:s8] =	dma.local @!p0 [hbm:s6], $0xF7A  }
0x23: {  	s9 =	sor.u32 $0xD0000000, s2;
	s6 =	simm.s32 $0x108;
	_ =	swait.ge @!p0 [sflag:s8], $0x0  }
0x24: {  	s3 =	sadd.s32 $0x88, s3;
	s6 =	simm.s32 @!p1 $0x1082;
	[sflag:s4] =	ssyncset.s32 $0xFFFFF086  }
0x25: {  	[simem:s6], [sflag:s4] =	dma.local [hbm:s3], $0xF7A  }
0x26: {  	[smem:$0x3F99] =	sst s1;
	(tag) =	ssettag s2;
	_ =	strace s9  }
0x27: {  	s1 =	sld [smem:$0x3FA9]  }
0x28: {  	s2 =	sld [smem:$0x3FAA]  }
0x29: {  	s4 =	sld [smem:$0x3FAC]  }
0x2a: {  	p0 =	seq.s32 s5, $0x0;
	s5 =	sld [smem:$0x3FAD]  }
0x2b: {  	s6 =	sld [smem:$0x3FAE]  }
0x2c: {  	s7 =	sld [smem:$0x3FAF]  }
0x2d: {  	s3 =	simm.s32 $0x108;
	s8 =	sld [smem:$0x3FB0]  }
0x2e: {  	s3 =	simm.s32 @!p0 $0x1082;
	s9 =	sld [smem:$0x3FB1]  }
0x2f: {  	lr =	sadd.s32 s0, s3;
	s0 =	sld [smem:$0x3FA8]  }
0x30: {  	s3 =	sld [smem:$0x3FAB]  }
0x31: {  	[smem:$0x3FB4] =	sst s10  }
0x32: {  	s10 =	sld [smem:$0x3FB2];
	_ =	sdelay $0x3  }
0x33: {  	p0 =	seq.s32 s10, $0x1;
	s10 =	sld [smem:$0x3FB4];
	_ =	sdelay $0x3  }
0x34: {  	[smem:$0x3FB4] =	sst s10  }
0x35: {  	s10 =	sld [smem:$0x3FB3];
	_ =	sdelay $0x3  }
0x36: {  	p1 =	seq.s32 s10, $0x1;
	s10 =	sld [smem:$0x3FB4];
	_ =	sdelay $0x3  }
0x37: {  	[smem:$0x3FB4] =	sst s10  }
0x38: {  	s10 =	sld [smem:$0x3FB5]  }
0x39: {  	_ = 	snop;
	(pc) =	sbr.ind lr, $3  }
0x3a: {  	_ = 	snop  }
0x3b: {  	_ = 	snop  }
0x3c: {  	p2 =	seq.s32 s10, $0x1;
	s10 =	sld [smem:$0x3FB4]  }
0x3d: {  	_ =	shalt  }
0x3e: {  	_ =	shalt  }
0x3f: {  	_ =	shalt  }
0x40: {  	_ =	shalt  }
0x41: {  	_ =	shalt  }
0x42: {  	_ =	shalt  }
0x43: {  	_ =	shalt  }
0x44: {  	_ =	shalt  }
0x45: {  	_ =	shalt  }
0x46: {  	_ =	shalt  }
0x47: {  	_ =	shalt  }
0x48: {  	_ =	shalt  }
0x49: {  	_ =	shalt  }
0x4a: {  	_ =	shalt  }
0x4b: {  	_ =	shalt  }
0x4c: {  	_ =	shalt  }
0x4d: {  	_ =	shalt  }
0x4e: {  	_ =	shalt  }
0x4f: {  	_ =	shalt  }
0x50: {  	_ =	shalt  }
0x51: {  	_ =	shalt  }
0x52: {  	_ =	shalt  }
0x53: {  	_ =	shalt  }
0x54: {  	_ =	shalt  }
0x55: {  	_ =	shalt  }
0x56: {  	_ =	shalt  }
0x57: {  	_ =	shalt  }
0x58: {  	_ =	shalt  }
0x59: {  	_ =	shalt  }
0x5a: {  	_ =	shalt  }
0x5b: {  	_ =	shalt  }
0x5c: {  	_ =	shalt  }
0x5d: {  	_ =	shalt  }
0x5e: {  	_ =	shalt  }
0x5f: {  	_ =	shalt  }
0x60: {  	_ =	shalt  }
0x61: {  	_ =	shalt  }
0x62: {  	_ =	shalt  }
0x63: {  	_ =	shalt  }
0x64: {  	_ =	shalt  }
0x65: {  	_ =	shalt  }
0x66: {  	_ =	shalt  }
0x67: {  	_ =	shalt  }
0x68: {  	_ =	shalt  }
0x69: {  	_ =	shalt  }
0x6a: {  	_ =	shalt  }
0x6b: {  	_ =	shalt  }
0x6c: {  	_ =	shalt  }
0x6d: {  	_ =	shalt  }
0x6e: {  	_ =	shalt  }
0x6f: {  	_ =	shalt  }
0x70: {  	_ =	shalt  }
0x71: {  	_ =	shalt  }
0x72: {  	_ =	shalt  }
0x73: {  	_ =	shalt  }
0x74: {  	_ =	shalt  }
0x75: {  	_ =	shalt  }
0x76: {  	_ =	shalt  }
0x77: {  	_ =	shalt  }
0x78: {  	_ =	shalt  }
0x79: {  	_ =	shalt  }
0x7a: {  	_ =	shalt  }
0x7b: {  	_ =	shalt  }
0x7c: {  	_ =	shalt  }
0x7d: {  	_ =	shalt  }
0x7e: {  	_ =	shalt  }
0x7f: {  	_ =	shalt  }
0x80: {  	_ =	shalt  }
0x81: {  	_ =	shalt  }
0x82: {  	_ =	shalt  }
0x83: {  	_ =	shalt  }
0x84: {  	_ =	shalt  }
0x85: {  	_ =	shalt  }
0x86: {  	_ =	shalt  }
0x87: {  	_ =	shalt  }
.Lfunc_end0:
.L_simem_size_0:
called_computation_lowered:
.L_overlay_start_0:
0x88: {  	s2 =	sld [smem:$0x3FD9]  }
0x89: {  	s3 =	sld [smem:$0x3FFE];
	_ =	sdelay $0x1  }
0x8a: {  	s1 =	srdreg.scid  }
0x8b: {  	s0 =	sand.u32 $0x1, s1  }
0x8c: {  	s14 =	sshll.u32 s0, $0xA;
	s2 =	sadd.s32 s3, s2  }
0x8d: {  	s2 =	sadd.s32 s2, s14  }
0x8e: {  	[smem:$0x3FC0] =	sst s2  }
0x8f: {  	_ = 	snop  }
0x90: {  	s2 =	sld [smem:$0x3FD0];
	_ =	sdelay $0x1  }
0x91: {  	s15 =	sld [smem:$0x3FC9]  }
0x92: {  	s5 =	simm.s32 $0xB;
	s6 =	simm.s32 $0x10;
	s4 =	sld [smem:$0x3FC8]  }
0x93: {  	[smem:s6], [sflag:s5] =	dma.local [hbm:s2], $0x1  }
0x94: {  	_ =	swait.eq [sflag:s5], $0x1  }
0x95: {  	[sflag:s5] =	ssyncset.done $0x0  }
0x96: {  	[sflag:s5] =	ssyncadd.s32 $0xFFFFFFFF  }
0x97: {  	s16 =	sld [smem:$0x10];
	(tm) =	ssettm $0x1  }
0x98: {  	s17 =	sld [smem:$0x3FFB];
	_ =	sdelay $0x3  }
0x99: {  	_ =	strace s17  }
0x9a: {  	s5 =	sld [smem:$0x3FFC];
	_ =	sdelay $0x3  }
0x9b: {  	_ =	strace s5  }
0x9c: {  	s5 =	sld [smem:$0x3FFD];
	_ =	sdelay $0x3  }
0x9d: {  	_ =	strace s5  }
0x9e: {  	_ =	strace $0x8FFFFFFF  }
0x9f: {  	s18 =	sld [smem:$0x3FDB];
	_ =	sdelay $0x1  }
0xa0: {  	s19 =	simm.s32 $_scs_section_size  }
0xa1: {  	s7 =	simm.s32 $_size__tile_overlayer_lowered;
	s8 =	simm.s32 $_tile_overlayer_lowered  }
0xa2: {  	s22 =	simm.s32 $0x1BFF;
	s21 =	sshll.u32 s8, $0x1;
	s5 =	sadd.s32 s19, s18  }
0xa3: {  	s9 =	simm.s32 $0x0;
	s20 =	sshll.u32 s7, $0x1;
	s7 =	sadd.s32 s21, s5  }
0xa4: {  	[timem:s9], [sflag:s22] =	dma.local [hbm:s7], s20  }
0xa5: {  	_ =	swait.ge [sflag:s22], s20  }
0xa6: {  	s6 =	ssub.s32 $0x0, s20;
	[sflag:s22] =	ssyncset.done $0x0  }
0xa7: {  	[sflag:s22] =	ssyncadd.s32 s6;
	_ =	sdelay $0x1  }
0xa8: {  	s23 =	simm.s32 $0x1B8B  }
0xa9: {  	_ =	swait.ge [sflag:s23], $0x1  }
0xaa: {  	[sflag:s23] =	ssyncset.done $0x0  }
0xab: {  	s25 =	simm.s32 $0x1B8E;
	s24 =	sld [smem:$0x3FFE];
	[sflag:s23] =	ssyncadd.s32 $0xFFFFFFFF  }
0xac: {  	s26 =	simm.s32 $execute0_lowered;
	[smem:$0x3FD2] =	sst s25  }
0xad: {  	s7 =	sshll.u32 s26, $0x1;
	_ =	strace $0x80000046;
	[dreg:$0x1] =	wrdreg $0xFFFFFFFF  }
0xae: {  	s28 =	simm.s32 $_size_execute0_lowered;
	s5 =	sadd.s32 s5, s7;
	[dreg:$0x0] =	wrdreg $0x0  }
0xaf: {  	s7 =	sshll.u32 s28, $0x1;
	[dreg:$0x2] =	wrdreg s5  }
0xb0: {  	[dreg:$0x3] =	wrdreg s7  }
0xb1: {  	[dreg:$0x4] =	wrdreg $0xC0  }
0xb2: {  	_ =	task [dreg:s9], $0x5FFFF  }
0xb3: {  	[dreg:$0x1] =	wrdreg $0xFFFFFFFF  }
0xb4: {  	[dreg:$0x0] =	wrdreg $0x60  }
0xb5: {  	[dreg:$0x2] =	wrdreg s24  }
0xb6: {  	[dreg:$0x3] =	wrdreg s15  }
0xb7: {  	[dreg:$0x4] =	wrdreg s4  }
0xb8: {  	[dreg:$0x5] =	wrdreg s16  }
0xb9: {  	[dreg:$0x6] =	wrdreg $0x0  }
0xba: {  	[dreg:$0x7] =	wrdreg $0x9  }
0xbb: {  	_ =	task.clear_ibuf [dreg:s9], $0x8FFFF;
	_ =	strace $0x90000046  }
0xbc: {  	s29 =	simm.s32 $0x9;
	_ =	strace $0x80000048  }
0xbd: {  	_ =	swait.ge [sflag:s29], $0x1  }
0xbe: {  	[sflag:s29] =	ssyncadd.s32 $0xFFFFFFFF  }
0xbf: {  	_ =	strace $0x90000048  }
0xc0: {  	_ =	sfence  }
0xc1: {  	s30 =	sld [smem:$0x0];
	_ =	sdelay $0x2  }
0xc2: {  	s31 =	sshll.u32 s1, $0xD;
	s1 =	sshrl.u32 s1, $0x2  }
0xc3: {  	s3 =	sand.u32 $0x4000, s31;
	s1 =	sadd.s32 s1, s30  }
0xc4: {  	s0 =	sor.u32 s3, s0;
	s1 =	sshll.u32 s1, $0x11  }
0xc5: {  	s0 =	sor.u32 s1, s0  }
0xc6: {  	s0 =	sadd.s32 $0x8F2B, s0  }
0xc7: {  	[sflag:s0] =	ssyncadd.remote.s32 $0x1  }
0xc8: {  	_ =	sfence.sel $0xFFFF  }
0xc9: {  	[dreg:$0x0] =	wrdreg $0xFFFFFFFF;
	(pc) =	sbr.abs _section_cstart, $3  }
0xca: {  	[dreg:$0x1] =	wrdreg $0xFFFFFFFF  }
0xcb: {  	_ =	task.clear_ibuf [dreg:s9], $0x2FFFF;
	_ =	strace $0x9FFFFFFF  }
0xcc: {  	(tm) =	ssettm $0x7FFFFFFF  }
0xcd: {  	_ =	shalt  }
tec
execute0_lowered:
.L_overlay_start_1:
0x0: {  	(tag) =	ssettag $0x1  }
0x1: {  	s0 =	srdreg.scid;
	s2 =	rddreg [dreg:$0x0];
	s1 =	simm.s32 $0x0  }
0x2: {  	s21 =	stileid.u32;
	s31 =	rddreg [dreg:$0x4];
	s10 =	sand.u32 $0x1, s0  }
0x3: {  	[smem:$0x7FF] =	sst s1;
	s11 =	sadd.s32 $0x8BC00, s2;
	s9 =	smul.u32 $0x14000, s21  }
0x4: {  	s12 =	sadd.s32 $0x3BC00, s2;
	s0 =	ssub.s32 $0x2, s10;
	s13 =	smul.u32 $0x140000, s10  }
0x5: {  	s3 =	sshrl.u32 s0, $0x1;
	s4 =	sadd.s32 $0x5000, s9;
	s5 =	sadd.s32 $0x7800, s9  }
0x6: {  	s6 =	sadd.s32 $0xA000, s9;
	s8 =	sadd.s32 $0xF000, s9;
	s0 =	ssub.s32 s0, s3  }
0x7: {  	s3 =	sor.u32 $0x2800, s9;
	s14 =	sadd.s32 s9, s13;
	s23 =	sadd.s32 s13, s4  }
0x8: {  	s17 =	sadd.s32 s13, s5;
	s20 =	sadd.s32 s13, s8;
	s14 =	sshrl.u32 s14, $0x3  }
0x9: {  	s15 =	sadd.s32 s13, s3;
	s17 =	sshrl.u32 s17, $0x3;
	s16 =	sadd.s32 s11, s14  }
0xa: {  	s15 =	sshrl.u32 s15, $0x3;
	s24 =	sadd.s32 s11, s17;
	[dreg:$0x6] =	wrdreg s16  }
0xb: {  	s20 =	sshrl.u32 s20, $0x3;
	s22 =	sadd.s32 s11, s15;
	[dreg:$0x9] =	wrdreg s24  }
0xc: {  	s16 =	sshrl.u32 s23, $0x3;
	s23 =	sadd.s32 s11, s20;
	[dreg:$0x7] =	wrdreg s22  }
0xd: {  	s18 =	sadd.s32 s13, s6;
	s24 =	sadd.s32 s12, s14;
	[dreg:$0xc] =	wrdreg s23  }
0xe: {  	s18 =	sshrl.u32 s18, $0x3;
	s19 =	sadd.s32 s11, s16;
	[dreg:$0xe] =	wrdreg s24  }
0xf: {  	s22 =	sadd.s32 s11, s18;
	[dreg:$0x8] =	wrdreg s19  }
0x10: {  	s7 =	sadd.s32 $0xC800, s9;
	s23 =	sadd.s32 s12, s17;
	[dreg:$0xa] =	wrdreg s22  }
0x11: {  	s9 =	sadd.s32 $0x11800, s9;
	s24 =	sadd.s32 s12, s18;
	[dreg:$0x11] =	wrdreg s23  }
0x12: {  	s25 =	sadd.s32 s13, s7;
	s13 =	sadd.s32 s13, s9;
	[dreg:$0x12] =	wrdreg s24  }
0x13: {  	s19 =	sshrl.u32 s25, $0x3;
	s25 =	sadd.s32 s12, s15;
	s22 =	rddreg [dreg:$0x1]  }
0x14: {  	s13 =	sshrl.u32 s13, $0x3;
	s26 =	sadd.s32 s11, s19;
	[dreg:$0xf] =	wrdreg s25  }
0x15: {  	s11 =	sadd.s32 s11, s13;
	[dreg:$0xb] =	wrdreg s26  }
0x16: {  	s25 =	sadd.s32 s12, s19;
	[dreg:$0xd] =	wrdreg s11  }
0x17: {  	s26 =	sadd.s32 s12, s16;
	[dreg:$0x13] =	wrdreg s25  }
0x18: {  	s11 =	sadd.s32 $0xDBC00, s2;
	[dreg:$0x10] =	wrdreg s26;
	s26 =	sadd.s32 s12, s20  }
0x19: {  	s24 =	sadd.s32 s11, s15;
	s15 =	sadd.s32 s11, s19;
	s19 =	rddreg [dreg:$0x3]  }
0x1a: {  	s12 =	sadd.s32 s12, s13;
	[dreg:$0x14] =	wrdreg s26  }
0x1b: {  	s23 =	sadd.s32 s11, s14;
	[dreg:$0x15] =	wrdreg s12  }
0x1c: {  	[dreg:$0x16] =	wrdreg s23  }
0x1d: {  	s25 =	sadd.s32 s11, s16;
	[dreg:$0x17] =	wrdreg s24  }
0x1e: {  	s14 =	sadd.s32 s11, s18;
	[dreg:$0x18] =	wrdreg s25  }
0x1f: {  	[dreg:$0x1a] =	wrdreg s14  }
0x20: {  	s16 =	sadd.s32 s11, s20;
	[dreg:$0x1b] =	wrdreg s15  }
0x21: {  	s26 =	sadd.s32 s11, s17;
	[dreg:$0x1c] =	wrdreg s16  }
0x22: {  	s11 =	sadd.s32 s11, s13;
	[dreg:$0x19] =	wrdreg s26  }
0x23: {  	s3 =	sadd.s32 s3, s31;
	s18 =	smul.u32 $0x2760, s21;
	[dreg:$0x1d] =	wrdreg s11  }
0x24: {  	s25 =	sadd.s32 s4, s31;
	_ =	strace $0x80000047;
	[smem:$0x7C7] =	sst s3  }
0x25: {  	s0 =	smax.u32 s0, $0x1;
	s20 =	smul.u32 $0x50000, s21;
	[smem:$0x7C8] =	sst s25  }
0x26: {  	s17 =	smul.u32 $0x27600, s10;
	s14 =	sadd.s32 $0x31E00, s2;
	[smem:$0x7D5] =	sst s0  }
0x27: {  	s10 =	sshll.u32 s10, $0x4;
	s13 =	sadd.s32 $0x14400, s2;
	[dreg:$0x1f] =	wrdreg s14  }
0x28: {  	s15 =	sadd.s32 $0x800, s2;
	s16 =	sadd.s32 $0x28000, s2;
	[dreg:$0x1e] =	wrdreg s13  }
0x29: {  	s10 =	sor.u32 s21, s10;
	s21 =	sshrl.u32 s20, $0x2;
	[smem:$0x7F1] =	sst s16  }
0x2a: {  	s23 =	sadd.s32 s21, s31;
	[smem:$0x7F3] =	sst s15  }
0x2b: {  	s11 =	sadd.s32 s18, s17;
	s18 =	sadd.s32 $0x1E200, s2;
	[smem:$0x7C6] =	sst s23  }
0x2c: {  	s17 =	sadd.s32 $0xA600, s2;
	[smem:$0x7F5] =	sst s18  }
0x2d: {  	s24 =	smul.u32 $0x2760, s10;
	s25 =	sadd.s32 s7, s31;
	[smem:$0x7F7] =	sst s17  }
0x2e: {  	s21 =	sadd.s32 s8, s31;
	[smem:$0x7FB] =	sst s25  }
0x2f: {  	s23 =	sadd.s32 s9, s31;
	[smem:$0x7FC] =	sst s21;
	s2 =	sshrl.u32 s24, $0x3  }
0x30: {  	[smem:$0x7FD] =	sst s23;
	s26 =	sadd.s32 s13, s2  }
0x31: {  	s4 =	sadd.s32 s14, s2;
	[smem:$0x7C9] =	sst s26  }
0x32: {  	s10 =	sadd.s32 s5, s31;
	s5 =	sadd.s32 s15, s2;
	[smem:$0x7CA] =	sst s4  }
0x33: {  	s7 =	sadd.s32 s16, s2;
	[smem:$0x7CB] =	sst s5  }
0x34: {  	s8 =	sadd.s32 s17, s2;
	[smem:$0x7CC] =	sst s7  }
0x35: {  	s3 =	sadd.s32 $0xA, s2;
	s2 =	sadd.s32 s18, s2;
	[smem:$0x7CD] =	sst s8  }
0x36: {  	[smem:$0x7CE] =	sst s2;
	s9 =	sadd.s32 s13, s3  }
0x37: {  	s12 =	sadd.s32 s14, s3;
	[smem:$0x7CF] =	sst s9  }
0x38: {  	s20 =	sadd.s32 s15, s3;
	[smem:$0x7D0] =	sst s12  }
0x39: {  	s24 =	sadd.s32 s16, s3;
	[smem:$0x7D1] =	sst s20  }
0x3a: {  	s26 =	sadd.s32 s17, s3;
	[smem:$0x7D2] =	sst s24  }
0x3b: {  	s4 =	sadd.s32 s18, s3;
	s5 =	sadd.s32 $0x230, s11;
	[smem:$0x7D3] =	sst s26  }
0x3c: {  	s8 =	sadd.s32 $0x1E0, s11;
	[smem:$0x7D4] =	sst s4;
	s0 =	sshrl.u32 s5, $0x3  }
0x3d: {  	s7 =	sadd.s32 $0x190, s11;
	[smem:$0x7D6] =	sst s8;
	s24 =	sadd.s32 s0, s14  }
0x3e: {  	s9 =	sadd.s32 $0x140, s11;
	s26 =	sadd.s32 s0, s13;
	[smem:$0x7D7] =	sst s24  }
0x3f: {  	s12 =	sadd.s32 $0xF0, s11;
	s8 =	sadd.s32 s0, s16;
	[smem:$0x7D8] =	sst s26  }
0x40: {  	s3 =	sshrl.u32 s9, $0x3;
	s9 =	sadd.s32 s0, s15;
	[smem:$0x7D9] =	sst s8  }
0x41: {  	s20 =	sadd.s32 $0xA0, s11;
	s11 =	sadd.s32 s0, s18;
	[smem:$0x7DA] =	sst s9  }
0x42: {  	s2 =	sshrl.u32 s7, $0x3;
	s0 =	sadd.s32 s0, s17;
	[smem:$0x7DB] =	sst s11  }
0x43: {  	s4 =	sshrl.u32 s12, $0x3;
	s12 =	sadd.s32 s2, s14;
	[smem:$0x7DC] =	sst s0  }
0x44: {  	s5 =	sshrl.u32 s20, $0x3;
	s20 =	sadd.s32 s2, s13;
	[smem:$0x7DD] =	sst s12  }
0x45: {  	s7 =	sadd.s32 s2, s18;
	[smem:$0x7DE] =	sst s20  }
0x46: {  	s24 =	sadd.s32 s2, s16;
	[smem:$0x7E1] =	sst s7  }
0x47: {  	s26 =	sadd.s32 s2, s15;
	[smem:$0x7DF] =	sst s24  }
0x48: {  	s8 =	sadd.s32 s2, s17;
	[smem:$0x7E0] =	sst s26  }
0x49: {  	s9 =	sadd.s32 s3, s14;
	[smem:$0x7E2] =	sst s8  }
0x4a: {  	s11 =	sadd.s32 s3, s13;
	[smem:$0x7E3] =	sst s9  }
0x4b: {  	s12 =	sadd.s32 s3, s16;
	[smem:$0x7E4] =	sst s11  }
0x4c: {  	s20 =	sadd.s32 s3, s15;
	[smem:$0x7E5] =	sst s12  }
0x4d: {  	s2 =	sadd.s32 s4, s14;
	[smem:$0x7E6] =	sst s20  }
0x4e: {  	s7 =	sadd.s32 s4, s16;
	[smem:$0x7E9] =	sst s2  }
0x4f: {  	s30 =	simm.s32 $0x6;
	s24 =	sadd.s32 s3, s18;
	[smem:$0x7EB] =	sst s7  }
0x50: {  	s29 =	simm.s32 $0x1;
	s26 =	sadd.s32 s3, s17;
	[smem:$0x7E7] =	sst s24  }
0x51: {  	s28 =	simm.s32 $0x14400;
	s3 =	sadd.s32 s4, s13;
	[smem:$0x7E8] =	sst s26  }
0x52: {  	s6 =	sadd.s32 s6, s31;
	s8 =	sadd.s32 s4, s15;
	[smem:$0x7EA] =	sst s3  }
0x53: {  	s0 =	simm.s32 $0x14480;
	s9 =	sadd.s32 s4, s18;
	[smem:$0x7EC] =	sst s8  }
0x54: {  	s11 =	sadd.s32 s4, s17;
	s12 =	sadd.s32 s5, s14;
	[smem:$0x7ED] =	sst s9  }
0x55: {  	s13 =	sadd.s32 s5, s13;
	s14 =	sadd.s32 s5, s16;
	[smem:$0x7EE] =	sst s11  }
0x56: {  	s16 =	smov.u32 s19;
	s20 =	sadd.s32 s5, s15;
	[smem:$0x7EF] =	sst s12  }
0x57: {  	s19 =	simm.s32 $0x14600;
	s15 =	simm.s32 $0x14180;
	[smem:$0x7F0] =	sst s13  }
0x58: {  	s7 =	simm.s32 $0x3;
	s2 =	simm.s32 $0x9;
	[smem:$0x7F2] =	sst s14  }
0x59: {  	s4 =	simm.s32 $0x14580;
	[smem:$0x7F4] =	sst s20;
	s24 =	sadd.s32 s5, s18  }
0x5a: {  	s18 =	smov.u32 s6;
	s26 =	sadd.s32 s5, s17;
	s17 =	smov.u32 s10  }
0x5b: {  	s20 =	simm.s32 $0xB;
	s14 =	simm.s32 $0x16E00;
	s8 =	simm.s32 $0x7  }
.Ltmp0:
0x5c: {  	s9 =	simm.s32 $0x2;
	s10 =	simm.s32 $0x14300;
	(pc) =	sbr.rel .LBB2_1-.Ltmp0, $4  }
0x5d: {  	s11 =	simm.s32 $0x14380;
	s12 =	simm.s32 $0x4;
	[smem:$0x7F6] =	sst s24  }
0x5e: {  	s13 =	simm.s32 $0x8;
	s3 =	simm.s32 $0x14500;
	[smem:$0x7F8] =	sst s26  }
0x5f: {  	s5 =	simm.s32 $0xA;
	s6 =	simm.s32 $0x0;
	[smem:$0x7F9] =	sst s17  }
0x60: {  	s24 =	simm.s32 $0x14100;
	s26 =	simm.s32 $0x50;
	[smem:$0x7FA] =	sst s18  }
.LBB2_10:
0x61: {  	_ =	swait.ge [sflag:s12], $0x2800  }
0x62: {  	[sflag:s12] =	ssyncset.done $0x0  }
0x63: {  	[sflag:s12] =	ssyncadd.s32 $0xFFFFD800  }
0x64: {  	[bflag:$0x0] =	sbarrier.arrive $0xFFFF  }
0x65: {  	s6 =	sld [smem:$0x7C6];
	_ =	sdelay $0x2  }
0x66: {  	[tilespmem:s19], [sflag:$0xB] =	stream.linear.gather [spmem:s6], $0x2800, $0x38;
	[tilespmem:$0x19600] =	vst v63  }
0x67: {  	_ =	swait.ge [sflag:s20], $0x2800  }
0x68: {  	[sflag:s20] =	ssyncset.done $0x0  }
0x69: {  	s16 =	rddreg [dreg:$0x16];
	[sflag:s20] =	ssyncadd.s32 $0xFFFFD800  }
0x6a: {  	[hbm4b:s16+s1] =	stream.linear.scatter [tilespmem:s19], [sflag:$0xB], $0x2800, $0x38;
	[tilespmem:$0x19600] =	vst v63  }
0x6b: {  	_ =	swait.ge [sflag:s20], $0x2800  }
0x6c: {  	s25 =	sld [smem:$0x7C7]  }
0x6d: {  	[sflag:s20] =	ssyncset.done $0x0  }
0x6e: {  	[sflag:s20] =	ssyncadd.s32 $0xFFFFD800  }
0x6f: {  	[tilespmem:s19], [sflag:$0xB] =	stream.linear.gather [spmem:s25], $0x2800, $0x38;
	[tilespmem:$0x19600] =	vst v63  }
0x70: {  	_ =	swait.ge [sflag:s20], $0x2800  }
0x71: {  	[sflag:s20] =	ssyncset.done $0x0  }
0x72: {  	s15 =	rddreg [dreg:$0x17];
	[sflag:s20] =	ssyncadd.s32 $0xFFFFD800  }
0x73: {  	[hbm4b:s15+s1] =	stream.linear.scatter [tilespmem:s19], [sflag:$0xB], $0x2800, $0x38;
	[tilespmem:$0x19600] =	vst v63  }
0x74: {  	_ =	swait.ge [sflag:s20], $0x2800  }
0x75: {  	s17 =	sld [smem:$0x7C8]  }
0x76: {  	[sflag:s20] =	ssyncset.done $0x0  }
0x77: {  	[sflag:s20] =	ssyncadd.s32 $0xFFFFD800  }
0x78: {  	[tilespmem:s19], [sflag:$0xB] =	stream.linear.gather [spmem:s17], $0x2800, $0x38;
	[tilespmem:$0x19600] =	vst v63  }
0x79: {  	_ =	swait.ge [sflag:s20], $0x2800  }
0x7a: {  	[sflag:s20] =	ssyncset.done $0x0  }
0x7b: {  	s18 =	rddreg [dreg:$0x18];
	[sflag:s20] =	ssyncadd.s32 $0xFFFFD800  }
0x7c: {  	[hbm4b:s18+s1] =	stream.linear.scatter [tilespmem:s19], [sflag:$0xB], $0x2800, $0x38;
	[tilespmem:$0x19600] =	vst v63  }
0x7d: {  	_ =	swait.ge [sflag:s20], $0x2800  }
0x7e: {  	s17 =	sld [smem:$0x7F9]  }
0x7f: {  	[sflag:s20] =	ssyncset.done $0x0  }
0x80: {  	[sflag:s20] =	ssyncadd.s32 $0xFFFFD800  }
0x81: {  	[tilespmem:s19], [sflag:$0xB] =	stream.linear.gather [spmem:s17], $0x2800, $0x38;
	[tilespmem:$0x19600] =	vst v63  }
0x82: {  	_ =	swait.ge [sflag:s20], $0x2800  }
0x83: {  	[sflag:s20] =	ssyncset.done $0x0  }
0x84: {  	s21 =	rddreg [dreg:$0x19];
	[sflag:s20] =	ssyncadd.s32 $0xFFFFD800  }
0x85: {  	[hbm4b:s21+s1] =	stream.linear.scatter [tilespmem:s19], [sflag:$0xB], $0x2800, $0x38;
	[tilespmem:$0x19600] =	vst v63  }
0x86: {  	_ =	swait.ge [sflag:s20], $0x2800  }
0x87: {  	s18 =	sld [smem:$0x7FA]  }
0x88: {  	[sflag:s20] =	ssyncset.done $0x0  }
0x89: {  	[sflag:s20] =	ssyncadd.s32 $0xFFFFD800  }
0x8a: {  	[tilespmem:s19], [sflag:$0xB] =	stream.linear.gather [spmem:s18], $0x2800, $0x38;
	[tilespmem:$0x19600] =	vst v63  }
0x8b: {  	_ =	swait.ge [sflag:s20], $0x2800  }
0x8c: {  	[sflag:s20] =	ssyncset.done $0x0  }
0x8d: {  	s23 =	rddreg [dreg:$0x1a];
	[sflag:s20] =	ssyncadd.s32 $0xFFFFD800  }
0x8e: {  	[hbm4b:s23+s1] =	stream.linear.scatter [tilespmem:s19], [sflag:$0xB], $0x2800, $0x38;
	[tilespmem:$0x19600] =	vst v63  }
0x8f: {  	_ =	swait.ge [sflag:s20], $0x2800  }
0x90: {  	s25 =	sld [smem:$0x7FB]  }
0x91: {  	[sflag:s20] =	ssyncset.done $0x0  }
0x92: {  	[sflag:s20] =	ssyncadd.s32 $0xFFFFD800  }
0x93: {  	[tilespmem:s19], [sflag:$0xB] =	stream.linear.gather [spmem:s25], $0x2800, $0x38;
	[tilespmem:$0x19600] =	vst v63  }
0x94: {  	_ =	swait.ge [sflag:s20], $0x2800  }
0x95: {  	[sflag:s20] =	ssyncset.done $0x0  }
0x96: {  	s24 =	rddreg [dreg:$0x1b];
	[sflag:s20] =	ssyncadd.s32 $0xFFFFD800  }
0x97: {  	[hbm4b:s24+s1] =	stream.linear.scatter [tilespmem:s19], [sflag:$0xB], $0x2800, $0x38;
	[tilespmem:$0x19600] =	vst v63  }
0x98: {  	_ =	swait.ge [sflag:s20], $0x2800  }
0x99: {  	s21 =	sld [smem:$0x7FC]  }
0x9a: {  	[sflag:s20] =	ssyncset.done $0x0  }
0x9b: {  	[sflag:s20] =	ssyncadd.s32 $0xFFFFD800  }
0x9c: {  	[tilespmem:s19], [sflag:$0xB] =	stream.linear.gather [spmem:s21], $0x2800, $0x38;
	[tilespmem:$0x19600] =	vst v63  }
0x9d: {  	_ =	swait.ge [sflag:s20], $0x2800  }
0x9e: {  	[sflag:s20] =	ssyncset.done $0x0  }
0x9f: {  	s6 =	rddreg [dreg:$0x1c];
	[sflag:s20] =	ssyncadd.s32 $0xFFFFD800  }
0xa0: {  	[hbm4b:s6+s1] =	stream.linear.scatter [tilespmem:s19], [sflag:$0xB], $0x2800, $0x38;
	[tilespmem:$0x19600] =	vst v63  }
0xa1: {  	_ =	swait.ge [sflag:s20], $0x2800  }
0xa2: {  	s23 =	sld [smem:$0x7FD]  }
0xa3: {  	[sflag:s20] =	ssyncset.done $0x0  }
0xa4: {  	[sflag:s20] =	ssyncadd.s32 $0xFFFFD800  }
0xa5: {  	[tilespmem:s19], [sflag:$0xB] =	stream.linear.gather [spmem:s23], $0x2800, $0x38;
	[tilespmem:$0x19600] =	vst v63  }
0xa6: {  	_ =	swait.ge [sflag:s20], $0x2800  }
0xa7: {  	[sflag:s20] =	ssyncset.done $0x0  }
0xa8: {  	s15 =	rddreg [dreg:$0x1d];
	[sflag:s20] =	ssyncadd.s32 $0xFFFFD800  }
0xa9: {  	[hbm4b:s15+s1] =	stream.linear.scatter [tilespmem:s19], [sflag:$0xB], $0x2800, $0x38;
	[tilespmem:$0x19600] =	vst v63  }
0xaa: {  	_ =	swait.ge [sflag:s20], $0x2800  }
0xab: {  	s16 =	sld [smem:$0x7C5]  }
0xac: {  	s24 =	sld [smem:$0x7D5];
	_ =	sdelay $0x1  }
0xad: {  	s6 =	sadd.s32 $0x1, s16  }
0xae: {  	p0 =	sne.s32 s6, s24  }
.Ltmp1:
0xaf: {  	_ = 	snop;
	(pc) =	sbr.rel @!p0 .LBB2_11-.Ltmp1, $4  }
0xb0: {  	_ = 	snop  }
0xb1: {  	[sflag:s20] =	ssyncset.done $0x0  }
0xb2: {  	[sflag:s20] =	ssyncadd.s32 $0xFFFFD800  }
0xb3: {  	s15 =	simm.s32 $0x14180;
	s16 =	rddreg [dreg:$0x3];
	s24 =	simm.s32 $0x14100  }
.LBB2_1:
0xb4: {  	[smem:$0x7C5] =	sst s6  }
0xb5: {  	[tilespmem:s19], [sflag:$0xB] =	stream.linear.gather [hbm4b:s16+s1], $0x2800, $0x38;
	[tilespmem:$0x19600] =	vst v63  }
0xb6: {  	_ =	swait.ge [sflag:s20], $0x2800  }
0xb7: {  	s16 =	sld [smem:$0x7C6]  }
0xb8: {  	[sflag:s20] =	ssyncset.done $0x0  }
0xb9: {  	[sflag:s20] =	ssyncadd.s32 $0xFFFFD800  }
0xba: {  	[spmem:s16] =	stream.linear.scatter [tilespmem:s19], [sflag:$0xB], $0x2800, $0x38;
	[tilespmem:$0x19600] =	vst v63  }
0xbb: {  	_ =	swait.ge [sflag:s20], $0x2800  }
0xbc: {  	s16 =	sld [smem:$0x7C7]  }
0xbd: {  	[sflag:s20] =	ssyncset.done $0x0  }
0xbe: {  	[sflag:s20] =	ssyncadd.s32 $0xFFFFD800  }
0xbf: {  	[spmem:s16] =	stream.linear.scatter [tilespmem:s19], [sflag:$0xB], $0x2800, $0x38;
	[tilespmem:$0x19600] =	vst v63  }
0xc0: {  	_ =	swait.ge [sflag:s20], $0x2800  }
0xc1: {  	s16 =	sld [smem:$0x7C8]  }
0xc2: {  	[sflag:s20] =	ssyncset.done $0x0  }
0xc3: {  	[sflag:s20] =	ssyncadd.s32 $0xFFFFD800  }
0xc4: {  	[spmem:s16] =	stream.linear.scatter [tilespmem:s19], [sflag:$0xB], $0x2800, $0x38;
	[tilespmem:$0x19600] =	vst v63  }
0xc5: {  	_ =	swait.ge [sflag:s20], $0x2800  }
0xc6: {  	[sflag:s20] =	ssyncset.done $0x0  }
0xc7: {  	[sflag:s20] =	ssyncadd.s32 $0xFFFFD800  }
0xc8: {  	[spmem:s17] =	stream.linear.scatter [tilespmem:s19], [sflag:$0xB], $0x2800, $0x38;
	[tilespmem:$0x19600] =	vst v63  }
0xc9: {  	_ =	swait.ge [sflag:s20], $0x2800  }
0xca: {  	[sflag:s20] =	ssyncset.done $0x0  }
0xcb: {  	[sflag:s20] =	ssyncadd.s32 $0xFFFFD800  }
0xcc: {  	[spmem:s18] =	stream.linear.scatter [tilespmem:s19], [sflag:$0xB], $0x2800, $0x38;
	[tilespmem:$0x19600] =	vst v63  }
0xcd: {  	_ =	swait.ge [sflag:s20], $0x2800  }
0xce: {  	[sflag:s20] =	ssyncset.done $0x0  }
0xcf: {  	[sflag:s20] =	ssyncadd.s32 $0xFFFFD800  }
0xd0: {  	[spmem:s25] =	stream.linear.scatter [tilespmem:s19], [sflag:$0xB], $0x2800, $0x38;
	[tilespmem:$0x19600] =	vst v63  }
0xd1: {  	_ =	swait.ge [sflag:s20], $0x2800  }
0xd2: {  	[sflag:s20] =	ssyncset.done $0x0  }
0xd3: {  	[sflag:s20] =	ssyncadd.s32 $0xFFFFD800  }
0xd4: {  	[spmem:s21] =	stream.linear.scatter [tilespmem:s19], [sflag:$0xB], $0x2800, $0x38;
	[tilespmem:$0x19600] =	vst v63  }
0xd5: {  	_ =	swait.ge [sflag:s20], $0x2800  }
0xd6: {  	[sflag:s20] =	ssyncset.done $0x0  }
0xd7: {  	[sflag:s20] =	ssyncadd.s32 $0xFFFFD800  }
0xd8: {  	[spmem:s23] =	stream.linear.scatter [tilespmem:s19], [sflag:$0xB], $0x2800, $0x38;
	[tilespmem:$0x19600] =	vst v63  }
0xd9: {  	_ =	swait.ge [sflag:s20], $0x2800  }
0xda: {  	[sflag:s20] =	ssyncset.done $0x0  }
0xdb: {  	[sflag:s20] =	ssyncadd.s32 $0xFFFFD800  }
0xdc: {  	[bflag:$0x0] =	sbarrier.arrive $0xFFFF  }
0xdd: {  	s23 =	sld [smem:$0x7C9];
	_ =	sdelay $0x1  }
0xde: {  	s17 =	simm.s32 $0x14000;
	s25 =	sld [smem:$0x7CA]  }
0xdf: {  	[tilespmem:s17], [sflag:$0x5] =	stream.linear.gather [hbm4b:s23+s1], $0x50, $0x38;
	[tilespmem:$0x19600] =	vst v63  }
0xe0: {  	s6 =	simm.s32 $0x14080;
	s21 =	sld [smem:$0x7CF]  }
0xe1: {  	[tilespmem:s6], [sflag:$0x5] =	stream.linear.gather [hbm4b:s25+s1], $0x50, $0x38;
	[tilespmem:$0x19600] =	vst v63  }
0xe2: {  	s23 =	sld [smem:$0x7D0]  }
0xe3: {  	[tilespmem:s24], [sflag:$0x6] =	stream.linear.gather [hbm4b:s21+s1], $0x50, $0x38;
	[tilespmem:$0x19600] =	vst v63  }
0xe4: {  	s25 =	simm.s32 $0x5  }
0xe5: {  	[tilespmem:s15], [sflag:$0x6] =	stream.linear.gather [hbm4b:s23+s1], $0x50, $0x38;
	[tilespmem:$0x19600] =	vst v63  }
0xe6: {  	_ =	swait.ge [sflag:s25], $0x50  }
0xe7: {  	[sflag:s25] =	ssyncset.done $0x0  }
0xe8: {  	[sflag:s25] =	ssyncadd.s32 $0xFFFFFFB0  }
0xe9: {  	_ =	swait.ge [sflag:s25], $0x50  }
0xea: {  	[sflag:s25] =	ssyncset.done $0x0  }
0xeb: {  	[sflag:s25] =	ssyncadd.s32 $0xFFFFFFB0  }
0xec: {  	[tilespmem:s19], [sflag:$0x1] =	stream.indirect.gather [hbm4b:s22+s26], $0x80, s17, s26, $0xb8;
	[tilespmem:$0x19600] =	vst v63  }
0xed: {  	s6 =	simm.s32 $0x14200;
	s16 =	sld [smem:$0x7D6];
	s17 =	simm.s32 $0x0  }
.LBB2_2:
0xee: {  	p0 =	seq.s32 s17, $0x0  }
0xef: {  	s18 =	simm.s32 @!p0 $0x4  }
0xf0: {  	_ =	swait.ge @!p0 [sflag:s18], $0x2800  }
0xf1: {  	[sflag:s18] =	ssyncset.done @!p0 $0x0  }
0xf2: {  	[sflag:s18] =	ssyncadd.s32 @!p0 $0xFFFFD800  }
0xf3: {  	_ =	swait.ge [sflag:s30], $0x50  }
0xf4: {  	[sflag:s30] =	ssyncset.done $0x0  }
0xf5: {  	[sflag:s30] =	ssyncadd.s32 $0xFFFFFFB0  }
0xf6: {  	_ =	swait.ge [sflag:s30], $0x50  }
0xf7: {  	[sflag:s30] =	ssyncset.done $0x0  }
0xf8: {  	[sflag:s30] =	ssyncadd.s32 $0xFFFFFFB0  }
0xf9: {  	[tilespmem:s14], [sflag:$0x2] =	stream.indirect.gather [hbm4b:s22+s26], $0x80, s24, s26, $0xb8;
	[tilespmem:$0x19600] =	vst v63  }
0xfa: {  	_ =	swait.ge [sflag:s29], $0x2800  }
0xfb: {  	[sflag:s29] =	ssyncset.done $0x0;
	s23 =	sld [smem:$0x7F0]  }
0xfc: {  	s21 =	simm.s32 $0x14080;
	s24 =	sld [smem:$0x7EF];
	[sflag:s29] =	ssyncadd.s32 $0xFFFFD800  }
0xfd: {  	[spmem:s31] =	stream.indirect.scatter.add.f32 [tilespmem:s19], [sflag:$0x3], $0x80, s21, s26, $0xb8;
	[tilespmem:$0x19600] =	vst v63  }
0xfe: {  	s18 =	sadd.s32 s17, s23  }
0xff: {  	[tilespmem:s6], [sflag:$0x7] =	stream.linear.gather [hbm4b:s18+s1], $0x50, $0x38;
	[tilespmem:$0x19600] =	vst v63  }
0x100: {  	s21 =	simm.s32 $0x14280;
	s18 =	sadd.s32 s17, s24  }
0x101: {  	[tilespmem:s21], [sflag:$0x7] =	stream.linear.gather [hbm4b:s18+s1], $0x50, $0x38;
	[tilespmem:$0x19600] =	vst v63  }
0x102: {  	_ =	swait.ge [sflag:s7], $0x2800  }
0x103: {  	[sflag:s7] =	ssyncset.done $0x0  }
0x104: {  	[sflag:s7] =	ssyncadd.s32 $0xFFFFD800  }
0x105: {  	_ =	swait.ge [sflag:s8], $0x50  }
0x106: {  	[sflag:s8] =	ssyncset.done $0x0  }
0x107: {  	[sflag:s8] =	ssyncadd.s32 $0xFFFFFFB0  }
0x108: {  	_ =	swait.ge [sflag:s8], $0x50  }
0x109: {  	[sflag:s8] =	ssyncset.done $0x0  }
0x10a: {  	[sflag:s8] =	ssyncadd.s32 $0xFFFFFFB0  }
0x10b: {  	[tilespmem:s19], [sflag:$0x1] =	stream.indirect.gather [hbm4b:s22+s26], $0x80, s6, s26, $0xb8;
	[tilespmem:$0x19600] =	vst v63  }
0x10c: {  	_ =	swait.ge [sflag:s9], $0x2800  }
0x10d: {  	[sflag:s9] =	ssyncset.done $0x0  }
0x10e: {  	s25 =	sld [smem:$0x7EA];
	[sflag:s9] =	ssyncadd.s32 $0xFFFFD800  }
0x10f: {  	[spmem:s31] =	stream.indirect.scatter.add.f32 [tilespmem:s14], [sflag:$0x4], $0x80, s15, s26, $0xb8;
	[tilespmem:$0x19600] =	vst v63  }
0x110: {  	s15 =	sld [smem:$0x7E9]  }
0x111: {  	s18 =	sadd.s32 s17, s25  }
0x112: {  	[tilespmem:s10], [sflag:$0x8] =	stream.linear.gather [hbm4b:s18+s1], $0x50, $0x38;
	[tilespmem:$0x19600] =	vst v63  }
0x113: {  	s18 =	sadd.s32 s17, s15  }
0x114: {  	[tilespmem:s11], [sflag:$0x8] =	stream.linear.gather [hbm4b:s18+s1], $0x50, $0x38;
	[tilespmem:$0x19600] =	vst v63  }
0x115: {  	_ =	swait.ge [sflag:s12], $0x2800  }
0x116: {  	[sflag:s12] =	ssyncset.done $0x0  }
0x117: {  	[sflag:s12] =	ssyncadd.s32 $0xFFFFD800  }
0x118: {  	_ =	swait.ge [sflag:s13], $0x50  }
0x119: {  	[sflag:s13] =	ssyncset.done $0x0  }
0x11a: {  	[sflag:s13] =	ssyncadd.s32 $0xFFFFFFB0  }
0x11b: {  	_ =	swait.ge [sflag:s13], $0x50  }
0x11c: {  	[sflag:s13] =	ssyncset.done $0x0  }
0x11d: {  	[sflag:s13] =	ssyncadd.s32 $0xFFFFFFB0  }
0x11e: {  	[tilespmem:s14], [sflag:$0x2] =	stream.indirect.gather [hbm4b:s22+s26], $0x80, s10, s26, $0xb8;
	[tilespmem:$0x19600] =	vst v63  }
0x11f: {  	_ =	swait.ge [sflag:s29], $0x2800  }
0x120: {  	[sflag:s29] =	ssyncset.done $0x0  }
0x121: {  	[sflag:s29] =	ssyncadd.s32 $0xFFFFD800  }
0x122: {  	[spmem:s31] =	stream.indirect.scatter.add.f32 [tilespmem:s19], [sflag:$0x3], $0x80, s21, s26, $0xb8;
	[tilespmem:$0x19600] =	vst v63  }
0x123: {  	s21 =	sld [smem:$0x7E4];
	_ =	sdelay $0x1  }
0x124: {  	s23 =	sld [smem:$0x7E3]  }
0x125: {  	s18 =	sadd.s32 s17, s21  }
0x126: {  	[tilespmem:s28], [sflag:$0x9] =	stream.linear.gather [hbm4b:s18+s1], $0x50, $0x38;
	[tilespmem:$0x19600] =	vst v63  }
0x127: {  	s18 =	sadd.s32 s17, s23  }
0x128: {  	[tilespmem:s0], [sflag:$0x9] =	stream.linear.gather [hbm4b:s18+s1], $0x50, $0x38;
	[tilespmem:$0x19600] =	vst v63  }
0x129: {  	_ =	swait.ge [sflag:s7], $0x2800  }
0x12a: {  	[sflag:s7] =	ssyncset.done $0x0  }
0x12b: {  	[sflag:s7] =	ssyncadd.s32 $0xFFFFD800  }
0x12c: {  	_ =	swait.ge [sflag:s2], $0x50  }
0x12d: {  	[sflag:s2] =	ssyncset.done $0x0  }
0x12e: {  	[sflag:s2] =	ssyncadd.s32 $0xFFFFFFB0  }
0x12f: {  	_ =	swait.ge [sflag:s2], $0x50  }
0x130: {  	[sflag:s2] =	ssyncset.done $0x0  }
0x131: {  	[sflag:s2] =	ssyncadd.s32 $0xFFFFFFB0  }
0x132: {  	[tilespmem:s19], [sflag:$0x1] =	stream.indirect.gather [hbm4b:s22+s26], $0x80, s28, s26, $0xb8;
	[tilespmem:$0x19600] =	vst v63  }
0x133: {  	_ =	swait.ge [sflag:s9], $0x2800  }
0x134: {  	[sflag:s9] =	ssyncset.done $0x0;
	s24 =	sld [smem:$0x7DE]  }
0x135: {  	s25 =	sld [smem:$0x7DD];
	[sflag:s9] =	ssyncadd.s32 $0xFFFFD800  }
0x136: {  	[spmem:s31] =	stream.indirect.scatter.add.f32 [tilespmem:s14], [sflag:$0x4], $0x80, s11, s26, $0xb8;
	[tilespmem:$0x19600] =	vst v63  }
0x137: {  	s18 =	sadd.s32 s17, s24  }
0x138: {  	[tilespmem:s3], [sflag:$0xA] =	stream.linear.gather [hbm4b:s18+s1], $0x50, $0x38;
	[tilespmem:$0x19600] =	vst v63  }
0x139: {  	s18 =	sadd.s32 s17, s25  }
0x13a: {  	[tilespmem:s4], [sflag:$0xA] =	stream.linear.gather [hbm4b:s18+s1], $0x50, $0x38;
	[tilespmem:$0x19600] =	vst v63  }
0x13b: {  	_ =	swait.ge [sflag:s12], $0x2800  }
0x13c: {  	[sflag:s12] =	ssyncset.done $0x0  }
0x13d: {  	[sflag:s12] =	ssyncadd.s32 $0xFFFFD800  }
0x13e: {  	_ =	swait.ge [sflag:s5], $0x50  }
0x13f: {  	[sflag:s5] =	ssyncset.done $0x0  }
0x140: {  	[sflag:s5] =	ssyncadd.s32 $0xFFFFFFB0  }
0x141: {  	_ =	swait.ge [sflag:s5], $0x50  }
0x142: {  	[sflag:s5] =	ssyncset.done $0x0  }
0x143: {  	[sflag:s5] =	ssyncadd.s32 $0xFFFFFFB0  }
0x144: {  	[tilespmem:s14], [sflag:$0x2] =	stream.indirect.gather [hbm4b:s22+s26], $0x80, s3, s26, $0xb8;
	[tilespmem:$0x19600] =	vst v63  }
0x145: {  	_ =	swait.ge [sflag:s29], $0x2800  }
0x146: {  	p0 =	seq.s32 s17, $0x4B0;
	[sflag:s29] =	ssyncset.done $0x0  }
0x147: {  	s18 =	simm.s32 @p0 $0x3;
	[sflag:s29] =	ssyncadd.s32 $0xFFFFD800  }
0x148: {  	[spmem:s31] =	stream.indirect.scatter.add.f32 [tilespmem:s19], [sflag:$0x3], $0x80, s0, s26, $0xb8;
	[tilespmem:$0x19600] =	vst v63  }
0x149: {  	_ =	swait.ge @p0 [sflag:s18], $0x2800  }
0x14a: {  	[sflag:s18] =	ssyncset.done @p0 $0x0  }
0x14b: {  	s21 =	rddreg [dreg:$0x1e];
	[sflag:s18] =	ssyncadd.s32 @p0 $0xFFFFD800;
	s18 =	sshrl.u32 @!p0 s16, $0x3  }
0x14c: {  	s23 =	simm.s32 @!p0 $0x14000;
	s25 =	simm.s32 @!p0 $0x0;
	s21 =	sadd.s32 @!p0 s21, s18  }
0x14d: {  	[tilespmem:s23], [sflag:$0x5] =	stream.linear.gather @!p0 [hbm4b:s21+s25], $0x50, $0x38;
	[tilespmem:$0x19600] =	vst v63  }
0x14e: {  	s21 =	rddreg [dreg:$0x1f]  }
0x14f: {  	s18 =	sadd.s32 @!p0 s21, s18;
	s21 =	simm.s32 @!p0 $0x14080  }
0x150: {  	[tilespmem:s21], [sflag:$0x5] =	stream.linear.gather @!p0 [hbm4b:s18+s25], $0x50, $0x38;
	[tilespmem:$0x19600] =	vst v63  }
0x151: {  	s18 =	simm.s32 @!p0 $0x3  }
0x152: {  	_ =	swait.ge @!p0 [sflag:s18], $0x2800  }
0x153: {  	[sflag:s18] =	ssyncset.done @!p0 $0x0  }
0x154: {  	[sflag:s18] =	ssyncadd.s32 @!p0 $0xFFFFD800;
	s18 =	simm.s32 @!p0 $0x5  }
0x155: {  	_ =	swait.ge @!p0 [sflag:s18], $0x50  }
0x156: {  	[sflag:s18] =	ssyncset.done @!p0 $0x0  }
0x157: {  	[sflag:s18] =	ssyncadd.s32 @!p0 $0xFFFFFFB0  }
0x158: {  	_ =	swait.ge @!p0 [sflag:s18], $0x50  }
0x159: {  	[sflag:s18] =	ssyncset.done @!p0 $0x0  }
0x15a: {  	s21 =	simm.s32 @!p0 $0x14600;
	[sflag:s18] =	ssyncadd.s32 @!p0 $0xFFFFFFB0;
	s18 =	simm.s32 @!p0 $0x50  }
0x15b: {  	[tilespmem:s21], [sflag:$0x1] =	stream.indirect.gather @!p0 [hbm4b:s22+s18], $0x80, s23, s18, $0xb8;
	[tilespmem:$0x19600] =	vst v63  }
.Ltmp2:
0x15c: {  	_ = 	snop;
	(pc) =	sbr.rel @p0 .LBB2_4-.Ltmp2, $4  }
0x15d: {  	_ =	swait.ge [sflag:s9], $0x2800  }
0x15e: {  	[sflag:s9] =	ssyncset.done $0x0  }
0x15f: {  	s15 =	simm.s32 $0x14180;
	s24 =	simm.s32 $0x14100;
	[sflag:s9] =	ssyncadd.s32 $0xFFFFD800  }
0x160: {  	[spmem:s31] =	stream.indirect.scatter.add.f32 [tilespmem:s14], [sflag:$0x4], $0x80, s4, s26, $0xb8;
	[tilespmem:$0x19600] =	vst v63  }
0x161: {  	s18 =	sld [smem:$0x7D8];
	_ =	sdelay $0x1  }
0x162: {  	s25 =	sld [smem:$0x7D7]  }
.Ltmp3:
0x163: {  	s18 =	sadd.s32 s17, s18;
	(pc) =	sbr.rel .LBB2_2-.Ltmp3, $4  }
0x164: {  	[tilespmem:s24], [sflag:$0x6] =	stream.linear.gather [hbm4b:s18+s1], $0x50, $0x38;
	[tilespmem:$0x19600] =	vst v63  }
0x165: {  	s16 =	sadd.s32 $0x1E0, s16;
	s18 =	sadd.s32 s17, s25  }
0x166: {  	[tilespmem:s15], [sflag:$0x6] =	stream.linear.gather [hbm4b:s18+s1], $0x50, $0x38;
	[tilespmem:$0x19600] =	vst v63  }
0x167: {  	s17 =	sadd.s32 $0x3C, s17;
	s24 =	simm.s32 $0x14100;
	s15 =	simm.s32 $0x14180  }
.LBB2_4:
0x168: {  	_ =	swait.ge [sflag:s12], $0x2800  }
0x169: {  	[sflag:s12] =	ssyncset.done $0x0  }
0x16a: {  	[sflag:s12] =	ssyncadd.s32 $0xFFFFD800  }
0x16b: {  	[bflag:$0x0] =	sbarrier.arrive $0xFFFF  }
0x16c: {  	s6 =	sld [smem:$0x7C6];
	_ =	sdelay $0x2  }
0x16d: {  	[tilespmem:s19], [sflag:$0xB] =	stream.linear.gather [spmem:s6], $0x2800, $0x38;
	[tilespmem:$0x19600] =	vst v63  }
0x16e: {  	_ =	swait.ge [sflag:s20], $0x2800  }
0x16f: {  	[sflag:s20] =	ssyncset.done $0x0  }
0x170: {  	s16 =	simm.s32 $0x0;
	s17 =	rddreg [dreg:$0x6];
	[sflag:s20] =	ssyncadd.s32 $0xFFFFD800  }
0x171: {  	[hbm4b:s17+s16] =	stream.linear.scatter [tilespmem:s19], [sflag:$0xB], $0x2800, $0x38;
	[tilespmem:$0x19600] =	vst v63  }
0x172: {  	_ =	swait.ge [sflag:s20], $0x2800  }
0x173: {  	s23 =	sld [smem:$0x7C7]  }
0x174: {  	[sflag:s20] =	ssyncset.done $0x0  }
0x175: {  	[sflag:s20] =	ssyncadd.s32 $0xFFFFD800  }
0x176: {  	[tilespmem:s19], [sflag:$0xB] =	stream.linear.gather [spmem:s23], $0x2800, $0x38;
	[tilespmem:$0x19600] =	vst v63  }
0x177: {  	_ =	swait.ge [sflag:s20], $0x2800  }
0x178: {  	[sflag:s20] =	ssyncset.done $0x0  }
0x179: {  	s25 =	rddreg [dreg:$0x7];
	[sflag:s20] =	ssyncadd.s32 $0xFFFFD800  }
0x17a: {  	[hbm4b:s25+s16] =	stream.linear.scatter [tilespmem:s19], [sflag:$0xB], $0x2800, $0x38;
	[tilespmem:$0x19600] =	vst v63  }
0x17b: {  	_ =	swait.ge [sflag:s20], $0x2800  }
0x17c: {  	s23 =	sld [smem:$0x7C8]  }
0x17d: {  	[sflag:s20] =	ssyncset.done $0x0  }
0x17e: {  	[sflag:s20] =	ssyncadd.s32 $0xFFFFD800  }
0x17f: {  	[tilespmem:s19], [sflag:$0xB] =	stream.linear.gather [spmem:s23], $0x2800, $0x38;
	[tilespmem:$0x19600] =	vst v63  }
0x180: {  	_ =	swait.ge [sflag:s20], $0x2800  }
0x181: {  	[sflag:s20] =	ssyncset.done $0x0  }
0x182: {  	s6 =	rddreg [dreg:$0x8];
	[sflag:s20] =	ssyncadd.s32 $0xFFFFD800  }
0x183: {  	[hbm4b:s6+s16] =	stream.linear.scatter [tilespmem:s19], [sflag:$0xB], $0x2800, $0x38;
	[tilespmem:$0x19600] =	vst v63  }
0x184: {  	_ =	swait.ge [sflag:s20], $0x2800  }
0x185: {  	s25 =	sld [smem:$0x7F9]  }
0x186: {  	[sflag:s20] =	ssyncset.done $0x0  }
0x187: {  	[sflag:s20] =	ssyncadd.s32 $0xFFFFD800  }
0x188: {  	[tilespmem:s19], [sflag:$0xB] =	stream.linear.gather [spmem:s25], $0x2800, $0x38;
	[tilespmem:$0x19600] =	vst v63  }
0x189: {  	_ =	swait.ge [sflag:s20], $0x2800  }
0x18a: {  	[sflag:s20] =	ssyncset.done $0x0  }
0x18b: {  	s18 =	rddreg [dreg:$0x9];
	[sflag:s20] =	ssyncadd.s32 $0xFFFFD800  }
0x18c: {  	[hbm4b:s18+s16] =	stream.linear.scatter [tilespmem:s19], [sflag:$0xB], $0x2800, $0x38;
	[tilespmem:$0x19600] =	vst v63  }
0x18d: {  	_ =	swait.ge [sflag:s20], $0x2800  }
0x18e: {  	s6 =	sld [smem:$0x7FA]  }
0x18f: {  	[sflag:s20] =	ssyncset.done $0x0  }
0x190: {  	[sflag:s20] =	ssyncadd.s32 $0xFFFFD800  }
0x191: {  	[tilespmem:s19], [sflag:$0xB] =	stream.linear.gather [spmem:s6], $0x2800, $0x38;
	[tilespmem:$0x19600] =	vst v63  }
0x192: {  	_ =	swait.ge [sflag:s20], $0x2800  }
0x193: {  	[sflag:s20] =	ssyncset.done $0x0  }
0x194: {  	s21 =	rddreg [dreg:$0xa];
	[sflag:s20] =	ssyncadd.s32 $0xFFFFD800  }
0x195: {  	[hbm4b:s21+s16] =	stream.linear.scatter [tilespmem:s19], [sflag:$0xB], $0x2800, $0x38;
	[tilespmem:$0x19600] =	vst v63  }
0x196: {  	_ =	swait.ge [sflag:s20], $0x2800  }
0x197: {  	s18 =	sld [smem:$0x7FB]  }
0x198: {  	[sflag:s20] =	ssyncset.done $0x0  }
0x199: {  	[sflag:s20] =	ssyncadd.s32 $0xFFFFD800  }
0x19a: {  	[tilespmem:s19], [sflag:$0xB] =	stream.linear.gather [spmem:s18], $0x2800, $0x38;
	[tilespmem:$0x19600] =	vst v63  }
0x19b: {  	_ =	swait.ge [sflag:s20], $0x2800  }
0x19c: {  	[sflag:s20] =	ssyncset.done $0x0  }
0x19d: {  	s21 =	rddreg [dreg:$0xb];
	[sflag:s20] =	ssyncadd.s32 $0xFFFFD800  }
0x19e: {  	[hbm4b:s21+s16] =	stream.linear.scatter [tilespmem:s19], [sflag:$0xB], $0x2800, $0x38;
	[tilespmem:$0x19600] =	vst v63  }
0x19f: {  	_ =	swait.ge [sflag:s20], $0x2800  }
0x1a0: {  	s21 =	sld [smem:$0x7FC]  }
0x1a1: {  	[sflag:s20] =	ssyncset.done $0x0  }
0x1a2: {  	[sflag:s20] =	ssyncadd.s32 $0xFFFFD800  }
0x1a3: {  	[tilespmem:s19], [sflag:$0xB] =	stream.linear.gather [spmem:s21], $0x2800, $0x38;
	[tilespmem:$0x19600] =	vst v63  }
0x1a4: {  	_ =	swait.ge [sflag:s20], $0x2800  }
0x1a5: {  	[sflag:s20] =	ssyncset.done $0x0  }
0x1a6: {  	s18 =	rddreg [dreg:$0xc];
	[sflag:s20] =	ssyncadd.s32 $0xFFFFD800  }
0x1a7: {  	[hbm4b:s18+s16] =	stream.linear.scatter [tilespmem:s19], [sflag:$0xB], $0x2800, $0x38;
	[tilespmem:$0x19600] =	vst v63  }
0x1a8: {  	_ =	swait.ge [sflag:s20], $0x2800  }
0x1a9: {  	s18 =	sld [smem:$0x7FD]  }
0x1aa: {  	[sflag:s20] =	ssyncset.done $0x0  }
0x1ab: {  	[sflag:s20] =	ssyncadd.s32 $0xFFFFD800  }
0x1ac: {  	[tilespmem:s19], [sflag:$0xB] =	stream.linear.gather [spmem:s18], $0x2800, $0x38;
	[tilespmem:$0x19600] =	vst v63  }
0x1ad: {  	_ =	swait.ge [sflag:s20], $0x2800  }
0x1ae: {  	[sflag:s20] =	ssyncset.done $0x0  }
0x1af: {  	s17 =	rddreg [dreg:$0xd];
	[sflag:s20] =	ssyncadd.s32 $0xFFFFD800  }
0x1b0: {  	[hbm4b:s17+s16] =	stream.linear.scatter [tilespmem:s19], [sflag:$0xB], $0x2800, $0x38;
	[tilespmem:$0x19600] =	vst v63  }
0x1b1: {  	_ =	swait.ge [sflag:s20], $0x2800  }
0x1b2: {  	[sflag:s20] =	ssyncset.done $0x0  }
0x1b3: {  	[sflag:s20] =	ssyncadd.s32 $0xFFFFD800  }
0x1b4: {  	s17 =	rddreg [dreg:$0x3]  }
0x1b5: {  	[tilespmem:s19], [sflag:$0xB] =	stream.linear.gather [hbm4b:s17+s16], $0x2800, $0x38;
	[tilespmem:$0x19600] =	vst v63  }
0x1b6: {  	_ =	swait.ge [sflag:s20], $0x2800  }
0x1b7: {  	s17 =	sld [smem:$0x7C6]  }
0x1b8: {  	[sflag:s20] =	ssyncset.done $0x0  }
0x1b9: {  	[sflag:s20] =	ssyncadd.s32 $0xFFFFD800  }
0x1ba: {  	[spmem:s17] =	stream.linear.scatter [tilespmem:s19], [sflag:$0xB], $0x2800, $0x38;
	[tilespmem:$0x19600] =	vst v63  }
0x1bb: {  	_ =	swait.ge [sflag:s20], $0x2800  }
0x1bc: {  	s17 =	sld [smem:$0x7C7]  }
0x1bd: {  	[sflag:s20] =	ssyncset.done $0x0  }
0x1be: {  	[sflag:s20] =	ssyncadd.s32 $0xFFFFD800  }
0x1bf: {  	[spmem:s17] =	stream.linear.scatter [tilespmem:s19], [sflag:$0xB], $0x2800, $0x38;
	[tilespmem:$0x19600] =	vst v63  }
0x1c0: {  	_ =	swait.ge [sflag:s20], $0x2800  }
0x1c1: {  	[sflag:s20] =	ssyncset.done $0x0  }
0x1c2: {  	[sflag:s20] =	ssyncadd.s32 $0xFFFFD800  }
0x1c3: {  	[spmem:s23] =	stream.linear.scatter [tilespmem:s19], [sflag:$0xB], $0x2800, $0x38;
	[tilespmem:$0x19600] =	vst v63  }
0x1c4: {  	_ =	swait.ge [sflag:s20], $0x2800  }
0x1c5: {  	[sflag:s20] =	ssyncset.done $0x0  }
0x1c6: {  	[sflag:s20] =	ssyncadd.s32 $0xFFFFD800  }
0x1c7: {  	[spmem:s25] =	stream.linear.scatter [tilespmem:s19], [sflag:$0xB], $0x2800, $0x38;
	[tilespmem:$0x19600] =	vst v63  }
0x1c8: {  	_ =	swait.ge [sflag:s20], $0x2800  }
0x1c9: {  	[sflag:s20] =	ssyncset.done $0x0  }
0x1ca: {  	[sflag:s20] =	ssyncadd.s32 $0xFFFFD800  }
0x1cb: {  	[spmem:s6] =	stream.linear.scatter [tilespmem:s19], [sflag:$0xB], $0x2800, $0x38;
	[tilespmem:$0x19600] =	vst v63  }
0x1cc: {  	s17 =	sld [smem:$0x7FB];
	_ =	swait.ge [sflag:s20], $0x2800  }
0x1cd: {  	[sflag:s20] =	ssyncset.done $0x0  }
0x1ce: {  	[sflag:s20] =	ssyncadd.s32 $0xFFFFD800  }
0x1cf: {  	[spmem:s17] =	stream.linear.scatter [tilespmem:s19], [sflag:$0xB], $0x2800, $0x38;
	[tilespmem:$0x19600] =	vst v63  }
0x1d0: {  	_ =	swait.ge [sflag:s20], $0x2800  }
0x1d1: {  	[sflag:s20] =	ssyncset.done $0x0  }
0x1d2: {  	[sflag:s20] =	ssyncadd.s32 $0xFFFFD800  }
0x1d3: {  	[spmem:s21] =	stream.linear.scatter [tilespmem:s19], [sflag:$0xB], $0x2800, $0x38;
	[tilespmem:$0x19600] =	vst v63  }
0x1d4: {  	_ =	swait.ge [sflag:s20], $0x2800  }
0x1d5: {  	[sflag:s20] =	ssyncset.done $0x0  }
0x1d6: {  	[sflag:s20] =	ssyncadd.s32 $0xFFFFD800  }
0x1d7: {  	[spmem:s18] =	stream.linear.scatter [tilespmem:s19], [sflag:$0xB], $0x2800, $0x38;
	[tilespmem:$0x19600] =	vst v63  }
0x1d8: {  	_ =	swait.ge [sflag:s20], $0x2800  }
0x1d9: {  	[sflag:s20] =	ssyncset.done $0x0  }
0x1da: {  	[sflag:s20] =	ssyncadd.s32 $0xFFFFD800  }
0x1db: {  	[bflag:$0x0] =	sbarrier.arrive $0xFFFF  }
0x1dc: {  	s23 =	sld [smem:$0x7CB];
	_ =	sdelay $0x1  }
0x1dd: {  	s18 =	simm.s32 $0x14000;
	s25 =	sld [smem:$0x7CC]  }
0x1de: {  	[tilespmem:s18], [sflag:$0x5] =	stream.linear.gather [hbm4b:s23+s16], $0x50, $0x38;
	[tilespmem:$0x19600] =	vst v63  }
0x1df: {  	s6 =	simm.s32 $0x14080;
	s23 =	sld [smem:$0x7D1]  }
0x1e0: {  	[tilespmem:s6], [sflag:$0x5] =	stream.linear.gather [hbm4b:s25+s16], $0x50, $0x38;
	[tilespmem:$0x19600] =	vst v63  }
0x1e1: {  	_ = 	snop  }
0x1e2: {  	[tilespmem:s24], [sflag:$0x6] =	stream.linear.gather [hbm4b:s23+s16], $0x50, $0x38;
	[tilespmem:$0x19600] =	vst v63  }
0x1e3: {  	s24 =	sld [smem:$0x7D2];
	_ =	sdelay $0x1  }
0x1e4: {  	s25 =	simm.s32 $0x5  }
0x1e5: {  	[tilespmem:s15], [sflag:$0x6] =	stream.linear.gather [hbm4b:s24+s16], $0x50, $0x38;
	[tilespmem:$0x19600] =	vst v63  }
0x1e6: {  	_ =	swait.ge [sflag:s25], $0x50  }
0x1e7: {  	[sflag:s25] =	ssyncset.done $0x0  }
0x1e8: {  	[sflag:s25] =	ssyncadd.s32 $0xFFFFFFB0  }
0x1e9: {  	_ =	swait.ge [sflag:s25], $0x50  }
0x1ea: {  	s21 =	simm.s32 $0x14180;
	s6 =	simm.s32 $0x14200;
	[sflag:s25] =	ssyncset.done $0x0  }
0x1eb: {  	s15 =	simm.s32 $0x14100;
	s17 =	sld [smem:$0x7D6];
	[sflag:s25] =	ssyncadd.s32 $0xFFFFFFB0  }
0x1ec: {  	[tilespmem:s19], [sflag:$0x1] =	stream.indirect.gather [hbm4b:s22+s26], $0x80, s18, s26, $0xb8;
	[tilespmem:$0x19600] =	vst v63  }
.LBB2_5:
0x1ed: {  	p0 =	seq.s32 s16, $0x0  }
0x1ee: {  	s18 =	simm.s32 @!p0 $0x4  }
0x1ef: {  	_ =	swait.ge @!p0 [sflag:s18], $0x2800  }
0x1f0: {  	[sflag:s18] =	ssyncset.done @!p0 $0x0  }
0x1f1: {  	[sflag:s18] =	ssyncadd.s32 @!p0 $0xFFFFD800  }
0x1f2: {  	_ =	swait.ge [sflag:s30], $0x50  }
0x1f3: {  	[sflag:s30] =	ssyncset.done $0x0  }
0x1f4: {  	[sflag:s30] =	ssyncadd.s32 $0xFFFFFFB0  }
0x1f5: {  	_ =	swait.ge [sflag:s30], $0x50  }
0x1f6: {  	[sflag:s30] =	ssyncset.done $0x0  }
0x1f7: {  	[sflag:s30] =	ssyncadd.s32 $0xFFFFFFB0  }
0x1f8: {  	[tilespmem:s14], [sflag:$0x2] =	stream.indirect.gather [hbm4b:s22+s26], $0x80, s15, s26, $0xb8;
	[tilespmem:$0x19600] =	vst v63  }
0x1f9: {  	_ =	swait.ge [sflag:s29], $0x2800  }
0x1fa: {  	[sflag:s29] =	ssyncset.done $0x0;
	s25 =	sld [smem:$0x7F4]  }
0x1fb: {  	s24 =	simm.s32 $0x14080;
	s15 =	sld [smem:$0x7F2];
	[sflag:s29] =	ssyncadd.s32 $0xFFFFD800  }
0x1fc: {  	[spmem:s31] =	stream.indirect.scatter.add.f32 [tilespmem:s19], [sflag:$0x3], $0x80, s24, s26, $0xb8;
	[tilespmem:$0x19600] =	vst v63  }
0x1fd: {  	s18 =	sadd.s32 s16, s25  }
0x1fe: {  	[tilespmem:s6], [sflag:$0x7] =	stream.linear.gather [hbm4b:s18+s1], $0x50, $0x38;
	[tilespmem:$0x19600] =	vst v63  }
0x1ff: {  	s23 =	simm.s32 $0x14280;
	s18 =	sadd.s32 s16, s15  }
0x200: {  	[tilespmem:s23], [sflag:$0x7] =	stream.linear.gather [hbm4b:s18+s1], $0x50, $0x38;
	[tilespmem:$0x19600] =	vst v63  }
0x201: {  	_ =	swait.ge [sflag:s7], $0x2800  }
0x202: {  	[sflag:s7] =	ssyncset.done $0x0  }
0x203: {  	[sflag:s7] =	ssyncadd.s32 $0xFFFFD800  }
0x204: {  	_ =	swait.ge [sflag:s8], $0x50  }
0x205: {  	[sflag:s8] =	ssyncset.done $0x0  }
0x206: {  	[sflag:s8] =	ssyncadd.s32 $0xFFFFFFB0  }
0x207: {  	_ =	swait.ge [sflag:s8], $0x50  }
0x208: {  	[sflag:s8] =	ssyncset.done $0x0  }
0x209: {  	[sflag:s8] =	ssyncadd.s32 $0xFFFFFFB0  }
0x20a: {  	[tilespmem:s19], [sflag:$0x1] =	stream.indirect.gather [hbm4b:s22+s26], $0x80, s6, s26, $0xb8;
	[tilespmem:$0x19600] =	vst v63  }
0x20b: {  	_ =	swait.ge [sflag:s9], $0x2800  }
0x20c: {  	[sflag:s9] =	ssyncset.done $0x0;
	s24 =	sld [smem:$0x7EC]  }
0x20d: {  	s25 =	sld [smem:$0x7EB];
	[sflag:s9] =	ssyncadd.s32 $0xFFFFD800  }
0x20e: {  	[spmem:s31] =	stream.indirect.scatter.add.f32 [tilespmem:s14], [sflag:$0x4], $0x80, s21, s26, $0xb8;
	[tilespmem:$0x19600] =	vst v63  }
0x20f: {  	s18 =	sadd.s32 s16, s24  }
0x210: {  	[tilespmem:s10], [sflag:$0x8] =	stream.linear.gather [hbm4b:s18+s1], $0x50, $0x38;
	[tilespmem:$0x19600] =	vst v63  }
0x211: {  	s18 =	sadd.s32 s16, s25  }
0x212: {  	[tilespmem:s11], [sflag:$0x8] =	stream.linear.gather [hbm4b:s18+s1], $0x50, $0x38;
	[tilespmem:$0x19600] =	vst v63  }
0x213: {  	_ =	swait.ge [sflag:s12], $0x2800  }
0x214: {  	[sflag:s12] =	ssyncset.done $0x0  }
0x215: {  	[sflag:s12] =	ssyncadd.s32 $0xFFFFD800  }
0x216: {  	_ =	swait.ge [sflag:s13], $0x50  }
0x217: {  	[sflag:s13] =	ssyncset.done $0x0  }
0x218: {  	[sflag:s13] =	ssyncadd.s32 $0xFFFFFFB0  }
0x219: {  	_ =	swait.ge [sflag:s13], $0x50  }
0x21a: {  	[sflag:s13] =	ssyncset.done $0x0  }
0x21b: {  	[sflag:s13] =	ssyncadd.s32 $0xFFFFFFB0  }
0x21c: {  	[tilespmem:s14], [sflag:$0x2] =	stream.indirect.gather [hbm4b:s22+s26], $0x80, s10, s26, $0xb8;
	[tilespmem:$0x19600] =	vst v63  }
0x21d: {  	_ =	swait.ge [sflag:s29], $0x2800  }
0x21e: {  	[sflag:s29] =	ssyncset.done $0x0  }
0x21f: {  	s21 =	sld [smem:$0x7E6];
	[sflag:s29] =	ssyncadd.s32 $0xFFFFD800  }
0x220: {  	[spmem:s31] =	stream.indirect.scatter.add.f32 [tilespmem:s19], [sflag:$0x3], $0x80, s23, s26, $0xb8;
	[tilespmem:$0x19600] =	vst v63  }
0x221: {  	s23 =	sld [smem:$0x7E5]  }
0x222: {  	s18 =	sadd.s32 s16, s21  }
0x223: {  	[tilespmem:s28], [sflag:$0x9] =	stream.linear.gather [hbm4b:s18+s1], $0x50, $0x38;
	[tilespmem:$0x19600] =	vst v63  }
0x224: {  	s18 =	sadd.s32 s16, s23  }
0x225: {  	[tilespmem:s0], [sflag:$0x9] =	stream.linear.gather [hbm4b:s18+s1], $0x50, $0x38;
	[tilespmem:$0x19600] =	vst v63  }
0x226: {  	_ =	swait.ge [sflag:s7], $0x2800  }
0x227: {  	[sflag:s7] =	ssyncset.done $0x0  }
0x228: {  	[sflag:s7] =	ssyncadd.s32 $0xFFFFD800  }
0x229: {  	_ =	swait.ge [sflag:s2], $0x50  }
0x22a: {  	[sflag:s2] =	ssyncset.done $0x0  }
0x22b: {  	[sflag:s2] =	ssyncadd.s32 $0xFFFFFFB0  }
0x22c: {  	_ =	swait.ge [sflag:s2], $0x50  }
0x22d: {  	[sflag:s2] =	ssyncset.done $0x0  }
0x22e: {  	[sflag:s2] =	ssyncadd.s32 $0xFFFFFFB0  }
0x22f: {  	[tilespmem:s19], [sflag:$0x1] =	stream.indirect.gather [hbm4b:s22+s26], $0x80, s28, s26, $0xb8;
	[tilespmem:$0x19600] =	vst v63  }
0x230: {  	_ =	swait.ge [sflag:s9], $0x2800  }
0x231: {  	[sflag:s9] =	ssyncset.done $0x0;
	s24 =	sld [smem:$0x7E0]  }
0x232: {  	s25 =	sld [smem:$0x7DF];
	[sflag:s9] =	ssyncadd.s32 $0xFFFFD800  }
0x233: {  	[spmem:s31] =	stream.indirect.scatter.add.f32 [tilespmem:s14], [sflag:$0x4], $0x80, s11, s26, $0xb8;
	[tilespmem:$0x19600] =	vst v63  }
0x234: {  	s18 =	sadd.s32 s16, s24  }
0x235: {  	[tilespmem:s3], [sflag:$0xA] =	stream.linear.gather [hbm4b:s18+s1], $0x50, $0x38;
	[tilespmem:$0x19600] =	vst v63  }
0x236: {  	s18 =	sadd.s32 s16, s25  }
0x237: {  	[tilespmem:s4], [sflag:$0xA] =	stream.linear.gather [hbm4b:s18+s1], $0x50, $0x38;
	[tilespmem:$0x19600] =	vst v63  }
0x238: {  	_ =	swait.ge [sflag:s12], $0x2800  }
0x239: {  	[sflag:s12] =	ssyncset.done $0x0  }
0x23a: {  	[sflag:s12] =	ssyncadd.s32 $0xFFFFD800  }
0x23b: {  	_ =	swait.ge [sflag:s5], $0x50  }
0x23c: {  	[sflag:s5] =	ssyncset.done $0x0  }
0x23d: {  	[sflag:s5] =	ssyncadd.s32 $0xFFFFFFB0  }
0x23e: {  	_ =	swait.ge [sflag:s5], $0x50  }
0x23f: {  	[sflag:s5] =	ssyncset.done $0x0  }
0x240: {  	[sflag:s5] =	ssyncadd.s32 $0xFFFFFFB0  }
0x241: {  	[tilespmem:s14], [sflag:$0x2] =	stream.indirect.gather [hbm4b:s22+s26], $0x80, s3, s26, $0xb8;
	[tilespmem:$0x19600] =	vst v63  }
0x242: {  	_ =	swait.ge [sflag:s29], $0x2800  }
0x243: {  	p0 =	seq.s32 s16, $0x4B0;
	[sflag:s29] =	ssyncset.done $0x0  }
0x244: {  	s18 =	simm.s32 @p0 $0x3;
	[sflag:s29] =	ssyncadd.s32 $0xFFFFD800  }
0x245: {  	[spmem:s31] =	stream.indirect.scatter.add.f32 [tilespmem:s19], [sflag:$0x3], $0x80, s0, s26, $0xb8;
	[tilespmem:$0x19600] =	vst v63  }
0x246: {  	_ =	swait.ge @p0 [sflag:s18], $0x2800  }
0x247: {  	s21 =	sld [smem:$0x7F3]  }
0x248: {  	[sflag:s18] =	ssyncset.done @p0 $0x0  }
0x249: {  	[sflag:s18] =	ssyncadd.s32 @p0 $0xFFFFD800;
	s18 =	sshrl.u32 @!p0 s17, $0x3  }
0x24a: {  	s23 =	simm.s32 @!p0 $0x0;
	s25 =	simm.s32 @!p0 $0x14000;
	s21 =	sadd.s32 @!p0 s21, s18  }
0x24b: {  	[tilespmem:s25], [sflag:$0x5] =	stream.linear.gather @!p0 [hbm4b:s21+s23], $0x50, $0x38;
	[tilespmem:$0x19600] =	vst v63  }
0x24c: {  	s21 =	sld [smem:$0x7F1];
	_ =	sdelay $0x2  }
0x24d: {  	s18 =	sadd.s32 @!p0 s21, s18;
	s21 =	simm.s32 @!p0 $0x14080  }
0x24e: {  	[tilespmem:s21], [sflag:$0x5] =	stream.linear.gather @!p0 [hbm4b:s18+s23], $0x50, $0x38;
	[tilespmem:$0x19600] =	vst v63  }
0x24f: {  	s18 =	simm.s32 @!p0 $0x3  }
0x250: {  	_ =	swait.ge @!p0 [sflag:s18], $0x2800  }
0x251: {  	[sflag:s18] =	ssyncset.done @!p0 $0x0  }
0x252: {  	[sflag:s18] =	ssyncadd.s32 @!p0 $0xFFFFD800;
	s18 =	simm.s32 @!p0 $0x5  }
0x253: {  	_ =	swait.ge @!p0 [sflag:s18], $0x50  }
0x254: {  	[sflag:s18] =	ssyncset.done @!p0 $0x0  }
0x255: {  	[sflag:s18] =	ssyncadd.s32 @!p0 $0xFFFFFFB0  }
0x256: {  	_ =	swait.ge @!p0 [sflag:s18], $0x50  }
0x257: {  	[sflag:s18] =	ssyncset.done @!p0 $0x0  }
0x258: {  	s21 =	simm.s32 @!p0 $0x14600;
	[sflag:s18] =	ssyncadd.s32 @!p0 $0xFFFFFFB0;
	s18 =	simm.s32 @!p0 $0x50  }
0x259: {  	[tilespmem:s21], [sflag:$0x1] =	stream.indirect.gather @!p0 [hbm4b:s22+s18], $0x80, s25, s18, $0xb8;
	[tilespmem:$0x19600] =	vst v63  }
.Ltmp4:
0x25a: {  	_ = 	snop;
	(pc) =	sbr.rel @p0 .LBB2_7-.Ltmp4, $4  }
0x25b: {  	_ =	swait.ge [sflag:s9], $0x2800  }
0x25c: {  	[sflag:s9] =	ssyncset.done $0x0  }
0x25d: {  	s15 =	simm.s32 $0x14180;
	s24 =	simm.s32 $0x14100;
	[sflag:s9] =	ssyncadd.s32 $0xFFFFD800  }
0x25e: {  	[spmem:s31] =	stream.indirect.scatter.add.f32 [tilespmem:s14], [sflag:$0x4], $0x80, s4, s26, $0xb8;
	[tilespmem:$0x19600] =	vst v63  }
0x25f: {  	s18 =	sld [smem:$0x7DA];
	_ =	sdelay $0x1  }
0x260: {  	s25 =	sld [smem:$0x7D9]  }
.Ltmp5:
0x261: {  	s18 =	sadd.s32 s16, s18;
	(pc) =	sbr.rel .LBB2_5-.Ltmp5, $4  }
0x262: {  	[tilespmem:s24], [sflag:$0x6] =	stream.linear.gather [hbm4b:s18+s1], $0x50, $0x38;
	[tilespmem:$0x19600] =	vst v63  }
0x263: {  	s17 =	sadd.s32 $0x1E0, s17;
	s18 =	sadd.s32 s16, s25  }
0x264: {  	[tilespmem:s15], [sflag:$0x6] =	stream.linear.gather [hbm4b:s18+s1], $0x50, $0x38;
	[tilespmem:$0x19600] =	vst v63  }
0x265: {  	s21 =	simm.s32 $0x14180;
	s16 =	sadd.s32 $0x3C, s16;
	s15 =	simm.s32 $0x14100  }
.LBB2_7:
0x266: {  	_ =	swait.ge [sflag:s12], $0x2800  }
0x267: {  	[sflag:s12] =	ssyncset.done $0x0  }
0x268: {  	[sflag:s12] =	ssyncadd.s32 $0xFFFFD800  }
0x269: {  	[bflag:$0x0] =	sbarrier.arrive $0xFFFF  }
0x26a: {  	s6 =	sld [smem:$0x7C6];
	_ =	sdelay $0x2  }
0x26b: {  	[tilespmem:s19], [sflag:$0xB] =	stream.linear.gather [spmem:s6], $0x2800, $0x38;
	[tilespmem:$0x19600] =	vst v63  }
0x26c: {  	_ =	swait.ge [sflag:s20], $0x2800  }
0x26d: {  	[sflag:s20] =	ssyncset.done $0x0  }
0x26e: {  	s16 =	simm.s32 $0x0;
	s17 =	rddreg [dreg:$0xe];
	[sflag:s20] =	ssyncadd.s32 $0xFFFFD800  }
0x26f: {  	[hbm4b:s17+s16] =	stream.linear.scatter [tilespmem:s19], [sflag:$0xB], $0x2800, $0x38;
	[tilespmem:$0x19600] =	vst v63  }
0x270: {  	_ =	swait.ge [sflag:s20], $0x2800  }
0x271: {  	s18 =	sld [smem:$0x7C7]  }
0x272: {  	[sflag:s20] =	ssyncset.done $0x0  }
0x273: {  	[sflag:s20] =	ssyncadd.s32 $0xFFFFD800  }
0x274: {  	[tilespmem:s19], [sflag:$0xB] =	stream.linear.gather [spmem:s18], $0x2800, $0x38;
	[tilespmem:$0x19600] =	vst v63  }
0x275: {  	_ =	swait.ge [sflag:s20], $0x2800  }
0x276: {  	[sflag:s20] =	ssyncset.done $0x0  }
0x277: {  	s21 =	rddreg [dreg:$0xf];
	[sflag:s20] =	ssyncadd.s32 $0xFFFFD800  }
0x278: {  	[hbm4b:s21+s16] =	stream.linear.scatter [tilespmem:s19], [sflag:$0xB], $0x2800, $0x38;
	[tilespmem:$0x19600] =	vst v63  }
0x279: {  	_ =	swait.ge [sflag:s20], $0x2800  }
0x27a: {  	s23 =	sld [smem:$0x7C8]  }
0x27b: {  	[sflag:s20] =	ssyncset.done $0x0  }
0x27c: {  	[sflag:s20] =	ssyncadd.s32 $0xFFFFD800  }
0x27d: {  	[tilespmem:s19], [sflag:$0xB] =	stream.linear.gather [spmem:s23], $0x2800, $0x38;
	[tilespmem:$0x19600] =	vst v63  }
0x27e: {  	_ =	swait.ge [sflag:s20], $0x2800  }
0x27f: {  	[sflag:s20] =	ssyncset.done $0x0  }
0x280: {  	s25 =	rddreg [dreg:$0x10];
	[sflag:s20] =	ssyncadd.s32 $0xFFFFD800  }
0x281: {  	[hbm4b:s25+s16] =	stream.linear.scatter [tilespmem:s19], [sflag:$0xB], $0x2800, $0x38;
	[tilespmem:$0x19600] =	vst v63  }
0x282: {  	_ =	swait.ge [sflag:s20], $0x2800  }
0x283: {  	s25 =	sld [smem:$0x7F9]  }
0x284: {  	[sflag:s20] =	ssyncset.done $0x0  }
0x285: {  	[sflag:s20] =	ssyncadd.s32 $0xFFFFD800  }
0x286: {  	[tilespmem:s19], [sflag:$0xB] =	stream.linear.gather [spmem:s25], $0x2800, $0x38;
	[tilespmem:$0x19600] =	vst v63  }
0x287: {  	_ =	swait.ge [sflag:s20], $0x2800  }
0x288: {  	[sflag:s20] =	ssyncset.done $0x0  }
0x289: {  	s6 =	rddreg [dreg:$0x11];
	[sflag:s20] =	ssyncadd.s32 $0xFFFFD800  }
0x28a: {  	[hbm4b:s6+s16] =	stream.linear.scatter [tilespmem:s19], [sflag:$0xB], $0x2800, $0x38;
	[tilespmem:$0x19600] =	vst v63  }
0x28b: {  	_ =	swait.ge [sflag:s20], $0x2800  }
0x28c: {  	s6 =	sld [smem:$0x7FA]  }
0x28d: {  	[sflag:s20] =	ssyncset.done $0x0  }
0x28e: {  	[sflag:s20] =	ssyncadd.s32 $0xFFFFD800  }
0x28f: {  	[tilespmem:s19], [sflag:$0xB] =	stream.linear.gather [spmem:s6], $0x2800, $0x38;
	[tilespmem:$0x19600] =	vst v63  }
0x290: {  	s23 =	sld [smem:$0x7FB];
	_ =	swait.ge [sflag:s20], $0x2800  }
0x291: {  	[sflag:s20] =	ssyncset.done $0x0  }
0x292: {  	s18 =	rddreg [dreg:$0x12];
	[sflag:s20] =	ssyncadd.s32 $0xFFFFD800  }
0x293: {  	[hbm4b:s18+s16] =	stream.linear.scatter [tilespmem:s19], [sflag:$0xB], $0x2800, $0x38;
	[tilespmem:$0x19600] =	vst v63  }
0x294: {  	_ =	swait.ge [sflag:s20], $0x2800  }
0x295: {  	[sflag:s20] =	ssyncset.done $0x0  }
0x296: {  	[sflag:s20] =	ssyncadd.s32 $0xFFFFD800  }
0x297: {  	[tilespmem:s19], [sflag:$0xB] =	stream.linear.gather [spmem:s23], $0x2800, $0x38;
	[tilespmem:$0x19600] =	vst v63  }
0x298: {  	_ =	swait.ge [sflag:s20], $0x2800  }
0x299: {  	[sflag:s20] =	ssyncset.done $0x0  }
0x29a: {  	s21 =	rddreg [dreg:$0x13];
	[sflag:s20] =	ssyncadd.s32 $0xFFFFD800  }
0x29b: {  	[hbm4b:s21+s16] =	stream.linear.scatter [tilespmem:s19], [sflag:$0xB], $0x2800, $0x38;
	[tilespmem:$0x19600] =	vst v63  }
0x29c: {  	_ =	swait.ge [sflag:s20], $0x2800  }
0x29d: {  	s21 =	sld [smem:$0x7FC]  }
0x29e: {  	[sflag:s20] =	ssyncset.done $0x0  }
0x29f: {  	[sflag:s20] =	ssyncadd.s32 $0xFFFFD800  }
0x2a0: {  	[tilespmem:s19], [sflag:$0xB] =	stream.linear.gather [spmem:s21], $0x2800, $0x38;
	[tilespmem:$0x19600] =	vst v63  }
0x2a1: {  	_ =	swait.ge [sflag:s20], $0x2800  }
0x2a2: {  	[sflag:s20] =	ssyncset.done $0x0  }
0x2a3: {  	s18 =	rddreg [dreg:$0x14];
	[sflag:s20] =	ssyncadd.s32 $0xFFFFD800  }
0x2a4: {  	[hbm4b:s18+s16] =	stream.linear.scatter [tilespmem:s19], [sflag:$0xB], $0x2800, $0x38;
	[tilespmem:$0x19600] =	vst v63  }
0x2a5: {  	_ =	swait.ge [sflag:s20], $0x2800  }
0x2a6: {  	s18 =	sld [smem:$0x7FD]  }
0x2a7: {  	[sflag:s20] =	ssyncset.done $0x0  }
0x2a8: {  	[sflag:s20] =	ssyncadd.s32 $0xFFFFD800  }
0x2a9: {  	[tilespmem:s19], [sflag:$0xB] =	stream.linear.gather [spmem:s18], $0x2800, $0x38;
	[tilespmem:$0x19600] =	vst v63  }
0x2aa: {  	_ =	swait.ge [sflag:s20], $0x2800  }
0x2ab: {  	[sflag:s20] =	ssyncset.done $0x0  }
0x2ac: {  	s17 =	rddreg [dreg:$0x15];
	[sflag:s20] =	ssyncadd.s32 $0xFFFFD800  }
0x2ad: {  	[hbm4b:s17+s16] =	stream.linear.scatter [tilespmem:s19], [sflag:$0xB], $0x2800, $0x38;
	[tilespmem:$0x19600] =	vst v63  }
0x2ae: {  	_ =	swait.ge [sflag:s20], $0x2800  }
0x2af: {  	[sflag:s20] =	ssyncset.done $0x0  }
0x2b0: {  	[sflag:s20] =	ssyncadd.s32 $0xFFFFD800  }
0x2b1: {  	s17 =	rddreg [dreg:$0x3]  }
0x2b2: {  	[tilespmem:s19], [sflag:$0xB] =	stream.linear.gather [hbm4b:s17+s16], $0x2800, $0x38;
	[tilespmem:$0x19600] =	vst v63  }
0x2b3: {  	_ =	swait.ge [sflag:s20], $0x2800  }
0x2b4: {  	s17 =	sld [smem:$0x7C6]  }
0x2b5: {  	[sflag:s20] =	ssyncset.done $0x0  }
0x2b6: {  	[sflag:s20] =	ssyncadd.s32 $0xFFFFD800  }
0x2b7: {  	[spmem:s17] =	stream.linear.scatter [tilespmem:s19], [sflag:$0xB], $0x2800, $0x38;
	[tilespmem:$0x19600] =	vst v63  }
0x2b8: {  	_ =	swait.ge [sflag:s20], $0x2800  }
0x2b9: {  	s17 =	sld [smem:$0x7C7]  }
0x2ba: {  	[sflag:s20] =	ssyncset.done $0x0  }
0x2bb: {  	[sflag:s20] =	ssyncadd.s32 $0xFFFFD800  }
0x2bc: {  	[spmem:s17] =	stream.linear.scatter [tilespmem:s19], [sflag:$0xB], $0x2800, $0x38;
	[tilespmem:$0x19600] =	vst v63  }
0x2bd: {  	_ =	swait.ge [sflag:s20], $0x2800  }
0x2be: {  	s17 =	sld [smem:$0x7C8]  }
0x2bf: {  	[sflag:s20] =	ssyncset.done $0x0  }
0x2c0: {  	[sflag:s20] =	ssyncadd.s32 $0xFFFFD800  }
0x2c1: {  	[spmem:s17] =	stream.linear.scatter [tilespmem:s19], [sflag:$0xB], $0x2800, $0x38;
	[tilespmem:$0x19600] =	vst v63  }
0x2c2: {  	_ =	swait.ge [sflag:s20], $0x2800  }
0x2c3: {  	[sflag:s20] =	ssyncset.done $0x0  }
0x2c4: {  	[sflag:s20] =	ssyncadd.s32 $0xFFFFD800  }
0x2c5: {  	[spmem:s25] =	stream.linear.scatter [tilespmem:s19], [sflag:$0xB], $0x2800, $0x38;
	[tilespmem:$0x19600] =	vst v63  }
0x2c6: {  	_ =	swait.ge [sflag:s20], $0x2800  }
0x2c7: {  	[sflag:s20] =	ssyncset.done $0x0  }
0x2c8: {  	[sflag:s20] =	ssyncadd.s32 $0xFFFFD800  }
0x2c9: {  	[spmem:s6] =	stream.linear.scatter [tilespmem:s19], [sflag:$0xB], $0x2800, $0x38;
	[tilespmem:$0x19600] =	vst v63  }
0x2ca: {  	_ =	swait.ge [sflag:s20], $0x2800  }
0x2cb: {  	[sflag:s20] =	ssyncset.done $0x0  }
0x2cc: {  	[sflag:s20] =	ssyncadd.s32 $0xFFFFD800  }
0x2cd: {  	[spmem:s23] =	stream.linear.scatter [tilespmem:s19], [sflag:$0xB], $0x2800, $0x38;
	[tilespmem:$0x19600] =	vst v63  }
0x2ce: {  	_ =	swait.ge [sflag:s20], $0x2800  }
0x2cf: {  	[sflag:s20] =	ssyncset.done $0x0  }
0x2d0: {  	[sflag:s20] =	ssyncadd.s32 $0xFFFFD800  }
0x2d1: {  	[spmem:s21] =	stream.linear.scatter [tilespmem:s19], [sflag:$0xB], $0x2800, $0x38;
	[tilespmem:$0x19600] =	vst v63  }
0x2d2: {  	_ =	swait.ge [sflag:s20], $0x2800  }
0x2d3: {  	[sflag:s20] =	ssyncset.done $0x0  }
0x2d4: {  	[sflag:s20] =	ssyncadd.s32 $0xFFFFD800  }
0x2d5: {  	[spmem:s18] =	stream.linear.scatter [tilespmem:s19], [sflag:$0xB], $0x2800, $0x38;
	[tilespmem:$0x19600] =	vst v63  }
0x2d6: {  	_ =	swait.ge [sflag:s20], $0x2800  }
0x2d7: {  	[sflag:s20] =	ssyncset.done $0x0  }
0x2d8: {  	[sflag:s20] =	ssyncadd.s32 $0xFFFFD800  }
0x2d9: {  	[bflag:$0x0] =	sbarrier.arrive $0xFFFF  }
0x2da: {  	s23 =	sld [smem:$0x7CD];
	_ =	sdelay $0x1  }
0x2db: {  	s18 =	simm.s32 $0x14000;
	s25 =	sld [smem:$0x7CE]  }
0x2dc: {  	[tilespmem:s18], [sflag:$0x5] =	stream.linear.gather [hbm4b:s23+s16], $0x50, $0x38;
	[tilespmem:$0x19600] =	vst v63  }
0x2dd: {  	s6 =	simm.s32 $0x14080;
	s21 =	sld [smem:$0x7D3]  }
0x2de: {  	[tilespmem:s6], [sflag:$0x5] =	stream.linear.gather [hbm4b:s25+s16], $0x50, $0x38;
	[tilespmem:$0x19600] =	vst v63  }
0x2df: {  	s23 =	sld [smem:$0x7D4]  }
0x2e0: {  	[tilespmem:s24], [sflag:$0x6] =	stream.linear.gather [hbm4b:s21+s16], $0x50, $0x38;
	[tilespmem:$0x19600] =	vst v63  }
0x2e1: {  	s24 =	simm.s32 $0x5  }
0x2e2: {  	[tilespmem:s15], [sflag:$0x6] =	stream.linear.gather [hbm4b:s23+s16], $0x50, $0x38;
	[tilespmem:$0x19600] =	vst v63  }
0x2e3: {  	_ =	swait.ge [sflag:s24], $0x50  }
0x2e4: {  	[sflag:s24] =	ssyncset.done $0x0  }
0x2e5: {  	[sflag:s24] =	ssyncadd.s32 $0xFFFFFFB0  }
0x2e6: {  	_ =	swait.ge [sflag:s24], $0x50  }
0x2e7: {  	[sflag:s24] =	ssyncset.done $0x0  }
0x2e8: {  	s17 =	sld [smem:$0x7D6];
	[sflag:s24] =	ssyncadd.s32 $0xFFFFFFB0  }
0x2e9: {  	s21 =	simm.s32 $0x14180;
	s15 =	simm.s32 $0x14100;
	s25 =	rddreg [dreg:$0x2]  }
0x2ea: {  	[tilespmem:s19], [sflag:$0x1] =	stream.indirect.gather [hbm4b:s25+s26], $0x80, s18, s26, $0xb8;
	[tilespmem:$0x19600] =	vst v63  }
.LBB2_8:
0x2eb: {  	p0 =	seq.s32 s16, $0x0  }
0x2ec: {  	s18 =	simm.s32 @!p0 $0x4  }
0x2ed: {  	_ =	swait.ge @!p0 [sflag:s18], $0x2800  }
0x2ee: {  	[sflag:s18] =	ssyncset.done @!p0 $0x0  }
0x2ef: {  	[sflag:s18] =	ssyncadd.s32 @!p0 $0xFFFFD800  }
0x2f0: {  	_ =	swait.ge [sflag:s30], $0x50  }
0x2f1: {  	[sflag:s30] =	ssyncset.done $0x0  }
0x2f2: {  	[sflag:s30] =	ssyncadd.s32 $0xFFFFFFB0  }
0x2f3: {  	_ =	swait.ge [sflag:s30], $0x50  }
0x2f4: {  	[sflag:s30] =	ssyncset.done $0x0  }
0x2f5: {  	[sflag:s30] =	ssyncadd.s32 $0xFFFFFFB0  }
0x2f6: {  	s24 =	rddreg [dreg:$0x2]  }
0x2f7: {  	[tilespmem:s14], [sflag:$0x2] =	stream.indirect.gather [hbm4b:s24+s26], $0x80, s15, s26, $0xb8;
	[tilespmem:$0x19600] =	vst v63  }
0x2f8: {  	_ =	swait.ge [sflag:s29], $0x2800  }
0x2f9: {  	[sflag:s29] =	ssyncset.done $0x0;
	s6 =	sld [smem:$0x7F8]  }
0x2fa: {  	s25 =	simm.s32 $0x14080;
	s15 =	sld [smem:$0x7F6];
	[sflag:s29] =	ssyncadd.s32 $0xFFFFD800  }
0x2fb: {  	[spmem:s31] =	stream.indirect.scatter.add.f32 [tilespmem:s19], [sflag:$0x3], $0x80, s25, s26, $0xb8;
	[tilespmem:$0x19600] =	vst v63  }
0x2fc: {  	s18 =	sadd.s32 s16, s6;
	s6 =	simm.s32 $0x14200  }
0x2fd: {  	[tilespmem:s6], [sflag:$0x7] =	stream.linear.gather [hbm4b:s18+s1], $0x50, $0x38;
	[tilespmem:$0x19600] =	vst v63  }
0x2fe: {  	s23 =	simm.s32 $0x14280;
	s18 =	sadd.s32 s16, s15  }
0x2ff: {  	[tilespmem:s23], [sflag:$0x7] =	stream.linear.gather [hbm4b:s18+s1], $0x50, $0x38;
	[tilespmem:$0x19600] =	vst v63  }
0x300: {  	_ =	swait.ge [sflag:s7], $0x2800  }
0x301: {  	[sflag:s7] =	ssyncset.done $0x0  }
0x302: {  	[sflag:s7] =	ssyncadd.s32 $0xFFFFD800  }
0x303: {  	_ =	swait.ge [sflag:s8], $0x50  }
0x304: {  	[sflag:s8] =	ssyncset.done $0x0  }
0x305: {  	[sflag:s8] =	ssyncadd.s32 $0xFFFFFFB0  }
0x306: {  	_ =	swait.ge [sflag:s8], $0x50  }
0x307: {  	[sflag:s8] =	ssyncset.done $0x0  }
0x308: {  	[sflag:s8] =	ssyncadd.s32 $0xFFFFFFB0  }
0x309: {  	[tilespmem:s19], [sflag:$0x1] =	stream.indirect.gather [hbm4b:s24+s26], $0x80, s6, s26, $0xb8;
	[tilespmem:$0x19600] =	vst v63  }
0x30a: {  	_ =	swait.ge [sflag:s9], $0x2800  }
0x30b: {  	[sflag:s9] =	ssyncset.done $0x0;
	s25 =	sld [smem:$0x7EE]  }
0x30c: {  	s6 =	sld [smem:$0x7ED];
	[sflag:s9] =	ssyncadd.s32 $0xFFFFD800  }
0x30d: {  	[spmem:s31] =	stream.indirect.scatter.add.f32 [tilespmem:s14], [sflag:$0x4], $0x80, s21, s26, $0xb8;
	[tilespmem:$0x19600] =	vst v63  }
0x30e: {  	s18 =	sadd.s32 s16, s25  }
0x30f: {  	[tilespmem:s10], [sflag:$0x8] =	stream.linear.gather [hbm4b:s18+s1], $0x50, $0x38;
	[tilespmem:$0x19600] =	vst v63  }
0x310: {  	s18 =	sadd.s32 s16, s6  }
0x311: {  	[tilespmem:s11], [sflag:$0x8] =	stream.linear.gather [hbm4b:s18+s1], $0x50, $0x38;
	[tilespmem:$0x19600] =	vst v63  }
0x312: {  	_ =	swait.ge [sflag:s12], $0x2800  }
0x313: {  	[sflag:s12] =	ssyncset.done $0x0  }
0x314: {  	[sflag:s12] =	ssyncadd.s32 $0xFFFFD800  }
0x315: {  	_ =	swait.ge [sflag:s13], $0x50  }
0x316: {  	[sflag:s13] =	ssyncset.done $0x0  }
0x317: {  	[sflag:s13] =	ssyncadd.s32 $0xFFFFFFB0  }
0x318: {  	_ =	swait.ge [sflag:s13], $0x50  }
0x319: {  	[sflag:s13] =	ssyncset.done $0x0  }
0x31a: {  	[sflag:s13] =	ssyncadd.s32 $0xFFFFFFB0  }
0x31b: {  	[tilespmem:s14], [sflag:$0x2] =	stream.indirect.gather [hbm4b:s24+s26], $0x80, s10, s26, $0xb8;
	[tilespmem:$0x19600] =	vst v63  }
0x31c: {  	_ =	swait.ge [sflag:s29], $0x2800  }
0x31d: {  	[sflag:s29] =	ssyncset.done $0x0;
	s15 =	sld [smem:$0x7E8]  }
0x31e: {  	s21 =	sld [smem:$0x7E7];
	[sflag:s29] =	ssyncadd.s32 $0xFFFFD800  }
0x31f: {  	[spmem:s31] =	stream.indirect.scatter.add.f32 [tilespmem:s19], [sflag:$0x3], $0x80, s23, s26, $0xb8;
	[tilespmem:$0x19600] =	vst v63  }
0x320: {  	s18 =	sadd.s32 s16, s15  }
0x321: {  	[tilespmem:s28], [sflag:$0x9] =	stream.linear.gather [hbm4b:s18+s1], $0x50, $0x38;
	[tilespmem:$0x19600] =	vst v63  }
0x322: {  	s18 =	sadd.s32 s16, s21  }
0x323: {  	[tilespmem:s0], [sflag:$0x9] =	stream.linear.gather [hbm4b:s18+s1], $0x50, $0x38;
	[tilespmem:$0x19600] =	vst v63  }
0x324: {  	_ =	swait.ge [sflag:s7], $0x2800  }
0x325: {  	[sflag:s7] =	ssyncset.done $0x0  }
0x326: {  	[sflag:s7] =	ssyncadd.s32 $0xFFFFD800  }
0x327: {  	_ =	swait.ge [sflag:s2], $0x50  }
0x328: {  	[sflag:s2] =	ssyncset.done $0x0  }
0x329: {  	[sflag:s2] =	ssyncadd.s32 $0xFFFFFFB0  }
0x32a: {  	_ =	swait.ge [sflag:s2], $0x50  }
0x32b: {  	[sflag:s2] =	ssyncset.done $0x0  }
0x32c: {  	[sflag:s2] =	ssyncadd.s32 $0xFFFFFFB0  }
0x32d: {  	[tilespmem:s19], [sflag:$0x1] =	stream.indirect.gather [hbm4b:s24+s26], $0x80, s28, s26, $0xb8;
	[tilespmem:$0x19600] =	vst v63  }
0x32e: {  	_ =	swait.ge [sflag:s9], $0x2800  }
0x32f: {  	[sflag:s9] =	ssyncset.done $0x0;
	s23 =	sld [smem:$0x7E2]  }
0x330: {  	s25 =	sld [smem:$0x7E1];
	[sflag:s9] =	ssyncadd.s32 $0xFFFFD800  }
0x331: {  	[spmem:s31] =	stream.indirect.scatter.add.f32 [tilespmem:s14], [sflag:$0x4], $0x80, s11, s26, $0xb8;
	[tilespmem:$0x19600] =	vst v63  }
0x332: {  	s18 =	sadd.s32 s16, s23  }
0x333: {  	[tilespmem:s3], [sflag:$0xA] =	stream.linear.gather [hbm4b:s18+s1], $0x50, $0x38;
	[tilespmem:$0x19600] =	vst v63  }
0x334: {  	s18 =	sadd.s32 s16, s25  }
0x335: {  	[tilespmem:s4], [sflag:$0xA] =	stream.linear.gather [hbm4b:s18+s1], $0x50, $0x38;
	[tilespmem:$0x19600] =	vst v63  }
0x336: {  	_ =	swait.ge [sflag:s12], $0x2800  }
0x337: {  	[sflag:s12] =	ssyncset.done $0x0  }
0x338: {  	[sflag:s12] =	ssyncadd.s32 $0xFFFFD800  }
0x339: {  	_ =	swait.ge [sflag:s5], $0x50  }
0x33a: {  	[sflag:s5] =	ssyncset.done $0x0  }
0x33b: {  	[sflag:s5] =	ssyncadd.s32 $0xFFFFFFB0  }
0x33c: {  	_ =	swait.ge [sflag:s5], $0x50  }
0x33d: {  	[sflag:s5] =	ssyncset.done $0x0  }
0x33e: {  	[sflag:s5] =	ssyncadd.s32 $0xFFFFFFB0  }
0x33f: {  	[tilespmem:s14], [sflag:$0x2] =	stream.indirect.gather [hbm4b:s24+s26], $0x80, s3, s26, $0xb8;
	[tilespmem:$0x19600] =	vst v63  }
0x340: {  	_ =	swait.ge [sflag:s29], $0x2800  }
0x341: {  	p0 =	seq.s32 s16, $0x4B0;
	[sflag:s29] =	ssyncset.done $0x0  }
0x342: {  	s18 =	simm.s32 @p0 $0x3;
	[sflag:s29] =	ssyncadd.s32 $0xFFFFD800  }
0x343: {  	[spmem:s31] =	stream.indirect.scatter.add.f32 [tilespmem:s19], [sflag:$0x3], $0x80, s0, s26, $0xb8;
	[tilespmem:$0x19600] =	vst v63  }
0x344: {  	_ =	swait.ge @p0 [sflag:s18], $0x2800  }
0x345: {  	s21 =	sld [smem:$0x7F7]  }
0x346: {  	[sflag:s18] =	ssyncset.done @p0 $0x0  }
0x347: {  	[sflag:s18] =	ssyncadd.s32 @p0 $0xFFFFD800;
	s18 =	sshrl.u32 @!p0 s17, $0x3  }
0x348: {  	s23 =	simm.s32 @!p0 $0x0;
	s25 =	simm.s32 @!p0 $0x14000;
	s21 =	sadd.s32 @!p0 s21, s18  }
0x349: {  	[tilespmem:s25], [sflag:$0x5] =	stream.linear.gather @!p0 [hbm4b:s21+s23], $0x50, $0x38;
	[tilespmem:$0x19600] =	vst v63  }
0x34a: {  	s21 =	sld [smem:$0x7F5];
	_ =	sdelay $0x2  }
0x34b: {  	s18 =	sadd.s32 @!p0 s21, s18;
	s21 =	simm.s32 @!p0 $0x14080  }
0x34c: {  	[tilespmem:s21], [sflag:$0x5] =	stream.linear.gather @!p0 [hbm4b:s18+s23], $0x50, $0x38;
	[tilespmem:$0x19600] =	vst v63  }
0x34d: {  	s18 =	simm.s32 @!p0 $0x3  }
0x34e: {  	_ =	swait.ge @!p0 [sflag:s18], $0x2800  }
0x34f: {  	[sflag:s18] =	ssyncset.done @!p0 $0x0  }
0x350: {  	[sflag:s18] =	ssyncadd.s32 @!p0 $0xFFFFD800;
	s18 =	simm.s32 @!p0 $0x5  }
0x351: {  	_ =	swait.ge @!p0 [sflag:s18], $0x50  }
0x352: {  	[sflag:s18] =	ssyncset.done @!p0 $0x0  }
0x353: {  	[sflag:s18] =	ssyncadd.s32 @!p0 $0xFFFFFFB0  }
0x354: {  	_ =	swait.ge @!p0 [sflag:s18], $0x50  }
0x355: {  	[sflag:s18] =	ssyncset.done @!p0 $0x0  }
0x356: {  	s21 =	simm.s32 @!p0 $0x14600;
	[sflag:s18] =	ssyncadd.s32 @!p0 $0xFFFFFFB0;
	s18 =	simm.s32 @!p0 $0x50  }
0x357: {  	[tilespmem:s21], [sflag:$0x1] =	stream.indirect.gather @!p0 [hbm4b:s24+s18], $0x80, s25, s18, $0xb8;
	[tilespmem:$0x19600] =	vst v63  }
.Ltmp6:
0x358: {  	_ = 	snop;
	(pc) =	sbr.rel @p0 .LBB2_10-.Ltmp6, $4  }
0x359: {  	_ =	swait.ge [sflag:s9], $0x2800  }
0x35a: {  	[sflag:s9] =	ssyncset.done $0x0  }
0x35b: {  	s6 =	simm.s32 $0x14180;
	s15 =	simm.s32 $0x14100;
	[sflag:s9] =	ssyncadd.s32 $0xFFFFD800  }
0x35c: {  	[spmem:s31] =	stream.indirect.scatter.add.f32 [tilespmem:s14], [sflag:$0x4], $0x80, s4, s26, $0xb8;
	[tilespmem:$0x19600] =	vst v63  }
0x35d: {  	s18 =	sld [smem:$0x7DC];
	_ =	sdelay $0x1  }
.Ltmp7:
0x35e: {  	s25 =	sld [smem:$0x7DB];
	(pc) =	sbr.rel .LBB2_8-.Ltmp7, $4  }
0x35f: {  	s17 =	sadd.s32 $0x1E0, s17;
	s21 =	simm.s32 $0x14180;
	s18 =	sadd.s32 s16, s18  }
0x360: {  	[tilespmem:s15], [sflag:$0x6] =	stream.linear.gather [hbm4b:s18+s1], $0x50, $0x38;
	[tilespmem:$0x19600] =	vst v63  }
0x361: {  	s18 =	sadd.s32 s16, s25;
	s16 =	sadd.s32 $0x3C, s16;
	s15 =	simm.s32 $0x14100  }
0x362: {  	[tilespmem:s6], [sflag:$0x6] =	stream.linear.gather [hbm4b:s18+s1], $0x50, $0x38;
	[tilespmem:$0x19600] =	vst v63  }
.LBB2_11:
0x363: {  	_ =	sfence.sel $0x180000  }
0x364: {  	[bflag:$0x0] =	sbarrier.arrive $0xFFFF  }
0x365: {  	_ =	strace $0x90000047  }
0x366: {  	s0 =	stileid.u32;
	[bflag:$0x2] =	sbarrier.arrive $0xFFFF  }
0x367: {  	p0 =	sne.s32 s0, $0x0;
	s0 =	rddreg [dreg:$0x5]  }
0x368: {  	s0 =	sadd.s32 @!p0 $0x100000, s0  }
0x369: {  	[sflag:s0] =	ssyncadd.tile.s32 @!p0 $0x1;
	_ =	shalt  }
.Lfunc_end2:
_tile_overlayer_lowered:
.L_overlay_start_2:
0x36a: {  	(tag) =	ssettag $0x2  }
0x36b: {  	s0 =	rddreg [dreg:$0x0];
	s2 =	stileid.u32  }
0x36c: {  	s1 =	rddreg [dreg:$0x1];
	p0 =	sne.s32 s2, $0x0  }
0x36d: {  	s3 =	rddreg [dreg:$0x2];
	[bflag:$0x3] =	sbarrier.arrive $0xFFFF;
	s2 =	simm.s32 @!p0 $0x1C0B  }
0x36e: {  	[timem:s3], [sflag:s2] =	dma.local @!p0 [hbm:s0], s1  }
0x36f: {  	s0 =	simm.s32 @!p0 $0xB  }
0x370: {  	_ =	swait.ge @!p0 [sflag:s0], s1  }
0x371: {  	s1 =	ssub.s32 @!p0 $0x0, s1;
	[sflag:s0] =	ssyncset.done @!p0 $0x0  }
0x372: {  	[sflag:s0] =	ssyncadd.s32 @!p0 s1  }
0x373: {  	[bflag:$0x3] =	sbarrier.arrive $0xFFFF  }
0x374: {  	_ =	shalt  }

// kernel: kernel.9.cloned.1.call-start
scs
__scs_entry_jumppad:
0x0: {  	(pc) =	sbr.rel $0x88, $3  }
0x1: {  	(tag) =	ssettag $0x0;
	lr =	simm.s32 $0x1  }
0x2: {  	[smem:$0x3F99] =	sst lr;
	_ =	strace $0xD0000000  }
0x3: {  	_ = 	snop  }
0x4: {  	_ = 	snop  }
0x5: {  	_ = 	snop  }
0x6: {  	_ = 	snop  }
0x7: {  	_ = 	snop  }
__scs_overlays_trampoline_lowered:
0x8: {  	[smem:$0x3FA8] =	sst s0  }
0x9: {  	[smem:$0x3FA9] =	sst s1  }
0xa: {  	[smem:$0x3FAA] =	sst s2  }
0xb: {  	[smem:$0x3FAB] =	sst s3  }
0xc: {  	[smem:$0x3FAC] =	sst s4  }
0xd: {  	[smem:$0x3FAD] =	sst s5  }
0xe: {  	[smem:$0x3FAE] =	sst s6  }
0xf: {  	[smem:$0x3FAF] =	sst s7  }
0x10: {  	[smem:$0x3FB0] =	sst s8  }
0x11: {  	[smem:$0x3FB1] =	sst s9;
	s0 =	simm.s32 @!p0 $0x0  }
0x12: {  	s1 =	sld [smem:$0x3F97];
	s0 =	simm.s32 @p0 $0x1  }
0x13: {  	[smem:$0x3FB2] =	sst s0;
	s0 =	simm.s32 @!p1 $0x0  }
0x14: {  	s2 =	sld [smem:$0x3F96];
	s0 =	simm.s32 @p1 $0x1  }
0x15: {  	[smem:$0x3FB3] =	sst s0;
	s0 =	simm.s32 @!p2 $0x0  }
0x16: {  	s3 =	sld [smem:$0x3FDB];
	s0 =	simm.s32 @p2 $0x1  }
0x17: {  	s4 =	simm.s32 $0x1BF5;
	[smem:$0x3FB5] =	sst s0  }
0x18: {  	s0 =	sld [smem:$0x3F98];
	_ =	swait.ge [sflag:s4], $0x0  }
0x19: {  	s7 =	sld [smem:$0x3F99]  }
0x1a: {  	s8 =	sadd.s32 $0xFFFFE003, lr  }
0x1b: {  	s9 =	sadd.s32 $0xFFFFFEF7, lr;
	s5 =	simm.s32 $0xFFFFFFFF;
	p2 =	slt.u32 s8, $0xFFFFF086  }
0x1c: {  	p1 =	slt.u32 s9, $0xF7A;
	s5 =	simm.s32 @!p2 $0x0  }
0x1d: {  	s5 =	simm.s32 @p1 $0x1;
	p0 =	seq.s32 s7, s2  }
0x1e: {  	s7 =	smul.u32 @!p0 $0xF7A, s2;
	p2 =	seq.s32 @!p0 s5, $0x0  }
0x1f: {  	s9 =	smul.u32 $0xF7A, s1;
	s8 =	simm.s32 @!p0 $0x1BF5;
	p2 =	por !p2, p0  }
0x20: {  	[sflag:s8] =	ssyncset.s32 @!p0 $0xFFFFF086;
	s6 =	sadd.s32 @!p0 s3, s7;
	s7 =	simm.s32 @!p0 $0x108  }
0x21: {  	s3 =	sadd.s32 s3, s9;
	s6 =	sadd.s32 @!p0 $0x88, s6;
	s7 =	simm.s32 @p2 $0x1082  }
0x22: {  	[simem:s7], [sflag:s8] =	dma.local @!p0 [hbm:s6], $0xF7A  }
0x23: {  	s9 =	sor.u32 $0xD0000000, s2;
	s6 =	simm.s32 $0x108;
	_ =	swait.ge @!p0 [sflag:s8], $0x0  }
0x24: {  	s3 =	sadd.s32 $0x88, s3;
	s6 =	simm.s32 @!p1 $0x1082;
	[sflag:s4] =	ssyncset.s32 $0xFFFFF086  }
0x25: {  	[simem:s6], [sflag:s4] =	dma.local [hbm:s3], $0xF7A  }
0x26: {  	[smem:$0x3F99] =	sst s1;
	(tag) =	ssettag s2;
	_ =	strace s9  }
0x27: {  	s1 =	sld [smem:$0x3FA9]  }
0x28: {  	s2 =	sld [smem:$0x3FAA]  }
0x29: {  	s4 =	sld [smem:$0x3FAC]  }
0x2a: {  	p0 =	seq.s32 s5, $0x0;
	s5 =	sld [smem:$0x3FAD]  }
0x2b: {  	s6 =	sld [smem:$0x3FAE]  }
0x2c: {  	s7 =	sld [smem:$0x3FAF]  }
0x2d: {  	s3 =	simm.s32 $0x108;
	s8 =	sld [smem:$0x3FB0]  }
0x2e: {  	s3 =	simm.s32 @!p0 $0x1082;
	s9 =	sld [smem:$0x3FB1]  }
0x2f: {  	lr =	sadd.s32 s0, s3;
	s0 =	sld [smem:$0x3FA8]  }
0x30: {  	s3 =	sld [smem:$0x3FAB]  }
0x31: {  	[smem:$0x3FB4] =	sst s10  }
0x32: {  	s10 =	sld [smem:$0x3FB2];
	_ =	sdelay $0x3  }
0x33: {  	p0 =	seq.s32 s10, $0x1;
	s10 =	sld [smem:$0x3FB4];
	_ =	sdelay $0x3  }
0x34: {  	[smem:$0x3FB4] =	sst s10  }
0x35: {  	s10 =	sld [smem:$0x3FB3];
	_ =	sdelay $0x3  }
0x36: {  	p1 =	seq.s32 s10, $0x1;
	s10 =	sld [smem:$0x3FB4];
	_ =	sdelay $0x3  }
0x37: {  	[smem:$0x3FB4] =	sst s10  }
0x38: {  	s10 =	sld [smem:$0x3FB5]  }
0x39: {  	_ = 	snop;
	(pc) =	sbr.ind lr, $3  }
0x3a: {  	_ = 	snop  }
0x3b: {  	_ = 	snop  }
0x3c: {  	p2 =	seq.s32 s10, $0x1;
	s10 =	sld [smem:$0x3FB4]  }
0x3d: {  	_ =	shalt  }
0x3e: {  	_ =	shalt  }
0x3f: {  	_ =	shalt  }
0x40: {  	_ =	shalt  }
0x41: {  	_ =	shalt  }
0x42: {  	_ =	shalt  }
0x43: {  	_ =	shalt  }
0x44: {  	_ =	shalt  }
0x45: {  	_ =	shalt  }
0x46: {  	_ =	shalt  }
0x47: {  	_ =	shalt  }
0x48: {  	_ =	shalt  }
0x49: {  	_ =	shalt  }
0x4a: {  	_ =	shalt  }
0x4b: {  	_ =	shalt  }
0x4c: {  	_ =	shalt  }
0x4d: {  	_ =	shalt  }
0x4e: {  	_ =	shalt  }
0x4f: {  	_ =	shalt  }
0x50: {  	_ =	shalt  }
0x51: {  	_ =	shalt  }
0x52: {  	_ =	shalt  }
0x53: {  	_ =	shalt  }
0x54: {  	_ =	shalt  }
0x55: {  	_ =	shalt  }
0x56: {  	_ =	shalt  }
0x57: {  	_ =	shalt  }
0x58: {  	_ =	shalt  }
0x59: {  	_ =	shalt  }
0x5a: {  	_ =	shalt  }
0x5b: {  	_ =	shalt  }
0x5c: {  	_ =	shalt  }
0x5d: {  	_ =	shalt  }
0x5e: {  	_ =	shalt  }
0x5f: {  	_ =	shalt  }
0x60: {  	_ =	shalt  }
0x61: {  	_ =	shalt  }
0x62: {  	_ =	shalt  }
0x63: {  	_ =	shalt  }
0x64: {  	_ =	shalt  }
0x65: {  	_ =	shalt  }
0x66: {  	_ =	shalt  }
0x67: {  	_ =	shalt  }
0x68: {  	_ =	shalt  }
0x69: {  	_ =	shalt  }
0x6a: {  	_ =	shalt  }
0x6b: {  	_ =	shalt  }
0x6c: {  	_ =	shalt  }
0x6d: {  	_ =	shalt  }
0x6e: {  	_ =	shalt  }
0x6f: {  	_ =	shalt  }
0x70: {  	_ =	shalt  }
0x71: {  	_ =	shalt  }
0x72: {  	_ =	shalt  }
0x73: {  	_ =	shalt  }
0x74: {  	_ =	shalt  }
0x75: {  	_ =	shalt  }
0x76: {  	_ =	shalt  }
0x77: {  	_ =	shalt  }
0x78: {  	_ =	shalt  }
0x79: {  	_ =	shalt  }
0x7a: {  	_ =	shalt  }
0x7b: {  	_ =	shalt  }
0x7c: {  	_ =	shalt  }
0x7d: {  	_ =	shalt  }
0x7e: {  	_ =	shalt  }
0x7f: {  	_ =	shalt  }
0x80: {  	_ =	shalt  }
0x81: {  	_ =	shalt  }
0x82: {  	_ =	shalt  }
0x83: {  	_ =	shalt  }
0x84: {  	_ =	shalt  }
0x85: {  	_ =	shalt  }
0x86: {  	_ =	shalt  }
0x87: {  	_ =	shalt  }
.Lfunc_end0:
.L_simem_size_0:
called_computation.1_lowered:
.L_overlay_start_0:
0x88: {  	s2 =	sld [smem:$0x3FD9]  }
0x89: {  	s3 =	sld [smem:$0x3FFE];
	_ =	sdelay $0x1  }
0x8a: {  	s1 =	srdreg.scid  }
0x8b: {  	s0 =	sand.u32 $0x1, s1  }
0x8c: {  	s15 =	sshll.u32 s0, $0xA;
	s2 =	sadd.s32 s3, s2  }
0x8d: {  	s2 =	sadd.s32 s2, s15  }
0x8e: {  	[smem:$0x3FC0] =	sst s2  }
0x8f: {  	_ = 	snop  }
0x90: {  	s2 =	sld [smem:$0x3FD0];
	_ =	sdelay $0x2  }
0x91: {  	s16 =	simm.s32 $0xB;
	s4 =	simm.s32 $0x10  }
0x92: {  	[smem:s4], [sflag:s16] =	dma.local [hbm:s2], $0x1  }
0x93: {  	_ =	swait.eq [sflag:s16], $0x1  }
0x94: {  	[sflag:s16] =	ssyncset.done $0x0  }
0x95: {  	[sflag:s16] =	ssyncadd.s32 $0xFFFFFFFF  }
0x96: {  	s17 =	sld [smem:$0x11];
	(tm) =	ssettm $0x1  }
0x97: {  	s18 =	sld [smem:$0x3FFB];
	_ =	sdelay $0x3  }
0x98: {  	_ =	strace s18  }
0x99: {  	s2 =	sld [smem:$0x3FFC];
	_ =	sdelay $0x3  }
0x9a: {  	_ =	strace s2  }
0x9b: {  	s2 =	sld [smem:$0x3FFD];
	_ =	sdelay $0x3  }
0x9c: {  	_ =	strace s2  }
0x9d: {  	_ =	strace $0x8FFFFFFF  }
0x9e: {  	s19 =	sld [smem:$0x3FDB];
	_ =	sdelay $0x1  }
0x9f: {  	s20 =	simm.s32 $_scs_section_size  }
0xa0: {  	s5 =	simm.s32 $_size__tile_overlayer_lowered;
	s6 =	simm.s32 $_tile_overlayer_lowered  }
0xa1: {  	s7 =	simm.s32 $0x1BFF;
	s21 =	sshll.u32 s6, $0x1;
	s4 =	sadd.s32 s20, s19  }
0xa2: {  	s22 =	simm.s32 $0x0;
	s5 =	sshll.u32 s5, $0x1;
	s6 =	sadd.s32 s21, s4  }
0xa3: {  	[timem:s22], [sflag:s7] =	dma.local [hbm:s6], s5  }
0xa4: {  	_ =	swait.ge [sflag:s7], s5  }
0xa5: {  	s5 =	ssub.s32 $0x0, s5;
	[sflag:s7] =	ssyncset.done $0x0  }
0xa6: {  	[sflag:s7] =	ssyncadd.s32 s5;
	_ =	sdelay $0x1  }
0xa7: {  	s23 =	simm.s32 $0x1B8B  }
0xa8: {  	_ =	swait.ge [sflag:s23], $0x1  }
0xa9: {  	[sflag:s23] =	ssyncset.done $0x0  }
0xaa: {  	[sflag:s23] =	ssyncadd.s32 $0xFFFFFFFF  }
0xab: {  	s5 =	sld [smem:$0x0]  }
0xac: {  	s6 =	sand.u32 $0xFFFFFFFE, s1  }
0xad: {  	p0 =	sne.s32 s1, s6  }
0xae: {  	s6 =	sshll.u32 @p0 s6, $0xE  }
0xaf: {  	s6 =	sadd.s32 @p0 $0x11B8D, s6;
	s7 =	sshll.u32 @p0 s5, $0x11  }
0xb0: {  	s6 =	sor.u32 @p0 s7, s6  }
0xb1: {  	[sflag:s6] =	ssyncadd.remote.s32 @p0 $0x1;
	_ =	sdelay $0x1  }
0xb2: {  	s6 =	simm.s32 @p0 $0x1B8D  }
0xb3: {  	_ =	swait.eq @p0 [sflag:s6], $0x1  }
0xb4: {  	[sflag:s6] =	ssyncadd.s32 @p0 $0xFFFFFFFF  }
0xb5: {  	s7 =	sshll.u32 @!p0 s1, $0xE  }
0xb6: {  	s7 =	sor.u32 @!p0 $0x4000, s7;
	s6 =	simm.s32 @!p0 $0x1B8D  }
0xb7: {  	s5 =	sshll.u32 @!p0 s5, $0x11;
	s7 =	sadd.s32 @!p0 $0x11B8D, s7;
	_ =	swait.eq @!p0 [sflag:s6], $0x1  }
0xb8: {  	s5 =	sor.u32 @!p0 s5, s7;
	[sflag:s6] =	ssyncadd.s32 @!p0 $0xFFFFFFFF  }
0xb9: {  	s25 =	simm.s32 $0x1B8E;
	s24 =	sld [smem:$0x3FFE];
	[sflag:s5] =	ssyncadd.remote.s32 @!p0 $0x1  }
0xba: {  	s26 =	simm.s32 $execute0_lowered;
	[smem:$0x3FD2] =	sst s25  }
0xbb: {  	s6 =	sshll.u32 s26, $0x1;
	_ =	strace $0x80000049;
	[dreg:$0x1] =	wrdreg $0xFFFFFFFF  }
0xbc: {  	s28 =	simm.s32 $_size_execute0_lowered;
	s4 =	sadd.s32 s4, s6;
	[dreg:$0x0] =	wrdreg $0x0  }
0xbd: {  	s6 =	sshll.u32 s28, $0x1;
	[dreg:$0x2] =	wrdreg s4  }
0xbe: {  	[dreg:$0x3] =	wrdreg s6  }
0xbf: {  	[dreg:$0x4] =	wrdreg $0xC0  }
0xc0: {  	_ =	task [dreg:s22], $0x5FFFF  }
0xc1: {  	[dreg:$0x1] =	wrdreg $0xFFFFFFFF  }
0xc2: {  	[dreg:$0x0] =	wrdreg $0x60  }
0xc3: {  	[dreg:$0x2] =	wrdreg s24  }
0xc4: {  	[dreg:$0x3] =	wrdreg s17  }
0xc5: {  	[dreg:$0x4] =	wrdreg $0xA  }
0xc6: {  	_ =	task.clear_ibuf [dreg:s22], $0x5FFFF;
	_ =	strace $0x90000049  }
0xc7: {  	s29 =	simm.s32 $0xA;
	_ =	strace $0x8000004B  }
0xc8: {  	_ =	swait.ge [sflag:s29], $0x1  }
0xc9: {  	[sflag:s29] =	ssyncadd.s32 $0xFFFFFFFF  }
0xca: {  	_ =	strace $0x9000004B  }
0xcb: {  	_ =	sfence  }
0xcc: {  	s30 =	sld [smem:$0x0];
	_ =	sdelay $0x2  }
0xcd: {  	s31 =	sshll.u32 s1, $0xD;
	s1 =	sshrl.u32 s1, $0x2  }
0xce: {  	s4 =	sand.u32 $0x4000, s31;
	s1 =	sadd.s32 s1, s30  }
0xcf: {  	s0 =	sor.u32 s4, s0;
	s1 =	sshll.u32 s1, $0x11  }
0xd0: {  	s0 =	sor.u32 s1, s0  }
0xd1: {  	s0 =	sadd.s32 $0x8F2B, s0  }
0xd2: {  	[sflag:s0] =	ssyncadd.remote.s32 $0x1  }
0xd3: {  	_ =	sfence.sel $0xFFFF  }
0xd4: {  	[dreg:$0x0] =	wrdreg $0xFFFFFFFF;
	(pc) =	sbr.abs _section_cstart, $3  }
0xd5: {  	[dreg:$0x1] =	wrdreg $0xFFFFFFFF  }
0xd6: {  	_ =	task.clear_ibuf [dreg:s22], $0x2FFFF;
	_ =	strace $0x9FFFFFFF  }
0xd7: {  	(tm) =	ssettm $0x7FFFFFFF  }
tec
execute0_lowered:
.L_overlay_start_1:
0x0: {  	(tag) =	ssettag $0x1  }
0x1: {  	s4 =	rddreg [dreg:$0x0]  }
0x2: {  	s15 =	rddreg [dreg:$0x1];
	s1 =	srdreg.scid  }
0x3: {  	s0 =	rddreg [dreg:$0x2];
	s2 =	simm.s32 $0x0;
	s5 =	sand.u32 $0x1, s1  }
0x4: {  	s25 =	simm.s32 $0x0;
	s1 =	stileid.u32;
	s3 =	sshll.u32 s5, $0x4  }
0x5: {  	[smem:$0x7FF] =	sst s2;
	s8 =	sadd.s32 $0x31E00, s4;
	s3 =	sor.u32 s1, s3  }
0x6: {  	s14 =	sadd.s32 $0x28000, s4;
	s5 =	ssub.s32 $0x2, s5;
	s16 =	smul.u32 $0x500, s3  }
0x7: {  	s20 =	sadd.s32 $0x1E200, s4;
	s31 =	sshrl.u32 s5, $0x1;
	s6 =	smul.u32 $0x2760, s3  }
0x8: {  	_ =	strace $0x8000004A;
	s3 =	sadd.s32 $0x12BC00, s4;
	s22 =	ssub.s32 s5, s31  }
0x9: {  	s22 =	smax.u32 s22, $0x1;
	s21 =	sadd.s32 s16, s4;
	s17 =	sshrl.u32 s6, $0x3  }
0xa: {  	s15 =	sadd.s32 s15, s16;
	s4 =	sadd.s32 s8, s17;
	s18 =	sadd.s32 $0xFC, s17  }
0xb: {  	s19 =	sadd.s32 $0x1F8, s17;
	s23 =	sadd.s32 $0x2F4, s17;
	s24 =	sadd.s32 $0x3F0, s17  }
0xc: {  	s9 =	sadd.s32 $0x12C200, s21;
	s10 =	sadd.s32 s14, s17;
	s16 =	sadd.s32 s20, s17  }
0xd: {  	s21 =	sadd.s32 $0x136200, s21;
	s5 =	sadd.s32 s8, s18;
	s6 =	sadd.s32 s8, s19  }
0xe: {  	s7 =	sadd.s32 s8, s23;
	s8 =	sadd.s32 s8, s24;
	s11 =	sadd.s32 s14, s18  }
0xf: {  	s12 =	sadd.s32 s14, s19;
	s13 =	sadd.s32 s14, s23;
	s14 =	sadd.s32 s14, s24  }
0x10: {  	s17 =	sadd.s32 s20, s18;
	s18 =	sadd.s32 s20, s19;
	s19 =	sadd.s32 s20, s23  }
0x11: {  	v0 =	vimm.f32 $1.000000000e+00;
	s20 =	sadd.s32 s20, s24;
	s23 =	simm.s32 $0x1;
	s24 =	simm.s32 $0x2800  }
.LBB2_1:
0x12: {  	[tilespmem:s2], [sflag:$0x1] =	stream.linear.gather [hbm4b:s3+s2], $0x2800, $0x38;
	[tilespmem:$0x3000] =	vst v63  }
0x13: {  	_ =	swait.ge [sflag:s23], $0x2800  }
0x14: {  	[sflag:s23] =	ssyncset.done $0x0  }
0x15: {  	[sflag:s23] =	ssyncadd.s32 $0xFFFFD800  }
0x16: {  	[tilespmem:s24], [sflag:$0x1] =	stream.linear.gather [hbm4b:s4+s2], $0x7E0, $0x38;
	[tilespmem:$0x3000] =	vst v63  }
0x17: {  	_ =	swait.ge [sflag:s23], $0x7E0  }
0x18: {  	[sflag:s23] =	ssyncset.done $0x0  }
0x19: {  	s28 =	simm.s32 $0x0;
	s26 =	simm.s32 $0x40;
	[sflag:s23] =	ssyncadd.s32 $0xFFFFF820  }
.LBB2_2:
0x1a: {  	p0 =	sne.s32 s26, $0x1F40;
	v1 =	vld [tilespmem:s28+$0x2800];
	_ =	sdelay $0x3  }
.Ltmp0:
0x1b: {  	(pc) =	sbr.rel @p0 .LBB2_2-.Ltmp0, $2  }
0x1c: {  	_ =	sdelay $0x2  }
0x1d: {  	s28 =	sshra.s32 s26, $0x2;
	s26 =	sadd.s32 $0x40, s26;
	[tilespmem:v1+s2+$0x0] =	vst.idx.add.f32.msk $0xffff, v0  }
0x1e: {  	v1 =	vld [tilespmem:s28+$0x2800];
	_ =	sdelay $0x7  }
0x1f: {  	s26 =	simm.s32 $0x0;
	[tilespmem:v1+s2+$0x0] =	vst.idx.add.f32.msk $0xffff, v0  }
0x20: {  	[tilespmem:s24], [sflag:$0x1] =	stream.linear.gather [hbm4b:s5+s26], $0x7E0, $0x38;
	[tilespmem:$0x3000] =	vst v63  }
0x21: {  	_ =	swait.ge [sflag:s23], $0x7E0  }
0x22: {  	[sflag:s23] =	ssyncset.done $0x0  }
0x23: {  	s28 =	simm.s32 $0x0;
	s26 =	simm.s32 $0x40;
	[sflag:s23] =	ssyncadd.s32 $0xFFFFF820  }
.LBB2_4:
0x24: {  	p0 =	sne.s32 s26, $0x1F40;
	v1 =	vld [tilespmem:s28+$0x2800];
	_ =	sdelay $0x3  }
.Ltmp1:
0x25: {  	(pc) =	sbr.rel @p0 .LBB2_4-.Ltmp1, $2  }
0x26: {  	_ =	sdelay $0x2  }
0x27: {  	s28 =	sshra.s32 s26, $0x2;
	s26 =	sadd.s32 $0x40, s26;
	[tilespmem:v1+s2+$0x0] =	vst.idx.add.f32.msk $0xffff, v0  }
0x28: {  	v1 =	vld [tilespmem:s28+$0x2800];
	_ =	sdelay $0x7  }
0x29: {  	s26 =	simm.s32 $0x0;
	[tilespmem:v1+s2+$0x0] =	vst.idx.add.f32.msk $0xffff, v0  }
0x2a: {  	[tilespmem:s24], [sflag:$0x1] =	stream.linear.gather [hbm4b:s6+s26], $0x7E0, $0x38;
	[tilespmem:$0x3000] =	vst v63  }
0x2b: {  	_ =	swait.ge [sflag:s23], $0x7E0  }
0x2c: {  	[sflag:s23] =	ssyncset.done $0x0  }
0x2d: {  	s28 =	simm.s32 $0x0;
	s26 =	simm.s32 $0x40;
	[sflag:s23] =	ssyncadd.s32 $0xFFFFF820  }
.LBB2_6:
0x2e: {  	p0 =	sne.s32 s26, $0x1F40;
	v1 =	vld [tilespmem:s28+$0x2800];
	_ =	sdelay $0x3  }
.Ltmp2:
0x2f: {  	(pc) =	sbr.rel @p0 .LBB2_6-.Ltmp2, $2  }
0x30: {  	_ =	sdelay $0x2  }
0x31: {  	s28 =	sshra.s32 s26, $0x2;
	s26 =	sadd.s32 $0x40, s26;
	[tilespmem:v1+s2+$0x0] =	vst.idx.add.f32.msk $0xffff, v0  }
0x32: {  	v1 =	vld [tilespmem:s28+$0x2800];
	_ =	sdelay $0x7  }
0x33: {  	s26 =	simm.s32 $0x0;
	[tilespmem:v1+s2+$0x0] =	vst.idx.add.f32.msk $0xffff, v0  }
0x34: {  	[tilespmem:s24], [sflag:$0x1] =	stream.linear.gather [hbm4b:s7+s26], $0x7E0, $0x38;
	[tilespmem:$0x3000] =	vst v63  }
0x35: {  	_ =	swait.ge [sflag:s23], $0x7E0  }
0x36: {  	[sflag:s23] =	ssyncset.done $0x0  }
0x37: {  	s28 =	simm.s32 $0x0;
	s26 =	simm.s32 $0x40;
	[sflag:s23] =	ssyncadd.s32 $0xFFFFF820  }
.LBB2_8:
0x38: {  	p0 =	sne.s32 s26, $0x1F40;
	v1 =	vld [tilespmem:s28+$0x2800];
	_ =	sdelay $0x3  }
.Ltmp3:
0x39: {  	(pc) =	sbr.rel @p0 .LBB2_8-.Ltmp3, $2  }
0x3a: {  	_ =	sdelay $0x2  }
0x3b: {  	s28 =	sshra.s32 s26, $0x2;
	s26 =	sadd.s32 $0x40, s26;
	[tilespmem:v1+s2+$0x0] =	vst.idx.add.f32.msk $0xffff, v0  }
0x3c: {  	v1 =	vld [tilespmem:s28+$0x2800];
	_ =	sdelay $0x7  }
0x3d: {  	s26 =	simm.s32 $0x0;
	[tilespmem:v1+s2+$0x0] =	vst.idx.add.f32.msk $0xffff, v0  }
0x3e: {  	[tilespmem:s24], [sflag:$0x1] =	stream.linear.gather [hbm4b:s8+s26], $0x7E0, $0x38;
	[tilespmem:$0x3000] =	vst v63  }
0x3f: {  	_ =	swait.ge [sflag:s23], $0x7E0  }
0x40: {  	[sflag:s23] =	ssyncset.done $0x0  }
0x41: {  	s28 =	simm.s32 $0x0;
	s26 =	simm.s32 $0x40;
	[sflag:s23] =	ssyncadd.s32 $0xFFFFF820  }
.LBB2_10:
0x42: {  	p0 =	sne.s32 s26, $0x1F40;
	v1 =	vld [tilespmem:s28+$0x2800];
	_ =	sdelay $0x3  }
.Ltmp4:
0x43: {  	(pc) =	sbr.rel @p0 .LBB2_10-.Ltmp4, $2  }
0x44: {  	_ =	sdelay $0x2  }
0x45: {  	s28 =	sshra.s32 s26, $0x2;
	s26 =	sadd.s32 $0x40, s26;
	[tilespmem:v1+s2+$0x0] =	vst.idx.add.f32.msk $0xffff, v0  }
0x46: {  	v1 =	vld [tilespmem:s28+$0x2800];
	_ =	sdelay $0x7  }
0x47: {  	s26 =	simm.s32 $0x0;
	[tilespmem:v1+s2+$0x0] =	vst.idx.add.f32.msk $0xffff, v0  }
0x48: {  	[hbm4b:s9+s26] =	stream.linear.scatter [tilespmem:s26], [sflag:$0x1], $0x2800, $0x38;
	[tilespmem:$0x3000] =	vst v63  }
0x49: {  	_ =	swait.ge [sflag:s23], $0x2800  }
0x4a: {  	[sflag:s23] =	ssyncset.done $0x0  }
0x4b: {  	[sflag:s23] =	ssyncadd.s32 $0xFFFFD800  }
0x4c: {  	[tilespmem:s26], [sflag:$0x1] =	stream.linear.gather [hbm4b:s3+s26], $0x2800, $0x38;
	[tilespmem:$0x3000] =	vst v63  }
0x4d: {  	_ =	swait.ge [sflag:s23], $0x2800  }
0x4e: {  	[sflag:s23] =	ssyncset.done $0x0  }
0x4f: {  	[sflag:s23] =	ssyncadd.s32 $0xFFFFD800  }
0x50: {  	[tilespmem:s24], [sflag:$0x1] =	stream.linear.gather [hbm4b:s10+s26], $0x7E0, $0x38;
	[tilespmem:$0x3000] =	vst v63  }
0x51: {  	_ =	swait.ge [sflag:s23], $0x7E0  }
0x52: {  	[sflag:s23] =	ssyncset.done $0x0  }
0x53: {  	s28 =	simm.s32 $0x0;
	s26 =	simm.s32 $0x40;
	[sflag:s23] =	ssyncadd.s32 $0xFFFFF820  }
.LBB2_12:
0x54: {  	p0 =	sne.s32 s26, $0x1F40;
	v1 =	vld [tilespmem:s28+$0x2800];
	_ =	sdelay $0x3  }
.Ltmp5:
0x55: {  	(pc) =	sbr.rel @p0 .LBB2_12-.Ltmp5, $2  }
0x56: {  	_ =	sdelay $0x2  }
0x57: {  	s28 =	sshra.s32 s26, $0x2;
	s26 =	sadd.s32 $0x40, s26;
	[tilespmem:v1+s2+$0x0] =	vst.idx.add.f32.msk $0xffff, v0  }
0x58: {  	v1 =	vld [tilespmem:s28+$0x2800];
	_ =	sdelay $0x7  }
0x59: {  	s26 =	simm.s32 $0x0;
	[tilespmem:v1+s2+$0x0] =	vst.idx.add.f32.msk $0xffff, v0  }
0x5a: {  	[tilespmem:s24], [sflag:$0x1] =	stream.linear.gather [hbm4b:s11+s26], $0x7E0, $0x38;
	[tilespmem:$0x3000] =	vst v63  }
0x5b: {  	_ =	swait.ge [sflag:s23], $0x7E0  }
0x5c: {  	[sflag:s23] =	ssyncset.done $0x0  }
0x5d: {  	s28 =	simm.s32 $0x0;
	s26 =	simm.s32 $0x40;
	[sflag:s23] =	ssyncadd.s32 $0xFFFFF820  }
.LBB2_14:
0x5e: {  	p0 =	sne.s32 s26, $0x1F40;
	v1 =	vld [tilespmem:s28+$0x2800];
	_ =	sdelay $0x3  }
.Ltmp6:
0x5f: {  	(pc) =	sbr.rel @p0 .LBB2_14-.Ltmp6, $2  }
0x60: {  	_ =	sdelay $0x2  }
0x61: {  	s28 =	sshra.s32 s26, $0x2;
	s26 =	sadd.s32 $0x40, s26;
	[tilespmem:v1+s2+$0x0] =	vst.idx.add.f32.msk $0xffff, v0  }
0x62: {  	v1 =	vld [tilespmem:s28+$0x2800];
	_ =	sdelay $0x7  }
0x63: {  	s26 =	simm.s32 $0x0;
	[tilespmem:v1+s2+$0x0] =	vst.idx.add.f32.msk $0xffff, v0  }
0x64: {  	[tilespmem:s24], [sflag:$0x1] =	stream.linear.gather [hbm4b:s12+s26], $0x7E0, $0x38;
	[tilespmem:$0x3000] =	vst v63  }
0x65: {  	_ =	swait.ge [sflag:s23], $0x7E0  }
0x66: {  	[sflag:s23] =	ssyncset.done $0x0  }
0x67: {  	s28 =	simm.s32 $0x0;
	s26 =	simm.s32 $0x40;
	[sflag:s23] =	ssyncadd.s32 $0xFFFFF820  }
.LBB2_16:
0x68: {  	p0 =	sne.s32 s26, $0x1F40;
	v1 =	vld [tilespmem:s28+$0x2800];
	_ =	sdelay $0x3  }
.Ltmp7:
0x69: {  	(pc) =	sbr.rel @p0 .LBB2_16-.Ltmp7, $2  }
0x6a: {  	_ =	sdelay $0x2  }
0x6b: {  	s28 =	sshra.s32 s26, $0x2;
	s26 =	sadd.s32 $0x40, s26;
	[tilespmem:v1+s2+$0x0] =	vst.idx.add.f32.msk $0xffff, v0  }
0x6c: {  	v1 =	vld [tilespmem:s28+$0x2800];
	_ =	sdelay $0x7  }
0x6d: {  	s26 =	simm.s32 $0x0;
	[tilespmem:v1+s2+$0x0] =	vst.idx.add.f32.msk $0xffff, v0  }
0x6e: {  	[tilespmem:s24], [sflag:$0x1] =	stream.linear.gather [hbm4b:s13+s26], $0x7E0, $0x38;
	[tilespmem:$0x3000] =	vst v63  }
0x6f: {  	_ =	swait.ge [sflag:s23], $0x7E0  }
0x70: {  	[sflag:s23] =	ssyncset.done $0x0  }
0x71: {  	s28 =	simm.s32 $0x0;
	s26 =	simm.s32 $0x40;
	[sflag:s23] =	ssyncadd.s32 $0xFFFFF820  }
.LBB2_18:
0x72: {  	p0 =	sne.s32 s26, $0x1F40;
	v1 =	vld [tilespmem:s28+$0x2800];
	_ =	sdelay $0x3  }
.Ltmp8:
0x73: {  	(pc) =	sbr.rel @p0 .LBB2_18-.Ltmp8, $2  }
0x74: {  	_ =	sdelay $0x2  }
0x75: {  	s28 =	sshra.s32 s26, $0x2;
	s26 =	sadd.s32 $0x40, s26;
	[tilespmem:v1+s2+$0x0] =	vst.idx.add.f32.msk $0xffff, v0  }
0x76: {  	v1 =	vld [tilespmem:s28+$0x2800];
	_ =	sdelay $0x7  }
0x77: {  	s26 =	simm.s32 $0x0;
	[tilespmem:v1+s2+$0x0] =	vst.idx.add.f32.msk $0xffff, v0  }
0x78: {  	[tilespmem:s24], [sflag:$0x1] =	stream.linear.gather [hbm4b:s14+s26], $0x7E0, $0x38;
	[tilespmem:$0x3000] =	vst v63  }
0x79: {  	_ =	swait.ge [sflag:s23], $0x7E0  }
0x7a: {  	[sflag:s23] =	ssyncset.done $0x0  }
0x7b: {  	s28 =	simm.s32 $0x0;
	s26 =	simm.s32 $0x40;
	[sflag:s23] =	ssyncadd.s32 $0xFFFFF820  }
.LBB2_20:
0x7c: {  	p0 =	sne.s32 s26, $0x1F40;
	v1 =	vld [tilespmem:s28+$0x2800];
	_ =	sdelay $0x3  }
.Ltmp9:
0x7d: {  	(pc) =	sbr.rel @p0 .LBB2_20-.Ltmp9, $2  }
0x7e: {  	_ =	sdelay $0x2  }
0x7f: {  	s28 =	sshra.s32 s26, $0x2;
	s26 =	sadd.s32 $0x40, s26;
	[tilespmem:v1+s2+$0x0] =	vst.idx.add.f32.msk $0xffff, v0  }
0x80: {  	v1 =	vld [tilespmem:s28+$0x2800];
	_ =	sdelay $0x7  }
0x81: {  	s26 =	simm.s32 $0x0;
	[tilespmem:v1+s2+$0x0] =	vst.idx.add.f32.msk $0xffff, v0  }
0x82: {  	[hbm4b:s15+s26] =	stream.linear.scatter [tilespmem:s26], [sflag:$0x1], $0x2800, $0x38;
	[tilespmem:$0x3000] =	vst v63  }
0x83: {  	_ =	swait.ge [sflag:s23], $0x2800  }
0x84: {  	[sflag:s23] =	ssyncset.done $0x0  }
0x85: {  	[sflag:s23] =	ssyncadd.s32 $0xFFFFD800  }
0x86: {  	[tilespmem:s26], [sflag:$0x1] =	stream.linear.gather [hbm4b:s3+s26], $0x2800, $0x38;
	[tilespmem:$0x3000] =	vst v63  }
0x87: {  	_ =	swait.ge [sflag:s23], $0x2800  }
0x88: {  	[sflag:s23] =	ssyncset.done $0x0  }
0x89: {  	[sflag:s23] =	ssyncadd.s32 $0xFFFFD800  }
0x8a: {  	[tilespmem:s24], [sflag:$0x1] =	stream.linear.gather [hbm4b:s16+s26], $0x7E0, $0x38;
	[tilespmem:$0x3000] =	vst v63  }
0x8b: {  	_ =	swait.ge [sflag:s23], $0x7E0  }
0x8c: {  	[sflag:s23] =	ssyncset.done $0x0  }
0x8d: {  	s28 =	simm.s32 $0x0;
	s26 =	simm.s32 $0x40;
	[sflag:s23] =	ssyncadd.s32 $0xFFFFF820  }
.LBB2_22:
0x8e: {  	p0 =	sne.s32 s26, $0x1F40;
	v1 =	vld [tilespmem:s28+$0x2800];
	_ =	sdelay $0x3  }
.Ltmp10:
0x8f: {  	(pc) =	sbr.rel @p0 .LBB2_22-.Ltmp10, $2  }
0x90: {  	_ =	sdelay $0x2  }
0x91: {  	s28 =	sshra.s32 s26, $0x2;
	s26 =	sadd.s32 $0x40, s26;
	[tilespmem:v1+s2+$0x0] =	vst.idx.add.f32.msk $0xffff, v0  }
0x92: {  	v1 =	vld [tilespmem:s28+$0x2800];
	_ =	sdelay $0x7  }
0x93: {  	s26 =	simm.s32 $0x0;
	[tilespmem:v1+s2+$0x0] =	vst.idx.add.f32.msk $0xffff, v0  }
0x94: {  	[tilespmem:s24], [sflag:$0x1] =	stream.linear.gather [hbm4b:s17+s26], $0x7E0, $0x38;
	[tilespmem:$0x3000] =	vst v63  }
0x95: {  	_ =	swait.ge [sflag:s23], $0x7E0  }
0x96: {  	[sflag:s23] =	ssyncset.done $0x0  }
0x97: {  	s28 =	simm.s32 $0x0;
	s26 =	simm.s32 $0x40;
	[sflag:s23] =	ssyncadd.s32 $0xFFFFF820  }
.LBB2_24:
0x98: {  	p0 =	sne.s32 s26, $0x1F40;
	v1 =	vld [tilespmem:s28+$0x2800];
	_ =	sdelay $0x3  }
.Ltmp11:
0x99: {  	(pc) =	sbr.rel @p0 .LBB2_24-.Ltmp11, $2  }
0x9a: {  	_ =	sdelay $0x2  }
0x9b: {  	s28 =	sshra.s32 s26, $0x2;
	s26 =	sadd.s32 $0x40, s26;
	[tilespmem:v1+s2+$0x0] =	vst.idx.add.f32.msk $0xffff, v0  }
0x9c: {  	v1 =	vld [tilespmem:s28+$0x2800];
	_ =	sdelay $0x7  }
0x9d: {  	s26 =	simm.s32 $0x0;
	[tilespmem:v1+s2+$0x0] =	vst.idx.add.f32.msk $0xffff, v0  }
0x9e: {  	[tilespmem:s24], [sflag:$0x1] =	stream.linear.gather [hbm4b:s18+s26], $0x7E0, $0x38;
	[tilespmem:$0x3000] =	vst v63  }
0x9f: {  	_ =	swait.ge [sflag:s23], $0x7E0  }
0xa0: {  	[sflag:s23] =	ssyncset.done $0x0  }
0xa1: {  	s28 =	simm.s32 $0x0;
	s26 =	simm.s32 $0x40;
	[sflag:s23] =	ssyncadd.s32 $0xFFFFF820  }
.LBB2_26:
0xa2: {  	p0 =	sne.s32 s26, $0x1F40;
	v1 =	vld [tilespmem:s28+$0x2800];
	_ =	sdelay $0x3  }
.Ltmp12:
0xa3: {  	(pc) =	sbr.rel @p0 .LBB2_26-.Ltmp12, $2  }
0xa4: {  	_ =	sdelay $0x2  }
0xa5: {  	s28 =	sshra.s32 s26, $0x2;
	s26 =	sadd.s32 $0x40, s26;
	[tilespmem:v1+s2+$0x0] =	vst.idx.add.f32.msk $0xffff, v0  }
0xa6: {  	v1 =	vld [tilespmem:s28+$0x2800];
	_ =	sdelay $0x7  }
0xa7: {  	s26 =	simm.s32 $0x0;
	[tilespmem:v1+s2+$0x0] =	vst.idx.add.f32.msk $0xffff, v0  }
0xa8: {  	[tilespmem:s24], [sflag:$0x1] =	stream.linear.gather [hbm4b:s19+s26], $0x7E0, $0x38;
	[tilespmem:$0x3000] =	vst v63  }
0xa9: {  	_ =	swait.ge [sflag:s23], $0x7E0  }
0xaa: {  	[sflag:s23] =	ssyncset.done $0x0  }
0xab: {  	s28 =	simm.s32 $0x0;
	s26 =	simm.s32 $0x40;
	[sflag:s23] =	ssyncadd.s32 $0xFFFFF820  }
.LBB2_28:
0xac: {  	p0 =	sne.s32 s26, $0x1F40;
	v1 =	vld [tilespmem:s28+$0x2800];
	_ =	sdelay $0x3  }
.Ltmp13:
0xad: {  	(pc) =	sbr.rel @p0 .LBB2_28-.Ltmp13, $2  }
0xae: {  	_ =	sdelay $0x2  }
0xaf: {  	s28 =	sshra.s32 s26, $0x2;
	s26 =	sadd.s32 $0x40, s26;
	[tilespmem:v1+s2+$0x0] =	vst.idx.add.f32.msk $0xffff, v0  }
0xb0: {  	v1 =	vld [tilespmem:s28+$0x2800];
	_ =	sdelay $0x7  }
0xb1: {  	s26 =	simm.s32 $0x0;
	[tilespmem:v1+s2+$0x0] =	vst.idx.add.f32.msk $0xffff, v0  }
0xb2: {  	[tilespmem:s24], [sflag:$0x1] =	stream.linear.gather [hbm4b:s20+s26], $0x7E0, $0x38;
	[tilespmem:$0x3000] =	vst v63  }
0xb3: {  	_ =	swait.ge [sflag:s23], $0x7E0  }
0xb4: {  	[sflag:s23] =	ssyncset.done $0x0  }
0xb5: {  	s28 =	simm.s32 $0x0;
	s26 =	simm.s32 $0x40;
	[sflag:s23] =	ssyncadd.s32 $0xFFFFF820  }
.LBB2_30:
0xb6: {  	p0 =	sne.s32 s26, $0x1F40;
	v1 =	vld [tilespmem:s28+$0x2800];
	_ =	sdelay $0x3  }
.Ltmp14:
0xb7: {  	(pc) =	sbr.rel @p0 .LBB2_30-.Ltmp14, $2  }
0xb8: {  	_ =	sdelay $0x2  }
0xb9: {  	s28 =	sshra.s32 s26, $0x2;
	s26 =	sadd.s32 $0x40, s26;
	[tilespmem:v1+s2+$0x0] =	vst.idx.add.f32.msk $0xffff, v0  }
0xba: {  	v1 =	vld [tilespmem:s28+$0x2800];
	_ =	sdelay $0x5  }
0xbb: {  	s25 =	sadd.s32 $0x1, s25  }
0xbc: {  	p0 =	sne.s32 s25, s22  }
.Ltmp15:
0xbd: {  	[tilespmem:v1+s2+$0x0] =	vst.idx.add.f32.msk $0xffff, v0;
	(pc) =	sbr.rel @p0 .LBB2_1-.Ltmp15, $4  }
0xbe: {  	[hbm4b:s21+s2] =	stream.linear.scatter [tilespmem:s2], [sflag:$0x1], $0x2800, $0x38;
	[tilespmem:$0x3000] =	vst v63  }
0xbf: {  	_ =	swait.ge [sflag:s23], $0x2800  }
0xc0: {  	[sflag:s23] =	ssyncset.done $0x0  }
0xc1: {  	[sflag:s23] =	ssyncadd.s32 $0xFFFFD800  }
0xc2: {  	_ =	sfence.sel $0x180000  }
0xc3: {  	[bflag:$0x0] =	sbarrier.arrive $0xFFFF  }
0xc4: {  	p0 =	sne.s32 s1, $0x0;
	_ =	strace $0x9000004A  }
0xc5: {  	s0 =	sadd.s32 @!p0 $0x100000, s0;
	[bflag:$0x2] =	sbarrier.arrive $0xFFFF  }
0xc6: {  	[sflag:s0] =	ssyncadd.tile.s32 @!p0 $0x1;
	_ =	shalt  }
.Lfunc_end2:
_tile_overlayer_lowered:
.L_overlay_start_2:
0xc7: {  	(tag) =	ssettag $0x2  }
0xc8: {  	s0 =	rddreg [dreg:$0x0];
	s2 =	stileid.u32  }
0xc9: {  	s1 =	rddreg [dreg:$0x1];
	p0 =	sne.s32 s2, $0x0  }
0xca: {  	s3 =	rddreg [dreg:$0x2];
	[bflag:$0x3] =	sbarrier.arrive $0xFFFF;
	s2 =	simm.s32 @!p0 $0x1C01  }
0xcb: {  	[timem:s3], [sflag:s2] =	dma.local @!p0 [hbm:s0], s1  }
0xcc: {  	s0 =	simm.s32 @!p0 $0x1  }
0xcd: {  	_ =	swait.ge @!p0 [sflag:s0], s1  }
0xce: {  	s1 =	ssub.s32 @!p0 $0x0, s1;
	[sflag:s0] =	ssyncset.done @!p0 $0x0  }
0xcf: {  	[sflag:s0] =	ssyncadd.s32 @!p0 s1  }
0xd0: {  	[bflag:$0x3] =	sbarrier.arrive $0xFFFF  }
0xd1: {  	_ =	shalt  }

</sc_bundles>
